<compile_context>
chip_gen: v7x
topology: tpu7x:2x2x1
jax: 0.10.2.dev20260603
libtpu: 0.0.44.dev20260713+nightly
codegen_flags: <defaults>
</compile_context>

<pallas_src>
import functools

import jax
import jax.numpy as jnp
from jax import lax
from jax.experimental import pallas as pl
from jax.experimental.pallas import tpu as pltpu
from jax.experimental.pallas import tpu_sc as plsc

N = 10000
E = 320000
D_IN = 128
D_HID = 256
D_OUT = 64

NC = 2
NS = 16
LN = 16
NW = NC * NS
NP = 10240
RPS = NP // NS
ET = E // NW
CH = 125
NCH = ET // CH
ZR = 16
SBC = 16
NSB = NCH // SBC
QW = SBC * CH
RB = 1024

_MESH = plsc.VectorSubcoreMesh(
    core_axis_name="c", subcore_axis_name="s", num_cores=NC, num_subcores=NS)
_SC_PARAMS = pltpu.CompilerParams(needs_layout_passes=False)


def _full(v):
    return jnp.full((LN,), v, dtype=jnp.int32)


def _deg_body(dstf, ewf, out, dst_v, ew_v, deg_v, red16_v, red_v, stage_sh):
    c = lax.axis_index("c")
    s = lax.axis_index("s")
    w = c * NS + s
    pltpu.sync_copy(dstf.at[pl.ds(w * ET, ET)], dst_v)
    pltpu.sync_copy(ewf.at[pl.ds(w * ET, ET)], ew_v)

    def zero(i, _):
        deg_v[pl.ds(i * LN, LN)] = jnp.zeros((LN,), jnp.float32)
        return _
    lax.fori_loop(0, NP // LN, zero, None)

    def grp(g, _):
        dst16 = dst_v[pl.ds(g * LN, LN)]
        ew16 = ew_v[pl.ds(g * LN, LN)]
        plsc.addupdate_scatter(deg_v, [dst16], ew16)
        return _
    lax.fori_loop(0, ET // LN, grp, None)

    pltpu.sync_copy(deg_v, stage_sh.at[s])
    plsc.subcore_barrier()

    def rcp(r, _):
        pltpu.sync_copy(stage_sh.at[r].at[pl.ds(s * RPS, RPS)], red16_v.at[r])
        return _
    lax.fori_loop(0, NS, rcp, None)

    def rsum(t, _):
        acc = jnp.zeros((LN,), jnp.float32)
        for r in range(NS):
            acc = acc + red16_v[r, pl.ds(t * LN, LN)]
        red_v[pl.ds(t * LN, LN)] = acc
        return _
    lax.fori_loop(0, RPS // LN, rsum, None)
    pltpu.sync_copy(red_v, out.at[c].at[pl.ds(s * RPS, RPS)])


_deg_call = functools.partial(
    pl.kernel,
    out_type=jax.ShapeDtypeStruct((NC, NP), jnp.float32),
    mesh=_MESH,
    scratch_types=[
        pltpu.VMEM((ET,), jnp.int32),
        pltpu.VMEM((ET,), jnp.float32),
        pltpu.VMEM((NP,), jnp.float32),
        pltpu.VMEM((NS, RPS), jnp.float32),
        pltpu.VMEM((RPS,), jnp.float32),
        pltpu.VMEM_SHARED((NS, NP), jnp.float32),
    ],
    compiler_params=_SC_PARAMS,
)(_deg_body)


def _prop_body(src3, dst3, ewf, xs, out,
               sq_v, dq_v, eq_v, rows0_v, rows1_v, zb_v, acc_sh,
               gsem0, gsem1, ssem0, ssem1, qsem):
    rbufs = (rows0_v, rows1_v)
    ssems = (ssem0, ssem1)
    c = lax.axis_index("c")
    s = lax.axis_index("s")
    w = c * NS + s
    gsems = (gsem0, gsem1)

    def stage_issue(q, slot):
        pltpu.async_copy(src3.at[w].at[pl.ds(q * SBC, SBC)],
                         sq_v.at[slot], qsem)
        pltpu.async_copy(dst3.at[w].at[pl.ds(q * SBC, SBC)],
                         dq_v.at[slot], qsem)
        pltpu.async_copy(ewf.at[w * NSB + q], eq_v.at[slot], qsem)

    def stage_wait(slot):
        pltpu.make_async_copy(src3.at[w].at[pl.ds(0, SBC)],
                              sq_v.at[slot], qsem).wait()
        pltpu.make_async_copy(dst3.at[w].at[pl.ds(0, SBC)],
                              dq_v.at[slot], qsem).wait()
        pltpu.make_async_copy(ewf.at[w * NSB], eq_v.at[slot], qsem).wait()

    def gather_issue(j, b):
        slot = (j // SBC) % 2
        jj = j % SBC
        pltpu.async_copy(xs.at[sq_v.at[slot, jj]], rbufs[b], gsems[b])

    stage_issue(0, 0)

    def zrow(i, _):
        for k in range(D_IN // LN):
            zb_v[i, pl.ds(k * LN, LN)] = jnp.zeros((LN,), jnp.float32)
        return _
    lax.fori_loop(0, ZR, zrow, None)
    stage_wait(0)
    gather_issue(0, 0)

    def zcp(t, _):
        pltpu.sync_copy(zb_v, acc_sh.at[pl.ds(s * RPS + t * ZR, ZR)])
        return _
    lax.fori_loop(0, RPS // ZR, zcp, None)
    plsc.subcore_barrier()

    def pair(p, _):
        for b in range(2):
            j = 2 * p + b
            slot = (j // SBC) % 2
            jj = j % SBC
            @pl.when(j >= 1)
            def _w():
                pltpu.make_async_copy(rbufs[1 - b],
                                      acc_sh.at[dq_v.at[slot, jj]],
                                      ssems[1 - b]).wait()
            @pl.when(jnp.logical_and(jj == 0, j + SBC < NCH))
            def _st():
                stage_issue(j // SBC + 1, 1 - slot)
            @pl.when(jnp.logical_and(jj == SBC - 1, j + 1 < NCH))
            def _sw():
                stage_wait(1 - slot)

            @pl.when(j + 1 < NCH)
            def _g():
                gather_issue(j + 1, 1 - b)
            pltpu.make_async_copy(xs.at[sq_v.at[slot, jj]],
                                  rbufs[b], gsems[b]).wait()
            base = jj * CH
            rb = rbufs[b]

            @plsc.parallel_loop(0, CH, step=1, unroll=5)
            def srow(i):
                ewb = plsc.load_gather(eq_v, [_full(slot), _full(base) + _full(i)])
                for k in range(D_IN // LN):
                    sl = pl.ds(k * LN, LN)
                    rb[i, sl] = rb[i, sl] * ewb
            pltpu.async_copy(rb, acc_sh.at[dq_v.at[slot, jj]],
                             ssems[b], add=True)
        return _
    lax.fori_loop(0, NCH // 2, pair, None)
    pltpu.make_async_copy(rows1_v,
                          acc_sh.at[dq_v.at[(NCH // SBC - 1) % 2, SBC - 1]],
                          ssems[1]).wait()
    plsc.subcore_barrier()
    pltpu.sync_copy(acc_sh.at[pl.ds(s * RPS, RPS)],
                    out.at[c].at[pl.ds(s * RPS, RPS)])


_prop_call = functools.partial(
    pl.kernel,
    out_type=jax.ShapeDtypeStruct((NC, NP, D_IN), jnp.float32),
    mesh=_MESH,
    scratch_types=[
        pltpu.VMEM((2, SBC, CH), jnp.int32),
        pltpu.VMEM((2, SBC, CH), jnp.int32),
        pltpu.VMEM((2, QW), jnp.float32),
        pltpu.VMEM((CH, D_IN), jnp.float32),
        pltpu.VMEM((CH, D_IN), jnp.float32),
        pltpu.VMEM((ZR, D_IN), jnp.float32),
        pltpu.VMEM_SHARED((NP, D_IN), jnp.float32),
        pltpu.SemaphoreType.DMA,
        pltpu.SemaphoreType.DMA,
        pltpu.SemaphoreType.DMA,
        pltpu.SemaphoreType.DMA,
        pltpu.SemaphoreType.DMA,
    ],
    compiler_params=_SC_PARAMS,
)(_prop_body)


def _prep_body(degp_ref, xp_ref, dis_ref, xs_ref):
    deg = degp_ref[0, :, 0:1] + degp_ref[1, :, 0:1]
    dis = jnp.where(deg > 0, lax.rsqrt(deg), 0.0)
    dis_ref[...] = dis
    xs_ref[...] = xp_ref[...] * dis


_prep_call = pl.pallas_call(
    _prep_body,
    grid=(NP // RB,),
    in_specs=[
        pl.BlockSpec((NC, RB, 1), lambda j: (0, j, 0)),
        pl.BlockSpec((RB, D_IN), lambda j: (j, 0)),
    ],
    out_specs=[
        pl.BlockSpec((RB, 1), lambda j: (j, 0)),
        pl.BlockSpec((RB, D_IN), lambda j: (j, 0)),
    ],
    out_shape=[
        jax.ShapeDtypeStruct((NP, 1), jnp.float32),
        jax.ShapeDtypeStruct((NP, D_IN), jnp.float32),
    ],
)


def _mid_body(acc_ref, dis_ref, w0_ref, b0_ref, wc_ref, hcs_ref):
    dis = dis_ref[...]
    a = (acc_ref[0] + acc_ref[1]) * dis
    h = jnp.dot(a, w0_ref[...], preferred_element_type=jnp.float32)
    h = jnp.maximum(h + b0_ref[...], 0.0)
    hc = jnp.dot(h, wc_ref[...], preferred_element_type=jnp.float32)
    hcs_ref[...] = hc * dis


_mid_call = pl.pallas_call(
    _mid_body,
    grid=(NP // RB,),
    in_specs=[
        pl.BlockSpec((NC, RB, D_IN), lambda j: (0, j, 0)),
        pl.BlockSpec((RB, 1), lambda j: (j, 0)),
        pl.BlockSpec((D_IN, D_HID), lambda j: (0, 0)),
        pl.BlockSpec((1, D_HID), lambda j: (0, 0)),
        pl.BlockSpec((D_HID, D_IN), lambda j: (0, 0)),
    ],
    out_specs=pl.BlockSpec((RB, D_IN), lambda j: (j, 0)),
    out_shape=jax.ShapeDtypeStruct((NP, D_IN), jnp.float32),
)


def _post_body(acc_ref, dis_ref, bm_ref, bl_ref, mean_ref, lv_ref):
    m = (acc_ref[0] + acc_ref[1]) * dis_ref[...]
    mean_ref[...] = m[:, :D_OUT] + bm_ref[...]
    lv_ref[...] = m[:, D_OUT:] + bl_ref[...]


_post_call = pl.pallas_call(
    _post_body,
    grid=(NP // RB,),
    in_specs=[
        pl.BlockSpec((NC, RB, D_IN), lambda j: (0, j, 0)),
        pl.BlockSpec((RB, 1), lambda j: (j, 0)),
        pl.BlockSpec((1, D_OUT), lambda j: (0, 0)),
        pl.BlockSpec((1, D_OUT), lambda j: (0, 0)),
    ],
    out_specs=[
        pl.BlockSpec((RB, D_OUT), lambda j: (j, 0)),
        pl.BlockSpec((RB, D_OUT), lambda j: (j, 0)),
    ],
    out_shape=[
        jax.ShapeDtypeStruct((NP, D_OUT), jnp.float32),
        jax.ShapeDtypeStruct((NP, D_OUT), jnp.float32),
    ],
)


def kernel(x, edge_index, edge_weight, W0, b0, Wm, bm, Wl, bl):
    src3 = edge_index[0].reshape(NW, NCH, CH)
    dst3 = edge_index[1].reshape(NW, NCH, CH)
    xp = jnp.pad(x, ((0, NP - N), (0, 0)))

    degp = _deg_call(edge_index[1], edge_weight)
    dis, xs = _prep_call(degp.reshape(NC, NP, 1), xp)
    ew2 = edge_weight.reshape(NW * NSB, QW)
    acc1 = _prop_call(src3, dst3, ew2, xs)
    hcs = _mid_call(acc1, dis, W0, b0.reshape(1, D_HID),
                    jnp.concatenate([Wm, Wl], axis=1))
    acc2 = _prop_call(src3, dst3, ew2, hcs)
    mean, logvar = _post_call(acc2, dis, bm.reshape(1, D_OUT),
                              bl.reshape(1, D_OUT))
    return mean[:N], logvar[:N]

# --- scband reference (transcript-rebuilt; emitter-appended) ---
"""Pipeline reference for scband-graph-encoder-64398739636399 (READ-ONLY COPY).

The authoritative reference and input builder live on the scoring server;
editing this copy changes nothing except your own understanding.
"""

import jax, jax.numpy as jnp
import numpy as np

N = 10000
E = 320000
D_IN = 128
D_HID = 256
D_OUT = 64


def setup_inputs(seed: int = 0) -> dict:
    key = jax.random.key(seed)
    ks = jax.random.split(key, 9)
    x = jax.random.normal(ks[0], (N, D_IN), dtype=jnp.float32)
    edge_index = jax.random.randint(ks[1], (2, E), 0, N, dtype=jnp.int32)
    edge_weight = jax.random.uniform(ks[2], (E,), dtype=jnp.float32)
    W0 = jax.random.normal(ks[3], (D_IN, D_HID), dtype=jnp.float32) * (1.0 / np.sqrt(D_IN))
    b0 = jnp.zeros((D_HID,), dtype=jnp.float32)
    Wm = jax.random.normal(ks[4], (D_HID, D_OUT), dtype=jnp.float32) * (1.0 / np.sqrt(D_HID))
    bm = jnp.zeros((D_OUT,), dtype=jnp.float32)
    Wl = jax.random.normal(ks[5], (D_HID, D_OUT), dtype=jnp.float32) * (1.0 / np.sqrt(D_HID))
    bl = jnp.zeros((D_OUT,), dtype=jnp.float32)
    return {"x": x, "edge_index": edge_index, "edge_weight": edge_weight,
            "W0": W0, "b0": b0, "Wm": Wm, "bm": bm, "Wl": Wl, "bl": bl}


def _gcn_conv(x, edge_index, edge_weight, W, b):
    # GCNConv with add_self_loops=False, symmetric normalization (PyG gcn_norm)
    src = edge_index[0]
    dst = edge_index[1]
    h = x @ W
    deg = jax.ops.segment_sum(edge_weight, dst, num_segments=N)
    deg_inv_sqrt = jnp.where(deg > 0, 1.0 / jnp.sqrt(deg), 0.0)
    norm = deg_inv_sqrt[src] * edge_weight * deg_inv_sqrt[dst]
    msg = h[src] * norm[:, None]
    out = jax.ops.segment_sum(msg, dst, num_segments=N)
    return out + b


def reference(x, edge_index, edge_weight, W0, b0, Wm, bm, Wl, bl):
    h = jax.nn.relu(_gcn_conv(x, edge_index, edge_weight, W0, b0))
    mean = _gcn_conv(h, edge_index, edge_weight, Wm, bm)
    logvar = _gcn_conv(h, edge_index, edge_weight, Wl, bl)
    return (mean, logvar)

if __name__ == "__main__":
    import jax
    _d = setup_inputs()
    print(jax.jit(kernel)(*tuple(_d.values())))

</pallas_src>

<mosaic_0001>
#map = affine_map<(d0, d1) -> (0)>
#map1 = affine_map<(d0, d1) -> (0, 0)>
module attributes {stable_mosaic.version = 14 : i64} {
  func.func @_deg_body(%arg0: i32, %arg1: i32, %arg2: memref<320000xi32, #tpu.memory_space<hbm>>, %arg3: memref<320000xf32, #tpu.memory_space<hbm>>, %arg4: memref<2x10240xf32, #tpu.memory_space<hbm>>, %arg5: memref<10000xi32, #tpu.memory_space<vmem>>, %arg6: memref<10000xf32, #tpu.memory_space<vmem>>, %arg7: memref<10240xf32, #tpu.memory_space<vmem>>, %arg8: memref<16x640xf32, #tpu.memory_space<vmem>>, %arg9: memref<640xf32, #tpu.memory_space<vmem>>, %arg10: memref<16x10240xf32, #tpu.memory_space<vmem_shared>>) attributes {dimension_semantics = [#tpu.dimension_semantics<core_parallel>, #tpu.dimension_semantics<subcore_parallel>], iteration_bounds = array<i64: 2, 16>, scalar_prefetch = 0 : i64, scratch_operands = 6 : i64, tpu.core_type = #tpu.core_type<sc_vector_subcore>, window_params = [{transform_indices = #map}, {transform_indices = #map}, {transform_indices = #map1}]} {
    %mul3A = arith.constant 16 : i32
    %mul3A_0 = arith.muli %arg0, %mul3A : i32
    %add3A = arith.addi %mul3A_0, %arg1 : i32
    %mul3A_1 = arith.constant 10000 : i32
    %mul3A_2 = arith.muli %add3A, %mul3A_1 : i32
    "tpu.region"() ({
      %run_scoped3A = tpu.sem_alloc : memref<!tpu.dma_semaphore, #tpu.memory_space<semaphore_mem>>
      %dma_start3A = tpu.memref_slice %arg2[%mul3A_2] : memref<320000xi32, #tpu.memory_space<hbm>> -> memref<10000xi32, #tpu.memory_space<hbm>>
      %dma_start3A_26 = tpu.memref_slice %arg2[%mul3A_2] : memref<320000xi32, #tpu.memory_space<hbm>> -> memref<10000xi32, #tpu.memory_space<hbm>>
      tpu.enqueue_dma source(%dma_start3A_26 : memref<10000xi32, #tpu.memory_space<hbm>>) target(%arg5 : memref<10000xi32, #tpu.memory_space<vmem>>) target_semaphore(%run_scoped3A : memref<!tpu.dma_semaphore, #tpu.memory_space<semaphore_mem>>)
      %dma_wait3A = tpu.memref_slice %arg2[%mul3A_2] : memref<320000xi32, #tpu.memory_space<hbm>> -> memref<10000xi32, #tpu.memory_space<hbm>>
      %dma_wait3A_27 = tpu.memref_slice %arg2[%mul3A_2] : memref<320000xi32, #tpu.memory_space<hbm>> -> memref<10000xi32, #tpu.memory_space<hbm>>
      tpu.wait_dma2 semaphore(%run_scoped3A : memref<!tpu.dma_semaphore, #tpu.memory_space<semaphore_mem>>) src(%dma_wait3A_27 : memref<10000xi32, #tpu.memory_space<hbm>>) dst(%arg5 : memref<10000xi32, #tpu.memory_space<vmem>>)
      tpu.yield
    }) : () -> ()
    %mul3A_3 = arith.constant 10000 : i32
    %mul3A_4 = arith.muli %add3A, %mul3A_3 : i32
    "tpu.region"() ({
      %run_scoped3A = tpu.sem_alloc : memref<!tpu.dma_semaphore, #tpu.memory_space<semaphore_mem>>
      %dma_start3A = tpu.memref_slice %arg3[%mul3A_4] : memref<320000xf32, #tpu.memory_space<hbm>> -> memref<10000xf32, #tpu.memory_space<hbm>>
      %dma_start3A_26 = tpu.memref_slice %arg3[%mul3A_4] : memref<320000xf32, #tpu.memory_space<hbm>> -> memref<10000xf32, #tpu.memory_space<hbm>>
      tpu.enqueue_dma source(%dma_start3A_26 : memref<10000xf32, #tpu.memory_space<hbm>>) target(%arg6 : memref<10000xf32, #tpu.memory_space<vmem>>) target_semaphore(%run_scoped3A : memref<!tpu.dma_semaphore, #tpu.memory_space<semaphore_mem>>)
      %dma_wait3A = tpu.memref_slice %arg3[%mul3A_4] : memref<320000xf32, #tpu.memory_space<hbm>> -> memref<10000xf32, #tpu.memory_space<hbm>>
      %dma_wait3A_27 = tpu.memref_slice %arg3[%mul3A_4] : memref<320000xf32, #tpu.memory_space<hbm>> -> memref<10000xf32, #tpu.memory_space<hbm>>
      tpu.wait_dma2 semaphore(%run_scoped3A : memref<!tpu.dma_semaphore, #tpu.memory_space<semaphore_mem>>) src(%dma_wait3A_27 : memref<10000xf32, #tpu.memory_space<hbm>>) dst(%arg6 : memref<10000xf32, #tpu.memory_space<vmem>>)
      tpu.yield
    }) : () -> ()
    %scan3A = arith.constant 0 : i32
    %scan3A_5 = arith.constant 640 : i32
    %scan3A_6 = arith.addi %scan3A, %scan3A_5 : i32
    %scan3A_7 = arith.constant 1 : i32
    scf.for %scan3A_26 = %scan3A to %scan3A_6 step %scan3A_7  : i32 {
      %broadcast_in_dim3A = arith.constant 0.000000e+00 : f32
      %broadcast_in_dim3A_27 = vector.broadcast %broadcast_in_dim3A : f32 to vector<16xf32>
      %mul3A_28 = arith.constant 16 : i32
      %mul3A_29 = arith.muli %scan3A_26, %mul3A_28 : i32
      %swap3A = arith.index_cast %mul3A_29 : i32 to index
      %swap3A_30 = tpu.vector_load %arg7[%swap3A] {strides = array<i32>} : memref<10240xf32, #tpu.memory_space<vmem>>, vector<16xf32>,
      tpu.vector_store %arg7[%swap3A], %broadcast_in_dim3A_27 {strides = array<i32>} : memref<10240xf32, #tpu.memory_space<vmem>>, vector<16xf32>,
    }
    %scan3A_8 = arith.constant 640 : i32
    %scan3A_9 = arith.constant 0 : i32
    %scan3A_10 = arith.constant 625 : i32
    %scan3A_11 = arith.addi %scan3A_9, %scan3A_10 : i32
    %scan3A_12 = arith.constant 1 : i32
    scf.for %scan3A_26 = %scan3A_9 to %scan3A_11 step %scan3A_12  : i32 {
      %mul3A_27 = arith.constant 16 : i32
      %mul3A_28 = arith.muli %scan3A_26, %mul3A_27 : i32
      %get3A = arith.index_cast %mul3A_28 : i32 to index
      %get3A_29 = tpu.vector_load %arg5[%get3A] {strides = array<i32>} : memref<10000xi32, #tpu.memory_space<vmem>>, vector<16xi32>,
      %mul3A_30 = arith.constant 16 : i32
      %mul3A_31 = arith.muli %scan3A_26, %mul3A_30 : i32
      %get3A_32 = arith.index_cast %mul3A_31 : i32 to index
      %get3A_33 = tpu.vector_load %arg6[%get3A_32] {strides = array<i32>} : memref<10000xf32, #tpu.memory_space<vmem>>, vector<16xf32>,
      tpu.vector_store_idx %arg7[%get3A_29], %get3A_33 {add = true} : memref<10240xf32, #tpu.memory_space<vmem>>[vector<16xi32>], vector<16xf32>,
    }
    %scan3A_13 = arith.constant 625 : i32
    "tpu.region"() ({
      %run_scoped3A = tpu.sem_alloc : memref<!tpu.dma_semaphore, #tpu.memory_space<semaphore_mem>>
      %dma_start3A = arith.constant 0 : i32
      %dma_start3A_26 = tpu.memref_slice %arg10[%arg1, %dma_start3A] : memref<16x10240xf32, #tpu.memory_space<vmem_shared>> -> memref<1x10240xf32, #tpu.memory_space<vmem_shared>>
      %dma_start3A_27 = tpu.memref_squeeze %dma_start3A_26 : memref<1x10240xf32, #tpu.memory_space<vmem_shared>> -> memref<10240xf32, #tpu.memory_space<vmem_shared>>
      %dma_start3A_28 = arith.constant 0 : i32
      %dma_start3A_29 = tpu.memref_slice %arg10[%arg1, %dma_start3A_28] : memref<16x10240xf32, #tpu.memory_space<vmem_shared>> -> memref<1x10240xf32, #tpu.memory_space<vmem_shared>>
      %dma_start3A_30 = tpu.memref_squeeze %dma_start3A_29 : memref<1x10240xf32, #tpu.memory_space<vmem_shared>> -> memref<10240xf32, #tpu.memory_space<vmem_shared>>
      tpu.enqueue_dma source(%arg7 : memref<10240xf32, #tpu.memory_space<vmem>>) target(%dma_start3A_30 : memref<10240xf32, #tpu.memory_space<vmem_shared>>) target_semaphore(%run_scoped3A : memref<!tpu.dma_semaphore, #tpu.memory_space<semaphore_mem>>)
      %dma_wait3A = arith.constant 0 : i32
      %dma_wait3A_31 = tpu.memref_slice %arg10[%arg1, %dma_wait3A] : memref<16x10240xf32, #tpu.memory_space<vmem_shared>> -> memref<1x10240xf32, #tpu.memory_space<vmem_shared>>
      %dma_wait3A_32 = tpu.memref_squeeze %dma_wait3A_31 : memref<1x10240xf32, #tpu.memory_space<vmem_shared>> -> memref<10240xf32, #tpu.memory_space<vmem_shared>>
      %dma_wait3A_33 = arith.constant 0 : i32
      %dma_wait3A_34 = tpu.memref_slice %arg10[%arg1, %dma_wait3A_33] : memref<16x10240xf32, #tpu.memory_space<vmem_shared>> -> memref<1x10240xf32, #tpu.memory_space<vmem_shared>>
      %dma_wait3A_35 = tpu.memref_squeeze %dma_wait3A_34 : memref<1x10240xf32, #tpu.memory_space<vmem_shared>> -> memref<10240xf32, #tpu.memory_space<vmem_shared>>
      tpu.wait_dma2 semaphore(%run_scoped3A : memref<!tpu.dma_semaphore, #tpu.memory_space<semaphore_mem>>) src(%arg7 : memref<10240xf32, #tpu.memory_space<vmem>>) dst(%dma_wait3A_35 : memref<10240xf32, #tpu.memory_space<vmem_shared>>)
      tpu.yield
    }) : () -> ()
    %barrier3A = arith.constant 0 : index
    tpu.barrier barrier_id(%barrier3A)
    %scan3A_14 = arith.constant 0 : i32
    %scan3A_15 = arith.constant 16 : i32
    %scan3A_16 = arith.addi %scan3A_14, %scan3A_15 : i32
    %scan3A_17 = arith.constant 1 : i32
    scf.for %scan3A_26 = %scan3A_14 to %scan3A_16 step %scan3A_17  : i32 {
      %mul3A_27 = arith.constant 640 : i32
      %mul3A_28 = arith.muli %arg1, %mul3A_27 : i32
      "tpu.region"() ({
        %run_scoped3A = tpu.sem_alloc : memref<!tpu.dma_semaphore, #tpu.memory_space<semaphore_mem>>
        %dma_start3A = arith.constant 0 : i32
        %dma_start3A_29 = tpu.memref_slice %arg8[%scan3A_26, %dma_start3A] : memref<16x640xf32, #tpu.memory_space<vmem>> -> memref<1x640xf32, #tpu.memory_space<vmem>>
        %dma_start3A_30 = tpu.memref_squeeze %dma_start3A_29 : memref<1x640xf32, #tpu.memory_space<vmem>> -> memref<640xf32, #tpu.memory_space<vmem>>
        %dma_start3A_31 = arith.constant 0 : i32
        %dma_start3A_32 = tpu.memref_slice %arg10[%scan3A_26, %dma_start3A_31] : memref<16x10240xf32, #tpu.memory_space<vmem_shared>> -> memref<1x10240xf32, #tpu.memory_space<vmem_shared>>
        %dma_start3A_33 = tpu.memref_squeeze %dma_start3A_32 : memref<1x10240xf32, #tpu.memory_space<vmem_shared>> -> memref<10240xf32, #tpu.memory_space<vmem_shared>>
        %dma_start3A_34 = tpu.memref_slice %dma_start3A_33[%mul3A_28] : memref<10240xf32, #tpu.memory_space<vmem_shared>> -> memref<640xf32, #tpu.memory_space<vmem_shared>>
        %dma_start3A_35 = arith.constant 0 : i32
        %dma_start3A_36 = tpu.memref_slice %arg8[%scan3A_26, %dma_start3A_35] : memref<16x640xf32, #tpu.memory_space<vmem>> -> memref<1x640xf32, #tpu.memory_space<vmem>>
        %dma_start3A_37 = tpu.memref_squeeze %dma_start3A_36 : memref<1x640xf32, #tpu.memory_space<vmem>> -> memref<640xf32, #tpu.memory_space<vmem>>
        %dma_start3A_38 = arith.constant 0 : i32
        %dma_start3A_39 = tpu.memref_slice %arg10[%scan3A_26, %dma_start3A_38] : memref<16x10240xf32, #tpu.memory_space<vmem_shared>> -> memref<1x10240xf32, #tpu.memory_space<vmem_shared>>
        %dma_start3A_40 = tpu.memref_squeeze %dma_start3A_39 : memref<1x10240xf32, #tpu.memory_space<vmem_shared>> -> memref<10240xf32, #tpu.memory_space<vmem_shared>>
        %dma_start3A_41 = tpu.memref_slice %dma_start3A_40[%mul3A_28] : memref<10240xf32, #tpu.memory_space<vmem_shared>> -> memref<640xf32, #tpu.memory_space<vmem_shared>>
        tpu.enqueue_dma source(%dma_start3A_41 : memref<640xf32, #tpu.memory_space<vmem_shared>>) target(%dma_start3A_37 : memref<640xf32, #tpu.memory_space<vmem>>) target_semaphore(%run_scoped3A : memref<!tpu.dma_semaphore, #tpu.memory_space<semaphore_mem>>)
        %dma_wait3A = arith.constant 0 : i32
        %dma_wait3A_42 = tpu.memref_slice %arg8[%scan3A_26, %dma_wait3A] : memref<16x640xf32, #tpu.memory_space<vmem>> -> memref<1x640xf32, #tpu.memory_space<vmem>>
        %dma_wait3A_43 = tpu.memref_squeeze %dma_wait3A_42 : memref<1x640xf32, #tpu.memory_space<vmem>> -> memref<640xf32, #tpu.memory_space<vmem>>
        %dma_wait3A_44 = arith.constant 0 : i32
        %dma_wait3A_45 = tpu.memref_slice %arg10[%scan3A_26, %dma_wait3A_44] : memref<16x10240xf32, #tpu.memory_space<vmem_shared>> -> memref<1x10240xf32, #tpu.memory_space<vmem_shared>>
        %dma_wait3A_46 = tpu.memref_squeeze %dma_wait3A_45 : memref<1x10240xf32, #tpu.memory_space<vmem_shared>> -> memref<10240xf32, #tpu.memory_space<vmem_shared>>
        %dma_wait3A_47 = tpu.memref_slice %dma_wait3A_46[%mul3A_28] : memref<10240xf32, #tpu.memory_space<vmem_shared>> -> memref<640xf32, #tpu.memory_space<vmem_shared>>
        %dma_wait3A_48 = arith.constant 0 : i32
        %dma_wait3A_49 = tpu.memref_slice %arg8[%scan3A_26, %dma_wait3A_48] : memref<16x640xf32, #tpu.memory_space<vmem>> -> memref<1x640xf32, #tpu.memory_space<vmem>>
        %dma_wait3A_50 = tpu.memref_squeeze %dma_wait3A_49 : memref<1x640xf32, #tpu.memory_space<vmem>> -> memref<640xf32, #tpu.memory_space<vmem>>
        %dma_wait3A_51 = arith.constant 0 : i32
        %dma_wait3A_52 = tpu.memref_slice %arg10[%scan3A_26, %dma_wait3A_51] : memref<16x10240xf32, #tpu.memory_space<vmem_shared>> -> memref<1x10240xf32, #tpu.memory_space<vmem_shared>>
        %dma_wait3A_53 = tpu.memref_squeeze %dma_wait3A_52 : memref<1x10240xf32, #tpu.memory_space<vmem_shared>> -> memref<10240xf32, #tpu.memory_space<vmem_shared>>
        %dma_wait3A_54 = tpu.memref_slice %dma_wait3A_53[%mul3A_28] : memref<10240xf32, #tpu.memory_space<vmem_shared>> -> memref<640xf32, #tpu.memory_space<vmem_shared>>
        tpu.wait_dma2 semaphore(%run_scoped3A : memref<!tpu.dma_semaphore, #tpu.memory_space<semaphore_mem>>) src(%dma_wait3A_54 : memref<640xf32, #tpu.memory_space<vmem_shared>>) dst(%dma_wait3A_50 : memref<640xf32, #tpu.memory_space<vmem>>)
        tpu.yield
      }) : () -> ()
    }
    %scan3A_18 = arith.constant 16 : i32
    %scan3A_19 = arith.constant 0 : i32
    %scan3A_20 = arith.constant 40 : i32
    %scan3A_21 = arith.addi %scan3A_19, %scan3A_20 : i32
    %scan3A_22 = arith.constant 1 : i32
    scf.for %scan3A_26 = %scan3A_19 to %scan3A_21 step %scan3A_22  : i32 {
      %broadcast_in_dim3A = arith.constant 0.000000e+00 : f32
      %broadcast_in_dim3A_27 = vector.broadcast %broadcast_in_dim3A : f32 to vector<16xf32>
      %mul3A_28 = arith.constant 16 : i32
      %mul3A_29 = arith.muli %scan3A_26, %mul3A_28 : i32
      %get3A = arith.constant 0 : i32
      %get3A_30 = arith.index_cast %get3A : i32 to index
      %get3A_31 = arith.index_cast %mul3A_29 : i32 to index
      %get3A_32 = tpu.vector_load %arg8[%get3A_30, %get3A_31] {strides = array<i32>} : memref<16x640xf32, #tpu.memory_space<vmem>>, vector<16xf32>,
      %add3A_33 = arith.addf %broadcast_in_dim3A_27, %get3A_32 : vector<16xf32>
      %mul3A_34 = arith.constant 16 : i32
      %mul3A_35 = arith.muli %scan3A_26, %mul3A_34 : i32
      %get3A_36 = arith.constant 1 : i32
      %get3A_37 = arith.index_cast %get3A_36 : i32 to index
      %get3A_38 = arith.index_cast %mul3A_35 : i32 to index
      %get3A_39 = tpu.vector_load %arg8[%get3A_37, %get3A_38] {strides = array<i32>} : memref<16x640xf32, #tpu.memory_space<vmem>>, vector<16xf32>,
      %add3A_40 = arith.addf %add3A_33, %get3A_39 : vector<16xf32>
      %mul3A_41 = arith.constant 16 : i32
      %mul3A_42 = arith.muli %scan3A_26, %mul3A_41 : i32
      %get3A_43 = arith.constant 2 : i32
      %get3A_44 = arith.index_cast %get3A_43 : i32 to index
      %get3A_45 = arith.index_cast %mul3A_42 : i32 to index
      %get3A_46 = tpu.vector_load %arg8[%get3A_44, %get3A_45] {strides = array<i32>} : memref<16x640xf32, #tpu.memory_space<vmem>>, vector<16xf32>,
      %add3A_47 = arith.addf %add3A_40, %get3A_46 : vector<16xf32>
      %mul3A_48 = arith.constant 16 : i32
      %mul3A_49 = arith.muli %scan3A_26, %mul3A_48 : i32
      %get3A_50 = arith.constant 3 : i32
      %get3A_51 = arith.index_cast %get3A_50 : i32 to index
      %get3A_52 = arith.index_cast %mul3A_49 : i32 to index
      %get3A_53 = tpu.vector_load %arg8[%get3A_51, %get3A_52] {strides = array<i32>} : memref<16x640xf32, #tpu.memory_space<vmem>>, vector<16xf32>,
      %add3A_54 = arith.addf %add3A_47, %get3A_53 : vector<16xf32>
      %mul3A_55 = arith.constant 16 : i32
      %mul3A_56 = arith.muli %scan3A_26, %mul3A_55 : i32
      %get3A_57 = arith.constant 4 : i32
      %get3A_58 = arith.index_cast %get3A_57 : i32 to index
      %get3A_59 = arith.index_cast %mul3A_56 : i32 to index
      %get3A_60 = tpu.vector_load %arg8[%get3A_58, %get3A_59] {strides = array<i32>} : memref<16x640xf32, #tpu.memory_space<vmem>>, vector<16xf32>,
      %add3A_61 = arith.addf %add3A_54, %get3A_60 : vector<16xf32>
      %mul3A_62 = arith.constant 16 : i32
      %mul3A_63 = arith.muli %scan3A_26, %mul3A_62 : i32
      %get3A_64 = arith.constant 5 : i32
      %get3A_65 = arith.index_cast %get3A_64 : i32 to index
      %get3A_66 = arith.index_cast %mul3A_63 : i32 to index
      %get3A_67 = tpu.vector_load %arg8[%get3A_65, %get3A_66] {strides = array<i32>} : memref<16x640xf32, #tpu.memory_space<vmem>>, vector<16xf32>,
      %add3A_68 = arith.addf %add3A_61, %get3A_67 : vector<16xf32>
      %mul3A_69 = arith.constant 16 : i32
      %mul3A_70 = arith.muli %scan3A_26, %mul3A_69 : i32
      %get3A_71 = arith.constant 6 : i32
      %get3A_72 = arith.index_cast %get3A_71 : i32 to index
      %get3A_73 = arith.index_cast %mul3A_70 : i32 to index
      %get3A_74 = tpu.vector_load %arg8[%get3A_72, %get3A_73] {strides = array<i32>} : memref<16x640xf32, #tpu.memory_space<vmem>>, vector<16xf32>,
      %add3A_75 = arith.addf %add3A_68, %get3A_74 : vector<16xf32>
      %mul3A_76 = arith.constant 16 : i32
      %mul3A_77 = arith.muli %scan3A_26, %mul3A_76 : i32
      %get3A_78 = arith.constant 7 : i32
      %get3A_79 = arith.index_cast %get3A_78 : i32 to index
      %get3A_80 = arith.index_cast %mul3A_77 : i32 to index
      %get3A_81 = tpu.vector_load %arg8[%get3A_79, %get3A_80] {strides = array<i32>} : memref<16x640xf32, #tpu.memory_space<vmem>>, vector<16xf32>,
      %add3A_82 = arith.addf %add3A_75, %get3A_81 : vector<16xf32>
      %mul3A_83 = arith.constant 16 : i32
      %mul3A_84 = arith.muli %scan3A_26, %mul3A_83 : i32
      %get3A_85 = arith.constant 8 : i32
      %get3A_86 = arith.index_cast %get3A_85 : i32 to index
      %get3A_87 = arith.index_cast %mul3A_84 : i32 to index
      %get3A_88 = tpu.vector_load %arg8[%get3A_86, %get3A_87] {strides = array<i32>} : memref<16x640xf32, #tpu.memory_space<vmem>>, vector<16xf32>,
      %add3A_89 = arith.addf %add3A_82, %get3A_88 : vector<16xf32>
      %mul3A_90 = arith.constant 16 : i32
      %mul3A_91 = arith.muli %scan3A_26, %mul3A_90 : i32
      %get3A_92 = arith.constant 9 : i32
      %get3A_93 = arith.index_cast %get3A_92 : i32 to index
      %get3A_94 = arith.index_cast %mul3A_91 : i32 to index
      %get3A_95 = tpu.vector_load %arg8[%get3A_93, %get3A_94] {strides = array<i32>} : memref<16x640xf32, #tpu.memory_space<vmem>>, vector<16xf32>,
      %add3A_96 = arith.addf %add3A_89, %get3A_95 : vector<16xf32>
      %mul3A_97 = arith.constant 16 : i32
      %mul3A_98 = arith.muli %scan3A_26, %mul3A_97 : i32
      %get3A_99 = arith.constant 10 : i32
      %get3A_100 = arith.index_cast %get3A_99 : i32 to index
      %get3A_101 = arith.index_cast %mul3A_98 : i32 to index
      %get3A_102 = tpu.vector_load %arg8[%get3A_100, %get3A_101] {strides = array<i32>} : memref<16x640xf32, #tpu.memory_space<vmem>>, vector<16xf32>,
      %add3A_103 = arith.addf %add3A_96, %get3A_102 : vector<16xf32>
      %mul3A_104 = arith.constant 16 : i32
      %mul3A_105 = arith.muli %scan3A_26, %mul3A_104 : i32
      %get3A_106 = arith.constant 11 : i32
      %get3A_107 = arith.index_cast %get3A_106 : i32 to index
      %get3A_108 = arith.index_cast %mul3A_105 : i32 to index
      %get3A_109 = tpu.vector_load %arg8[%get3A_107, %get3A_108] {strides = array<i32>} : memref<16x640xf32, #tpu.memory_space<vmem>>, vector<16xf32>,
      %add3A_110 = arith.addf %add3A_103, %get3A_109 : vector<16xf32>
      %mul3A_111 = arith.constant 16 : i32
      %mul3A_112 = arith.muli %scan3A_26, %mul3A_111 : i32
      %get3A_113 = arith.constant 12 : i32
      %get3A_114 = arith.index_cast %get3A_113 : i32 to index
      %get3A_115 = arith.index_cast %mul3A_112 : i32 to index
      %get3A_116 = tpu.vector_load %arg8[%get3A_114, %get3A_115] {strides = array<i32>} : memref<16x640xf32, #tpu.memory_space<vmem>>, vector<16xf32>,
      %add3A_117 = arith.addf %add3A_110, %get3A_116 : vector<16xf32>
      %mul3A_118 = arith.constant 16 : i32
      %mul3A_119 = arith.muli %scan3A_26, %mul3A_118 : i32
      %get3A_120 = arith.constant 13 : i32
      %get3A_121 = arith.index_cast %get3A_120 : i32 to index
      %get3A_122 = arith.index_cast %mul3A_119 : i32 to index
      %get3A_123 = tpu.vector_load %arg8[%get3A_121, %get3A_122] {strides = array<i32>} : memref<16x640xf32, #tpu.memory_space<vmem>>, vector<16xf32>,
      %add3A_124 = arith.addf %add3A_117, %get3A_123 : vector<16xf32>
      %mul3A_125 = arith.constant 16 : i32
      %mul3A_126 = arith.muli %scan3A_26, %mul3A_125 : i32
      %get3A_127 = arith.constant 14 : i32
      %get3A_128 = arith.index_cast %get3A_127 : i32 to index
      %get3A_129 = arith.index_cast %mul3A_126 : i32 to index
      %get3A_130 = tpu.vector_load %arg8[%get3A_128, %get3A_129] {strides = array<i32>} : memref<16x640xf32, #tpu.memory_space<vmem>>, vector<16xf32>,
      %add3A_131 = arith.addf %add3A_124, %get3A_130 : vector<16xf32>
      %mul3A_132 = arith.constant 16 : i32
      %mul3A_133 = arith.muli %scan3A_26, %mul3A_132 : i32
      %get3A_134 = arith.constant 15 : i32
      %get3A_135 = arith.index_cast %get3A_134 : i32 to index
      %get3A_136 = arith.index_cast %mul3A_133 : i32 to index
      %get3A_137 = tpu.vector_load %arg8[%get3A_135, %get3A_136] {strides = array<i32>} : memref<16x640xf32, #tpu.memory_space<vmem>>, vector<16xf32>,
      %add3A_138 = arith.addf %add3A_131, %get3A_137 : vector<16xf32>
      %mul3A_139 = arith.constant 16 : i32
      %mul3A_140 = arith.muli %scan3A_26, %mul3A_139 : i32
      %swap3A = arith.index_cast %mul3A_140 : i32 to index
      %swap3A_141 = tpu.vector_load %arg9[%swap3A] {strides = array<i32>} : memref<640xf32, #tpu.memory_space<vmem>>, vector<16xf32>,
      tpu.vector_store %arg9[%swap3A], %add3A_138 {strides = array<i32>} : memref<640xf32, #tpu.memory_space<vmem>>, vector<16xf32>,
    }
    %scan3A_23 = arith.constant 40 : i32
    %mul3A_24 = arith.constant 640 : i32
    %mul3A_25 = arith.muli %arg1, %mul3A_24 : i32
    "tpu.region"() ({
      %run_scoped3A = tpu.sem_alloc : memref<!tpu.dma_semaphore, #tpu.memory_space<semaphore_mem>>
      %dma_start3A = arith.constant 0 : i32
      %dma_start3A_26 = tpu.memref_slice %arg4[%arg0, %dma_start3A] : memref<2x10240xf32, #tpu.memory_space<hbm>> -> memref<1x10240xf32, #tpu.memory_space<hbm>>
      %dma_start3A_27 = tpu.memref_squeeze %dma_start3A_26 : memref<1x10240xf32, #tpu.memory_space<hbm>> -> memref<10240xf32, #tpu.memory_space<hbm>>
      %dma_start3A_28 = tpu.memref_slice %dma_start3A_27[%mul3A_25] : memref<10240xf32, #tpu.memory_space<hbm>> -> memref<640xf32, #tpu.memory_space<hbm>>
      %dma_start3A_29 = arith.constant 0 : i32
      %dma_start3A_30 = tpu.memref_slice %arg4[%arg0, %dma_start3A_29] : memref<2x10240xf32, #tpu.memory_space<hbm>> -> memref<1x10240xf32, #tpu.memory_space<hbm>>
      %dma_start3A_31 = tpu.memref_squeeze %dma_start3A_30 : memref<1x10240xf32, #tpu.memory_space<hbm>> -> memref<10240xf32, #tpu.memory_space<hbm>>
      %dma_start3A_32 = tpu.memref_slice %dma_start3A_31[%mul3A_25] : memref<10240xf32, #tpu.memory_space<hbm>> -> memref<640xf32, #tpu.memory_space<hbm>>
      tpu.enqueue_dma source(%arg9 : memref<640xf32, #tpu.memory_space<vmem>>) target(%dma_start3A_32 : memref<640xf32, #tpu.memory_space<hbm>>) target_semaphore(%run_scoped3A : memref<!tpu.dma_semaphore, #tpu.memory_space<semaphore_mem>>)
      %dma_wait3A = arith.constant 0 : i32
      %dma_wait3A_33 = tpu.memref_slice %arg4[%arg0, %dma_wait3A] : memref<2x10240xf32, #tpu.memory_space<hbm>> -> memref<1x10240xf32, #tpu.memory_space<hbm>>
      %dma_wait3A_34 = tpu.memref_squeeze %dma_wait3A_33 : memref<1x10240xf32, #tpu.memory_space<hbm>> -> memref<10240xf32, #tpu.memory_space<hbm>>
      %dma_wait3A_35 = tpu.memref_slice %dma_wait3A_34[%mul3A_25] : memref<10240xf32, #tpu.memory_space<hbm>> -> memref<640xf32, #tpu.memory_space<hbm>>
      %dma_wait3A_36 = arith.constant 0 : i32
      %dma_wait3A_37 = tpu.memref_slice %arg4[%arg0, %dma_wait3A_36] : memref<2x10240xf32, #tpu.memory_space<hbm>> -> memref<1x10240xf32, #tpu.memory_space<hbm>>
      %dma_wait3A_38 = tpu.memref_squeeze %dma_wait3A_37 : memref<1x10240xf32, #tpu.memory_space<hbm>> -> memref<10240xf32, #tpu.memory_space<hbm>>
      %dma_wait3A_39 = tpu.memref_slice %dma_wait3A_38[%mul3A_25] : memref<10240xf32, #tpu.memory_space<hbm>> -> memref<640xf32, #tpu.memory_space<hbm>>
      tpu.wait_dma2 semaphore(%run_scoped3A : memref<!tpu.dma_semaphore, #tpu.memory_space<semaphore_mem>>) src(%arg9 : memref<640xf32, #tpu.memory_space<vmem>>) dst(%dma_wait3A_39 : memref<640xf32, #tpu.memory_space<hbm>>)
      tpu.yield
    }) : () -> ()
    return
  }
}

#map = affine_map<(d0, d1) -> (0, 0, 0)>
#map1 = affine_map<(d0, d1) -> (0, 0)>
module attributes {stable_mosaic.version = 14 : i64} {
  func.func @_prop_body(%arg0: i32, %arg1: i32, %arg2: memref<32x80x125xi32, #tpu.memory_space<hbm>>, %arg3: memref<32x80x125xi32, #tpu.memory_space<hbm>>, %arg4: memref<160x2000xf32, #tpu.memory_space<hbm>>, %arg5: memref<10240x128xf32, #tpu.memory_space<hbm>>, %arg6: memref<2x10240x128xf32, #tpu.memory_space<hbm>>, %arg7: memref<2x16x125xi32, #tpu.memory_space<vmem>>, %arg8: memref<2x16x125xi32, #tpu.memory_space<vmem>>, %arg9: memref<2x2000xf32, #tpu.memory_space<vmem>>, %arg10: memref<125x128xf32, #tpu.memory_space<vmem>>, %arg11: memref<125x128xf32, #tpu.memory_space<vmem>>, %arg12: memref<16x128xf32, #tpu.memory_space<vmem>>, %arg13: memref<10240x128xf32, #tpu.memory_space<vmem_shared>>, %arg14: memref<!tpu.dma_semaphore, #tpu.memory_space<semaphore_mem>>, %arg15: memref<!tpu.dma_semaphore, #tpu.memory_space<semaphore_mem>>, %arg16: memref<!tpu.dma_semaphore, #tpu.memory_space<semaphore_mem>>, %arg17: memref<!tpu.dma_semaphore, #tpu.memory_space<semaphore_mem>>, %arg18: memref<!tpu.dma_semaphore, #tpu.memory_space<semaphore_mem>>) attributes {dimension_semantics = [#tpu.dimension_semantics<core_parallel>, #tpu.dimension_semantics<subcore_parallel>], iteration_bounds = array<i64: 2, 16>, scalar_prefetch = 0 : i64, scratch_operands = 12 : i64, tpu.core_type = #tpu.core_type<sc_vector_subcore>, window_params = [{transform_indices = #map}, {transform_indices = #map}, {transform_indices = #map1}, {transform_indices = #map1}, {transform_indices = #map}]} {
    %mul3A = arith.constant 16 : i32
    %mul3A_0 = arith.muli %arg0, %mul3A : i32
    %add3A = arith.addi %mul3A_0, %arg1 : i32
    %dma_start3A = arith.constant 0 : i32
    %dma_start3A_1 = arith.constant 0 : i32
    %dma_start3A_2 = arith.constant 0 : i32
    %dma_start3A_3 = tpu.memref_slice %arg7[%dma_start3A, %dma_start3A_1, %dma_start3A_2] : memref<2x16x125xi32, #tpu.memory_space<vmem>> -> memref<1x16x125xi32, #tpu.memory_space<vmem>>
    %dma_start3A_4 = tpu.memref_squeeze %dma_start3A_3 : memref<1x16x125xi32, #tpu.memory_space<vmem>> -> memref<16x125xi32, #tpu.memory_space<vmem>>
    %dma_start3A_5 = arith.constant 0 : i32
    %dma_start3A_6 = arith.constant 0 : i32
    %dma_start3A_7 = tpu.memref_slice %arg2[%add3A, %dma_start3A_5, %dma_start3A_6] : memref<32x80x125xi32, #tpu.memory_space<hbm>> -> memref<1x80x125xi32, #tpu.memory_space<hbm>>
    %dma_start3A_8 = tpu.memref_squeeze %dma_start3A_7 : memref<1x80x125xi32, #tpu.memory_space<hbm>> -> memref<80x125xi32, #tpu.memory_space<hbm>>
    %dma_start3A_9 = arith.constant 0 : i32
    %dma_start3A_10 = arith.constant 0 : i32
    %dma_start3A_11 = tpu.memref_slice %dma_start3A_8[%dma_start3A_9, %dma_start3A_10] : memref<80x125xi32, #tpu.memory_space<hbm>> -> memref<16x125xi32, #tpu.memory_space<hbm>>
    %dma_start3A_12 = arith.constant 0 : i32
    %dma_start3A_13 = arith.constant 0 : i32
    %dma_start3A_14 = tpu.memref_slice %arg7[%dma_start3A, %dma_start3A_12, %dma_start3A_13] : memref<2x16x125xi32, #tpu.memory_space<vmem>> -> memref<1x16x125xi32, #tpu.memory_space<vmem>>
    %dma_start3A_15 = tpu.memref_squeeze %dma_start3A_14 : memref<1x16x125xi32, #tpu.memory_space<vmem>> -> memref<16x125xi32, #tpu.memory_space<vmem>>
    %dma_start3A_16 = arith.constant 0 : i32
    %dma_start3A_17 = arith.constant 0 : i32
    %dma_start3A_18 = tpu.memref_slice %arg2[%add3A, %dma_start3A_16, %dma_start3A_17] : memref<32x80x125xi32, #tpu.memory_space<hbm>> -> memref<1x80x125xi32, #tpu.memory_space<hbm>>
    %dma_start3A_19 = tpu.memref_squeeze %dma_start3A_18 : memref<1x80x125xi32, #tpu.memory_space<hbm>> -> memref<80x125xi32, #tpu.memory_space<hbm>>
    %dma_start3A_20 = arith.constant 0 : i32
    %dma_start3A_21 = arith.constant 0 : i32
    %dma_start3A_22 = tpu.memref_slice %dma_start3A_19[%dma_start3A_20, %dma_start3A_21] : memref<80x125xi32, #tpu.memory_space<hbm>> -> memref<16x125xi32, #tpu.memory_space<hbm>>
    tpu.enqueue_dma source(%dma_start3A_22 : memref<16x125xi32, #tpu.memory_space<hbm>>) target(%dma_start3A_15 : memref<16x125xi32, #tpu.memory_space<vmem>>) target_semaphore(%arg18 : memref<!tpu.dma_semaphore, #tpu.memory_space<semaphore_mem>>)
    %dma_start3A_23 = arith.constant 0 : i32
    %dma_start3A_24 = arith.constant 0 : i32
    %dma_start3A_25 = arith.constant 0 : i32
    %dma_start3A_26 = tpu.memref_slice %arg8[%dma_start3A_23, %dma_start3A_24, %dma_start3A_25] : memref<2x16x125xi32, #tpu.memory_space<vmem>> -> memref<1x16x125xi32, #tpu.memory_space<vmem>>
    %dma_start3A_27 = tpu.memref_squeeze %dma_start3A_26 : memref<1x16x125xi32, #tpu.memory_space<vmem>> -> memref<16x125xi32, #tpu.memory_space<vmem>>
    %dma_start3A_28 = arith.constant 0 : i32
    %dma_start3A_29 = arith.constant 0 : i32
    %dma_start3A_30 = tpu.memref_slice %arg3[%add3A, %dma_start3A_28, %dma_start3A_29] : memref<32x80x125xi32, #tpu.memory_space<hbm>> -> memref<1x80x125xi32, #tpu.memory_space<hbm>>
    %dma_start3A_31 = tpu.memref_squeeze %dma_start3A_30 : memref<1x80x125xi32, #tpu.memory_space<hbm>> -> memref<80x125xi32, #tpu.memory_space<hbm>>
    %dma_start3A_32 = arith.constant 0 : i32
    %dma_start3A_33 = arith.constant 0 : i32
    %dma_start3A_34 = tpu.memref_slice %dma_start3A_31[%dma_start3A_32, %dma_start3A_33] : memref<80x125xi32, #tpu.memory_space<hbm>> -> memref<16x125xi32, #tpu.memory_space<hbm>>
    %dma_start3A_35 = arith.constant 0 : i32
    %dma_start3A_36 = arith.constant 0 : i32
    %dma_start3A_37 = tpu.memref_slice %arg8[%dma_start3A_23, %dma_start3A_35, %dma_start3A_36] : memref<2x16x125xi32, #tpu.memory_space<vmem>> -> memref<1x16x125xi32, #tpu.memory_space<vmem>>
    %dma_start3A_38 = tpu.memref_squeeze %dma_start3A_37 : memref<1x16x125xi32, #tpu.memory_space<vmem>> -> memref<16x125xi32, #tpu.memory_space<vmem>>
    %dma_start3A_39 = arith.constant 0 : i32
    %dma_start3A_40 = arith.constant 0 : i32
    %dma_start3A_41 = tpu.memref_slice %arg3[%add3A, %dma_start3A_39, %dma_start3A_40] : memref<32x80x125xi32, #tpu.memory_space<hbm>> -> memref<1x80x125xi32, #tpu.memory_space<hbm>>
    %dma_start3A_42 = tpu.memref_squeeze %dma_start3A_41 : memref<1x80x125xi32, #tpu.memory_space<hbm>> -> memref<80x125xi32, #tpu.memory_space<hbm>>
    %dma_start3A_43 = arith.constant 0 : i32
    %dma_start3A_44 = arith.constant 0 : i32
    %dma_start3A_45 = tpu.memref_slice %dma_start3A_42[%dma_start3A_43, %dma_start3A_44] : memref<80x125xi32, #tpu.memory_space<hbm>> -> memref<16x125xi32, #tpu.memory_space<hbm>>
    tpu.enqueue_dma source(%dma_start3A_45 : memref<16x125xi32, #tpu.memory_space<hbm>>) target(%dma_start3A_38 : memref<16x125xi32, #tpu.memory_space<vmem>>) target_semaphore(%arg18 : memref<!tpu.dma_semaphore, #tpu.memory_space<semaphore_mem>>)
    %mul3A_46 = arith.constant 5 : i32
    %mul3A_47 = arith.muli %add3A, %mul3A_46 : i32
    %add3A_48 = arith.constant 0 : i32
    %add3A_49 = arith.addi %mul3A_47, %add3A_48 : i32
    %dma_start3A_50 = arith.constant 0 : i32
    %dma_start3A_51 = arith.constant 0 : i32
    %dma_start3A_52 = tpu.memref_slice %arg9[%dma_start3A_50, %dma_start3A_51] : memref<2x2000xf32, #tpu.memory_space<vmem>> -> memref<1x2000xf32, #tpu.memory_space<vmem>>
    %dma_start3A_53 = tpu.memref_squeeze %dma_start3A_52 : memref<1x2000xf32, #tpu.memory_space<vmem>> -> memref<2000xf32, #tpu.memory_space<vmem>>
    %dma_start3A_54 = arith.constant 0 : i32
    %dma_start3A_55 = tpu.memref_slice %arg4[%add3A_49, %dma_start3A_54] : memref<160x2000xf32, #tpu.memory_space<hbm>> -> memref<1x2000xf32, #tpu.memory_space<hbm>>
    %dma_start3A_56 = tpu.memref_squeeze %dma_start3A_55 : memref<1x2000xf32, #tpu.memory_space<hbm>> -> memref<2000xf32, #tpu.memory_space<hbm>>
    %dma_start3A_57 = arith.constant 0 : i32
    %dma_start3A_58 = tpu.memref_slice %arg9[%dma_start3A_50, %dma_start3A_57] : memref<2x2000xf32, #tpu.memory_space<vmem>> -> memref<1x2000xf32, #tpu.memory_space<vmem>>
    %dma_start3A_59 = tpu.memref_squeeze %dma_start3A_58 : memref<1x2000xf32, #tpu.memory_space<vmem>> -> memref<2000xf32, #tpu.memory_space<vmem>>
    %dma_start3A_60 = arith.constant 0 : i32
    %dma_start3A_61 = tpu.memref_slice %arg4[%add3A_49, %dma_start3A_60] : memref<160x2000xf32, #tpu.memory_space<hbm>> -> memref<1x2000xf32, #tpu.memory_space<hbm>>
    %dma_start3A_62 = tpu.memref_squeeze %dma_start3A_61 : memref<1x2000xf32, #tpu.memory_space<hbm>> -> memref<2000xf32, #tpu.memory_space<hbm>>
    tpu.enqueue_dma source(%dma_start3A_62 : memref<2000xf32, #tpu.memory_space<hbm>>) target(%dma_start3A_59 : memref<2000xf32, #tpu.memory_space<vmem>>) target_semaphore(%arg18 : memref<!tpu.dma_semaphore, #tpu.memory_space<semaphore_mem>>)
    %scan3A = arith.constant 0 : i32
    %scan3A_63 = arith.constant 16 : i32
    %scan3A_64 = arith.addi %scan3A, %scan3A_63 : i32
    %scan3A_65 = arith.constant 1 : i32
    scf.for %scan3A_158 = %scan3A to %scan3A_64 step %scan3A_65  : i32 {
      %broadcast_in_dim3A = arith.constant 0.000000e+00 : f32
      %broadcast_in_dim3A_159 = vector.broadcast %broadcast_in_dim3A : f32 to vector<16xf32>
      %swap3A = arith.index_cast %scan3A_158 : i32 to index
      %swap3A_160 = arith.constant 0 : index
      %swap3A_161 = tpu.vector_load %arg12[%swap3A, %swap3A_160] {strides = array<i32>} : memref<16x128xf32, #tpu.memory_space<vmem>>, vector<16xf32>,
      tpu.vector_store %arg12[%swap3A, %swap3A_160], %broadcast_in_dim3A_159 {strides = array<i32>} : memref<16x128xf32, #tpu.memory_space<vmem>>, vector<16xf32>,
      %broadcast_in_dim3A_162 = arith.constant 0.000000e+00 : f32
      %broadcast_in_dim3A_163 = vector.broadcast %broadcast_in_dim3A_162 : f32 to vector<16xf32>
      %swap3A_164 = arith.index_cast %scan3A_158 : i32 to index
      %swap3A_165 = arith.constant 16 : index
      %swap3A_166 = tpu.vector_load %arg12[%swap3A_164, %swap3A_165] {strides = array<i32>} : memref<16x128xf32, #tpu.memory_space<vmem>>, vector<16xf32>,
      tpu.vector_store %arg12[%swap3A_164, %swap3A_165], %broadcast_in_dim3A_163 {strides = array<i32>} : memref<16x128xf32, #tpu.memory_space<vmem>>, vector<16xf32>,
      %broadcast_in_dim3A_167 = arith.constant 0.000000e+00 : f32
      %broadcast_in_dim3A_168 = vector.broadcast %broadcast_in_dim3A_167 : f32 to vector<16xf32>
      %swap3A_169 = arith.index_cast %scan3A_158 : i32 to index
      %swap3A_170 = arith.constant 32 : index
      %swap3A_171 = tpu.vector_load %arg12[%swap3A_169, %swap3A_170] {strides = array<i32>} : memref<16x128xf32, #tpu.memory_space<vmem>>, vector<16xf32>,
      tpu.vector_store %arg12[%swap3A_169, %swap3A_170], %broadcast_in_dim3A_168 {strides = array<i32>} : memref<16x128xf32, #tpu.memory_space<vmem>>, vector<16xf32>,
      %broadcast_in_dim3A_172 = arith.constant 0.000000e+00 : f32
      %broadcast_in_dim3A_173 = vector.broadcast %broadcast_in_dim3A_172 : f32 to vector<16xf32>
      %swap3A_174 = arith.index_cast %scan3A_158 : i32 to index
      %swap3A_175 = arith.constant 48 : index
      %swap3A_176 = tpu.vector_load %arg12[%swap3A_174, %swap3A_175] {strides = array<i32>} : memref<16x128xf32, #tpu.memory_space<vmem>>, vector<16xf32>,
      tpu.vector_store %arg12[%swap3A_174, %swap3A_175], %broadcast_in_dim3A_173 {strides = array<i32>} : memref<16x128xf32, #tpu.memory_space<vmem>>, vector<16xf32>,
      %broadcast_in_dim3A_177 = arith.constant 0.000000e+00 : f32
      %broadcast_in_dim3A_178 = vector.broadcast %broadcast_in_dim3A_177 : f32 to vector<16xf32>
      %swap3A_179 = arith.index_cast %scan3A_158 : i32 to index
      %swap3A_180 = arith.constant 64 : index
      %swap3A_181 = tpu.vector_load %arg12[%swap3A_179, %swap3A_180] {strides = array<i32>} : memref<16x128xf32, #tpu.memory_space<vmem>>, vector<16xf32>,
      tpu.vector_store %arg12[%swap3A_179, %swap3A_180], %broadcast_in_dim3A_178 {strides = array<i32>} : memref<16x128xf32, #tpu.memory_space<vmem>>, vector<16xf32>,
      %broadcast_in_dim3A_182 = arith.constant 0.000000e+00 : f32
      %broadcast_in_dim3A_183 = vector.broadcast %broadcast_in_dim3A_182 : f32 to vector<16xf32>
      %swap3A_184 = arith.index_cast %scan3A_158 : i32 to index
      %swap3A_185 = arith.constant 80 : index
      %swap3A_186 = tpu.vector_load %arg12[%swap3A_184, %swap3A_185] {strides = array<i32>} : memref<16x128xf32, #tpu.memory_space<vmem>>, vector<16xf32>,
      tpu.vector_store %arg12[%swap3A_184, %swap3A_185], %broadcast_in_dim3A_183 {strides = array<i32>} : memref<16x128xf32, #tpu.memory_space<vmem>>, vector<16xf32>,
      %broadcast_in_dim3A_187 = arith.constant 0.000000e+00 : f32
      %broadcast_in_dim3A_188 = vector.broadcast %broadcast_in_dim3A_187 : f32 to vector<16xf32>
      %swap3A_189 = arith.index_cast %scan3A_158 : i32 to index
      %swap3A_190 = arith.constant 96 : index
      %swap3A_191 = tpu.vector_load %arg12[%swap3A_189, %swap3A_190] {strides = array<i32>} : memref<16x128xf32, #tpu.memory_space<vmem>>, vector<16xf32>,
      tpu.vector_store %arg12[%swap3A_189, %swap3A_190], %broadcast_in_dim3A_188 {strides = array<i32>} : memref<16x128xf32, #tpu.memory_space<vmem>>, vector<16xf32>,
      %broadcast_in_dim3A_192 = arith.constant 0.000000e+00 : f32
      %broadcast_in_dim3A_193 = vector.broadcast %broadcast_in_dim3A_192 : f32 to vector<16xf32>
      %swap3A_194 = arith.index_cast %scan3A_158 : i32 to index
      %swap3A_195 = arith.constant 112 : index
      %swap3A_196 = tpu.vector_load %arg12[%swap3A_194, %swap3A_195] {strides = array<i32>} : memref<16x128xf32, #tpu.memory_space<vmem>>, vector<16xf32>,
      tpu.vector_store %arg12[%swap3A_194, %swap3A_195], %broadcast_in_dim3A_193 {strides = array<i32>} : memref<16x128xf32, #tpu.memory_space<vmem>>, vector<16xf32>,
    }
    %scan3A_66 = arith.constant 16 : i32
    %dma_wait3A = arith.constant 0 : i32
    %dma_wait3A_67 = arith.constant 0 : i32
    %dma_wait3A_68 = arith.constant 0 : i32
    %dma_wait3A_69 = tpu.memref_slice %arg7[%dma_wait3A, %dma_wait3A_67, %dma_wait3A_68] : memref<2x16x125xi32, #tpu.memory_space<vmem>> -> memref<1x16x125xi32, #tpu.memory_space<vmem>>
    %dma_wait3A_70 = tpu.memref_squeeze %dma_wait3A_69 : memref<1x16x125xi32, #tpu.memory_space<vmem>> -> memref<16x125xi32, #tpu.memory_space<vmem>>
    %dma_wait3A_71 = arith.constant 0 : i32
    %dma_wait3A_72 = arith.constant 0 : i32
    %dma_wait3A_73 = tpu.memref_slice %arg2[%add3A, %dma_wait3A_71, %dma_wait3A_72] : memref<32x80x125xi32, #tpu.memory_space<hbm>> -> memref<1x80x125xi32, #tpu.memory_space<hbm>>
    %dma_wait3A_74 = tpu.memref_squeeze %dma_wait3A_73 : memref<1x80x125xi32, #tpu.memory_space<hbm>> -> memref<80x125xi32, #tpu.memory_space<hbm>>
    %dma_wait3A_75 = arith.constant 0 : i32
    %dma_wait3A_76 = arith.constant 0 : i32
    %dma_wait3A_77 = tpu.memref_slice %dma_wait3A_74[%dma_wait3A_75, %dma_wait3A_76] : memref<80x125xi32, #tpu.memory_space<hbm>> -> memref<16x125xi32, #tpu.memory_space<hbm>>
    %dma_wait3A_78 = arith.constant 0 : i32
    %dma_wait3A_79 = arith.constant 0 : i32
    %dma_wait3A_80 = tpu.memref_slice %arg7[%dma_wait3A, %dma_wait3A_78, %dma_wait3A_79] : memref<2x16x125xi32, #tpu.memory_space<vmem>> -> memref<1x16x125xi32, #tpu.memory_space<vmem>>
    %dma_wait3A_81 = tpu.memref_squeeze %dma_wait3A_80 : memref<1x16x125xi32, #tpu.memory_space<vmem>> -> memref<16x125xi32, #tpu.memory_space<vmem>>
    %dma_wait3A_82 = arith.constant 0 : i32
    %dma_wait3A_83 = arith.constant 0 : i32
    %dma_wait3A_84 = tpu.memref_slice %arg2[%add3A, %dma_wait3A_82, %dma_wait3A_83] : memref<32x80x125xi32, #tpu.memory_space<hbm>> -> memref<1x80x125xi32, #tpu.memory_space<hbm>>
    %dma_wait3A_85 = tpu.memref_squeeze %dma_wait3A_84 : memref<1x80x125xi32, #tpu.memory_space<hbm>> -> memref<80x125xi32, #tpu.memory_space<hbm>>
    %dma_wait3A_86 = arith.constant 0 : i32
    %dma_wait3A_87 = arith.constant 0 : i32
    %dma_wait3A_88 = tpu.memref_slice %dma_wait3A_85[%dma_wait3A_86, %dma_wait3A_87] : memref<80x125xi32, #tpu.memory_space<hbm>> -> memref<16x125xi32, #tpu.memory_space<hbm>>
    tpu.wait_dma2 semaphore(%arg18 : memref<!tpu.dma_semaphore, #tpu.memory_space<semaphore_mem>>) src(%dma_wait3A_88 : memref<16x125xi32, #tpu.memory_space<hbm>>) dst(%dma_wait3A_81 : memref<16x125xi32, #tpu.memory_space<vmem>>)
    %dma_wait3A_89 = arith.constant 0 : i32
    %dma_wait3A_90 = arith.constant 0 : i32
    %dma_wait3A_91 = arith.constant 0 : i32
    %dma_wait3A_92 = tpu.memref_slice %arg8[%dma_wait3A_89, %dma_wait3A_90, %dma_wait3A_91] : memref<2x16x125xi32, #tpu.memory_space<vmem>> -> memref<1x16x125xi32, #tpu.memory_space<vmem>>
    %dma_wait3A_93 = tpu.memref_squeeze %dma_wait3A_92 : memref<1x16x125xi32, #tpu.memory_space<vmem>> -> memref<16x125xi32, #tpu.memory_space<vmem>>
    %dma_wait3A_94 = arith.constant 0 : i32
    %dma_wait3A_95 = arith.constant 0 : i32
    %dma_wait3A_96 = tpu.memref_slice %arg3[%add3A, %dma_wait3A_94, %dma_wait3A_95] : memref<32x80x125xi32, #tpu.memory_space<hbm>> -> memref<1x80x125xi32, #tpu.memory_space<hbm>>
    %dma_wait3A_97 = tpu.memref_squeeze %dma_wait3A_96 : memref<1x80x125xi32, #tpu.memory_space<hbm>> -> memref<80x125xi32, #tpu.memory_space<hbm>>
    %dma_wait3A_98 = arith.constant 0 : i32
    %dma_wait3A_99 = arith.constant 0 : i32
    %dma_wait3A_100 = tpu.memref_slice %dma_wait3A_97[%dma_wait3A_98, %dma_wait3A_99] : memref<80x125xi32, #tpu.memory_space<hbm>> -> memref<16x125xi32, #tpu.memory_space<hbm>>
    %dma_wait3A_101 = arith.constant 0 : i32
    %dma_wait3A_102 = arith.constant 0 : i32
    %dma_wait3A_103 = tpu.memref_slice %arg8[%dma_wait3A_89, %dma_wait3A_101, %dma_wait3A_102] : memref<2x16x125xi32, #tpu.memory_space<vmem>> -> memref<1x16x125xi32, #tpu.memory_space<vmem>>
    %dma_wait3A_104 = tpu.memref_squeeze %dma_wait3A_103 : memref<1x16x125xi32, #tpu.memory_space<vmem>> -> memref<16x125xi32, #tpu.memory_space<vmem>>
    %dma_wait3A_105 = arith.constant 0 : i32
    %dma_wait3A_106 = arith.constant 0 : i32
    %dma_wait3A_107 = tpu.memref_slice %arg3[%add3A, %dma_wait3A_105, %dma_wait3A_106] : memref<32x80x125xi32, #tpu.memory_space<hbm>> -> memref<1x80x125xi32, #tpu.memory_space<hbm>>
    %dma_wait3A_108 = tpu.memref_squeeze %dma_wait3A_107 : memref<1x80x125xi32, #tpu.memory_space<hbm>> -> memref<80x125xi32, #tpu.memory_space<hbm>>
    %dma_wait3A_109 = arith.constant 0 : i32
    %dma_wait3A_110 = arith.constant 0 : i32
    %dma_wait3A_111 = tpu.memref_slice %dma_wait3A_108[%dma_wait3A_109, %dma_wait3A_110] : memref<80x125xi32, #tpu.memory_space<hbm>> -> memref<16x125xi32, #tpu.memory_space<hbm>>
    tpu.wait_dma2 semaphore(%arg18 : memref<!tpu.dma_semaphore, #tpu.memory_space<semaphore_mem>>) src(%dma_wait3A_111 : memref<16x125xi32, #tpu.memory_space<hbm>>) dst(%dma_wait3A_104 : memref<16x125xi32, #tpu.memory_space<vmem>>)
    %mul3A_112 = arith.constant 5 : i32
    %mul3A_113 = arith.muli %add3A, %mul3A_112 : i32
    %dma_wait3A_114 = arith.constant 0 : i32
    %dma_wait3A_115 = arith.constant 0 : i32
    %dma_wait3A_116 = tpu.memref_slice %arg9[%dma_wait3A_114, %dma_wait3A_115] : memref<2x2000xf32, #tpu.memory_space<vmem>> -> memref<1x2000xf32, #tpu.memory_space<vmem>>
    %dma_wait3A_117 = tpu.memref_squeeze %dma_wait3A_116 : memref<1x2000xf32, #tpu.memory_space<vmem>> -> memref<2000xf32, #tpu.memory_space<vmem>>
    %dma_wait3A_118 = arith.constant 0 : i32
    %dma_wait3A_119 = tpu.memref_slice %arg4[%mul3A_113, %dma_wait3A_118] : memref<160x2000xf32, #tpu.memory_space<hbm>> -> memref<1x2000xf32, #tpu.memory_space<hbm>>
    %dma_wait3A_120 = tpu.memref_squeeze %dma_wait3A_119 : memref<1x2000xf32, #tpu.memory_space<hbm>> -> memref<2000xf32, #tpu.memory_space<hbm>>
    %dma_wait3A_121 = arith.constant 0 : i32
    %dma_wait3A_122 = tpu.memref_slice %arg9[%dma_wait3A_114, %dma_wait3A_121] : memref<2x2000xf32, #tpu.memory_space<vmem>> -> memref<1x2000xf32, #tpu.memory_space<vmem>>
    %dma_wait3A_123 = tpu.memref_squeeze %dma_wait3A_122 : memref<1x2000xf32, #tpu.memory_space<vmem>> -> memref<2000xf32, #tpu.memory_space<vmem>>
    %dma_wait3A_124 = arith.constant 0 : i32
    %dma_wait3A_125 = tpu.memref_slice %arg4[%mul3A_113, %dma_wait3A_124] : memref<160x2000xf32, #tpu.memory_space<hbm>> -> memref<1x2000xf32, #tpu.memory_space<hbm>>
    %dma_wait3A_126 = tpu.memref_squeeze %dma_wait3A_125 : memref<1x2000xf32, #tpu.memory_space<hbm>> -> memref<2000xf32, #tpu.memory_space<hbm>>
    tpu.wait_dma2 semaphore(%arg18 : memref<!tpu.dma_semaphore, #tpu.memory_space<semaphore_mem>>) src(%dma_wait3A_126 : memref<2000xf32, #tpu.memory_space<hbm>>) dst(%dma_wait3A_123 : memref<2000xf32, #tpu.memory_space<vmem>>)
    %dma_start3A_127 = arith.constant 0 : i32
    %dma_start3A_128 = arith.constant 0 : i32
    %dma_start3A_129 = arith.constant 0 : i32
    %dma_start3A_130 = tpu.memref_slice %arg7[%dma_start3A_127, %dma_start3A_128, %dma_start3A_129] : memref<2x16x125xi32, #tpu.memory_space<vmem>> -> memref<1x1x125xi32, #tpu.memory_space<vmem>>
    %dma_start3A_131 = tpu.memref_squeeze %dma_start3A_130 : memref<1x1x125xi32, #tpu.memory_space<vmem>> -> memref<125xi32, #tpu.memory_space<vmem>>
    %dma_start3A_132 = arith.constant 0 : i32
    %dma_start3A_133 = arith.constant 0 : i32
    %dma_start3A_134 = tpu.memref_slice %arg5[%dma_start3A_132, %dma_start3A_133] : memref<10240x128xf32, #tpu.memory_space<hbm>> -> memref<10240x128xf32, #tpu.memory_space<hbm>>
    tpu.enqueue_indirect_dma source(%dma_start3A_134 : memref<10240x128xf32, #tpu.memory_space<hbm>>) target(%arg10 : memref<125x128xf32, #tpu.memory_space<vmem>>) offsets(%dma_start3A_131 : memref<125xi32, #tpu.memory_space<vmem>>) semaphore(%arg14 : memref<!tpu.dma_semaphore, #tpu.memory_space<semaphore_mem>>)
    %scan3A_135 = arith.constant 0 : i32
    %scan3A_136 = arith.constant 40 : i32
    %scan3A_137 = arith.addi %scan3A_135, %scan3A_136 : i32
    %scan3A_138 = arith.constant 1 : i32
    scf.for %scan3A_158 = %scan3A_135 to %scan3A_137 step %scan3A_138  : i32 {
      %mul3A_159 = arith.constant 640 : i32
      %mul3A_160 = arith.muli %arg1, %mul3A_159 : i32
      %mul3A_161 = arith.constant 16 : i32
      %mul3A_162 = arith.muli %scan3A_158, %mul3A_161 : i32
      %add3A_163 = arith.addi %mul3A_160, %mul3A_162 : i32
      "tpu.region"() ({
        %run_scoped3A = tpu.sem_alloc : memref<!tpu.dma_semaphore, #tpu.memory_space<semaphore_mem>>
        %dma_start3A_164 = arith.constant 0 : i32
        %dma_start3A_165 = tpu.memref_slice %arg13[%add3A_163, %dma_start3A_164] : memref<10240x128xf32, #tpu.memory_space<vmem_shared>> -> memref<16x128xf32, #tpu.memory_space<vmem_shared>>
        %dma_start3A_166 = arith.constant 0 : i32
        %dma_start3A_167 = tpu.memref_slice %arg13[%add3A_163, %dma_start3A_166] : memref<10240x128xf32, #tpu.memory_space<vmem_shared>> -> memref<16x128xf32, #tpu.memory_space<vmem_shared>>
        tpu.enqueue_dma source(%arg12 : memref<16x128xf32, #tpu.memory_space<vmem>>) target(%dma_start3A_167 : memref<16x128xf32, #tpu.memory_space<vmem_shared>>) target_semaphore(%run_scoped3A : memref<!tpu.dma_semaphore, #tpu.memory_space<semaphore_mem>>)
        %dma_wait3A_168 = arith.constant 0 : i32
        %dma_wait3A_169 = tpu.memref_slice %arg13[%add3A_163, %dma_wait3A_168] : memref<10240x128xf32, #tpu.memory_space<vmem_shared>> -> memref<16x128xf32, #tpu.memory_space<vmem_shared>>
        %dma_wait3A_170 = arith.constant 0 : i32
        %dma_wait3A_171 = tpu.memref_slice %arg13[%add3A_163, %dma_wait3A_170] : memref<10240x128xf32, #tpu.memory_space<vmem_shared>> -> memref<16x128xf32, #tpu.memory_space<vmem_shared>>
        tpu.wait_dma2 semaphore(%run_scoped3A : memref<!tpu.dma_semaphore, #tpu.memory_space<semaphore_mem>>) src(%arg12 : memref<16x128xf32, #tpu.memory_space<vmem>>) dst(%dma_wait3A_171 : memref<16x128xf32, #tpu.memory_space<vmem_shared>>)
        tpu.yield
      }) : () -> ()
    }
    %scan3A_139 = arith.constant 40 : i32
    %barrier3A = arith.constant 0 : index
    tpu.barrier barrier_id(%barrier3A)
    %scan3A_140 = arith.constant 0 : i32
    %scan3A_141 = arith.constant 40 : i32
    %scan3A_142 = arith.addi %scan3A_140, %scan3A_141 : i32
    %scan3A_143 = arith.constant 1 : i32
    scf.for %scan3A_158 = %scan3A_140 to %scan3A_142 step %scan3A_143  : i32 {
      %mul3A_159 = arith.constant 2 : i32
      %mul3A_160 = arith.muli %mul3A_159, %scan3A_158 : i32
      %add3A_161 = arith.constant 0 : i32
      %add3A_162 = arith.addi %mul3A_160, %add3A_161 : i32
      %jit3A = arith.constant 16 : i32
      %div3A = arith.divsi %add3A_162, %jit3A : i32
      %sign3A = arith.constant 0 : i32
      %sign3A_163 = arith.cmpi sgt, %add3A_162, %sign3A : i32
      %sign3A_164 = arith.extui %sign3A_163 : i1 to i32
      %sign3A_165 = arith.constant 0 : i32
      %sign3A_166 = arith.cmpi slt, %add3A_162, %sign3A_165 : i32
      %sign3A_167 = arith.extui %sign3A_166 : i1 to i32
      %sign3A_168 = arith.subi %sign3A_164, %sign3A_167 : i32
      %sign3A_169 = arith.constant 0 : i32
      %sign3A_170 = arith.cmpi sgt, %jit3A, %sign3A_169 : i32
      %sign3A_171 = arith.extui %sign3A_170 : i1 to i32
      %sign3A_172 = arith.constant 0 : i32
      %sign3A_173 = arith.cmpi slt, %jit3A, %sign3A_172 : i32
      %sign3A_174 = arith.extui %sign3A_173 : i1 to i32
      %sign3A_175 = arith.subi %sign3A_171, %sign3A_174 : i32
      %ne3A = arith.cmpi ne, %sign3A_168, %sign3A_175 : i32
      %rem3A = arith.remsi %add3A_162, %jit3A : i32
      %ne3A_176 = arith.constant 0 : i32
      %ne3A_177 = arith.cmpi ne, %rem3A, %ne3A_176 : i32
      %and3A = arith.andi %ne3A, %ne3A_177 : i1
      %sub3A = arith.constant 1 : i32
      %sub3A_178 = arith.subi %div3A, %sub3A : i32
      %select_n3A = arith.select %and3A, %sub3A_178, %div3A : i32
      %jit3A_179 = arith.constant 2 : i32
      %eq3A = arith.constant 0 : i32
      %eq3A_180 = arith.cmpi eq, %jit3A_179, %eq3A : i32
      %jit3A_181 = arith.constant 1 : i32
      %select_n3A_182 = arith.select %eq3A_180, %jit3A_181, %jit3A_179 : i32
      %rem3A_183 = arith.remsi %select_n3A, %select_n3A_182 : i32
      %ne3A_184 = arith.constant 0 : i32
      %ne3A_185 = arith.cmpi ne, %rem3A_183, %ne3A_184 : i32
      %lt3A = arith.constant 0 : i32
      %lt3A_186 = arith.cmpi slt, %rem3A_183, %lt3A : i32
      %lt3A_187 = arith.constant 0 : i32
      %lt3A_188 = arith.cmpi slt, %select_n3A_182, %lt3A_187 : i32
      %ne3A_189 = arith.xori %lt3A_186, %lt3A_188 : i1
      %and3A_190 = arith.andi %ne3A_189, %ne3A_185 : i1
      %add3A_191 = arith.addi %rem3A_183, %select_n3A_182 : i32
      %select_n3A_192 = arith.select %and3A_190, %add3A_191, %rem3A_183 : i32
      %jit3A_193 = arith.constant 16 : i32
      %eq3A_194 = arith.constant 0 : i32
      %eq3A_195 = arith.cmpi eq, %jit3A_193, %eq3A_194 : i32
      %jit3A_196 = arith.constant 1 : i32
      %select_n3A_197 = arith.select %eq3A_195, %jit3A_196, %jit3A_193 : i32
      %rem3A_198 = arith.remsi %add3A_162, %select_n3A_197 : i32
      %ne3A_199 = arith.constant 0 : i32
      %ne3A_200 = arith.cmpi ne, %rem3A_198, %ne3A_199 : i32
      %lt3A_201 = arith.constant 0 : i32
      %lt3A_202 = arith.cmpi slt, %rem3A_198, %lt3A_201 : i32
      %lt3A_203 = arith.constant 0 : i32
      %lt3A_204 = arith.cmpi slt, %select_n3A_197, %lt3A_203 : i32
      %ne3A_205 = arith.xori %lt3A_202, %lt3A_204 : i1
      %and3A_206 = arith.andi %ne3A_205, %ne3A_200 : i1
      %add3A_207 = arith.addi %rem3A_198, %select_n3A_197 : i32
      %select_n3A_208 = arith.select %and3A_206, %add3A_207, %rem3A_198 : i32
      %ge3A = arith.constant 1 : i32
      %ge3A_209 = arith.cmpi sge, %add3A_162, %ge3A : i32
      %convert_element_type3A = arith.extui %ge3A_209 : i1 to i32
      %cond3A = arith.constant 0 : i32
      %cond3A_210 = arith.cmpi ne, %convert_element_type3A, %cond3A : i32
      scf.if %cond3A_210 {
        %dma_wait3A_363 = arith.constant 0 : i32
        %dma_wait3A_364 = tpu.memref_slice %arg8[%select_n3A_192, %select_n3A_208, %dma_wait3A_363] : memref<2x16x125xi32, #tpu.memory_space<vmem>> -> memref<1x1x125xi32, #tpu.memory_space<vmem>>
        %dma_wait3A_365 = tpu.memref_squeeze %dma_wait3A_364 : memref<1x1x125xi32, #tpu.memory_space<vmem>> -> memref<125xi32, #tpu.memory_space<vmem>>
        %dma_wait3A_366 = arith.constant 0 : i32
        %dma_wait3A_367 = arith.constant 0 : i32
        %dma_wait3A_368 = tpu.memref_slice %arg13[%dma_wait3A_366, %dma_wait3A_367] : memref<10240x128xf32, #tpu.memory_space<vmem_shared>> -> memref<10240x128xf32, #tpu.memory_space<vmem_shared>>
        tpu.wait_indirect_dma semaphore(%arg17 : memref<!tpu.dma_semaphore, #tpu.memory_space<semaphore_mem>>) src(%arg11 : memref<125x128xf32, #tpu.memory_space<vmem>>) dst(%dma_wait3A_368 : memref<10240x128xf32, #tpu.memory_space<vmem_shared>>)
      } else {
      }
      %eq3A_211 = arith.constant 0 : i32
      %eq3A_212 = arith.cmpi eq, %select_n3A_208, %eq3A_211 : i32
      %add3A_213 = arith.constant 16 : i32
      %add3A_214 = arith.addi %add3A_162, %add3A_213 : i32
      %lt3A_215 = arith.constant 80 : i32
      %lt3A_216 = arith.cmpi slt, %add3A_214, %lt3A_215 : i32
      %and3A_217 = arith.andi %eq3A_212, %lt3A_216 : i1
      %convert_element_type3A_218 = arith.extui %and3A_217 : i1 to i32
      %cond3A_219 = arith.constant 0 : i32
      %cond3A_220 = arith.cmpi ne, %convert_element_type3A_218, %cond3A_219 : i32
      scf.if %cond3A_220 {
        %jit3A_363 = arith.constant 16 : i32
        %div3A_364 = arith.divsi %add3A_162, %jit3A_363 : i32
        %sign3A_365 = arith.constant 0 : i32
        %sign3A_366 = arith.cmpi sgt, %add3A_162, %sign3A_365 : i32
        %sign3A_367 = arith.extui %sign3A_366 : i1 to i32
        %sign3A_368 = arith.constant 0 : i32
        %sign3A_369 = arith.cmpi slt, %add3A_162, %sign3A_368 : i32
        %sign3A_370 = arith.extui %sign3A_369 : i1 to i32
        %sign3A_371 = arith.subi %sign3A_367, %sign3A_370 : i32
        %sign3A_372 = arith.constant 0 : i32
        %sign3A_373 = arith.cmpi sgt, %jit3A_363, %sign3A_372 : i32
        %sign3A_374 = arith.extui %sign3A_373 : i1 to i32
        %sign3A_375 = arith.constant 0 : i32
        %sign3A_376 = arith.cmpi slt, %jit3A_363, %sign3A_375 : i32
        %sign3A_377 = arith.extui %sign3A_376 : i1 to i32
        %sign3A_378 = arith.subi %sign3A_374, %sign3A_377 : i32
        %ne3A_379 = arith.cmpi ne, %sign3A_371, %sign3A_378 : i32
        %rem3A_380 = arith.remsi %add3A_162, %jit3A_363 : i32
        %ne3A_381 = arith.constant 0 : i32
        %ne3A_382 = arith.cmpi ne, %rem3A_380, %ne3A_381 : i32
        %and3A_383 = arith.andi %ne3A_379, %ne3A_382 : i1
        %sub3A_384 = arith.constant 1 : i32
        %sub3A_385 = arith.subi %div3A_364, %sub3A_384 : i32
        %select_n3A_386 = arith.select %and3A_383, %sub3A_385, %div3A_364 : i32
        %add3A_387 = arith.constant 1 : i32
        %add3A_388 = arith.addi %select_n3A_386, %add3A_387 : i32
        %sub3A_389 = arith.constant 1 : i32
        %sub3A_390 = arith.subi %sub3A_389, %select_n3A_192 : i32
        %mul3A_391 = arith.constant 16 : i32
        %mul3A_392 = arith.muli %add3A_388, %mul3A_391 : i32
        %dma_start3A_393 = arith.constant 0 : i32
        %dma_start3A_394 = arith.constant 0 : i32
        %dma_start3A_395 = tpu.memref_slice %arg7[%sub3A_390, %dma_start3A_393, %dma_start3A_394] : memref<2x16x125xi32, #tpu.memory_space<vmem>> -> memref<1x16x125xi32, #tpu.memory_space<vmem>>
        %dma_start3A_396 = tpu.memref_squeeze %dma_start3A_395 : memref<1x16x125xi32, #tpu.memory_space<vmem>> -> memref<16x125xi32, #tpu.memory_space<vmem>>
        %dma_start3A_397 = arith.constant 0 : i32
        %dma_start3A_398 = arith.constant 0 : i32
        %dma_start3A_399 = tpu.memref_slice %arg2[%add3A, %dma_start3A_397, %dma_start3A_398] : memref<32x80x125xi32, #tpu.memory_space<hbm>> -> memref<1x80x125xi32, #tpu.memory_space<hbm>>
        %dma_start3A_400 = tpu.memref_squeeze %dma_start3A_399 : memref<1x80x125xi32, #tpu.memory_space<hbm>> -> memref<80x125xi32, #tpu.memory_space<hbm>>
        %dma_start3A_401 = arith.constant 0 : i32
        %dma_start3A_402 = tpu.memref_slice %dma_start3A_400[%mul3A_392, %dma_start3A_401] : memref<80x125xi32, #tpu.memory_space<hbm>> -> memref<16x125xi32, #tpu.memory_space<hbm>>
        %dma_start3A_403 = arith.constant 0 : i32
        %dma_start3A_404 = arith.constant 0 : i32
        %dma_start3A_405 = tpu.memref_slice %arg7[%sub3A_390, %dma_start3A_403, %dma_start3A_404] : memref<2x16x125xi32, #tpu.memory_space<vmem>> -> memref<1x16x125xi32, #tpu.memory_space<vmem>>
        %dma_start3A_406 = tpu.memref_squeeze %dma_start3A_405 : memref<1x16x125xi32, #tpu.memory_space<vmem>> -> memref<16x125xi32, #tpu.memory_space<vmem>>
        %dma_start3A_407 = arith.constant 0 : i32
        %dma_start3A_408 = arith.constant 0 : i32
        %dma_start3A_409 = tpu.memref_slice %arg2[%add3A, %dma_start3A_407, %dma_start3A_408] : memref<32x80x125xi32, #tpu.memory_space<hbm>> -> memref<1x80x125xi32, #tpu.memory_space<hbm>>
        %dma_start3A_410 = tpu.memref_squeeze %dma_start3A_409 : memref<1x80x125xi32, #tpu.memory_space<hbm>> -> memref<80x125xi32, #tpu.memory_space<hbm>>
        %dma_start3A_411 = arith.constant 0 : i32
        %dma_start3A_412 = tpu.memref_slice %dma_start3A_410[%mul3A_392, %dma_start3A_411] : memref<80x125xi32, #tpu.memory_space<hbm>> -> memref<16x125xi32, #tpu.memory_space<hbm>>
        tpu.enqueue_dma source(%dma_start3A_412 : memref<16x125xi32, #tpu.memory_space<hbm>>) target(%dma_start3A_406 : memref<16x125xi32, #tpu.memory_space<vmem>>) target_semaphore(%arg18 : memref<!tpu.dma_semaphore, #tpu.memory_space<semaphore_mem>>)
        %mul3A_413 = arith.constant 16 : i32
        %mul3A_414 = arith.muli %add3A_388, %mul3A_413 : i32
        %dma_start3A_415 = arith.constant 0 : i32
        %dma_start3A_416 = arith.constant 0 : i32
        %dma_start3A_417 = tpu.memref_slice %arg8[%sub3A_390, %dma_start3A_415, %dma_start3A_416] : memref<2x16x125xi32, #tpu.memory_space<vmem>> -> memref<1x16x125xi32, #tpu.memory_space<vmem>>
        %dma_start3A_418 = tpu.memref_squeeze %dma_start3A_417 : memref<1x16x125xi32, #tpu.memory_space<vmem>> -> memref<16x125xi32, #tpu.memory_space<vmem>>
        %dma_start3A_419 = arith.constant 0 : i32
        %dma_start3A_420 = arith.constant 0 : i32
        %dma_start3A_421 = tpu.memref_slice %arg3[%add3A, %dma_start3A_419, %dma_start3A_420] : memref<32x80x125xi32, #tpu.memory_space<hbm>> -> memref<1x80x125xi32, #tpu.memory_space<hbm>>
        %dma_start3A_422 = tpu.memref_squeeze %dma_start3A_421 : memref<1x80x125xi32, #tpu.memory_space<hbm>> -> memref<80x125xi32, #tpu.memory_space<hbm>>
        %dma_start3A_423 = arith.constant 0 : i32
        %dma_start3A_424 = tpu.memref_slice %dma_start3A_422[%mul3A_414, %dma_start3A_423] : memref<80x125xi32, #tpu.memory_space<hbm>> -> memref<16x125xi32, #tpu.memory_space<hbm>>
        %dma_start3A_425 = arith.constant 0 : i32
        %dma_start3A_426 = arith.constant 0 : i32
        %dma_start3A_427 = tpu.memref_slice %arg8[%sub3A_390, %dma_start3A_425, %dma_start3A_426] : memref<2x16x125xi32, #tpu.memory_space<vmem>> -> memref<1x16x125xi32, #tpu.memory_space<vmem>>
        %dma_start3A_428 = tpu.memref_squeeze %dma_start3A_427 : memref<1x16x125xi32, #tpu.memory_space<vmem>> -> memref<16x125xi32, #tpu.memory_space<vmem>>
        %dma_start3A_429 = arith.constant 0 : i32
        %dma_start3A_430 = arith.constant 0 : i32
        %dma_start3A_431 = tpu.memref_slice %arg3[%add3A, %dma_start3A_429, %dma_start3A_430] : memref<32x80x125xi32, #tpu.memory_space<hbm>> -> memref<1x80x125xi32, #tpu.memory_space<hbm>>
        %dma_start3A_432 = tpu.memref_squeeze %dma_start3A_431 : memref<1x80x125xi32, #tpu.memory_space<hbm>> -> memref<80x125xi32, #tpu.memory_space<hbm>>
        %dma_start3A_433 = arith.constant 0 : i32
        %dma_start3A_434 = tpu.memref_slice %dma_start3A_432[%mul3A_414, %dma_start3A_433] : memref<80x125xi32, #tpu.memory_space<hbm>> -> memref<16x125xi32, #tpu.memory_space<hbm>>
        tpu.enqueue_dma source(%dma_start3A_434 : memref<16x125xi32, #tpu.memory_space<hbm>>) target(%dma_start3A_428 : memref<16x125xi32, #tpu.memory_space<vmem>>) target_semaphore(%arg18 : memref<!tpu.dma_semaphore, #tpu.memory_space<semaphore_mem>>)
        %mul3A_435 = arith.constant 5 : i32
        %mul3A_436 = arith.muli %add3A, %mul3A_435 : i32
        %add3A_437 = arith.addi %mul3A_436, %add3A_388 : i32
        %dma_start3A_438 = arith.constant 0 : i32
        %dma_start3A_439 = tpu.memref_slice %arg9[%sub3A_390, %dma_start3A_438] : memref<2x2000xf32, #tpu.memory_space<vmem>> -> memref<1x2000xf32, #tpu.memory_space<vmem>>
        %dma_start3A_440 = tpu.memref_squeeze %dma_start3A_439 : memref<1x2000xf32, #tpu.memory_space<vmem>> -> memref<2000xf32, #tpu.memory_space<vmem>>
        %dma_start3A_441 = arith.constant 0 : i32
        %dma_start3A_442 = tpu.memref_slice %arg4[%add3A_437, %dma_start3A_441] : memref<160x2000xf32, #tpu.memory_space<hbm>> -> memref<1x2000xf32, #tpu.memory_space<hbm>>
        %dma_start3A_443 = tpu.memref_squeeze %dma_start3A_442 : memref<1x2000xf32, #tpu.memory_space<hbm>> -> memref<2000xf32, #tpu.memory_space<hbm>>
        %dma_start3A_444 = arith.constant 0 : i32
        %dma_start3A_445 = tpu.memref_slice %arg9[%sub3A_390, %dma_start3A_444] : memref<2x2000xf32, #tpu.memory_space<vmem>> -> memref<1x2000xf32, #tpu.memory_space<vmem>>
        %dma_start3A_446 = tpu.memref_squeeze %dma_start3A_445 : memref<1x2000xf32, #tpu.memory_space<vmem>> -> memref<2000xf32, #tpu.memory_space<vmem>>
        %dma_start3A_447 = arith.constant 0 : i32
        %dma_start3A_448 = tpu.memref_slice %arg4[%add3A_437, %dma_start3A_447] : memref<160x2000xf32, #tpu.memory_space<hbm>> -> memref<1x2000xf32, #tpu.memory_space<hbm>>
        %dma_start3A_449 = tpu.memref_squeeze %dma_start3A_448 : memref<1x2000xf32, #tpu.memory_space<hbm>> -> memref<2000xf32, #tpu.memory_space<hbm>>
        tpu.enqueue_dma source(%dma_start3A_449 : memref<2000xf32, #tpu.memory_space<hbm>>) target(%dma_start3A_446 : memref<2000xf32, #tpu.memory_space<vmem>>) target_semaphore(%arg18 : memref<!tpu.dma_semaphore, #tpu.memory_space<semaphore_mem>>)
      } else {
      }
      %eq3A_221 = arith.constant 15 : i32
      %eq3A_222 = arith.cmpi eq, %select_n3A_208, %eq3A_221 : i32
      %add3A_223 = arith.constant 1 : i32
      %add3A_224 = arith.addi %add3A_162, %add3A_223 : i32
      %lt3A_225 = arith.constant 80 : i32
      %lt3A_226 = arith.cmpi slt, %add3A_224, %lt3A_225 : i32
      %and3A_227 = arith.andi %eq3A_222, %lt3A_226 : i1
      %convert_element_type3A_228 = arith.extui %and3A_227 : i1 to i32
      %cond3A_229 = arith.constant 0 : i32
      %cond3A_230 = arith.cmpi ne, %convert_element_type3A_228, %cond3A_229 : i32
      scf.if %cond3A_230 {
        %sub3A_363 = arith.constant 1 : i32
        %sub3A_364 = arith.subi %sub3A_363, %select_n3A_192 : i32
        %dma_wait3A_365 = arith.constant 0 : i32
        %dma_wait3A_366 = arith.constant 0 : i32
        %dma_wait3A_367 = tpu.memref_slice %arg7[%sub3A_364, %dma_wait3A_365, %dma_wait3A_366] : memref<2x16x125xi32, #tpu.memory_space<vmem>> -> memref<1x16x125xi32, #tpu.memory_space<vmem>>
        %dma_wait3A_368 = tpu.memref_squeeze %dma_wait3A_367 : memref<1x16x125xi32, #tpu.memory_space<vmem>> -> memref<16x125xi32, #tpu.memory_space<vmem>>
        %dma_wait3A_369 = arith.constant 0 : i32
        %dma_wait3A_370 = arith.constant 0 : i32
        %dma_wait3A_371 = tpu.memref_slice %arg2[%add3A, %dma_wait3A_369, %dma_wait3A_370] : memref<32x80x125xi32, #tpu.memory_space<hbm>> -> memref<1x80x125xi32, #tpu.memory_space<hbm>>
        %dma_wait3A_372 = tpu.memref_squeeze %dma_wait3A_371 : memref<1x80x125xi32, #tpu.memory_space<hbm>> -> memref<80x125xi32, #tpu.memory_space<hbm>>
        %dma_wait3A_373 = arith.constant 0 : i32
        %dma_wait3A_374 = arith.constant 0 : i32
        %dma_wait3A_375 = tpu.memref_slice %dma_wait3A_372[%dma_wait3A_373, %dma_wait3A_374] : memref<80x125xi32, #tpu.memory_space<hbm>> -> memref<16x125xi32, #tpu.memory_space<hbm>>
        %dma_wait3A_376 = arith.constant 0 : i32
        %dma_wait3A_377 = arith.constant 0 : i32
        %dma_wait3A_378 = tpu.memref_slice %arg7[%sub3A_364, %dma_wait3A_376, %dma_wait3A_377] : memref<2x16x125xi32, #tpu.memory_space<vmem>> -> memref<1x16x125xi32, #tpu.memory_space<vmem>>
        %dma_wait3A_379 = tpu.memref_squeeze %dma_wait3A_378 : memref<1x16x125xi32, #tpu.memory_space<vmem>> -> memref<16x125xi32, #tpu.memory_space<vmem>>
        %dma_wait3A_380 = arith.constant 0 : i32
        %dma_wait3A_381 = arith.constant 0 : i32
        %dma_wait3A_382 = tpu.memref_slice %arg2[%add3A, %dma_wait3A_380, %dma_wait3A_381] : memref<32x80x125xi32, #tpu.memory_space<hbm>> -> memref<1x80x125xi32, #tpu.memory_space<hbm>>
        %dma_wait3A_383 = tpu.memref_squeeze %dma_wait3A_382 : memref<1x80x125xi32, #tpu.memory_space<hbm>> -> memref<80x125xi32, #tpu.memory_space<hbm>>
        %dma_wait3A_384 = arith.constant 0 : i32
        %dma_wait3A_385 = arith.constant 0 : i32
        %dma_wait3A_386 = tpu.memref_slice %dma_wait3A_383[%dma_wait3A_384, %dma_wait3A_385] : memref<80x125xi32, #tpu.memory_space<hbm>> -> memref<16x125xi32, #tpu.memory_space<hbm>>
        tpu.wait_dma2 semaphore(%arg18 : memref<!tpu.dma_semaphore, #tpu.memory_space<semaphore_mem>>) src(%dma_wait3A_386 : memref<16x125xi32, #tpu.memory_space<hbm>>) dst(%dma_wait3A_379 : memref<16x125xi32, #tpu.memory_space<vmem>>)
        %dma_wait3A_387 = arith.constant 0 : i32
        %dma_wait3A_388 = arith.constant 0 : i32
        %dma_wait3A_389 = tpu.memref_slice %arg8[%sub3A_364, %dma_wait3A_387, %dma_wait3A_388] : memref<2x16x125xi32, #tpu.memory_space<vmem>> -> memref<1x16x125xi32, #tpu.memory_space<vmem>>
        %dma_wait3A_390 = tpu.memref_squeeze %dma_wait3A_389 : memref<1x16x125xi32, #tpu.memory_space<vmem>> -> memref<16x125xi32, #tpu.memory_space<vmem>>
        %dma_wait3A_391 = arith.constant 0 : i32
        %dma_wait3A_392 = arith.constant 0 : i32
        %dma_wait3A_393 = tpu.memref_slice %arg3[%add3A, %dma_wait3A_391, %dma_wait3A_392] : memref<32x80x125xi32, #tpu.memory_space<hbm>> -> memref<1x80x125xi32, #tpu.memory_space<hbm>>
        %dma_wait3A_394 = tpu.memref_squeeze %dma_wait3A_393 : memref<1x80x125xi32, #tpu.memory_space<hbm>> -> memref<80x125xi32, #tpu.memory_space<hbm>>
        %dma_wait3A_395 = arith.constant 0 : i32
        %dma_wait3A_396 = arith.constant 0 : i32
        %dma_wait3A_397 = tpu.memref_slice %dma_wait3A_394[%dma_wait3A_395, %dma_wait3A_396] : memref<80x125xi32, #tpu.memory_space<hbm>> -> memref<16x125xi32, #tpu.memory_space<hbm>>
        %dma_wait3A_398 = arith.constant 0 : i32
        %dma_wait3A_399 = arith.constant 0 : i32
        %dma_wait3A_400 = tpu.memref_slice %arg8[%sub3A_364, %dma_wait3A_398, %dma_wait3A_399] : memref<2x16x125xi32, #tpu.memory_space<vmem>> -> memref<1x16x125xi32, #tpu.memory_space<vmem>>
        %dma_wait3A_401 = tpu.memref_squeeze %dma_wait3A_400 : memref<1x16x125xi32, #tpu.memory_space<vmem>> -> memref<16x125xi32, #tpu.memory_space<vmem>>
        %dma_wait3A_402 = arith.constant 0 : i32
        %dma_wait3A_403 = arith.constant 0 : i32
        %dma_wait3A_404 = tpu.memref_slice %arg3[%add3A, %dma_wait3A_402, %dma_wait3A_403] : memref<32x80x125xi32, #tpu.memory_space<hbm>> -> memref<1x80x125xi32, #tpu.memory_space<hbm>>
        %dma_wait3A_405 = tpu.memref_squeeze %dma_wait3A_404 : memref<1x80x125xi32, #tpu.memory_space<hbm>> -> memref<80x125xi32, #tpu.memory_space<hbm>>
        %dma_wait3A_406 = arith.constant 0 : i32
        %dma_wait3A_407 = arith.constant 0 : i32
        %dma_wait3A_408 = tpu.memref_slice %dma_wait3A_405[%dma_wait3A_406, %dma_wait3A_407] : memref<80x125xi32, #tpu.memory_space<hbm>> -> memref<16x125xi32, #tpu.memory_space<hbm>>
        tpu.wait_dma2 semaphore(%arg18 : memref<!tpu.dma_semaphore, #tpu.memory_space<semaphore_mem>>) src(%dma_wait3A_408 : memref<16x125xi32, #tpu.memory_space<hbm>>) dst(%dma_wait3A_401 : memref<16x125xi32, #tpu.memory_space<vmem>>)
        %mul3A_409 = arith.constant 5 : i32
        %mul3A_410 = arith.muli %add3A, %mul3A_409 : i32
        %dma_wait3A_411 = arith.constant 0 : i32
        %dma_wait3A_412 = tpu.memref_slice %arg9[%sub3A_364, %dma_wait3A_411] : memref<2x2000xf32, #tpu.memory_space<vmem>> -> memref<1x2000xf32, #tpu.memory_space<vmem>>
        %dma_wait3A_413 = tpu.memref_squeeze %dma_wait3A_412 : memref<1x2000xf32, #tpu.memory_space<vmem>> -> memref<2000xf32, #tpu.memory_space<vmem>>
        %dma_wait3A_414 = arith.constant 0 : i32
        %dma_wait3A_415 = tpu.memref_slice %arg4[%mul3A_410, %dma_wait3A_414] : memref<160x2000xf32, #tpu.memory_space<hbm>> -> memref<1x2000xf32, #tpu.memory_space<hbm>>
        %dma_wait3A_416 = tpu.memref_squeeze %dma_wait3A_415 : memref<1x2000xf32, #tpu.memory_space<hbm>> -> memref<2000xf32, #tpu.memory_space<hbm>>
        %dma_wait3A_417 = arith.constant 0 : i32
        %dma_wait3A_418 = tpu.memref_slice %arg9[%sub3A_364, %dma_wait3A_417] : memref<2x2000xf32, #tpu.memory_space<vmem>> -> memref<1x2000xf32, #tpu.memory_space<vmem>>
        %dma_wait3A_419 = tpu.memref_squeeze %dma_wait3A_418 : memref<1x2000xf32, #tpu.memory_space<vmem>> -> memref<2000xf32, #tpu.memory_space<vmem>>
        %dma_wait3A_420 = arith.constant 0 : i32
        %dma_wait3A_421 = tpu.memref_slice %arg4[%mul3A_410, %dma_wait3A_420] : memref<160x2000xf32, #tpu.memory_space<hbm>> -> memref<1x2000xf32, #tpu.memory_space<hbm>>
        %dma_wait3A_422 = tpu.memref_squeeze %dma_wait3A_421 : memref<1x2000xf32, #tpu.memory_space<hbm>> -> memref<2000xf32, #tpu.memory_space<hbm>>
        tpu.wait_dma2 semaphore(%arg18 : memref<!tpu.dma_semaphore, #tpu.memory_space<semaphore_mem>>) src(%dma_wait3A_422 : memref<2000xf32, #tpu.memory_space<hbm>>) dst(%dma_wait3A_419 : memref<2000xf32, #tpu.memory_space<vmem>>)
      } else {
      }
      %add3A_231 = arith.constant 1 : i32
      %add3A_232 = arith.addi %add3A_162, %add3A_231 : i32
      %lt3A_233 = arith.constant 80 : i32
      %lt3A_234 = arith.cmpi slt, %add3A_232, %lt3A_233 : i32
      %convert_element_type3A_235 = arith.extui %lt3A_234 : i1 to i32
      %cond3A_236 = arith.constant 0 : i32
      %cond3A_237 = arith.cmpi ne, %convert_element_type3A_235, %cond3A_236 : i32
      scf.if %cond3A_237 {
        %add3A_363 = arith.constant 1 : i32
        %add3A_364 = arith.addi %add3A_162, %add3A_363 : i32
        %jit3A_365 = arith.constant 16 : i32
        %div3A_366 = arith.divsi %add3A_364, %jit3A_365 : i32
        %sign3A_367 = arith.constant 0 : i32
        %sign3A_368 = arith.cmpi sgt, %add3A_364, %sign3A_367 : i32
        %sign3A_369 = arith.extui %sign3A_368 : i1 to i32
        %sign3A_370 = arith.constant 0 : i32
        %sign3A_371 = arith.cmpi slt, %add3A_364, %sign3A_370 : i32
        %sign3A_372 = arith.extui %sign3A_371 : i1 to i32
        %sign3A_373 = arith.subi %sign3A_369, %sign3A_372 : i32
        %sign3A_374 = arith.constant 0 : i32
        %sign3A_375 = arith.cmpi sgt, %jit3A_365, %sign3A_374 : i32
        %sign3A_376 = arith.extui %sign3A_375 : i1 to i32
        %sign3A_377 = arith.constant 0 : i32
        %sign3A_378 = arith.cmpi slt, %jit3A_365, %sign3A_377 : i32
        %sign3A_379 = arith.extui %sign3A_378 : i1 to i32
        %sign3A_380 = arith.subi %sign3A_376, %sign3A_379 : i32
        %ne3A_381 = arith.cmpi ne, %sign3A_373, %sign3A_380 : i32
        %rem3A_382 = arith.remsi %add3A_364, %jit3A_365 : i32
        %ne3A_383 = arith.constant 0 : i32
        %ne3A_384 = arith.cmpi ne, %rem3A_382, %ne3A_383 : i32
        %and3A_385 = arith.andi %ne3A_381, %ne3A_384 : i1
        %sub3A_386 = arith.constant 1 : i32
        %sub3A_387 = arith.subi %div3A_366, %sub3A_386 : i32
        %select_n3A_388 = arith.select %and3A_385, %sub3A_387, %div3A_366 : i32
        %jit3A_389 = arith.constant 2 : i32
        %eq3A_390 = arith.constant 0 : i32
        %eq3A_391 = arith.cmpi eq, %jit3A_389, %eq3A_390 : i32
        %jit3A_392 = arith.constant 1 : i32
        %select_n3A_393 = arith.select %eq3A_391, %jit3A_392, %jit3A_389 : i32
        %rem3A_394 = arith.remsi %select_n3A_388, %select_n3A_393 : i32
        %ne3A_395 = arith.constant 0 : i32
        %ne3A_396 = arith.cmpi ne, %rem3A_394, %ne3A_395 : i32
        %lt3A_397 = arith.constant 0 : i32
        %lt3A_398 = arith.cmpi slt, %rem3A_394, %lt3A_397 : i32
        %lt3A_399 = arith.constant 0 : i32
        %lt3A_400 = arith.cmpi slt, %select_n3A_393, %lt3A_399 : i32
        %ne3A_401 = arith.xori %lt3A_398, %lt3A_400 : i1
        %and3A_402 = arith.andi %ne3A_401, %ne3A_396 : i1
        %add3A_403 = arith.addi %rem3A_394, %select_n3A_393 : i32
        %select_n3A_404 = arith.select %and3A_402, %add3A_403, %rem3A_394 : i32
        %jit3A_405 = arith.constant 16 : i32
        %eq3A_406 = arith.constant 0 : i32
        %eq3A_407 = arith.cmpi eq, %jit3A_405, %eq3A_406 : i32
        %jit3A_408 = arith.constant 1 : i32
        %select_n3A_409 = arith.select %eq3A_407, %jit3A_408, %jit3A_405 : i32
        %rem3A_410 = arith.remsi %add3A_364, %select_n3A_409 : i32
        %ne3A_411 = arith.constant 0 : i32
        %ne3A_412 = arith.cmpi ne, %rem3A_410, %ne3A_411 : i32
        %lt3A_413 = arith.constant 0 : i32
        %lt3A_414 = arith.cmpi slt, %rem3A_410, %lt3A_413 : i32
        %lt3A_415 = arith.constant 0 : i32
        %lt3A_416 = arith.cmpi slt, %select_n3A_409, %lt3A_415 : i32
        %ne3A_417 = arith.xori %lt3A_414, %lt3A_416 : i1
        %and3A_418 = arith.andi %ne3A_417, %ne3A_412 : i1
        %add3A_419 = arith.addi %rem3A_410, %select_n3A_409 : i32
        %select_n3A_420 = arith.select %and3A_418, %add3A_419, %rem3A_410 : i32
        %dma_start3A_421 = arith.constant 0 : i32
        %dma_start3A_422 = tpu.memref_slice %arg7[%select_n3A_404, %select_n3A_420, %dma_start3A_421] : memref<2x16x125xi32, #tpu.memory_space<vmem>> -> memref<1x1x125xi32, #tpu.memory_space<vmem>>
        %dma_start3A_423 = tpu.memref_squeeze %dma_start3A_422 : memref<1x1x125xi32, #tpu.memory_space<vmem>> -> memref<125xi32, #tpu.memory_space<vmem>>
        %dma_start3A_424 = arith.constant 0 : i32
        %dma_start3A_425 = arith.constant 0 : i32
        %dma_start3A_426 = tpu.memref_slice %arg5[%dma_start3A_424, %dma_start3A_425] : memref<10240x128xf32, #tpu.memory_space<hbm>> -> memref<10240x128xf32, #tpu.memory_space<hbm>>
        tpu.enqueue_indirect_dma source(%dma_start3A_426 : memref<10240x128xf32, #tpu.memory_space<hbm>>) target(%arg11 : memref<125x128xf32, #tpu.memory_space<vmem>>) offsets(%dma_start3A_423 : memref<125xi32, #tpu.memory_space<vmem>>) semaphore(%arg15 : memref<!tpu.dma_semaphore, #tpu.memory_space<semaphore_mem>>)
      } else {
      }
      %dma_wait3A_238 = arith.constant 0 : i32
      %dma_wait3A_239 = tpu.memref_slice %arg7[%select_n3A_192, %select_n3A_208, %dma_wait3A_238] : memref<2x16x125xi32, #tpu.memory_space<vmem>> -> memref<1x1x125xi32, #tpu.memory_space<vmem>>
      %dma_wait3A_240 = tpu.memref_squeeze %dma_wait3A_239 : memref<1x1x125xi32, #tpu.memory_space<vmem>> -> memref<125xi32, #tpu.memory_space<vmem>>
      %dma_wait3A_241 = arith.constant 0 : i32
      %dma_wait3A_242 = arith.constant 0 : i32
      %dma_wait3A_243 = tpu.memref_slice %arg5[%dma_wait3A_241, %dma_wait3A_242] : memref<10240x128xf32, #tpu.memory_space<hbm>> -> memref<10240x128xf32, #tpu.memory_space<hbm>>
      tpu.wait_indirect_dma semaphore(%arg14 : memref<!tpu.dma_semaphore, #tpu.memory_space<semaphore_mem>>) src(%dma_wait3A_243 : memref<10240x128xf32, #tpu.memory_space<hbm>>) dst(%arg10 : memref<125x128xf32, #tpu.memory_space<vmem>>)
      %mul3A_244 = arith.constant 125 : i32
      %mul3A_245 = arith.muli %select_n3A_208, %mul3A_244 : i32
      %parallel_loop3A = arith.constant 0 : i32
      %parallel_loop3A_246 = arith.constant 125 : i32
      %parallel_loop3A_247 = arith.constant 1 : i32
      scf.for %parallel_loop3A_363 = %parallel_loop3A to %parallel_loop3A_246 step %parallel_loop3A_247  : i32 {
        %parallel_loop3A_364 = vector.broadcast %select_n3A_192 : i32 to vector<16xi32>
        %parallel_loop3A_365 = vector.broadcast %mul3A_245 : i32 to vector<16xi32>
        %parallel_loop3A_366 = vector.broadcast %parallel_loop3A_363 : i32 to vector<16xi32>
        %parallel_loop3A_367 = arith.addi %parallel_loop3A_365, %parallel_loop3A_366 : vector<16xi32>
        %parallel_loop3A_368 = tpu.vector_load_idx %arg9[%parallel_loop3A_364, %parallel_loop3A_367] : memref<2x2000xf32, #tpu.memory_space<vmem>>[vector<16xi32>, vector<16xi32>], vector<16xf32>,
        %parallel_loop3A_369 = arith.index_cast %parallel_loop3A_363 : i32 to index
        %parallel_loop3A_370 = arith.constant 0 : index
        %parallel_loop3A_371 = tpu.vector_load %arg10[%parallel_loop3A_369, %parallel_loop3A_370] {strides = array<i32>} : memref<125x128xf32, #tpu.memory_space<vmem>>, vector<16xf32>,
        %parallel_loop3A_372 = arith.mulf %parallel_loop3A_371, %parallel_loop3A_368 : vector<16xf32>
        %parallel_loop3A_373 = arith.index_cast %parallel_loop3A_363 : i32 to index
        %parallel_loop3A_374 = arith.constant 0 : index
        %parallel_loop3A_375 = tpu.vector_load %arg10[%parallel_loop3A_373, %parallel_loop3A_374] {strides = array<i32>} : memref<125x128xf32, #tpu.memory_space<vmem>>, vector<16xf32>,
        tpu.vector_store %arg10[%parallel_loop3A_373, %parallel_loop3A_374], %parallel_loop3A_372 {strides = array<i32>} : memref<125x128xf32, #tpu.memory_space<vmem>>, vector<16xf32>,
        %parallel_loop3A_376 = arith.index_cast %parallel_loop3A_363 : i32 to index
        %parallel_loop3A_377 = arith.constant 16 : index
        %parallel_loop3A_378 = tpu.vector_load %arg10[%parallel_loop3A_376, %parallel_loop3A_377] {strides = array<i32>} : memref<125x128xf32, #tpu.memory_space<vmem>>, vector<16xf32>,
        %parallel_loop3A_379 = arith.mulf %parallel_loop3A_378, %parallel_loop3A_368 : vector<16xf32>
        %parallel_loop3A_380 = arith.index_cast %parallel_loop3A_363 : i32 to index
        %parallel_loop3A_381 = arith.constant 16 : index
        %parallel_loop3A_382 = tpu.vector_load %arg10[%parallel_loop3A_380, %parallel_loop3A_381] {strides = array<i32>} : memref<125x128xf32, #tpu.memory_space<vmem>>, vector<16xf32>,
        tpu.vector_store %arg10[%parallel_loop3A_380, %parallel_loop3A_381], %parallel_loop3A_379 {strides = array<i32>} : memref<125x128xf32, #tpu.memory_space<vmem>>, vector<16xf32>,
        %parallel_loop3A_383 = arith.index_cast %parallel_loop3A_363 : i32 to index
        %parallel_loop3A_384 = arith.constant 32 : index
        %parallel_loop3A_385 = tpu.vector_load %arg10[%parallel_loop3A_383, %parallel_loop3A_384] {strides = array<i32>} : memref<125x128xf32, #tpu.memory_space<vmem>>, vector<16xf32>,
        %parallel_loop3A_386 = arith.mulf %parallel_loop3A_385, %parallel_loop3A_368 : vector<16xf32>
        %parallel_loop3A_387 = arith.index_cast %parallel_loop3A_363 : i32 to index
        %parallel_loop3A_388 = arith.constant 32 : index
        %parallel_loop3A_389 = tpu.vector_load %arg10[%parallel_loop3A_387, %parallel_loop3A_388] {strides = array<i32>} : memref<125x128xf32, #tpu.memory_space<vmem>>, vector<16xf32>,
        tpu.vector_store %arg10[%parallel_loop3A_387, %parallel_loop3A_388], %parallel_loop3A_386 {strides = array<i32>} : memref<125x128xf32, #tpu.memory_space<vmem>>, vector<16xf32>,
        %parallel_loop3A_390 = arith.index_cast %parallel_loop3A_363 : i32 to index
        %parallel_loop3A_391 = arith.constant 48 : index
        %parallel_loop3A_392 = tpu.vector_load %arg10[%parallel_loop3A_390, %parallel_loop3A_391] {strides = array<i32>} : memref<125x128xf32, #tpu.memory_space<vmem>>, vector<16xf32>,
        %parallel_loop3A_393 = arith.mulf %parallel_loop3A_392, %parallel_loop3A_368 : vector<16xf32>
        %parallel_loop3A_394 = arith.index_cast %parallel_loop3A_363 : i32 to index
        %parallel_loop3A_395 = arith.constant 48 : index
        %parallel_loop3A_396 = tpu.vector_load %arg10[%parallel_loop3A_394, %parallel_loop3A_395] {strides = array<i32>} : memref<125x128xf32, #tpu.memory_space<vmem>>, vector<16xf32>,
        tpu.vector_store %arg10[%parallel_loop3A_394, %parallel_loop3A_395], %parallel_loop3A_393 {strides = array<i32>} : memref<125x128xf32, #tpu.memory_space<vmem>>, vector<16xf32>,
        %parallel_loop3A_397 = arith.index_cast %parallel_loop3A_363 : i32 to index
        %parallel_loop3A_398 = arith.constant 64 : index
        %parallel_loop3A_399 = tpu.vector_load %arg10[%parallel_loop3A_397, %parallel_loop3A_398] {strides = array<i32>} : memref<125x128xf32, #tpu.memory_space<vmem>>, vector<16xf32>,
        %parallel_loop3A_400 = arith.mulf %parallel_loop3A_399, %parallel_loop3A_368 : vector<16xf32>
        %parallel_loop3A_401 = arith.index_cast %parallel_loop3A_363 : i32 to index
        %parallel_loop3A_402 = arith.constant 64 : index
        %parallel_loop3A_403 = tpu.vector_load %arg10[%parallel_loop3A_401, %parallel_loop3A_402] {strides = array<i32>} : memref<125x128xf32, #tpu.memory_space<vmem>>, vector<16xf32>,
        tpu.vector_store %arg10[%parallel_loop3A_401, %parallel_loop3A_402], %parallel_loop3A_400 {strides = array<i32>} : memref<125x128xf32, #tpu.memory_space<vmem>>, vector<16xf32>,
        %parallel_loop3A_404 = arith.index_cast %parallel_loop3A_363 : i32 to index
        %parallel_loop3A_405 = arith.constant 80 : index
        %parallel_loop3A_406 = tpu.vector_load %arg10[%parallel_loop3A_404, %parallel_loop3A_405] {strides = array<i32>} : memref<125x128xf32, #tpu.memory_space<vmem>>, vector<16xf32>,
        %parallel_loop3A_407 = arith.mulf %parallel_loop3A_406, %parallel_loop3A_368 : vector<16xf32>
        %parallel_loop3A_408 = arith.index_cast %parallel_loop3A_363 : i32 to index
        %parallel_loop3A_409 = arith.constant 80 : index
        %parallel_loop3A_410 = tpu.vector_load %arg10[%parallel_loop3A_408, %parallel_loop3A_409] {strides = array<i32>} : memref<125x128xf32, #tpu.memory_space<vmem>>, vector<16xf32>,
        tpu.vector_store %arg10[%parallel_loop3A_408, %parallel_loop3A_409], %parallel_loop3A_407 {strides = array<i32>} : memref<125x128xf32, #tpu.memory_space<vmem>>, vector<16xf32>,
        %parallel_loop3A_411 = arith.index_cast %parallel_loop3A_363 : i32 to index
        %parallel_loop3A_412 = arith.constant 96 : index
        %parallel_loop3A_413 = tpu.vector_load %arg10[%parallel_loop3A_411, %parallel_loop3A_412] {strides = array<i32>} : memref<125x128xf32, #tpu.memory_space<vmem>>, vector<16xf32>,
        %parallel_loop3A_414 = arith.mulf %parallel_loop3A_413, %parallel_loop3A_368 : vector<16xf32>
        %parallel_loop3A_415 = arith.index_cast %parallel_loop3A_363 : i32 to index
        %parallel_loop3A_416 = arith.constant 96 : index
        %parallel_loop3A_417 = tpu.vector_load %arg10[%parallel_loop3A_415, %parallel_loop3A_416] {strides = array<i32>} : memref<125x128xf32, #tpu.memory_space<vmem>>, vector<16xf32>,
        tpu.vector_store %arg10[%parallel_loop3A_415, %parallel_loop3A_416], %parallel_loop3A_414 {strides = array<i32>} : memref<125x128xf32, #tpu.memory_space<vmem>>, vector<16xf32>,
        %parallel_loop3A_418 = arith.index_cast %parallel_loop3A_363 : i32 to index
        %parallel_loop3A_419 = arith.constant 112 : index
        %parallel_loop3A_420 = tpu.vector_load %arg10[%parallel_loop3A_418, %parallel_loop3A_419] {strides = array<i32>} : memref<125x128xf32, #tpu.memory_space<vmem>>, vector<16xf32>,
        %parallel_loop3A_421 = arith.mulf %parallel_loop3A_420, %parallel_loop3A_368 : vector<16xf32>
        %parallel_loop3A_422 = arith.index_cast %parallel_loop3A_363 : i32 to index
        %parallel_loop3A_423 = arith.constant 112 : index
        %parallel_loop3A_424 = tpu.vector_load %arg10[%parallel_loop3A_422, %parallel_loop3A_423] {strides = array<i32>} : memref<125x128xf32, #tpu.memory_space<vmem>>, vector<16xf32>,
        tpu.vector_store %arg10[%parallel_loop3A_422, %parallel_loop3A_423], %parallel_loop3A_421 {strides = array<i32>} : memref<125x128xf32, #tpu.memory_space<vmem>>, vector<16xf32>,
      } {sc.loop_unroll_factor = 5 : i64, sc.parallel_access}
      %dma_start3A_248 = arith.constant 0 : i32
      %dma_start3A_249 = tpu.memref_slice %arg8[%select_n3A_192, %select_n3A_208, %dma_start3A_248] : memref<2x16x125xi32, #tpu.memory_space<vmem>> -> memref<1x1x125xi32, #tpu.memory_space<vmem>>
      %dma_start3A_250 = tpu.memref_squeeze %dma_start3A_249 : memref<1x1x125xi32, #tpu.memory_space<vmem>> -> memref<125xi32, #tpu.memory_space<vmem>>
      %dma_start3A_251 = arith.constant 0 : i32
      %dma_start3A_252 = arith.constant 0 : i32
      %dma_start3A_253 = tpu.memref_slice %arg13[%dma_start3A_251, %dma_start3A_252] : memref<10240x128xf32, #tpu.memory_space<vmem_shared>> -> memref<10240x128xf32, #tpu.memory_space<vmem_shared>>
      tpu.enqueue_indirect_dma source(%arg10 : memref<125x128xf32, #tpu.memory_space<vmem>>) target(%dma_start3A_253 : memref<10240x128xf32, #tpu.memory_space<vmem_shared>>) offsets(%dma_start3A_250 : memref<125xi32, #tpu.memory_space<vmem>>) semaphore(%arg16 : memref<!tpu.dma_semaphore, #tpu.memory_space<semaphore_mem>>) {add = true}
      %mul3A_254 = arith.constant 2 : i32
      %mul3A_255 = arith.muli %mul3A_254, %scan3A_158 : i32
      %add3A_256 = arith.constant 1 : i32
      %add3A_257 = arith.addi %mul3A_255, %add3A_256 : i32
      %jit3A_258 = arith.constant 16 : i32
      %div3A_259 = arith.divsi %add3A_257, %jit3A_258 : i32
      %sign3A_260 = arith.constant 0 : i32
      %sign3A_261 = arith.cmpi sgt, %add3A_257, %sign3A_260 : i32
      %sign3A_262 = arith.extui %sign3A_261 : i1 to i32
      %sign3A_263 = arith.constant 0 : i32
      %sign3A_264 = arith.cmpi slt, %add3A_257, %sign3A_263 : i32
      %sign3A_265 = arith.extui %sign3A_264 : i1 to i32
      %sign3A_266 = arith.subi %sign3A_262, %sign3A_265 : i32
      %sign3A_267 = arith.constant 0 : i32
      %sign3A_268 = arith.cmpi sgt, %jit3A_258, %sign3A_267 : i32
      %sign3A_269 = arith.extui %sign3A_268 : i1 to i32
      %sign3A_270 = arith.constant 0 : i32
      %sign3A_271 = arith.cmpi slt, %jit3A_258, %sign3A_270 : i32
      %sign3A_272 = arith.extui %sign3A_271 : i1 to i32
      %sign3A_273 = arith.subi %sign3A_269, %sign3A_272 : i32
      %ne3A_274 = arith.cmpi ne, %sign3A_266, %sign3A_273 : i32
      %rem3A_275 = arith.remsi %add3A_257, %jit3A_258 : i32
      %ne3A_276 = arith.constant 0 : i32
      %ne3A_277 = arith.cmpi ne, %rem3A_275, %ne3A_276 : i32
      %and3A_278 = arith.andi %ne3A_274, %ne3A_277 : i1
      %sub3A_279 = arith.constant 1 : i32
      %sub3A_280 = arith.subi %div3A_259, %sub3A_279 : i32
      %select_n3A_281 = arith.select %and3A_278, %sub3A_280, %div3A_259 : i32
      %jit3A_282 = arith.constant 2 : i32
      %eq3A_283 = arith.constant 0 : i32
      %eq3A_284 = arith.cmpi eq, %jit3A_282, %eq3A_283 : i32
      %jit3A_285 = arith.constant 1 : i32
      %select_n3A_286 = arith.select %eq3A_284, %jit3A_285, %jit3A_282 : i32
      %rem3A_287 = arith.remsi %select_n3A_281, %select_n3A_286 : i32
      %ne3A_288 = arith.constant 0 : i32
      %ne3A_289 = arith.cmpi ne, %rem3A_287, %ne3A_288 : i32
      %lt3A_290 = arith.constant 0 : i32
      %lt3A_291 = arith.cmpi slt, %rem3A_287, %lt3A_290 : i32
      %lt3A_292 = arith.constant 0 : i32
      %lt3A_293 = arith.cmpi slt, %select_n3A_286, %lt3A_292 : i32
      %ne3A_294 = arith.xori %lt3A_291, %lt3A_293 : i1
      %and3A_295 = arith.andi %ne3A_294, %ne3A_289 : i1
      %add3A_296 = arith.addi %rem3A_287, %select_n3A_286 : i32
      %select_n3A_297 = arith.select %and3A_295, %add3A_296, %rem3A_287 : i32
      %jit3A_298 = arith.constant 16 : i32
      %eq3A_299 = arith.constant 0 : i32
      %eq3A_300 = arith.cmpi eq, %jit3A_298, %eq3A_299 : i32
      %jit3A_301 = arith.constant 1 : i32
      %select_n3A_302 = arith.select %eq3A_300, %jit3A_301, %jit3A_298 : i32
      %rem3A_303 = arith.remsi %add3A_257, %select_n3A_302 : i32
      %ne3A_304 = arith.constant 0 : i32
      %ne3A_305 = arith.cmpi ne, %rem3A_303, %ne3A_304 : i32
      %lt3A_306 = arith.constant 0 : i32
      %lt3A_307 = arith.cmpi slt, %rem3A_303, %lt3A_306 : i32
      %lt3A_308 = arith.constant 0 : i32
      %lt3A_309 = arith.cmpi slt, %select_n3A_302, %lt3A_308 : i32
      %ne3A_310 = arith.xori %lt3A_307, %lt3A_309 : i1
      %and3A_311 = arith.andi %ne3A_310, %ne3A_305 : i1
      %add3A_312 = arith.addi %rem3A_303, %select_n3A_302 : i32
      %select_n3A_313 = arith.select %and3A_311, %add3A_312, %rem3A_303 : i32
      %ge3A_314 = arith.constant 1 : i32
      %ge3A_315 = arith.cmpi sge, %add3A_257, %ge3A_314 : i32
      %convert_element_type3A_316 = arith.extui %ge3A_315 : i1 to i32
      %cond3A_317 = arith.constant 0 : i32
      %cond3A_318 = arith.cmpi ne, %convert_element_type3A_316, %cond3A_317 : i32
      scf.if %cond3A_318 {
        %dma_wait3A_363 = arith.constant 0 : i32
        %dma_wait3A_364 = tpu.memref_slice %arg8[%select_n3A_297, %select_n3A_313, %dma_wait3A_363] : memref<2x16x125xi32, #tpu.memory_space<vmem>> -> memref<1x1x125xi32, #tpu.memory_space<vmem>>
        %dma_wait3A_365 = tpu.memref_squeeze %dma_wait3A_364 : memref<1x1x125xi32, #tpu.memory_space<vmem>> -> memref<125xi32, #tpu.memory_space<vmem>>
        %dma_wait3A_366 = arith.constant 0 : i32
        %dma_wait3A_367 = arith.constant 0 : i32
        %dma_wait3A_368 = tpu.memref_slice %arg13[%dma_wait3A_366, %dma_wait3A_367] : memref<10240x128xf32, #tpu.memory_space<vmem_shared>> -> memref<10240x128xf32, #tpu.memory_space<vmem_shared>>
        tpu.wait_indirect_dma semaphore(%arg16 : memref<!tpu.dma_semaphore, #tpu.memory_space<semaphore_mem>>) src(%arg10 : memref<125x128xf32, #tpu.memory_space<vmem>>) dst(%dma_wait3A_368 : memref<10240x128xf32, #tpu.memory_space<vmem_shared>>)
      } else {
      }
      %eq3A_319 = arith.constant 0 : i32
      %eq3A_320 = arith.cmpi eq, %select_n3A_313, %eq3A_319 : i32
      %add3A_321 = arith.constant 16 : i32
      %add3A_322 = arith.addi %add3A_257, %add3A_321 : i32
      %lt3A_323 = arith.constant 80 : i32
      %lt3A_324 = arith.cmpi slt, %add3A_322, %lt3A_323 : i32
      %and3A_325 = arith.andi %eq3A_320, %lt3A_324 : i1
      %convert_element_type3A_326 = arith.extui %and3A_325 : i1 to i32
      %cond3A_327 = arith.constant 0 : i32
      %cond3A_328 = arith.cmpi ne, %convert_element_type3A_326, %cond3A_327 : i32
      scf.if %cond3A_328 {
        %jit3A_363 = arith.constant 16 : i32
        %div3A_364 = arith.divsi %add3A_257, %jit3A_363 : i32
        %sign3A_365 = arith.constant 0 : i32
        %sign3A_366 = arith.cmpi sgt, %add3A_257, %sign3A_365 : i32
        %sign3A_367 = arith.extui %sign3A_366 : i1 to i32
        %sign3A_368 = arith.constant 0 : i32
        %sign3A_369 = arith.cmpi slt, %add3A_257, %sign3A_368 : i32
        %sign3A_370 = arith.extui %sign3A_369 : i1 to i32
        %sign3A_371 = arith.subi %sign3A_367, %sign3A_370 : i32
        %sign3A_372 = arith.constant 0 : i32
        %sign3A_373 = arith.cmpi sgt, %jit3A_363, %sign3A_372 : i32
        %sign3A_374 = arith.extui %sign3A_373 : i1 to i32
        %sign3A_375 = arith.constant 0 : i32
        %sign3A_376 = arith.cmpi slt, %jit3A_363, %sign3A_375 : i32
        %sign3A_377 = arith.extui %sign3A_376 : i1 to i32
        %sign3A_378 = arith.subi %sign3A_374, %sign3A_377 : i32
        %ne3A_379 = arith.cmpi ne, %sign3A_371, %sign3A_378 : i32
        %rem3A_380 = arith.remsi %add3A_257, %jit3A_363 : i32
        %ne3A_381 = arith.constant 0 : i32
        %ne3A_382 = arith.cmpi ne, %rem3A_380, %ne3A_381 : i32
        %and3A_383 = arith.andi %ne3A_379, %ne3A_382 : i1
        %sub3A_384 = arith.constant 1 : i32
        %sub3A_385 = arith.subi %div3A_364, %sub3A_384 : i32
        %select_n3A_386 = arith.select %and3A_383, %sub3A_385, %div3A_364 : i32
        %add3A_387 = arith.constant 1 : i32
        %add3A_388 = arith.addi %select_n3A_386, %add3A_387 : i32
        %sub3A_389 = arith.constant 1 : i32
        %sub3A_390 = arith.subi %sub3A_389, %select_n3A_297 : i32
        %mul3A_391 = arith.constant 16 : i32
        %mul3A_392 = arith.muli %add3A_388, %mul3A_391 : i32
        %dma_start3A_393 = arith.constant 0 : i32
        %dma_start3A_394 = arith.constant 0 : i32
        %dma_start3A_395 = tpu.memref_slice %arg7[%sub3A_390, %dma_start3A_393, %dma_start3A_394] : memref<2x16x125xi32, #tpu.memory_space<vmem>> -> memref<1x16x125xi32, #tpu.memory_space<vmem>>
        %dma_start3A_396 = tpu.memref_squeeze %dma_start3A_395 : memref<1x16x125xi32, #tpu.memory_space<vmem>> -> memref<16x125xi32, #tpu.memory_space<vmem>>
        %dma_start3A_397 = arith.constant 0 : i32
        %dma_start3A_398 = arith.constant 0 : i32
        %dma_start3A_399 = tpu.memref_slice %arg2[%add3A, %dma_start3A_397, %dma_start3A_398] : memref<32x80x125xi32, #tpu.memory_space<hbm>> -> memref<1x80x125xi32, #tpu.memory_space<hbm>>
        %dma_start3A_400 = tpu.memref_squeeze %dma_start3A_399 : memref<1x80x125xi32, #tpu.memory_space<hbm>> -> memref<80x125xi32, #tpu.memory_space<hbm>>
        %dma_start3A_401 = arith.constant 0 : i32
        %dma_start3A_402 = tpu.memref_slice %dma_start3A_400[%mul3A_392, %dma_start3A_401] : memref<80x125xi32, #tpu.memory_space<hbm>> -> memref<16x125xi32, #tpu.memory_space<hbm>>
        %dma_start3A_403 = arith.constant 0 : i32
        %dma_start3A_404 = arith.constant 0 : i32
        %dma_start3A_405 = tpu.memref_slice %arg7[%sub3A_390, %dma_start3A_403, %dma_start3A_404] : memref<2x16x125xi32, #tpu.memory_space<vmem>> -> memref<1x16x125xi32, #tpu.memory_space<vmem>>
        %dma_start3A_406 = tpu.memref_squeeze %dma_start3A_405 : memref<1x16x125xi32, #tpu.memory_space<vmem>> -> memref<16x125xi32, #tpu.memory_space<vmem>>
        %dma_start3A_407 = arith.constant 0 : i32
        %dma_start3A_408 = arith.constant 0 : i32
        %dma_start3A_409 = tpu.memref_slice %arg2[%add3A, %dma_start3A_407, %dma_start3A_408] : memref<32x80x125xi32, #tpu.memory_space<hbm>> -> memref<1x80x125xi32, #tpu.memory_space<hbm>>
        %dma_start3A_410 = tpu.memref_squeeze %dma_start3A_409 : memref<1x80x125xi32, #tpu.memory_space<hbm>> -> memref<80x125xi32, #tpu.memory_space<hbm>>
        %dma_start3A_411 = arith.constant 0 : i32
        %dma_start3A_412 = tpu.memref_slice %dma_start3A_410[%mul3A_392, %dma_start3A_411] : memref<80x125xi32, #tpu.memory_space<hbm>> -> memref<16x125xi32, #tpu.memory_space<hbm>>
        tpu.enqueue_dma source(%dma_start3A_412 : memref<16x125xi32, #tpu.memory_space<hbm>>) target(%dma_start3A_406 : memref<16x125xi32, #tpu.memory_space<vmem>>) target_semaphore(%arg18 : memref<!tpu.dma_semaphore, #tpu.memory_space<semaphore_mem>>)
        %mul3A_413 = arith.constant 16 : i32
        %mul3A_414 = arith.muli %add3A_388, %mul3A_413 : i32
        %dma_start3A_415 = arith.constant 0 : i32
        %dma_start3A_416 = arith.constant 0 : i32
        %dma_start3A_417 = tpu.memref_slice %arg8[%sub3A_390, %dma_start3A_415, %dma_start3A_416] : memref<2x16x125xi32, #tpu.memory_space<vmem>> -> memref<1x16x125xi32, #tpu.memory_space<vmem>>
        %dma_start3A_418 = tpu.memref_squeeze %dma_start3A_417 : memref<1x16x125xi32, #tpu.memory_space<vmem>> -> memref<16x125xi32, #tpu.memory_space<vmem>>
        %dma_start3A_419 = arith.constant 0 : i32
        %dma_start3A_420 = arith.constant 0 : i32
        %dma_start3A_421 = tpu.memref_slice %arg3[%add3A, %dma_start3A_419, %dma_start3A_420] : memref<32x80x125xi32, #tpu.memory_space<hbm>> -> memref<1x80x125xi32, #tpu.memory_space<hbm>>
        %dma_start3A_422 = tpu.memref_squeeze %dma_start3A_421 : memref<1x80x125xi32, #tpu.memory_space<hbm>> -> memref<80x125xi32, #tpu.memory_space<hbm>>
        %dma_start3A_423 = arith.constant 0 : i32
        %dma_start3A_424 = tpu.memref_slice %dma_start3A_422[%mul3A_414, %dma_start3A_423] : memref<80x125xi32, #tpu.memory_space<hbm>> -> memref<16x125xi32, #tpu.memory_space<hbm>>
        %dma_start3A_425 = arith.constant 0 : i32
        %dma_start3A_426 = arith.constant 0 : i32
        %dma_start3A_427 = tpu.memref_slice %arg8[%sub3A_390, %dma_start3A_425, %dma_start3A_426] : memref<2x16x125xi32, #tpu.memory_space<vmem>> -> memref<1x16x125xi32, #tpu.memory_space<vmem>>
        %dma_start3A_428 = tpu.memref_squeeze %dma_start3A_427 : memref<1x16x125xi32, #tpu.memory_space<vmem>> -> memref<16x125xi32, #tpu.memory_space<vmem>>
        %dma_start3A_429 = arith.constant 0 : i32
        %dma_start3A_430 = arith.constant 0 : i32
        %dma_start3A_431 = tpu.memref_slice %arg3[%add3A, %dma_start3A_429, %dma_start3A_430] : memref<32x80x125xi32, #tpu.memory_space<hbm>> -> memref<1x80x125xi32, #tpu.memory_space<hbm>>
        %dma_start3A_432 = tpu.memref_squeeze %dma_start3A_431 : memref<1x80x125xi32, #tpu.memory_space<hbm>> -> memref<80x125xi32, #tpu.memory_space<hbm>>
        %dma_start3A_433 = arith.constant 0 : i32
        %dma_start3A_434 = tpu.memref_slice %dma_start3A_432[%mul3A_414, %dma_start3A_433] : memref<80x125xi32, #tpu.memory_space<hbm>> -> memref<16x125xi32, #tpu.memory_space<hbm>>
        tpu.enqueue_dma source(%dma_start3A_434 : memref<16x125xi32, #tpu.memory_space<hbm>>) target(%dma_start3A_428 : memref<16x125xi32, #tpu.memory_space<vmem>>) target_semaphore(%arg18 : memref<!tpu.dma_semaphore, #tpu.memory_space<semaphore_mem>>)
        %mul3A_435 = arith.constant 5 : i32
        %mul3A_436 = arith.muli %add3A, %mul3A_435 : i32
        %add3A_437 = arith.addi %mul3A_436, %add3A_388 : i32
        %dma_start3A_438 = arith.constant 0 : i32
        %dma_start3A_439 = tpu.memref_slice %arg9[%sub3A_390, %dma_start3A_438] : memref<2x2000xf32, #tpu.memory_space<vmem>> -> memref<1x2000xf32, #tpu.memory_space<vmem>>
        %dma_start3A_440 = tpu.memref_squeeze %dma_start3A_439 : memref<1x2000xf32, #tpu.memory_space<vmem>> -> memref<2000xf32, #tpu.memory_space<vmem>>
        %dma_start3A_441 = arith.constant 0 : i32
        %dma_start3A_442 = tpu.memref_slice %arg4[%add3A_437, %dma_start3A_441] : memref<160x2000xf32, #tpu.memory_space<hbm>> -> memref<1x2000xf32, #tpu.memory_space<hbm>>
        %dma_start3A_443 = tpu.memref_squeeze %dma_start3A_442 : memref<1x2000xf32, #tpu.memory_space<hbm>> -> memref<2000xf32, #tpu.memory_space<hbm>>
        %dma_start3A_444 = arith.constant 0 : i32
        %dma_start3A_445 = tpu.memref_slice %arg9[%sub3A_390, %dma_start3A_444] : memref<2x2000xf32, #tpu.memory_space<vmem>> -> memref<1x2000xf32, #tpu.memory_space<vmem>>
        %dma_start3A_446 = tpu.memref_squeeze %dma_start3A_445 : memref<1x2000xf32, #tpu.memory_space<vmem>> -> memref<2000xf32, #tpu.memory_space<vmem>>
        %dma_start3A_447 = arith.constant 0 : i32
        %dma_start3A_448 = tpu.memref_slice %arg4[%add3A_437, %dma_start3A_447] : memref<160x2000xf32, #tpu.memory_space<hbm>> -> memref<1x2000xf32, #tpu.memory_space<hbm>>
        %dma_start3A_449 = tpu.memref_squeeze %dma_start3A_448 : memref<1x2000xf32, #tpu.memory_space<hbm>> -> memref<2000xf32, #tpu.memory_space<hbm>>
        tpu.enqueue_dma source(%dma_start3A_449 : memref<2000xf32, #tpu.memory_space<hbm>>) target(%dma_start3A_446 : memref<2000xf32, #tpu.memory_space<vmem>>) target_semaphore(%arg18 : memref<!tpu.dma_semaphore, #tpu.memory_space<semaphore_mem>>)
      } else {
      }
      %eq3A_329 = arith.constant 15 : i32
      %eq3A_330 = arith.cmpi eq, %select_n3A_313, %eq3A_329 : i32
      %add3A_331 = arith.constant 1 : i32
      %add3A_332 = arith.addi %add3A_257, %add3A_331 : i32
      %lt3A_333 = arith.constant 80 : i32
      %lt3A_334 = arith.cmpi slt, %add3A_332, %lt3A_333 : i32
      %and3A_335 = arith.andi %eq3A_330, %lt3A_334 : i1
      %convert_element_type3A_336 = arith.extui %and3A_335 : i1 to i32
      %cond3A_337 = arith.constant 0 : i32
      %cond3A_338 = arith.cmpi ne, %convert_element_type3A_336, %cond3A_337 : i32
      scf.if %cond3A_338 {
        %sub3A_363 = arith.constant 1 : i32
        %sub3A_364 = arith.subi %sub3A_363, %select_n3A_297 : i32
        %dma_wait3A_365 = arith.constant 0 : i32
        %dma_wait3A_366 = arith.constant 0 : i32
        %dma_wait3A_367 = tpu.memref_slice %arg7[%sub3A_364, %dma_wait3A_365, %dma_wait3A_366] : memref<2x16x125xi32, #tpu.memory_space<vmem>> -> memref<1x16x125xi32, #tpu.memory_space<vmem>>
        %dma_wait3A_368 = tpu.memref_squeeze %dma_wait3A_367 : memref<1x16x125xi32, #tpu.memory_space<vmem>> -> memref<16x125xi32, #tpu.memory_space<vmem>>
        %dma_wait3A_369 = arith.constant 0 : i32
        %dma_wait3A_370 = arith.constant 0 : i32
        %dma_wait3A_371 = tpu.memref_slice %arg2[%add3A, %dma_wait3A_369, %dma_wait3A_370] : memref<32x80x125xi32, #tpu.memory_space<hbm>> -> memref<1x80x125xi32, #tpu.memory_space<hbm>>
        %dma_wait3A_372 = tpu.memref_squeeze %dma_wait3A_371 : memref<1x80x125xi32, #tpu.memory_space<hbm>> -> memref<80x125xi32, #tpu.memory_space<hbm>>
        %dma_wait3A_373 = arith.constant 0 : i32
        %dma_wait3A_374 = arith.constant 0 : i32
        %dma_wait3A_375 = tpu.memref_slice %dma_wait3A_372[%dma_wait3A_373, %dma_wait3A_374] : memref<80x125xi32, #tpu.memory_space<hbm>> -> memref<16x125xi32, #tpu.memory_space<hbm>>
        %dma_wait3A_376 = arith.constant 0 : i32
        %dma_wait3A_377 = arith.constant 0 : i32
        %dma_wait3A_378 = tpu.memref_slice %arg7[%sub3A_364, %dma_wait3A_376, %dma_wait3A_377] : memref<2x16x125xi32, #tpu.memory_space<vmem>> -> memref<1x16x125xi32, #tpu.memory_space<vmem>>
        %dma_wait3A_379 = tpu.memref_squeeze %dma_wait3A_378 : memref<1x16x125xi32, #tpu.memory_space<vmem>> -> memref<16x125xi32, #tpu.memory_space<vmem>>
        %dma_wait3A_380 = arith.constant 0 : i32
        %dma_wait3A_381 = arith.constant 0 : i32
        %dma_wait3A_382 = tpu.memref_slice %arg2[%add3A, %dma_wait3A_380, %dma_wait3A_381] : memref<32x80x125xi32, #tpu.memory_space<hbm>> -> memref<1x80x125xi32, #tpu.memory_space<hbm>>
        %dma_wait3A_383 = tpu.memref_squeeze %dma_wait3A_382 : memref<1x80x125xi32, #tpu.memory_space<hbm>> -> memref<80x125xi32, #tpu.memory_space<hbm>>
        %dma_wait3A_384 = arith.constant 0 : i32
        %dma_wait3A_385 = arith.constant 0 : i32
        %dma_wait3A_386 = tpu.memref_slice %dma_wait3A_383[%dma_wait3A_384, %dma_wait3A_385] : memref<80x125xi32, #tpu.memory_space<hbm>> -> memref<16x125xi32, #tpu.memory_space<hbm>>
        tpu.wait_dma2 semaphore(%arg18 : memref<!tpu.dma_semaphore, #tpu.memory_space<semaphore_mem>>) src(%dma_wait3A_386 : memref<16x125xi32, #tpu.memory_space<hbm>>) dst(%dma_wait3A_379 : memref<16x125xi32, #tpu.memory_space<vmem>>)
        %dma_wait3A_387 = arith.constant 0 : i32
        %dma_wait3A_388 = arith.constant 0 : i32
        %dma_wait3A_389 = tpu.memref_slice %arg8[%sub3A_364, %dma_wait3A_387, %dma_wait3A_388] : memref<2x16x125xi32, #tpu.memory_space<vmem>> -> memref<1x16x125xi32, #tpu.memory_space<vmem>>
        %dma_wait3A_390 = tpu.memref_squeeze %dma_wait3A_389 : memref<1x16x125xi32, #tpu.memory_space<vmem>> -> memref<16x125xi32, #tpu.memory_space<vmem>>
        %dma_wait3A_391 = arith.constant 0 : i32
        %dma_wait3A_392 = arith.constant 0 : i32
        %dma_wait3A_393 = tpu.memref_slice %arg3[%add3A, %dma_wait3A_391, %dma_wait3A_392] : memref<32x80x125xi32, #tpu.memory_space<hbm>> -> memref<1x80x125xi32, #tpu.memory_space<hbm>>
        %dma_wait3A_394 = tpu.memref_squeeze %dma_wait3A_393 : memref<1x80x125xi32, #tpu.memory_space<hbm>> -> memref<80x125xi32, #tpu.memory_space<hbm>>
        %dma_wait3A_395 = arith.constant 0 : i32
        %dma_wait3A_396 = arith.constant 0 : i32
        %dma_wait3A_397 = tpu.memref_slice %dma_wait3A_394[%dma_wait3A_395, %dma_wait3A_396] : memref<80x125xi32, #tpu.memory_space<hbm>> -> memref<16x125xi32, #tpu.memory_space<hbm>>
        %dma_wait3A_398 = arith.constant 0 : i32
        %dma_wait3A_399 = arith.constant 0 : i32
        %dma_wait3A_400 = tpu.memref_slice %arg8[%sub3A_364, %dma_wait3A_398, %dma_wait3A_399] : memref<2x16x125xi32, #tpu.memory_space<vmem>> -> memref<1x16x125xi32, #tpu.memory_space<vmem>>
        %dma_wait3A_401 = tpu.memref_squeeze %dma_wait3A_400 : memref<1x16x125xi32, #tpu.memory_space<vmem>> -> memref<16x125xi32, #tpu.memory_space<vmem>>
        %dma_wait3A_402 = arith.constant 0 : i32
        %dma_wait3A_403 = arith.constant 0 : i32
        %dma_wait3A_404 = tpu.memref_slice %arg3[%add3A, %dma_wait3A_402, %dma_wait3A_403] : memref<32x80x125xi32, #tpu.memory_space<hbm>> -> memref<1x80x125xi32, #tpu.memory_space<hbm>>
        %dma_wait3A_405 = tpu.memref_squeeze %dma_wait3A_404 : memref<1x80x125xi32, #tpu.memory_space<hbm>> -> memref<80x125xi32, #tpu.memory_space<hbm>>
        %dma_wait3A_406 = arith.constant 0 : i32
        %dma_wait3A_407 = arith.constant 0 : i32
        %dma_wait3A_408 = tpu.memref_slice %dma_wait3A_405[%dma_wait3A_406, %dma_wait3A_407] : memref<80x125xi32, #tpu.memory_space<hbm>> -> memref<16x125xi32, #tpu.memory_space<hbm>>
        tpu.wait_dma2 semaphore(%arg18 : memref<!tpu.dma_semaphore, #tpu.memory_space<semaphore_mem>>) src(%dma_wait3A_408 : memref<16x125xi32, #tpu.memory_space<hbm>>) dst(%dma_wait3A_401 : memref<16x125xi32, #tpu.memory_space<vmem>>)
        %mul3A_409 = arith.constant 5 : i32
        %mul3A_410 = arith.muli %add3A, %mul3A_409 : i32
        %dma_wait3A_411 = arith.constant 0 : i32
        %dma_wait3A_412 = tpu.memref_slice %arg9[%sub3A_364, %dma_wait3A_411] : memref<2x2000xf32, #tpu.memory_space<vmem>> -> memref<1x2000xf32, #tpu.memory_space<vmem>>
        %dma_wait3A_413 = tpu.memref_squeeze %dma_wait3A_412 : memref<1x2000xf32, #tpu.memory_space<vmem>> -> memref<2000xf32, #tpu.memory_space<vmem>>
        %dma_wait3A_414 = arith.constant 0 : i32
        %dma_wait3A_415 = tpu.memref_slice %arg4[%mul3A_410, %dma_wait3A_414] : memref<160x2000xf32, #tpu.memory_space<hbm>> -> memref<1x2000xf32, #tpu.memory_space<hbm>>
        %dma_wait3A_416 = tpu.memref_squeeze %dma_wait3A_415 : memref<1x2000xf32, #tpu.memory_space<hbm>> -> memref<2000xf32, #tpu.memory_space<hbm>>
        %dma_wait3A_417 = arith.constant 0 : i32
        %dma_wait3A_418 = tpu.memref_slice %arg9[%sub3A_364, %dma_wait3A_417] : memref<2x2000xf32, #tpu.memory_space<vmem>> -> memref<1x2000xf32, #tpu.memory_space<vmem>>
        %dma_wait3A_419 = tpu.memref_squeeze %dma_wait3A_418 : memref<1x2000xf32, #tpu.memory_space<vmem>> -> memref<2000xf32, #tpu.memory_space<vmem>>
        %dma_wait3A_420 = arith.constant 0 : i32
        %dma_wait3A_421 = tpu.memref_slice %arg4[%mul3A_410, %dma_wait3A_420] : memref<160x2000xf32, #tpu.memory_space<hbm>> -> memref<1x2000xf32, #tpu.memory_space<hbm>>
        %dma_wait3A_422 = tpu.memref_squeeze %dma_wait3A_421 : memref<1x2000xf32, #tpu.memory_space<hbm>> -> memref<2000xf32, #tpu.memory_space<hbm>>
        tpu.wait_dma2 semaphore(%arg18 : memref<!tpu.dma_semaphore, #tpu.memory_space<semaphore_mem>>) src(%dma_wait3A_422 : memref<2000xf32, #tpu.memory_space<hbm>>) dst(%dma_wait3A_419 : memref<2000xf32, #tpu.memory_space<vmem>>)
      } else {
      }
      %add3A_339 = arith.constant 1 : i32
      %add3A_340 = arith.addi %add3A_257, %add3A_339 : i32
      %lt3A_341 = arith.constant 80 : i32
      %lt3A_342 = arith.cmpi slt, %add3A_340, %lt3A_341 : i32
      %convert_element_type3A_343 = arith.extui %lt3A_342 : i1 to i32
      %cond3A_344 = arith.constant 0 : i32
      %cond3A_345 = arith.cmpi ne, %convert_element_type3A_343, %cond3A_344 : i32
      scf.if %cond3A_345 {
        %add3A_363 = arith.constant 1 : i32
        %add3A_364 = arith.addi %add3A_257, %add3A_363 : i32
        %jit3A_365 = arith.constant 16 : i32
        %div3A_366 = arith.divsi %add3A_364, %jit3A_365 : i32
        %sign3A_367 = arith.constant 0 : i32
        %sign3A_368 = arith.cmpi sgt, %add3A_364, %sign3A_367 : i32
        %sign3A_369 = arith.extui %sign3A_368 : i1 to i32
        %sign3A_370 = arith.constant 0 : i32
        %sign3A_371 = arith.cmpi slt, %add3A_364, %sign3A_370 : i32
        %sign3A_372 = arith.extui %sign3A_371 : i1 to i32
        %sign3A_373 = arith.subi %sign3A_369, %sign3A_372 : i32
        %sign3A_374 = arith.constant 0 : i32
        %sign3A_375 = arith.cmpi sgt, %jit3A_365, %sign3A_374 : i32
        %sign3A_376 = arith.extui %sign3A_375 : i1 to i32
        %sign3A_377 = arith.constant 0 : i32
        %sign3A_378 = arith.cmpi slt, %jit3A_365, %sign3A_377 : i32
        %sign3A_379 = arith.extui %sign3A_378 : i1 to i32
        %sign3A_380 = arith.subi %sign3A_376, %sign3A_379 : i32
        %ne3A_381 = arith.cmpi ne, %sign3A_373, %sign3A_380 : i32
        %rem3A_382 = arith.remsi %add3A_364, %jit3A_365 : i32
        %ne3A_383 = arith.constant 0 : i32
        %ne3A_384 = arith.cmpi ne, %rem3A_382, %ne3A_383 : i32
        %and3A_385 = arith.andi %ne3A_381, %ne3A_384 : i1
        %sub3A_386 = arith.constant 1 : i32
        %sub3A_387 = arith.subi %div3A_366, %sub3A_386 : i32
        %select_n3A_388 = arith.select %and3A_385, %sub3A_387, %div3A_366 : i32
        %jit3A_389 = arith.constant 2 : i32
        %eq3A_390 = arith.constant 0 : i32
        %eq3A_391 = arith.cmpi eq, %jit3A_389, %eq3A_390 : i32
        %jit3A_392 = arith.constant 1 : i32
        %select_n3A_393 = arith.select %eq3A_391, %jit3A_392, %jit3A_389 : i32
        %rem3A_394 = arith.remsi %select_n3A_388, %select_n3A_393 : i32
        %ne3A_395 = arith.constant 0 : i32
        %ne3A_396 = arith.cmpi ne, %rem3A_394, %ne3A_395 : i32
        %lt3A_397 = arith.constant 0 : i32
        %lt3A_398 = arith.cmpi slt, %rem3A_394, %lt3A_397 : i32
        %lt3A_399 = arith.constant 0 : i32
        %lt3A_400 = arith.cmpi slt, %select_n3A_393, %lt3A_399 : i32
        %ne3A_401 = arith.xori %lt3A_398, %lt3A_400 : i1
        %and3A_402 = arith.andi %ne3A_401, %ne3A_396 : i1
        %add3A_403 = arith.addi %rem3A_394, %select_n3A_393 : i32
        %select_n3A_404 = arith.select %and3A_402, %add3A_403, %rem3A_394 : i32
        %jit3A_405 = arith.constant 16 : i32
        %eq3A_406 = arith.constant 0 : i32
        %eq3A_407 = arith.cmpi eq, %jit3A_405, %eq3A_406 : i32
        %jit3A_408 = arith.constant 1 : i32
        %select_n3A_409 = arith.select %eq3A_407, %jit3A_408, %jit3A_405 : i32
        %rem3A_410 = arith.remsi %add3A_364, %select_n3A_409 : i32
        %ne3A_411 = arith.constant 0 : i32
        %ne3A_412 = arith.cmpi ne, %rem3A_410, %ne3A_411 : i32
        %lt3A_413 = arith.constant 0 : i32
        %lt3A_414 = arith.cmpi slt, %rem3A_410, %lt3A_413 : i32
        %lt3A_415 = arith.constant 0 : i32
        %lt3A_416 = arith.cmpi slt, %select_n3A_409, %lt3A_415 : i32
        %ne3A_417 = arith.xori %lt3A_414, %lt3A_416 : i1
        %and3A_418 = arith.andi %ne3A_417, %ne3A_412 : i1
        %add3A_419 = arith.addi %rem3A_410, %select_n3A_409 : i32
        %select_n3A_420 = arith.select %and3A_418, %add3A_419, %rem3A_410 : i32
        %dma_start3A_421 = arith.constant 0 : i32
        %dma_start3A_422 = tpu.memref_slice %arg7[%select_n3A_404, %select_n3A_420, %dma_start3A_421] : memref<2x16x125xi32, #tpu.memory_space<vmem>> -> memref<1x1x125xi32, #tpu.memory_space<vmem>>
        %dma_start3A_423 = tpu.memref_squeeze %dma_start3A_422 : memref<1x1x125xi32, #tpu.memory_space<vmem>> -> memref<125xi32, #tpu.memory_space<vmem>>
        %dma_start3A_424 = arith.constant 0 : i32
        %dma_start3A_425 = arith.constant 0 : i32
        %dma_start3A_426 = tpu.memref_slice %arg5[%dma_start3A_424, %dma_start3A_425] : memref<10240x128xf32, #tpu.memory_space<hbm>> -> memref<10240x128xf32, #tpu.memory_space<hbm>>
        tpu.enqueue_indirect_dma source(%dma_start3A_426 : memref<10240x128xf32, #tpu.memory_space<hbm>>) target(%arg10 : memref<125x128xf32, #tpu.memory_space<vmem>>) offsets(%dma_start3A_423 : memref<125xi32, #tpu.memory_space<vmem>>) semaphore(%arg14 : memref<!tpu.dma_semaphore, #tpu.memory_space<semaphore_mem>>)
      } else {
      }
      %dma_wait3A_346 = arith.constant 0 : i32
      %dma_wait3A_347 = tpu.memref_slice %arg7[%select_n3A_297, %select_n3A_313, %dma_wait3A_346] : memref<2x16x125xi32, #tpu.memory_space<vmem>> -> memref<1x1x125xi32, #tpu.memory_space<vmem>>
      %dma_wait3A_348 = tpu.memref_squeeze %dma_wait3A_347 : memref<1x1x125xi32, #tpu.memory_space<vmem>> -> memref<125xi32, #tpu.memory_space<vmem>>
      %dma_wait3A_349 = arith.constant 0 : i32
      %dma_wait3A_350 = arith.constant 0 : i32
      %dma_wait3A_351 = tpu.memref_slice %arg5[%dma_wait3A_349, %dma_wait3A_350] : memref<10240x128xf32, #tpu.memory_space<hbm>> -> memref<10240x128xf32, #tpu.memory_space<hbm>>
      tpu.wait_indirect_dma semaphore(%arg15 : memref<!tpu.dma_semaphore, #tpu.memory_space<semaphore_mem>>) src(%dma_wait3A_351 : memref<10240x128xf32, #tpu.memory_space<hbm>>) dst(%arg11 : memref<125x128xf32, #tpu.memory_space<vmem>>)
      %mul3A_352 = arith.constant 125 : i32
      %mul3A_353 = arith.muli %select_n3A_313, %mul3A_352 : i32
      %parallel_loop3A_354 = arith.constant 0 : i32
      %parallel_loop3A_355 = arith.constant 125 : i32
      %parallel_loop3A_356 = arith.constant 1 : i32
      scf.for %parallel_loop3A_363 = %parallel_loop3A_354 to %parallel_loop3A_355 step %parallel_loop3A_356  : i32 {
        %parallel_loop3A_364 = vector.broadcast %select_n3A_297 : i32 to vector<16xi32>
        %parallel_loop3A_365 = vector.broadcast %mul3A_353 : i32 to vector<16xi32>
        %parallel_loop3A_366 = vector.broadcast %parallel_loop3A_363 : i32 to vector<16xi32>
        %parallel_loop3A_367 = arith.addi %parallel_loop3A_365, %parallel_loop3A_366 : vector<16xi32>
        %parallel_loop3A_368 = tpu.vector_load_idx %arg9[%parallel_loop3A_364, %parallel_loop3A_367] : memref<2x2000xf32, #tpu.memory_space<vmem>>[vector<16xi32>, vector<16xi32>], vector<16xf32>,
        %parallel_loop3A_369 = arith.index_cast %parallel_loop3A_363 : i32 to index
        %parallel_loop3A_370 = arith.constant 0 : index
        %parallel_loop3A_371 = tpu.vector_load %arg11[%parallel_loop3A_369, %parallel_loop3A_370] {strides = array<i32>} : memref<125x128xf32, #tpu.memory_space<vmem>>, vector<16xf32>,
        %parallel_loop3A_372 = arith.mulf %parallel_loop3A_371, %parallel_loop3A_368 : vector<16xf32>
        %parallel_loop3A_373 = arith.index_cast %parallel_loop3A_363 : i32 to index
        %parallel_loop3A_374 = arith.constant 0 : index
        %parallel_loop3A_375 = tpu.vector_load %arg11[%parallel_loop3A_373, %parallel_loop3A_374] {strides = array<i32>} : memref<125x128xf32, #tpu.memory_space<vmem>>, vector<16xf32>,
        tpu.vector_store %arg11[%parallel_loop3A_373, %parallel_loop3A_374], %parallel_loop3A_372 {strides = array<i32>} : memref<125x128xf32, #tpu.memory_space<vmem>>, vector<16xf32>,
        %parallel_loop3A_376 = arith.index_cast %parallel_loop3A_363 : i32 to index
        %parallel_loop3A_377 = arith.constant 16 : index
        %parallel_loop3A_378 = tpu.vector_load %arg11[%parallel_loop3A_376, %parallel_loop3A_377] {strides = array<i32>} : memref<125x128xf32, #tpu.memory_space<vmem>>, vector<16xf32>,
        %parallel_loop3A_379 = arith.mulf %parallel_loop3A_378, %parallel_loop3A_368 : vector<16xf32>
        %parallel_loop3A_380 = arith.index_cast %parallel_loop3A_363 : i32 to index
        %parallel_loop3A_381 = arith.constant 16 : index
        %parallel_loop3A_382 = tpu.vector_load %arg11[%parallel_loop3A_380, %parallel_loop3A_381] {strides = array<i32>} : memref<125x128xf32, #tpu.memory_space<vmem>>, vector<16xf32>,
        tpu.vector_store %arg11[%parallel_loop3A_380, %parallel_loop3A_381], %parallel_loop3A_379 {strides = array<i32>} : memref<125x128xf32, #tpu.memory_space<vmem>>, vector<16xf32>,
        %parallel_loop3A_383 = arith.index_cast %parallel_loop3A_363 : i32 to index
        %parallel_loop3A_384 = arith.constant 32 : index
        %parallel_loop3A_385 = tpu.vector_load %arg11[%parallel_loop3A_383, %parallel_loop3A_384] {strides = array<i32>} : memref<125x128xf32, #tpu.memory_space<vmem>>, vector<16xf32>,
        %parallel_loop3A_386 = arith.mulf %parallel_loop3A_385, %parallel_loop3A_368 : vector<16xf32>
        %parallel_loop3A_387 = arith.index_cast %parallel_loop3A_363 : i32 to index
        %parallel_loop3A_388 = arith.constant 32 : index
        %parallel_loop3A_389 = tpu.vector_load %arg11[%parallel_loop3A_387, %parallel_loop3A_388] {strides = array<i32>} : memref<125x128xf32, #tpu.memory_space<vmem>>, vector<16xf32>,
        tpu.vector_store %arg11[%parallel_loop3A_387, %parallel_loop3A_388], %parallel_loop3A_386 {strides = array<i32>} : memref<125x128xf32, #tpu.memory_space<vmem>>, vector<16xf32>,
        %parallel_loop3A_390 = arith.index_cast %parallel_loop3A_363 : i32 to index
        %parallel_loop3A_391 = arith.constant 48 : index
        %parallel_loop3A_392 = tpu.vector_load %arg11[%parallel_loop3A_390, %parallel_loop3A_391] {strides = array<i32>} : memref<125x128xf32, #tpu.memory_space<vmem>>, vector<16xf32>,
        %parallel_loop3A_393 = arith.mulf %parallel_loop3A_392, %parallel_loop3A_368 : vector<16xf32>
        %parallel_loop3A_394 = arith.index_cast %parallel_loop3A_363 : i32 to index
        %parallel_loop3A_395 = arith.constant 48 : index
        %parallel_loop3A_396 = tpu.vector_load %arg11[%parallel_loop3A_394, %parallel_loop3A_395] {strides = array<i32>} : memref<125x128xf32, #tpu.memory_space<vmem>>, vector<16xf32>,
        tpu.vector_store %arg11[%parallel_loop3A_394, %parallel_loop3A_395], %parallel_loop3A_393 {strides = array<i32>} : memref<125x128xf32, #tpu.memory_space<vmem>>, vector<16xf32>,
        %parallel_loop3A_397 = arith.index_cast %parallel_loop3A_363 : i32 to index
        %parallel_loop3A_398 = arith.constant 64 : index
        %parallel_loop3A_399 = tpu.vector_load %arg11[%parallel_loop3A_397, %parallel_loop3A_398] {strides = array<i32>} : memref<125x128xf32, #tpu.memory_space<vmem>>, vector<16xf32>,
        %parallel_loop3A_400 = arith.mulf %parallel_loop3A_399, %parallel_loop3A_368 : vector<16xf32>
        %parallel_loop3A_401 = arith.index_cast %parallel_loop3A_363 : i32 to index
        %parallel_loop3A_402 = arith.constant 64 : index
        %parallel_loop3A_403 = tpu.vector_load %arg11[%parallel_loop3A_401, %parallel_loop3A_402] {strides = array<i32>} : memref<125x128xf32, #tpu.memory_space<vmem>>, vector<16xf32>,
        tpu.vector_store %arg11[%parallel_loop3A_401, %parallel_loop3A_402], %parallel_loop3A_400 {strides = array<i32>} : memref<125x128xf32, #tpu.memory_space<vmem>>, vector<16xf32>,
        %parallel_loop3A_404 = arith.index_cast %parallel_loop3A_363 : i32 to index
        %parallel_loop3A_405 = arith.constant 80 : index
        %parallel_loop3A_406 = tpu.vector_load %arg11[%parallel_loop3A_404, %parallel_loop3A_405] {strides = array<i32>} : memref<125x128xf32, #tpu.memory_space<vmem>>, vector<16xf32>,
        %parallel_loop3A_407 = arith.mulf %parallel_loop3A_406, %parallel_loop3A_368 : vector<16xf32>
        %parallel_loop3A_408 = arith.index_cast %parallel_loop3A_363 : i32 to index
        %parallel_loop3A_409 = arith.constant 80 : index
        %parallel_loop3A_410 = tpu.vector_load %arg11[%parallel_loop3A_408, %parallel_loop3A_409] {strides = array<i32>} : memref<125x128xf32, #tpu.memory_space<vmem>>, vector<16xf32>,
        tpu.vector_store %arg11[%parallel_loop3A_408, %parallel_loop3A_409], %parallel_loop3A_407 {strides = array<i32>} : memref<125x128xf32, #tpu.memory_space<vmem>>, vector<16xf32>,
        %parallel_loop3A_411 = arith.index_cast %parallel_loop3A_363 : i32 to index
        %parallel_loop3A_412 = arith.constant 96 : index
        %parallel_loop3A_413 = tpu.vector_load %arg11[%parallel_loop3A_411, %parallel_loop3A_412] {strides = array<i32>} : memref<125x128xf32, #tpu.memory_space<vmem>>, vector<16xf32>,
        %parallel_loop3A_414 = arith.mulf %parallel_loop3A_413, %parallel_loop3A_368 : vector<16xf32>
        %parallel_loop3A_415 = arith.index_cast %parallel_loop3A_363 : i32 to index
        %parallel_loop3A_416 = arith.constant 96 : index
        %parallel_loop3A_417 = tpu.vector_load %arg11[%parallel_loop3A_415, %parallel_loop3A_416] {strides = array<i32>} : memref<125x128xf32, #tpu.memory_space<vmem>>, vector<16xf32>,
        tpu.vector_store %arg11[%parallel_loop3A_415, %parallel_loop3A_416], %parallel_loop3A_414 {strides = array<i32>} : memref<125x128xf32, #tpu.memory_space<vmem>>, vector<16xf32>,
        %parallel_loop3A_418 = arith.index_cast %parallel_loop3A_363 : i32 to index
        %parallel_loop3A_419 = arith.constant 112 : index
        %parallel_loop3A_420 = tpu.vector_load %arg11[%parallel_loop3A_418, %parallel_loop3A_419] {strides = array<i32>} : memref<125x128xf32, #tpu.memory_space<vmem>>, vector<16xf32>,
        %parallel_loop3A_421 = arith.mulf %parallel_loop3A_420, %parallel_loop3A_368 : vector<16xf32>
        %parallel_loop3A_422 = arith.index_cast %parallel_loop3A_363 : i32 to index
        %parallel_loop3A_423 = arith.constant 112 : index
        %parallel_loop3A_424 = tpu.vector_load %arg11[%parallel_loop3A_422, %parallel_loop3A_423] {strides = array<i32>} : memref<125x128xf32, #tpu.memory_space<vmem>>, vector<16xf32>,
        tpu.vector_store %arg11[%parallel_loop3A_422, %parallel_loop3A_423], %parallel_loop3A_421 {strides = array<i32>} : memref<125x128xf32, #tpu.memory_space<vmem>>, vector<16xf32>,
      } {sc.loop_unroll_factor = 5 : i64, sc.parallel_access}
      %dma_start3A_357 = arith.constant 0 : i32
      %dma_start3A_358 = tpu.memref_slice %arg8[%select_n3A_297, %select_n3A_313, %dma_start3A_357] : memref<2x16x125xi32, #tpu.memory_space<vmem>> -> memref<1x1x125xi32, #tpu.memory_space<vmem>>
      %dma_start3A_359 = tpu.memref_squeeze %dma_start3A_358 : memref<1x1x125xi32, #tpu.memory_space<vmem>> -> memref<125xi32, #tpu.memory_space<vmem>>
      %dma_start3A_360 = arith.constant 0 : i32
      %dma_start3A_361 = arith.constant 0 : i32
      %dma_start3A_362 = tpu.memref_slice %arg13[%dma_start3A_360, %dma_start3A_361] : memref<10240x128xf32, #tpu.memory_space<vmem_shared>> -> memref<10240x128xf32, #tpu.memory_space<vmem_shared>>
      tpu.enqueue_indirect_dma source(%arg11 : memref<125x128xf32, #tpu.memory_space<vmem>>) target(%dma_start3A_362 : memref<10240x128xf32, #tpu.memory_space<vmem_shared>>) offsets(%dma_start3A_359 : memref<125xi32, #tpu.memory_space<vmem>>) semaphore(%arg17 : memref<!tpu.dma_semaphore, #tpu.memory_space<semaphore_mem>>) {add = true}
    }
    %scan3A_144 = arith.constant 40 : i32
    %dma_wait3A_145 = arith.constant 0 : i32
    %dma_wait3A_146 = arith.constant 15 : i32
    %dma_wait3A_147 = arith.constant 0 : i32
    %dma_wait3A_148 = tpu.memref_slice %arg8[%dma_wait3A_145, %dma_wait3A_146, %dma_wait3A_147] : memref<2x16x125xi32, #tpu.memory_space<vmem>> -> memref<1x1x125xi32, #tpu.memory_space<vmem>>
    %dma_wait3A_149 = tpu.memref_squeeze %dma_wait3A_148 : memref<1x1x125xi32, #tpu.memory_space<vmem>> -> memref<125xi32, #tpu.memory_space<vmem>>
    %dma_wait3A_150 = arith.constant 0 : i32
    %dma_wait3A_151 = arith.constant 0 : i32
    %dma_wait3A_152 = tpu.memref_slice %arg13[%dma_wait3A_150, %dma_wait3A_151] : memref<10240x128xf32, #tpu.memory_space<vmem_shared>> -> memref<10240x128xf32, #tpu.memory_space<vmem_shared>>
    tpu.wait_indirect_dma semaphore(%arg17 : memref<!tpu.dma_semaphore, #tpu.memory_space<semaphore_mem>>) src(%arg11 : memref<125x128xf32, #tpu.memory_space<vmem>>) dst(%dma_wait3A_152 : memref<10240x128xf32, #tpu.memory_space<vmem_shared>>)
    %barrier3A_153 = arith.constant 0 : index
    tpu.barrier barrier_id(%barrier3A_153)
    %mul3A_154 = arith.constant 640 : i32
    %mul3A_155 = arith.muli %arg1, %mul3A_154 : i32
    %mul3A_156 = arith.constant 640 : i32
    %mul3A_157 = arith.muli %arg1, %mul3A_156 : i32
    "tpu.region"() ({
      %run_scoped3A = tpu.sem_alloc : memref<!tpu.dma_semaphore, #tpu.memory_space<semaphore_mem>>
      %dma_start3A_158 = arith.constant 0 : i32
      %dma_start3A_159 = arith.constant 0 : i32
      %dma_start3A_160 = tpu.memref_slice %arg6[%arg0, %dma_start3A_158, %dma_start3A_159] : memref<2x10240x128xf32, #tpu.memory_space<hbm>> -> memref<1x10240x128xf32, #tpu.memory_space<hbm>>
      %dma_start3A_161 = tpu.memref_squeeze %dma_start3A_160 : memref<1x10240x128xf32, #tpu.memory_space<hbm>> -> memref<10240x128xf32, #tpu.memory_space<hbm>>
      %dma_start3A_162 = arith.constant 0 : i32
      %dma_start3A_163 = tpu.memref_slice %dma_start3A_161[%mul3A_157, %dma_start3A_162] : memref<10240x128xf32, #tpu.memory_space<hbm>> -> memref<640x128xf32, #tpu.memory_space<hbm>>
      %dma_start3A_164 = arith.constant 0 : i32
      %dma_start3A_165 = tpu.memref_slice %arg13[%mul3A_155, %dma_start3A_164] : memref<10240x128xf32, #tpu.memory_space<vmem_shared>> -> memref<640x128xf32, #tpu.memory_space<vmem_shared>>
      tpu.enqueue_dma source(%dma_start3A_165 : memref<640x128xf32, #tpu.memory_space<vmem_shared>>) target(%dma_start3A_163 : memref<640x128xf32, #tpu.memory_space<hbm>>) target_semaphore(%run_scoped3A : memref<!tpu.dma_semaphore, #tpu.memory_space<semaphore_mem>>)
      %dma_wait3A_166 = arith.constant 0 : i32
      %dma_wait3A_167 = arith.constant 0 : i32
      %dma_wait3A_168 = tpu.memref_slice %arg6[%arg0, %dma_wait3A_166, %dma_wait3A_167] : memref<2x10240x128xf32, #tpu.memory_space<hbm>> -> memref<1x10240x128xf32, #tpu.memory_space<hbm>>
      %dma_wait3A_169 = tpu.memref_squeeze %dma_wait3A_168 : memref<1x10240x128xf32, #tpu.memory_space<hbm>> -> memref<10240x128xf32, #tpu.memory_space<hbm>>
      %dma_wait3A_170 = arith.constant 0 : i32
      %dma_wait3A_171 = tpu.memref_slice %dma_wait3A_169[%mul3A_157, %dma_wait3A_170] : memref<10240x128xf32, #tpu.memory_space<hbm>> -> memref<640x128xf32, #tpu.memory_space<hbm>>
      %dma_wait3A_172 = arith.constant 0 : i32
      %dma_wait3A_173 = tpu.memref_slice %arg13[%mul3A_155, %dma_wait3A_172] : memref<10240x128xf32, #tpu.memory_space<vmem_shared>> -> memref<640x128xf32, #tpu.memory_space<vmem_shared>>
      tpu.wait_dma2 semaphore(%run_scoped3A : memref<!tpu.dma_semaphore, #tpu.memory_space<semaphore_mem>>) src(%dma_wait3A_173 : memref<640x128xf32, #tpu.memory_space<vmem_shared>>) dst(%dma_wait3A_171 : memref<640x128xf32, #tpu.memory_space<hbm>>)
      tpu.yield
    }) : () -> ()
    return
  }
}

#map = affine_map<(d0, d1) -> (0, 0, 0)>
#map1 = affine_map<(d0, d1) -> (0, 0)>
module attributes {stable_mosaic.version = 14 : i64} {
  func.func @_prop_body(%arg0: i32, %arg1: i32, %arg2: memref<32x80x125xi32, #tpu.memory_space<hbm>>, %arg3: memref<32x80x125xi32, #tpu.memory_space<hbm>>, %arg4: memref<160x2000xf32, #tpu.memory_space<hbm>>, %arg5: memref<10240x128xf32, #tpu.memory_space<hbm>>, %arg6: memref<2x10240x128xf32, #tpu.memory_space<hbm>>, %arg7: memref<2x16x125xi32, #tpu.memory_space<vmem>>, %arg8: memref<2x16x125xi32, #tpu.memory_space<vmem>>, %arg9: memref<2x2000xf32, #tpu.memory_space<vmem>>, %arg10: memref<125x128xf32, #tpu.memory_space<vmem>>, %arg11: memref<125x128xf32, #tpu.memory_space<vmem>>, %arg12: memref<16x128xf32, #tpu.memory_space<vmem>>, %arg13: memref<10240x128xf32, #tpu.memory_space<vmem_shared>>, %arg14: memref<!tpu.dma_semaphore, #tpu.memory_space<semaphore_mem>>, %arg15: memref<!tpu.dma_semaphore, #tpu.memory_space<semaphore_mem>>, %arg16: memref<!tpu.dma_semaphore, #tpu.memory_space<semaphore_mem>>, %arg17: memref<!tpu.dma_semaphore, #tpu.memory_space<semaphore_mem>>, %arg18: memref<!tpu.dma_semaphore, #tpu.memory_space<semaphore_mem>>) attributes {dimension_semantics = [#tpu.dimension_semantics<core_parallel>, #tpu.dimension_semantics<subcore_parallel>], iteration_bounds = array<i64: 2, 16>, scalar_prefetch = 0 : i64, scratch_operands = 12 : i64, tpu.core_type = #tpu.core_type<sc_vector_subcore>, window_params = [{transform_indices = #map}, {transform_indices = #map}, {transform_indices = #map1}, {transform_indices = #map1}, {transform_indices = #map}]} {
    %mul3A = arith.constant 16 : i32
    %mul3A_0 = arith.muli %arg0, %mul3A : i32
    %add3A = arith.addi %mul3A_0, %arg1 : i32
    %dma_start3A = arith.constant 0 : i32
    %dma_start3A_1 = arith.constant 0 : i32
    %dma_start3A_2 = arith.constant 0 : i32
    %dma_start3A_3 = tpu.memref_slice %arg7[%dma_start3A, %dma_start3A_1, %dma_start3A_2] : memref<2x16x125xi32, #tpu.memory_space<vmem>> -> memref<1x16x125xi32, #tpu.memory_space<vmem>>
    %dma_start3A_4 = tpu.memref_squeeze %dma_start3A_3 : memref<1x16x125xi32, #tpu.memory_space<vmem>> -> memref<16x125xi32, #tpu.memory_space<vmem>>
    %dma_start3A_5 = arith.constant 0 : i32
    %dma_start3A_6 = arith.constant 0 : i32
    %dma_start3A_7 = tpu.memref_slice %arg2[%add3A, %dma_start3A_5, %dma_start3A_6] : memref<32x80x125xi32, #tpu.memory_space<hbm>> -> memref<1x80x125xi32, #tpu.memory_space<hbm>>
    %dma_start3A_8 = tpu.memref_squeeze %dma_start3A_7 : memref<1x80x125xi32, #tpu.memory_space<hbm>> -> memref<80x125xi32, #tpu.memory_space<hbm>>
    %dma_start3A_9 = arith.constant 0 : i32
    %dma_start3A_10 = arith.constant 0 : i32
    %dma_start3A_11 = tpu.memref_slice %dma_start3A_8[%dma_start3A_9, %dma_start3A_10] : memref<80x125xi32, #tpu.memory_space<hbm>> -> memref<16x125xi32, #tpu.memory_space<hbm>>
    %dma_start3A_12 = arith.constant 0 : i32
    %dma_start3A_13 = arith.constant 0 : i32
    %dma_start3A_14 = tpu.memref_slice %arg7[%dma_start3A, %dma_start3A_12, %dma_start3A_13] : memref<2x16x125xi32, #tpu.memory_space<vmem>> -> memref<1x16x125xi32, #tpu.memory_space<vmem>>
    %dma_start3A_15 = tpu.memref_squeeze %dma_start3A_14 : memref<1x16x125xi32, #tpu.memory_space<vmem>> -> memref<16x125xi32, #tpu.memory_space<vmem>>
    %dma_start3A_16 = arith.constant 0 : i32
    %dma_start3A_17 = arith.constant 0 : i32
    %dma_start3A_18 = tpu.memref_slice %arg2[%add3A, %dma_start3A_16, %dma_start3A_17] : memref<32x80x125xi32, #tpu.memory_space<hbm>> -> memref<1x80x125xi32, #tpu.memory_space<hbm>>
    %dma_start3A_19 = tpu.memref_squeeze %dma_start3A_18 : memref<1x80x125xi32, #tpu.memory_space<hbm>> -> memref<80x125xi32, #tpu.memory_space<hbm>>
    %dma_start3A_20 = arith.constant 0 : i32
    %dma_start3A_21 = arith.constant 0 : i32
    %dma_start3A_22 = tpu.memref_slice %dma_start3A_19[%dma_start3A_20, %dma_start3A_21] : memref<80x125xi32, #tpu.memory_space<hbm>> -> memref<16x125xi32, #tpu.memory_space<hbm>>
    tpu.enqueue_dma source(%dma_start3A_22 : memref<16x125xi32, #tpu.memory_space<hbm>>) target(%dma_start3A_15 : memref<16x125xi32, #tpu.memory_space<vmem>>) target_semaphore(%arg18 : memref<!tpu.dma_semaphore, #tpu.memory_space<semaphore_mem>>)
    %dma_start3A_23 = arith.constant 0 : i32
    %dma_start3A_24 = arith.constant 0 : i32
    %dma_start3A_25 = arith.constant 0 : i32
    %dma_start3A_26 = tpu.memref_slice %arg8[%dma_start3A_23, %dma_start3A_24, %dma_start3A_25] : memref<2x16x125xi32, #tpu.memory_space<vmem>> -> memref<1x16x125xi32, #tpu.memory_space<vmem>>
    %dma_start3A_27 = tpu.memref_squeeze %dma_start3A_26 : memref<1x16x125xi32, #tpu.memory_space<vmem>> -> memref<16x125xi32, #tpu.memory_space<vmem>>
    %dma_start3A_28 = arith.constant 0 : i32
    %dma_start3A_29 = arith.constant 0 : i32
    %dma_start3A_30 = tpu.memref_slice %arg3[%add3A, %dma_start3A_28, %dma_start3A_29] : memref<32x80x125xi32, #tpu.memory_space<hbm>> -> memref<1x80x125xi32, #tpu.memory_space<hbm>>
    %dma_start3A_31 = tpu.memref_squeeze %dma_start3A_30 : memref<1x80x125xi32, #tpu.memory_space<hbm>> -> memref<80x125xi32, #tpu.memory_space<hbm>>
    %dma_start3A_32 = arith.constant 0 : i32
    %dma_start3A_33 = arith.constant 0 : i32
    %dma_start3A_34 = tpu.memref_slice %dma_start3A_31[%dma_start3A_32, %dma_start3A_33] : memref<80x125xi32, #tpu.memory_space<hbm>> -> memref<16x125xi32, #tpu.memory_space<hbm>>
    %dma_start3A_35 = arith.constant 0 : i32
    %dma_start3A_36 = arith.constant 0 : i32
    %dma_start3A_37 = tpu.memref_slice %arg8[%dma_start3A_23, %dma_start3A_35, %dma_start3A_36] : memref<2x16x125xi32, #tpu.memory_space<vmem>> -> memref<1x16x125xi32, #tpu.memory_space<vmem>>
    %dma_start3A_38 = tpu.memref_squeeze %dma_start3A_37 : memref<1x16x125xi32, #tpu.memory_space<vmem>> -> memref<16x125xi32, #tpu.memory_space<vmem>>
    %dma_start3A_39 = arith.constant 0 : i32
    %dma_start3A_40 = arith.constant 0 : i32
    %dma_start3A_41 = tpu.memref_slice %arg3[%add3A, %dma_start3A_39, %dma_start3A_40] : memref<32x80x125xi32, #tpu.memory_space<hbm>> -> memref<1x80x125xi32, #tpu.memory_space<hbm>>
    %dma_start3A_42 = tpu.memref_squeeze %dma_start3A_41 : memref<1x80x125xi32, #tpu.memory_space<hbm>> -> memref<80x125xi32, #tpu.memory_space<hbm>>
    %dma_start3A_43 = arith.constant 0 : i32
    %dma_start3A_44 = arith.constant 0 : i32
    %dma_start3A_45 = tpu.memref_slice %dma_start3A_42[%dma_start3A_43, %dma_start3A_44] : memref<80x125xi32, #tpu.memory_space<hbm>> -> memref<16x125xi32, #tpu.memory_space<hbm>>
    tpu.enqueue_dma source(%dma_start3A_45 : memref<16x125xi32, #tpu.memory_space<hbm>>) target(%dma_start3A_38 : memref<16x125xi32, #tpu.memory_space<vmem>>) target_semaphore(%arg18 : memref<!tpu.dma_semaphore, #tpu.memory_space<semaphore_mem>>)
    %mul3A_46 = arith.constant 5 : i32
    %mul3A_47 = arith.muli %add3A, %mul3A_46 : i32
    %add3A_48 = arith.constant 0 : i32
    %add3A_49 = arith.addi %mul3A_47, %add3A_48 : i32
    %dma_start3A_50 = arith.constant 0 : i32
    %dma_start3A_51 = arith.constant 0 : i32
    %dma_start3A_52 = tpu.memref_slice %arg9[%dma_start3A_50, %dma_start3A_51] : memref<2x2000xf32, #tpu.memory_space<vmem>> -> memref<1x2000xf32, #tpu.memory_space<vmem>>
    %dma_start3A_53 = tpu.memref_squeeze %dma_start3A_52 : memref<1x2000xf32, #tpu.memory_space<vmem>> -> memref<2000xf32, #tpu.memory_space<vmem>>
    %dma_start3A_54 = arith.constant 0 : i32
    %dma_start3A_55 = tpu.memref_slice %arg4[%add3A_49, %dma_start3A_54] : memref<160x2000xf32, #tpu.memory_space<hbm>> -> memref<1x2000xf32, #tpu.memory_space<hbm>>
    %dma_start3A_56 = tpu.memref_squeeze %dma_start3A_55 : memref<1x2000xf32, #tpu.memory_space<hbm>> -> memref<2000xf32, #tpu.memory_space<hbm>>
    %dma_start3A_57 = arith.constant 0 : i32
    %dma_start3A_58 = tpu.memref_slice %arg9[%dma_start3A_50, %dma_start3A_57] : memref<2x2000xf32, #tpu.memory_space<vmem>> -> memref<1x2000xf32, #tpu.memory_space<vmem>>
    %dma_start3A_59 = tpu.memref_squeeze %dma_start3A_58 : memref<1x2000xf32, #tpu.memory_space<vmem>> -> memref<2000xf32, #tpu.memory_space<vmem>>
    %dma_start3A_60 = arith.constant 0 : i32
    %dma_start3A_61 = tpu.memref_slice %arg4[%add3A_49, %dma_start3A_60] : memref<160x2000xf32, #tpu.memory_space<hbm>> -> memref<1x2000xf32, #tpu.memory_space<hbm>>
    %dma_start3A_62 = tpu.memref_squeeze %dma_start3A_61 : memref<1x2000xf32, #tpu.memory_space<hbm>> -> memref<2000xf32, #tpu.memory_space<hbm>>
    tpu.enqueue_dma source(%dma_start3A_62 : memref<2000xf32, #tpu.memory_space<hbm>>) target(%dma_start3A_59 : memref<2000xf32, #tpu.memory_space<vmem>>) target_semaphore(%arg18 : memref<!tpu.dma_semaphore, #tpu.memory_space<semaphore_mem>>)
    %scan3A = arith.constant 0 : i32
    %scan3A_63 = arith.constant 16 : i32
    %scan3A_64 = arith.addi %scan3A, %scan3A_63 : i32
    %scan3A_65 = arith.constant 1 : i32
    scf.for %scan3A_158 = %scan3A to %scan3A_64 step %scan3A_65  : i32 {
      %broadcast_in_dim3A = arith.constant 0.000000e+00 : f32
      %broadcast_in_dim3A_159 = vector.broadcast %broadcast_in_dim3A : f32 to vector<16xf32>
      %swap3A = arith.index_cast %scan3A_158 : i32 to index
      %swap3A_160 = arith.constant 0 : index
      %swap3A_161 = tpu.vector_load %arg12[%swap3A, %swap3A_160] {strides = array<i32>} : memref<16x128xf32, #tpu.memory_space<vmem>>, vector<16xf32>,
      tpu.vector_store %arg12[%swap3A, %swap3A_160], %broadcast_in_dim3A_159 {strides = array<i32>} : memref<16x128xf32, #tpu.memory_space<vmem>>, vector<16xf32>,
      %broadcast_in_dim3A_162 = arith.constant 0.000000e+00 : f32
      %broadcast_in_dim3A_163 = vector.broadcast %broadcast_in_dim3A_162 : f32 to vector<16xf32>
      %swap3A_164 = arith.index_cast %scan3A_158 : i32 to index
      %swap3A_165 = arith.constant 16 : index
      %swap3A_166 = tpu.vector_load %arg12[%swap3A_164, %swap3A_165] {strides = array<i32>} : memref<16x128xf32, #tpu.memory_space<vmem>>, vector<16xf32>,
      tpu.vector_store %arg12[%swap3A_164, %swap3A_165], %broadcast_in_dim3A_163 {strides = array<i32>} : memref<16x128xf32, #tpu.memory_space<vmem>>, vector<16xf32>,
      %broadcast_in_dim3A_167 = arith.constant 0.000000e+00 : f32
      %broadcast_in_dim3A_168 = vector.broadcast %broadcast_in_dim3A_167 : f32 to vector<16xf32>
      %swap3A_169 = arith.index_cast %scan3A_158 : i32 to index
      %swap3A_170 = arith.constant 32 : index
      %swap3A_171 = tpu.vector_load %arg12[%swap3A_169, %swap3A_170] {strides = array<i32>} : memref<16x128xf32, #tpu.memory_space<vmem>>, vector<16xf32>,
      tpu.vector_store %arg12[%swap3A_169, %swap3A_170], %broadcast_in_dim3A_168 {strides = array<i32>} : memref<16x128xf32, #tpu.memory_space<vmem>>, vector<16xf32>,
      %broadcast_in_dim3A_172 = arith.constant 0.000000e+00 : f32
      %broadcast_in_dim3A_173 = vector.broadcast %broadcast_in_dim3A_172 : f32 to vector<16xf32>
      %swap3A_174 = arith.index_cast %scan3A_158 : i32 to index
      %swap3A_175 = arith.constant 48 : index
      %swap3A_176 = tpu.vector_load %arg12[%swap3A_174, %swap3A_175] {strides = array<i32>} : memref<16x128xf32, #tpu.memory_space<vmem>>, vector<16xf32>,
      tpu.vector_store %arg12[%swap3A_174, %swap3A_175], %broadcast_in_dim3A_173 {strides = array<i32>} : memref<16x128xf32, #tpu.memory_space<vmem>>, vector<16xf32>,
      %broadcast_in_dim3A_177 = arith.constant 0.000000e+00 : f32
      %broadcast_in_dim3A_178 = vector.broadcast %broadcast_in_dim3A_177 : f32 to vector<16xf32>
      %swap3A_179 = arith.index_cast %scan3A_158 : i32 to index
      %swap3A_180 = arith.constant 64 : index
      %swap3A_181 = tpu.vector_load %arg12[%swap3A_179, %swap3A_180] {strides = array<i32>} : memref<16x128xf32, #tpu.memory_space<vmem>>, vector<16xf32>,
      tpu.vector_store %arg12[%swap3A_179, %swap3A_180], %broadcast_in_dim3A_178 {strides = array<i32>} : memref<16x128xf32, #tpu.memory_space<vmem>>, vector<16xf32>,
      %broadcast_in_dim3A_182 = arith.constant 0.000000e+00 : f32
      %broadcast_in_dim3A_183 = vector.broadcast %broadcast_in_dim3A_182 : f32 to vector<16xf32>
      %swap3A_184 = arith.index_cast %scan3A_158 : i32 to index
      %swap3A_185 = arith.constant 80 : index
      %swap3A_186 = tpu.vector_load %arg12[%swap3A_184, %swap3A_185] {strides = array<i32>} : memref<16x128xf32, #tpu.memory_space<vmem>>, vector<16xf32>,
      tpu.vector_store %arg12[%swap3A_184, %swap3A_185], %broadcast_in_dim3A_183 {strides = array<i32>} : memref<16x128xf32, #tpu.memory_space<vmem>>, vector<16xf32>,
      %broadcast_in_dim3A_187 = arith.constant 0.000000e+00 : f32
      %broadcast_in_dim3A_188 = vector.broadcast %broadcast_in_dim3A_187 : f32 to vector<16xf32>
      %swap3A_189 = arith.index_cast %scan3A_158 : i32 to index
      %swap3A_190 = arith.constant 96 : index
      %swap3A_191 = tpu.vector_load %arg12[%swap3A_189, %swap3A_190] {strides = array<i32>} : memref<16x128xf32, #tpu.memory_space<vmem>>, vector<16xf32>,
      tpu.vector_store %arg12[%swap3A_189, %swap3A_190], %broadcast_in_dim3A_188 {strides = array<i32>} : memref<16x128xf32, #tpu.memory_space<vmem>>, vector<16xf32>,
      %broadcast_in_dim3A_192 = arith.constant 0.000000e+00 : f32
      %broadcast_in_dim3A_193 = vector.broadcast %broadcast_in_dim3A_192 : f32 to vector<16xf32>
      %swap3A_194 = arith.index_cast %scan3A_158 : i32 to index
      %swap3A_195 = arith.constant 112 : index
      %swap3A_196 = tpu.vector_load %arg12[%swap3A_194, %swap3A_195] {strides = array<i32>} : memref<16x128xf32, #tpu.memory_space<vmem>>, vector<16xf32>,
      tpu.vector_store %arg12[%swap3A_194, %swap3A_195], %broadcast_in_dim3A_193 {strides = array<i32>} : memref<16x128xf32, #tpu.memory_space<vmem>>, vector<16xf32>,
    }
    %scan3A_66 = arith.constant 16 : i32
    %dma_wait3A = arith.constant 0 : i32
    %dma_wait3A_67 = arith.constant 0 : i32
    %dma_wait3A_68 = arith.constant 0 : i32
    %dma_wait3A_69 = tpu.memref_slice %arg7[%dma_wait3A, %dma_wait3A_67, %dma_wait3A_68] : memref<2x16x125xi32, #tpu.memory_space<vmem>> -> memref<1x16x125xi32, #tpu.memory_space<vmem>>
    %dma_wait3A_70 = tpu.memref_squeeze %dma_wait3A_69 : memref<1x16x125xi32, #tpu.memory_space<vmem>> -> memref<16x125xi32, #tpu.memory_space<vmem>>
    %dma_wait3A_71 = arith.constant 0 : i32
    %dma_wait3A_72 = arith.constant 0 : i32
    %dma_wait3A_73 = tpu.memref_slice %arg2[%add3A, %dma_wait3A_71, %dma_wait3A_72] : memref<32x80x125xi32, #tpu.memory_space<hbm>> -> memref<1x80x125xi32, #tpu.memory_space<hbm>>
    %dma_wait3A_74 = tpu.memref_squeeze %dma_wait3A_73 : memref<1x80x125xi32, #tpu.memory_space<hbm>> -> memref<80x125xi32, #tpu.memory_space<hbm>>
    %dma_wait3A_75 = arith.constant 0 : i32
    %dma_wait3A_76 = arith.constant 0 : i32
    %dma_wait3A_77 = tpu.memref_slice %dma_wait3A_74[%dma_wait3A_75, %dma_wait3A_76] : memref<80x125xi32, #tpu.memory_space<hbm>> -> memref<16x125xi32, #tpu.memory_space<hbm>>
    %dma_wait3A_78 = arith.constant 0 : i32
    %dma_wait3A_79 = arith.constant 0 : i32
    %dma_wait3A_80 = tpu.memref_slice %arg7[%dma_wait3A, %dma_wait3A_78, %dma_wait3A_79] : memref<2x16x125xi32, #tpu.memory_space<vmem>> -> memref<1x16x125xi32, #tpu.memory_space<vmem>>
    %dma_wait3A_81 = tpu.memref_squeeze %dma_wait3A_80 : memref<1x16x125xi32, #tpu.memory_space<vmem>> -> memref<16x125xi32, #tpu.memory_space<vmem>>
    %dma_wait3A_82 = arith.constant 0 : i32
    %dma_wait3A_83 = arith.constant 0 : i32
    %dma_wait3A_84 = tpu.memref_slice %arg2[%add3A, %dma_wait3A_82, %dma_wait3A_83] : memref<32x80x125xi32, #tpu.memory_space<hbm>> -> memref<1x80x125xi32, #tpu.memory_space<hbm>>
    %dma_wait3A_85 = tpu.memref_squeeze %dma_wait3A_84 : memref<1x80x125xi32, #tpu.memory_space<hbm>> -> memref<80x125xi32, #tpu.memory_space<hbm>>
    %dma_wait3A_86 = arith.constant 0 : i32
    %dma_wait3A_87 = arith.constant 0 : i32
    %dma_wait3A_88 = tpu.memref_slice %dma_wait3A_85[%dma_wait3A_86, %dma_wait3A_87] : memref<80x125xi32, #tpu.memory_space<hbm>> -> memref<16x125xi32, #tpu.memory_space<hbm>>
    tpu.wait_dma2 semaphore(%arg18 : memref<!tpu.dma_semaphore, #tpu.memory_space<semaphore_mem>>) src(%dma_wait3A_88 : memref<16x125xi32, #tpu.memory_space<hbm>>) dst(%dma_wait3A_81 : memref<16x125xi32, #tpu.memory_space<vmem>>)
    %dma_wait3A_89 = arith.constant 0 : i32
    %dma_wait3A_90 = arith.constant 0 : i32
    %dma_wait3A_91 = arith.constant 0 : i32
    %dma_wait3A_92 = tpu.memref_slice %arg8[%dma_wait3A_89, %dma_wait3A_90, %dma_wait3A_91] : memref<2x16x125xi32, #tpu.memory_space<vmem>> -> memref<1x16x125xi32, #tpu.memory_space<vmem>>
    %dma_wait3A_93 = tpu.memref_squeeze %dma_wait3A_92 : memref<1x16x125xi32, #tpu.memory_space<vmem>> -> memref<16x125xi32, #tpu.memory_space<vmem>>
    %dma_wait3A_94 = arith.constant 0 : i32
    %dma_wait3A_95 = arith.constant 0 : i32
    %dma_wait3A_96 = tpu.memref_slice %arg3[%add3A, %dma_wait3A_94, %dma_wait3A_95] : memref<32x80x125xi32, #tpu.memory_space<hbm>> -> memref<1x80x125xi32, #tpu.memory_space<hbm>>
    %dma_wait3A_97 = tpu.memref_squeeze %dma_wait3A_96 : memref<1x80x125xi32, #tpu.memory_space<hbm>> -> memref<80x125xi32, #tpu.memory_space<hbm>>
    %dma_wait3A_98 = arith.constant 0 : i32
    %dma_wait3A_99 = arith.constant 0 : i32
    %dma_wait3A_100 = tpu.memref_slice %dma_wait3A_97[%dma_wait3A_98, %dma_wait3A_99] : memref<80x125xi32, #tpu.memory_space<hbm>> -> memref<16x125xi32, #tpu.memory_space<hbm>>
    %dma_wait3A_101 = arith.constant 0 : i32
    %dma_wait3A_102 = arith.constant 0 : i32
    %dma_wait3A_103 = tpu.memref_slice %arg8[%dma_wait3A_89, %dma_wait3A_101, %dma_wait3A_102] : memref<2x16x125xi32, #tpu.memory_space<vmem>> -> memref<1x16x125xi32, #tpu.memory_space<vmem>>
    %dma_wait3A_104 = tpu.memref_squeeze %dma_wait3A_103 : memref<1x16x125xi32, #tpu.memory_space<vmem>> -> memref<16x125xi32, #tpu.memory_space<vmem>>
    %dma_wait3A_105 = arith.constant 0 : i32
    %dma_wait3A_106 = arith.constant 0 : i32
    %dma_wait3A_107 = tpu.memref_slice %arg3[%add3A, %dma_wait3A_105, %dma_wait3A_106] : memref<32x80x125xi32, #tpu.memory_space<hbm>> -> memref<1x80x125xi32, #tpu.memory_space<hbm>>
    %dma_wait3A_108 = tpu.memref_squeeze %dma_wait3A_107 : memref<1x80x125xi32, #tpu.memory_space<hbm>> -> memref<80x125xi32, #tpu.memory_space<hbm>>
    %dma_wait3A_109 = arith.constant 0 : i32
    %dma_wait3A_110 = arith.constant 0 : i32
    %dma_wait3A_111 = tpu.memref_slice %dma_wait3A_108[%dma_wait3A_109, %dma_wait3A_110] : memref<80x125xi32, #tpu.memory_space<hbm>> -> memref<16x125xi32, #tpu.memory_space<hbm>>
    tpu.wait_dma2 semaphore(%arg18 : memref<!tpu.dma_semaphore, #tpu.memory_space<semaphore_mem>>) src(%dma_wait3A_111 : memref<16x125xi32, #tpu.memory_space<hbm>>) dst(%dma_wait3A_104 : memref<16x125xi32, #tpu.memory_space<vmem>>)
    %mul3A_112 = arith.constant 5 : i32
    %mul3A_113 = arith.muli %add3A, %mul3A_112 : i32
    %dma_wait3A_114 = arith.constant 0 : i32
    %dma_wait3A_115 = arith.constant 0 : i32
    %dma_wait3A_116 = tpu.memref_slice %arg9[%dma_wait3A_114, %dma_wait3A_115] : memref<2x2000xf32, #tpu.memory_space<vmem>> -> memref<1x2000xf32, #tpu.memory_space<vmem>>
    %dma_wait3A_117 = tpu.memref_squeeze %dma_wait3A_116 : memref<1x2000xf32, #tpu.memory_space<vmem>> -> memref<2000xf32, #tpu.memory_space<vmem>>
    %dma_wait3A_118 = arith.constant 0 : i32
    %dma_wait3A_119 = tpu.memref_slice %arg4[%mul3A_113, %dma_wait3A_118] : memref<160x2000xf32, #tpu.memory_space<hbm>> -> memref<1x2000xf32, #tpu.memory_space<hbm>>
    %dma_wait3A_120 = tpu.memref_squeeze %dma_wait3A_119 : memref<1x2000xf32, #tpu.memory_space<hbm>> -> memref<2000xf32, #tpu.memory_space<hbm>>
    %dma_wait3A_121 = arith.constant 0 : i32
    %dma_wait3A_122 = tpu.memref_slice %arg9[%dma_wait3A_114, %dma_wait3A_121] : memref<2x2000xf32, #tpu.memory_space<vmem>> -> memref<1x2000xf32, #tpu.memory_space<vmem>>
    %dma_wait3A_123 = tpu.memref_squeeze %dma_wait3A_122 : memref<1x2000xf32, #tpu.memory_space<vmem>> -> memref<2000xf32, #tpu.memory_space<vmem>>
    %dma_wait3A_124 = arith.constant 0 : i32
    %dma_wait3A_125 = tpu.memref_slice %arg4[%mul3A_113, %dma_wait3A_124] : memref<160x2000xf32, #tpu.memory_space<hbm>> -> memref<1x2000xf32, #tpu.memory_space<hbm>>
    %dma_wait3A_126 = tpu.memref_squeeze %dma_wait3A_125 : memref<1x2000xf32, #tpu.memory_space<hbm>> -> memref<2000xf32, #tpu.memory_space<hbm>>
    tpu.wait_dma2 semaphore(%arg18 : memref<!tpu.dma_semaphore, #tpu.memory_space<semaphore_mem>>) src(%dma_wait3A_126 : memref<2000xf32, #tpu.memory_space<hbm>>) dst(%dma_wait3A_123 : memref<2000xf32, #tpu.memory_space<vmem>>)
    %dma_start3A_127 = arith.constant 0 : i32
    %dma_start3A_128 = arith.constant 0 : i32
    %dma_start3A_129 = arith.constant 0 : i32
    %dma_start3A_130 = tpu.memref_slice %arg7[%dma_start3A_127, %dma_start3A_128, %dma_start3A_129] : memref<2x16x125xi32, #tpu.memory_space<vmem>> -> memref<1x1x125xi32, #tpu.memory_space<vmem>>
    %dma_start3A_131 = tpu.memref_squeeze %dma_start3A_130 : memref<1x1x125xi32, #tpu.memory_space<vmem>> -> memref<125xi32, #tpu.memory_space<vmem>>
    %dma_start3A_132 = arith.constant 0 : i32
    %dma_start3A_133 = arith.constant 0 : i32
    %dma_start3A_134 = tpu.memref_slice %arg5[%dma_start3A_132, %dma_start3A_133] : memref<10240x128xf32, #tpu.memory_space<hbm>> -> memref<10240x128xf32, #tpu.memory_space<hbm>>
    tpu.enqueue_indirect_dma source(%dma_start3A_134 : memref<10240x128xf32, #tpu.memory_space<hbm>>) target(%arg10 : memref<125x128xf32, #tpu.memory_space<vmem>>) offsets(%dma_start3A_131 : memref<125xi32, #tpu.memory_space<vmem>>) semaphore(%arg14 : memref<!tpu.dma_semaphore, #tpu.memory_space<semaphore_mem>>)
    %scan3A_135 = arith.constant 0 : i32
    %scan3A_136 = arith.constant 40 : i32
    %scan3A_137 = arith.addi %scan3A_135, %scan3A_136 : i32
    %scan3A_138 = arith.constant 1 : i32
    scf.for %scan3A_158 = %scan3A_135 to %scan3A_137 step %scan3A_138  : i32 {
      %mul3A_159 = arith.constant 640 : i32
      %mul3A_160 = arith.muli %arg1, %mul3A_159 : i32
      %mul3A_161 = arith.constant 16 : i32
      %mul3A_162 = arith.muli %scan3A_158, %mul3A_161 : i32
      %add3A_163 = arith.addi %mul3A_160, %mul3A_162 : i32
      "tpu.region"() ({
        %run_scoped3A = tpu.sem_alloc : memref<!tpu.dma_semaphore, #tpu.memory_space<semaphore_mem>>
        %dma_start3A_164 = arith.constant 0 : i32
        %dma_start3A_165 = tpu.memref_slice %arg13[%add3A_163, %dma_start3A_164] : memref<10240x128xf32, #tpu.memory_space<vmem_shared>> -> memref<16x128xf32, #tpu.memory_space<vmem_shared>>
        %dma_start3A_166 = arith.constant 0 : i32
        %dma_start3A_167 = tpu.memref_slice %arg13[%add3A_163, %dma_start3A_166] : memref<10240x128xf32, #tpu.memory_space<vmem_shared>> -> memref<16x128xf32, #tpu.memory_space<vmem_shared>>
        tpu.enqueue_dma source(%arg12 : memref<16x128xf32, #tpu.memory_space<vmem>>) target(%dma_start3A_167 : memref<16x128xf32, #tpu.memory_space<vmem_shared>>) target_semaphore(%run_scoped3A : memref<!tpu.dma_semaphore, #tpu.memory_space<semaphore_mem>>)
        %dma_wait3A_168 = arith.constant 0 : i32
        %dma_wait3A_169 = tpu.memref_slice %arg13[%add3A_163, %dma_wait3A_168] : memref<10240x128xf32, #tpu.memory_space<vmem_shared>> -> memref<16x128xf32, #tpu.memory_space<vmem_shared>>
        %dma_wait3A_170 = arith.constant 0 : i32
        %dma_wait3A_171 = tpu.memref_slice %arg13[%add3A_163, %dma_wait3A_170] : memref<10240x128xf32, #tpu.memory_space<vmem_shared>> -> memref<16x128xf32, #tpu.memory_space<vmem_shared>>
        tpu.wait_dma2 semaphore(%run_scoped3A : memref<!tpu.dma_semaphore, #tpu.memory_space<semaphore_mem>>) src(%arg12 : memref<16x128xf32, #tpu.memory_space<vmem>>) dst(%dma_wait3A_171 : memref<16x128xf32, #tpu.memory_space<vmem_shared>>)
        tpu.yield
      }) : () -> ()
    }
    %scan3A_139 = arith.constant 40 : i32
    %barrier3A = arith.constant 0 : index
    tpu.barrier barrier_id(%barrier3A)
    %scan3A_140 = arith.constant 0 : i32
    %scan3A_141 = arith.constant 40 : i32
    %scan3A_142 = arith.addi %scan3A_140, %scan3A_141 : i32
    %scan3A_143 = arith.constant 1 : i32
    scf.for %scan3A_158 = %scan3A_140 to %scan3A_142 step %scan3A_143  : i32 {
      %mul3A_159 = arith.constant 2 : i32
      %mul3A_160 = arith.muli %mul3A_159, %scan3A_158 : i32
      %add3A_161 = arith.constant 0 : i32
      %add3A_162 = arith.addi %mul3A_160, %add3A_161 : i32
      %jit3A = arith.constant 16 : i32
      %div3A = arith.divsi %add3A_162, %jit3A : i32
      %sign3A = arith.constant 0 : i32
      %sign3A_163 = arith.cmpi sgt, %add3A_162, %sign3A : i32
      %sign3A_164 = arith.extui %sign3A_163 : i1 to i32
      %sign3A_165 = arith.constant 0 : i32
      %sign3A_166 = arith.cmpi slt, %add3A_162, %sign3A_165 : i32
      %sign3A_167 = arith.extui %sign3A_166 : i1 to i32
      %sign3A_168 = arith.subi %sign3A_164, %sign3A_167 : i32
      %sign3A_169 = arith.constant 0 : i32
      %sign3A_170 = arith.cmpi sgt, %jit3A, %sign3A_169 : i32
      %sign3A_171 = arith.extui %sign3A_170 : i1 to i32
      %sign3A_172 = arith.constant 0 : i32
      %sign3A_173 = arith.cmpi slt, %jit3A, %sign3A_172 : i32
      %sign3A_174 = arith.extui %sign3A_173 : i1 to i32
      %sign3A_175 = arith.subi %sign3A_171, %sign3A_174 : i32
      %ne3A = arith.cmpi ne, %sign3A_168, %sign3A_175 : i32
      %rem3A = arith.remsi %add3A_162, %jit3A : i32
      %ne3A_176 = arith.constant 0 : i32
      %ne3A_177 = arith.cmpi ne, %rem3A, %ne3A_176 : i32
      %and3A = arith.andi %ne3A, %ne3A_177 : i1
      %sub3A = arith.constant 1 : i32
      %sub3A_178 = arith.subi %div3A, %sub3A : i32
      %select_n3A = arith.select %and3A, %sub3A_178, %div3A : i32
      %jit3A_179 = arith.constant 2 : i32
      %eq3A = arith.constant 0 : i32
      %eq3A_180 = arith.cmpi eq, %jit3A_179, %eq3A : i32
      %jit3A_181 = arith.constant 1 : i32
      %select_n3A_182 = arith.select %eq3A_180, %jit3A_181, %jit3A_179 : i32
      %rem3A_183 = arith.remsi %select_n3A, %select_n3A_182 : i32
      %ne3A_184 = arith.constant 0 : i32
      %ne3A_185 = arith.cmpi ne, %rem3A_183, %ne3A_184 : i32
      %lt3A = arith.constant 0 : i32
      %lt3A_186 = arith.cmpi slt, %rem3A_183, %lt3A : i32
      %lt3A_187 = arith.constant 0 : i32
      %lt3A_188 = arith.cmpi slt, %select_n3A_182, %lt3A_187 : i32
      %ne3A_189 = arith.xori %lt3A_186, %lt3A_188 : i1
      %and3A_190 = arith.andi %ne3A_189, %ne3A_185 : i1
      %add3A_191 = arith.addi %rem3A_183, %select_n3A_182 : i32
      %select_n3A_192 = arith.select %and3A_190, %add3A_191, %rem3A_183 : i32
      %jit3A_193 = arith.constant 16 : i32
      %eq3A_194 = arith.constant 0 : i32
      %eq3A_195 = arith.cmpi eq, %jit3A_193, %eq3A_194 : i32
      %jit3A_196 = arith.constant 1 : i32
      %select_n3A_197 = arith.select %eq3A_195, %jit3A_196, %jit3A_193 : i32
      %rem3A_198 = arith.remsi %add3A_162, %select_n3A_197 : i32
      %ne3A_199 = arith.constant 0 : i32
      %ne3A_200 = arith.cmpi ne, %rem3A_198, %ne3A_199 : i32
      %lt3A_201 = arith.constant 0 : i32
      %lt3A_202 = arith.cmpi slt, %rem3A_198, %lt3A_201 : i32
      %lt3A_203 = arith.constant 0 : i32
      %lt3A_204 = arith.cmpi slt, %select_n3A_197, %lt3A_203 : i32
      %ne3A_205 = arith.xori %lt3A_202, %lt3A_204 : i1
      %and3A_206 = arith.andi %ne3A_205, %ne3A_200 : i1
      %add3A_207 = arith.addi %rem3A_198, %select_n3A_197 : i32
      %select_n3A_208 = arith.select %and3A_206, %add3A_207, %rem3A_198 : i32
      %ge3A = arith.constant 1 : i32
      %ge3A_209 = arith.cmpi sge, %add3A_162, %ge3A : i32
      %convert_element_type3A = arith.extui %ge3A_209 : i1 to i32
      %cond3A = arith.constant 0 : i32
      %cond3A_210 = arith.cmpi ne, %convert_element_type3A, %cond3A : i32
      scf.if %cond3A_210 {
        %dma_wait3A_363 = arith.constant 0 : i32
        %dma_wait3A_364 = tpu.memref_slice %arg8[%select_n3A_192, %select_n3A_208, %dma_wait3A_363] : memref<2x16x125xi32, #tpu.memory_space<vmem>> -> memref<1x1x125xi32, #tpu.memory_space<vmem>>
        %dma_wait3A_365 = tpu.memref_squeeze %dma_wait3A_364 : memref<1x1x125xi32, #tpu.memory_space<vmem>> -> memref<125xi32, #tpu.memory_space<vmem>>
        %dma_wait3A_366 = arith.constant 0 : i32
        %dma_wait3A_367 = arith.constant 0 : i32
        %dma_wait3A_368 = tpu.memref_slice %arg13[%dma_wait3A_366, %dma_wait3A_367] : memref<10240x128xf32, #tpu.memory_space<vmem_shared>> -> memref<10240x128xf32, #tpu.memory_space<vmem_shared>>
        tpu.wait_indirect_dma semaphore(%arg17 : memref<!tpu.dma_semaphore, #tpu.memory_space<semaphore_mem>>) src(%arg11 : memref<125x128xf32, #tpu.memory_space<vmem>>) dst(%dma_wait3A_368 : memref<10240x128xf32, #tpu.memory_space<vmem_shared>>)
      } else {
      }
      %eq3A_211 = arith.constant 0 : i32
      %eq3A_212 = arith.cmpi eq, %select_n3A_208, %eq3A_211 : i32
      %add3A_213 = arith.constant 16 : i32
      %add3A_214 = arith.addi %add3A_162, %add3A_213 : i32
      %lt3A_215 = arith.constant 80 : i32
      %lt3A_216 = arith.cmpi slt, %add3A_214, %lt3A_215 : i32
      %and3A_217 = arith.andi %eq3A_212, %lt3A_216 : i1
      %convert_element_type3A_218 = arith.extui %and3A_217 : i1 to i32
      %cond3A_219 = arith.constant 0 : i32
      %cond3A_220 = arith.cmpi ne, %convert_element_type3A_218, %cond3A_219 : i32
      scf.if %cond3A_220 {
        %jit3A_363 = arith.constant 16 : i32
        %div3A_364 = arith.divsi %add3A_162, %jit3A_363 : i32
        %sign3A_365 = arith.constant 0 : i32
        %sign3A_366 = arith.cmpi sgt, %add3A_162, %sign3A_365 : i32
        %sign3A_367 = arith.extui %sign3A_366 : i1 to i32
        %sign3A_368 = arith.constant 0 : i32
        %sign3A_369 = arith.cmpi slt, %add3A_162, %sign3A_368 : i32
        %sign3A_370 = arith.extui %sign3A_369 : i1 to i32
        %sign3A_371 = arith.subi %sign3A_367, %sign3A_370 : i32
        %sign3A_372 = arith.constant 0 : i32
        %sign3A_373 = arith.cmpi sgt, %jit3A_363, %sign3A_372 : i32
        %sign3A_374 = arith.extui %sign3A_373 : i1 to i32
        %sign3A_375 = arith.constant 0 : i32
        %sign3A_376 = arith.cmpi slt, %jit3A_363, %sign3A_375 : i32
        %sign3A_377 = arith.extui %sign3A_376 : i1 to i32
        %sign3A_378 = arith.subi %sign3A_374, %sign3A_377 : i32
        %ne3A_379 = arith.cmpi ne, %sign3A_371, %sign3A_378 : i32
        %rem3A_380 = arith.remsi %add3A_162, %jit3A_363 : i32
        %ne3A_381 = arith.constant 0 : i32
        %ne3A_382 = arith.cmpi ne, %rem3A_380, %ne3A_381 : i32
        %and3A_383 = arith.andi %ne3A_379, %ne3A_382 : i1
        %sub3A_384 = arith.constant 1 : i32
        %sub3A_385 = arith.subi %div3A_364, %sub3A_384 : i32
        %select_n3A_386 = arith.select %and3A_383, %sub3A_385, %div3A_364 : i32
        %add3A_387 = arith.constant 1 : i32
        %add3A_388 = arith.addi %select_n3A_386, %add3A_387 : i32
        %sub3A_389 = arith.constant 1 : i32
        %sub3A_390 = arith.subi %sub3A_389, %select_n3A_192 : i32
        %mul3A_391 = arith.constant 16 : i32
        %mul3A_392 = arith.muli %add3A_388, %mul3A_391 : i32
        %dma_start3A_393 = arith.constant 0 : i32
        %dma_start3A_394 = arith.constant 0 : i32
        %dma_start3A_395 = tpu.memref_slice %arg7[%sub3A_390, %dma_start3A_393, %dma_start3A_394] : memref<2x16x125xi32, #tpu.memory_space<vmem>> -> memref<1x16x125xi32, #tpu.memory_space<vmem>>
        %dma_start3A_396 = tpu.memref_squeeze %dma_start3A_395 : memref<1x16x125xi32, #tpu.memory_space<vmem>> -> memref<16x125xi32, #tpu.memory_space<vmem>>
        %dma_start3A_397 = arith.constant 0 : i32
        %dma_start3A_398 = arith.constant 0 : i32
        %dma_start3A_399 = tpu.memref_slice %arg2[%add3A, %dma_start3A_397, %dma_start3A_398] : memref<32x80x125xi32, #tpu.memory_space<hbm>> -> memref<1x80x125xi32, #tpu.memory_space<hbm>>
        %dma_start3A_400 = tpu.memref_squeeze %dma_start3A_399 : memref<1x80x125xi32, #tpu.memory_space<hbm>> -> memref<80x125xi32, #tpu.memory_space<hbm>>
        %dma_start3A_401 = arith.constant 0 : i32
        %dma_start3A_402 = tpu.memref_slice %dma_start3A_400[%mul3A_392, %dma_start3A_401] : memref<80x125xi32, #tpu.memory_space<hbm>> -> memref<16x125xi32, #tpu.memory_space<hbm>>
        %dma_start3A_403 = arith.constant 0 : i32
        %dma_start3A_404 = arith.constant 0 : i32
        %dma_start3A_405 = tpu.memref_slice %arg7[%sub3A_390, %dma_start3A_403, %dma_start3A_404] : memref<2x16x125xi32, #tpu.memory_space<vmem>> -> memref<1x16x125xi32, #tpu.memory_space<vmem>>
        %dma_start3A_406 = tpu.memref_squeeze %dma_start3A_405 : memref<1x16x125xi32, #tpu.memory_space<vmem>> -> memref<16x125xi32, #tpu.memory_space<vmem>>
        %dma_start3A_407 = arith.constant 0 : i32
        %dma_start3A_408 = arith.constant 0 : i32
        %dma_start3A_409 = tpu.memref_slice %arg2[%add3A, %dma_start3A_407, %dma_start3A_408] : memref<32x80x125xi32, #tpu.memory_space<hbm>> -> memref<1x80x125xi32, #tpu.memory_space<hbm>>
        %dma_start3A_410 = tpu.memref_squeeze %dma_start3A_409 : memref<1x80x125xi32, #tpu.memory_space<hbm>> -> memref<80x125xi32, #tpu.memory_space<hbm>>
        %dma_start3A_411 = arith.constant 0 : i32
        %dma_start3A_412 = tpu.memref_slice %dma_start3A_410[%mul3A_392, %dma_start3A_411] : memref<80x125xi32, #tpu.memory_space<hbm>> -> memref<16x125xi32, #tpu.memory_space<hbm>>
        tpu.enqueue_dma source(%dma_start3A_412 : memref<16x125xi32, #tpu.memory_space<hbm>>) target(%dma_start3A_406 : memref<16x125xi32, #tpu.memory_space<vmem>>) target_semaphore(%arg18 : memref<!tpu.dma_semaphore, #tpu.memory_space<semaphore_mem>>)
        %mul3A_413 = arith.constant 16 : i32
        %mul3A_414 = arith.muli %add3A_388, %mul3A_413 : i32
        %dma_start3A_415 = arith.constant 0 : i32
        %dma_start3A_416 = arith.constant 0 : i32
        %dma_start3A_417 = tpu.memref_slice %arg8[%sub3A_390, %dma_start3A_415, %dma_start3A_416] : memref<2x16x125xi32, #tpu.memory_space<vmem>> -> memref<1x16x125xi32, #tpu.memory_space<vmem>>
        %dma_start3A_418 = tpu.memref_squeeze %dma_start3A_417 : memref<1x16x125xi32, #tpu.memory_space<vmem>> -> memref<16x125xi32, #tpu.memory_space<vmem>>
        %dma_start3A_419 = arith.constant 0 : i32
        %dma_start3A_420 = arith.constant 0 : i32
        %dma_start3A_421 = tpu.memref_slice %arg3[%add3A, %dma_start3A_419, %dma_start3A_420] : memref<32x80x125xi32, #tpu.memory_space<hbm>> -> memref<1x80x125xi32, #tpu.memory_space<hbm>>
        %dma_start3A_422 = tpu.memref_squeeze %dma_start3A_421 : memref<1x80x125xi32, #tpu.memory_space<hbm>> -> memref<80x125xi32, #tpu.memory_space<hbm>>
        %dma_start3A_423 = arith.constant 0 : i32
        %dma_start3A_424 = tpu.memref_slice %dma_start3A_422[%mul3A_414, %dma_start3A_423] : memref<80x125xi32, #tpu.memory_space<hbm>> -> memref<16x125xi32, #tpu.memory_space<hbm>>
        %dma_start3A_425 = arith.constant 0 : i32
        %dma_start3A_426 = arith.constant 0 : i32
        %dma_start3A_427 = tpu.memref_slice %arg8[%sub3A_390, %dma_start3A_425, %dma_start3A_426] : memref<2x16x125xi32, #tpu.memory_space<vmem>> -> memref<1x16x125xi32, #tpu.memory_space<vmem>>
        %dma_start3A_428 = tpu.memref_squeeze %dma_start3A_427 : memref<1x16x125xi32, #tpu.memory_space<vmem>> -> memref<16x125xi32, #tpu.memory_space<vmem>>
        %dma_start3A_429 = arith.constant 0 : i32
        %dma_start3A_430 = arith.constant 0 : i32
        %dma_start3A_431 = tpu.memref_slice %arg3[%add3A, %dma_start3A_429, %dma_start3A_430] : memref<32x80x125xi32, #tpu.memory_space<hbm>> -> memref<1x80x125xi32, #tpu.memory_space<hbm>>
        %dma_start3A_432 = tpu.memref_squeeze %dma_start3A_431 : memref<1x80x125xi32, #tpu.memory_space<hbm>> -> memref<80x125xi32, #tpu.memory_space<hbm>>
        %dma_start3A_433 = arith.constant 0 : i32
        %dma_start3A_434 = tpu.memref_slice %dma_start3A_432[%mul3A_414, %dma_start3A_433] : memref<80x125xi32, #tpu.memory_space<hbm>> -> memref<16x125xi32, #tpu.memory_space<hbm>>
        tpu.enqueue_dma source(%dma_start3A_434 : memref<16x125xi32, #tpu.memory_space<hbm>>) target(%dma_start3A_428 : memref<16x125xi32, #tpu.memory_space<vmem>>) target_semaphore(%arg18 : memref<!tpu.dma_semaphore, #tpu.memory_space<semaphore_mem>>)
        %mul3A_435 = arith.constant 5 : i32
        %mul3A_436 = arith.muli %add3A, %mul3A_435 : i32
        %add3A_437 = arith.addi %mul3A_436, %add3A_388 : i32
        %dma_start3A_438 = arith.constant 0 : i32
        %dma_start3A_439 = tpu.memref_slice %arg9[%sub3A_390, %dma_start3A_438] : memref<2x2000xf32, #tpu.memory_space<vmem>> -> memref<1x2000xf32, #tpu.memory_space<vmem>>
        %dma_start3A_440 = tpu.memref_squeeze %dma_start3A_439 : memref<1x2000xf32, #tpu.memory_space<vmem>> -> memref<2000xf32, #tpu.memory_space<vmem>>
        %dma_start3A_441 = arith.constant 0 : i32
        %dma_start3A_442 = tpu.memref_slice %arg4[%add3A_437, %dma_start3A_441] : memref<160x2000xf32, #tpu.memory_space<hbm>> -> memref<1x2000xf32, #tpu.memory_space<hbm>>
        %dma_start3A_443 = tpu.memref_squeeze %dma_start3A_442 : memref<1x2000xf32, #tpu.memory_space<hbm>> -> memref<2000xf32, #tpu.memory_space<hbm>>
        %dma_start3A_444 = arith.constant 0 : i32
        %dma_start3A_445 = tpu.memref_slice %arg9[%sub3A_390, %dma_start3A_444] : memref<2x2000xf32, #tpu.memory_space<vmem>> -> memref<1x2000xf32, #tpu.memory_space<vmem>>
        %dma_start3A_446 = tpu.memref_squeeze %dma_start3A_445 : memref<1x2000xf32, #tpu.memory_space<vmem>> -> memref<2000xf32, #tpu.memory_space<vmem>>
        %dma_start3A_447 = arith.constant 0 : i32
        %dma_start3A_448 = tpu.memref_slice %arg4[%add3A_437, %dma_start3A_447] : memref<160x2000xf32, #tpu.memory_space<hbm>> -> memref<1x2000xf32, #tpu.memory_space<hbm>>
        %dma_start3A_449 = tpu.memref_squeeze %dma_start3A_448 : memref<1x2000xf32, #tpu.memory_space<hbm>> -> memref<2000xf32, #tpu.memory_space<hbm>>
        tpu.enqueue_dma source(%dma_start3A_449 : memref<2000xf32, #tpu.memory_space<hbm>>) target(%dma_start3A_446 : memref<2000xf32, #tpu.memory_space<vmem>>) target_semaphore(%arg18 : memref<!tpu.dma_semaphore, #tpu.memory_space<semaphore_mem>>)
      } else {
      }
      %eq3A_221 = arith.constant 15 : i32
      %eq3A_222 = arith.cmpi eq, %select_n3A_208, %eq3A_221 : i32
      %add3A_223 = arith.constant 1 : i32
      %add3A_224 = arith.addi %add3A_162, %add3A_223 : i32
      %lt3A_225 = arith.constant 80 : i32
      %lt3A_226 = arith.cmpi slt, %add3A_224, %lt3A_225 : i32
      %and3A_227 = arith.andi %eq3A_222, %lt3A_226 : i1
      %convert_element_type3A_228 = arith.extui %and3A_227 : i1 to i32
      %cond3A_229 = arith.constant 0 : i32
      %cond3A_230 = arith.cmpi ne, %convert_element_type3A_228, %cond3A_229 : i32
      scf.if %cond3A_230 {
        %sub3A_363 = arith.constant 1 : i32
        %sub3A_364 = arith.subi %sub3A_363, %select_n3A_192 : i32
        %dma_wait3A_365 = arith.constant 0 : i32
        %dma_wait3A_366 = arith.constant 0 : i32
        %dma_wait3A_367 = tpu.memref_slice %arg7[%sub3A_364, %dma_wait3A_365, %dma_wait3A_366] : memref<2x16x125xi32, #tpu.memory_space<vmem>> -> memref<1x16x125xi32, #tpu.memory_space<vmem>>
        %dma_wait3A_368 = tpu.memref_squeeze %dma_wait3A_367 : memref<1x16x125xi32, #tpu.memory_space<vmem>> -> memref<16x125xi32, #tpu.memory_space<vmem>>
        %dma_wait3A_369 = arith.constant 0 : i32
        %dma_wait3A_370 = arith.constant 0 : i32
        %dma_wait3A_371 = tpu.memref_slice %arg2[%add3A, %dma_wait3A_369, %dma_wait3A_370] : memref<32x80x125xi32, #tpu.memory_space<hbm>> -> memref<1x80x125xi32, #tpu.memory_space<hbm>>
        %dma_wait3A_372 = tpu.memref_squeeze %dma_wait3A_371 : memref<1x80x125xi32, #tpu.memory_space<hbm>> -> memref<80x125xi32, #tpu.memory_space<hbm>>
        %dma_wait3A_373 = arith.constant 0 : i32
        %dma_wait3A_374 = arith.constant 0 : i32
        %dma_wait3A_375 = tpu.memref_slice %dma_wait3A_372[%dma_wait3A_373, %dma_wait3A_374] : memref<80x125xi32, #tpu.memory_space<hbm>> -> memref<16x125xi32, #tpu.memory_space<hbm>>
        %dma_wait3A_376 = arith.constant 0 : i32
        %dma_wait3A_377 = arith.constant 0 : i32
        %dma_wait3A_378 = tpu.memref_slice %arg7[%sub3A_364, %dma_wait3A_376, %dma_wait3A_377] : memref<2x16x125xi32, #tpu.memory_space<vmem>> -> memref<1x16x125xi32, #tpu.memory_space<vmem>>
        %dma_wait3A_379 = tpu.memref_squeeze %dma_wait3A_378 : memref<1x16x125xi32, #tpu.memory_space<vmem>> -> memref<16x125xi32, #tpu.memory_space<vmem>>
        %dma_wait3A_380 = arith.constant 0 : i32
        %dma_wait3A_381 = arith.constant 0 : i32
        %dma_wait3A_382 = tpu.memref_slice %arg2[%add3A, %dma_wait3A_380, %dma_wait3A_381] : memref<32x80x125xi32, #tpu.memory_space<hbm>> -> memref<1x80x125xi32, #tpu.memory_space<hbm>>
        %dma_wait3A_383 = tpu.memref_squeeze %dma_wait3A_382 : memref<1x80x125xi32, #tpu.memory_space<hbm>> -> memref<80x125xi32, #tpu.memory_space<hbm>>
        %dma_wait3A_384 = arith.constant 0 : i32
        %dma_wait3A_385 = arith.constant 0 : i32
        %dma_wait3A_386 = tpu.memref_slice %dma_wait3A_383[%dma_wait3A_384, %dma_wait3A_385] : memref<80x125xi32, #tpu.memory_space<hbm>> -> memref<16x125xi32, #tpu.memory_space<hbm>>
        tpu.wait_dma2 semaphore(%arg18 : memref<!tpu.dma_semaphore, #tpu.memory_space<semaphore_mem>>) src(%dma_wait3A_386 : memref<16x125xi32, #tpu.memory_space<hbm>>) dst(%dma_wait3A_379 : memref<16x125xi32, #tpu.memory_space<vmem>>)
        %dma_wait3A_387 = arith.constant 0 : i32
        %dma_wait3A_388 = arith.constant 0 : i32
        %dma_wait3A_389 = tpu.memref_slice %arg8[%sub3A_364, %dma_wait3A_387, %dma_wait3A_388] : memref<2x16x125xi32, #tpu.memory_space<vmem>> -> memref<1x16x125xi32, #tpu.memory_space<vmem>>
        %dma_wait3A_390 = tpu.memref_squeeze %dma_wait3A_389 : memref<1x16x125xi32, #tpu.memory_space<vmem>> -> memref<16x125xi32, #tpu.memory_space<vmem>>
        %dma_wait3A_391 = arith.constant 0 : i32
        %dma_wait3A_392 = arith.constant 0 : i32
        %dma_wait3A_393 = tpu.memref_slice %arg3[%add3A, %dma_wait3A_391, %dma_wait3A_392] : memref<32x80x125xi32, #tpu.memory_space<hbm>> -> memref<1x80x125xi32, #tpu.memory_space<hbm>>
        %dma_wait3A_394 = tpu.memref_squeeze %dma_wait3A_393 : memref<1x80x125xi32, #tpu.memory_space<hbm>> -> memref<80x125xi32, #tpu.memory_space<hbm>>
        %dma_wait3A_395 = arith.constant 0 : i32
        %dma_wait3A_396 = arith.constant 0 : i32
        %dma_wait3A_397 = tpu.memref_slice %dma_wait3A_394[%dma_wait3A_395, %dma_wait3A_396] : memref<80x125xi32, #tpu.memory_space<hbm>> -> memref<16x125xi32, #tpu.memory_space<hbm>>
        %dma_wait3A_398 = arith.constant 0 : i32
        %dma_wait3A_399 = arith.constant 0 : i32
        %dma_wait3A_400 = tpu.memref_slice %arg8[%sub3A_364, %dma_wait3A_398, %dma_wait3A_399] : memref<2x16x125xi32, #tpu.memory_space<vmem>> -> memref<1x16x125xi32, #tpu.memory_space<vmem>>
        %dma_wait3A_401 = tpu.memref_squeeze %dma_wait3A_400 : memref<1x16x125xi32, #tpu.memory_space<vmem>> -> memref<16x125xi32, #tpu.memory_space<vmem>>
        %dma_wait3A_402 = arith.constant 0 : i32
        %dma_wait3A_403 = arith.constant 0 : i32
        %dma_wait3A_404 = tpu.memref_slice %arg3[%add3A, %dma_wait3A_402, %dma_wait3A_403] : memref<32x80x125xi32, #tpu.memory_space<hbm>> -> memref<1x80x125xi32, #tpu.memory_space<hbm>>
        %dma_wait3A_405 = tpu.memref_squeeze %dma_wait3A_404 : memref<1x80x125xi32, #tpu.memory_space<hbm>> -> memref<80x125xi32, #tpu.memory_space<hbm>>
        %dma_wait3A_406 = arith.constant 0 : i32
        %dma_wait3A_407 = arith.constant 0 : i32
        %dma_wait3A_408 = tpu.memref_slice %dma_wait3A_405[%dma_wait3A_406, %dma_wait3A_407] : memref<80x125xi32, #tpu.memory_space<hbm>> -> memref<16x125xi32, #tpu.memory_space<hbm>>
        tpu.wait_dma2 semaphore(%arg18 : memref<!tpu.dma_semaphore, #tpu.memory_space<semaphore_mem>>) src(%dma_wait3A_408 : memref<16x125xi32, #tpu.memory_space<hbm>>) dst(%dma_wait3A_401 : memref<16x125xi32, #tpu.memory_space<vmem>>)
        %mul3A_409 = arith.constant 5 : i32
        %mul3A_410 = arith.muli %add3A, %mul3A_409 : i32
        %dma_wait3A_411 = arith.constant 0 : i32
        %dma_wait3A_412 = tpu.memref_slice %arg9[%sub3A_364, %dma_wait3A_411] : memref<2x2000xf32, #tpu.memory_space<vmem>> -> memref<1x2000xf32, #tpu.memory_space<vmem>>
        %dma_wait3A_413 = tpu.memref_squeeze %dma_wait3A_412 : memref<1x2000xf32, #tpu.memory_space<vmem>> -> memref<2000xf32, #tpu.memory_space<vmem>>
        %dma_wait3A_414 = arith.constant 0 : i32
        %dma_wait3A_415 = tpu.memref_slice %arg4[%mul3A_410, %dma_wait3A_414] : memref<160x2000xf32, #tpu.memory_space<hbm>> -> memref<1x2000xf32, #tpu.memory_space<hbm>>
        %dma_wait3A_416 = tpu.memref_squeeze %dma_wait3A_415 : memref<1x2000xf32, #tpu.memory_space<hbm>> -> memref<2000xf32, #tpu.memory_space<hbm>>
        %dma_wait3A_417 = arith.constant 0 : i32
        %dma_wait3A_418 = tpu.memref_slice %arg9[%sub3A_364, %dma_wait3A_417] : memref<2x2000xf32, #tpu.memory_space<vmem>> -> memref<1x2000xf32, #tpu.memory_space<vmem>>
        %dma_wait3A_419 = tpu.memref_squeeze %dma_wait3A_418 : memref<1x2000xf32, #tpu.memory_space<vmem>> -> memref<2000xf32, #tpu.memory_space<vmem>>
        %dma_wait3A_420 = arith.constant 0 : i32
        %dma_wait3A_421 = tpu.memref_slice %arg4[%mul3A_410, %dma_wait3A_420] : memref<160x2000xf32, #tpu.memory_space<hbm>> -> memref<1x2000xf32, #tpu.memory_space<hbm>>
        %dma_wait3A_422 = tpu.memref_squeeze %dma_wait3A_421 : memref<1x2000xf32, #tpu.memory_space<hbm>> -> memref<2000xf32, #tpu.memory_space<hbm>>
        tpu.wait_dma2 semaphore(%arg18 : memref<!tpu.dma_semaphore, #tpu.memory_space<semaphore_mem>>) src(%dma_wait3A_422 : memref<2000xf32, #tpu.memory_space<hbm>>) dst(%dma_wait3A_419 : memref<2000xf32, #tpu.memory_space<vmem>>)
      } else {
      }
      %add3A_231 = arith.constant 1 : i32
      %add3A_232 = arith.addi %add3A_162, %add3A_231 : i32
      %lt3A_233 = arith.constant 80 : i32
      %lt3A_234 = arith.cmpi slt, %add3A_232, %lt3A_233 : i32
      %convert_element_type3A_235 = arith.extui %lt3A_234 : i1 to i32
      %cond3A_236 = arith.constant 0 : i32
      %cond3A_237 = arith.cmpi ne, %convert_element_type3A_235, %cond3A_236 : i32
      scf.if %cond3A_237 {
        %add3A_363 = arith.constant 1 : i32
        %add3A_364 = arith.addi %add3A_162, %add3A_363 : i32
        %jit3A_365 = arith.constant 16 : i32
        %div3A_366 = arith.divsi %add3A_364, %jit3A_365 : i32
        %sign3A_367 = arith.constant 0 : i32
        %sign3A_368 = arith.cmpi sgt, %add3A_364, %sign3A_367 : i32
        %sign3A_369 = arith.extui %sign3A_368 : i1 to i32
        %sign3A_370 = arith.constant 0 : i32
        %sign3A_371 = arith.cmpi slt, %add3A_364, %sign3A_370 : i32
        %sign3A_372 = arith.extui %sign3A_371 : i1 to i32
        %sign3A_373 = arith.subi %sign3A_369, %sign3A_372 : i32
        %sign3A_374 = arith.constant 0 : i32
        %sign3A_375 = arith.cmpi sgt, %jit3A_365, %sign3A_374 : i32
        %sign3A_376 = arith.extui %sign3A_375 : i1 to i32
        %sign3A_377 = arith.constant 0 : i32
        %sign3A_378 = arith.cmpi slt, %jit3A_365, %sign3A_377 : i32
        %sign3A_379 = arith.extui %sign3A_378 : i1 to i32
        %sign3A_380 = arith.subi %sign3A_376, %sign3A_379 : i32
        %ne3A_381 = arith.cmpi ne, %sign3A_373, %sign3A_380 : i32
        %rem3A_382 = arith.remsi %add3A_364, %jit3A_365 : i32
        %ne3A_383 = arith.constant 0 : i32
        %ne3A_384 = arith.cmpi ne, %rem3A_382, %ne3A_383 : i32
        %and3A_385 = arith.andi %ne3A_381, %ne3A_384 : i1
        %sub3A_386 = arith.constant 1 : i32
        %sub3A_387 = arith.subi %div3A_366, %sub3A_386 : i32
        %select_n3A_388 = arith.select %and3A_385, %sub3A_387, %div3A_366 : i32
        %jit3A_389 = arith.constant 2 : i32
        %eq3A_390 = arith.constant 0 : i32
        %eq3A_391 = arith.cmpi eq, %jit3A_389, %eq3A_390 : i32
        %jit3A_392 = arith.constant 1 : i32
        %select_n3A_393 = arith.select %eq3A_391, %jit3A_392, %jit3A_389 : i32
        %rem3A_394 = arith.remsi %select_n3A_388, %select_n3A_393 : i32
        %ne3A_395 = arith.constant 0 : i32
        %ne3A_396 = arith.cmpi ne, %rem3A_394, %ne3A_395 : i32
        %lt3A_397 = arith.constant 0 : i32
        %lt3A_398 = arith.cmpi slt, %rem3A_394, %lt3A_397 : i32
        %lt3A_399 = arith.constant 0 : i32
        %lt3A_400 = arith.cmpi slt, %select_n3A_393, %lt3A_399 : i32
        %ne3A_401 = arith.xori %lt3A_398, %lt3A_400 : i1
        %and3A_402 = arith.andi %ne3A_401, %ne3A_396 : i1
        %add3A_403 = arith.addi %rem3A_394, %select_n3A_393 : i32
        %select_n3A_404 = arith.select %and3A_402, %add3A_403, %rem3A_394 : i32
        %jit3A_405 = arith.constant 16 : i32
        %eq3A_406 = arith.constant 0 : i32
        %eq3A_407 = arith.cmpi eq, %jit3A_405, %eq3A_406 : i32
        %jit3A_408 = arith.constant 1 : i32
        %select_n3A_409 = arith.select %eq3A_407, %jit3A_408, %jit3A_405 : i32
        %rem3A_410 = arith.remsi %add3A_364, %select_n3A_409 : i32
        %ne3A_411 = arith.constant 0 : i32
        %ne3A_412 = arith.cmpi ne, %rem3A_410, %ne3A_411 : i32
        %lt3A_413 = arith.constant 0 : i32
        %lt3A_414 = arith.cmpi slt, %rem3A_410, %lt3A_413 : i32
        %lt3A_415 = arith.constant 0 : i32
        %lt3A_416 = arith.cmpi slt, %select_n3A_409, %lt3A_415 : i32
        %ne3A_417 = arith.xori %lt3A_414, %lt3A_416 : i1
        %and3A_418 = arith.andi %ne3A_417, %ne3A_412 : i1
        %add3A_419 = arith.addi %rem3A_410, %select_n3A_409 : i32
        %select_n3A_420 = arith.select %and3A_418, %add3A_419, %rem3A_410 : i32
        %dma_start3A_421 = arith.constant 0 : i32
        %dma_start3A_422 = tpu.memref_slice %arg7[%select_n3A_404, %select_n3A_420, %dma_start3A_421] : memref<2x16x125xi32, #tpu.memory_space<vmem>> -> memref<1x1x125xi32, #tpu.memory_space<vmem>>
        %dma_start3A_423 = tpu.memref_squeeze %dma_start3A_422 : memref<1x1x125xi32, #tpu.memory_space<vmem>> -> memref<125xi32, #tpu.memory_space<vmem>>
        %dma_start3A_424 = arith.constant 0 : i32
        %dma_start3A_425 = arith.constant 0 : i32
        %dma_start3A_426 = tpu.memref_slice %arg5[%dma_start3A_424, %dma_start3A_425] : memref<10240x128xf32, #tpu.memory_space<hbm>> -> memref<10240x128xf32, #tpu.memory_space<hbm>>
        tpu.enqueue_indirect_dma source(%dma_start3A_426 : memref<10240x128xf32, #tpu.memory_space<hbm>>) target(%arg11 : memref<125x128xf32, #tpu.memory_space<vmem>>) offsets(%dma_start3A_423 : memref<125xi32, #tpu.memory_space<vmem>>) semaphore(%arg15 : memref<!tpu.dma_semaphore, #tpu.memory_space<semaphore_mem>>)
      } else {
      }
      %dma_wait3A_238 = arith.constant 0 : i32
      %dma_wait3A_239 = tpu.memref_slice %arg7[%select_n3A_192, %select_n3A_208, %dma_wait3A_238] : memref<2x16x125xi32, #tpu.memory_space<vmem>> -> memref<1x1x125xi32, #tpu.memory_space<vmem>>
      %dma_wait3A_240 = tpu.memref_squeeze %dma_wait3A_239 : memref<1x1x125xi32, #tpu.memory_space<vmem>> -> memref<125xi32, #tpu.memory_space<vmem>>
      %dma_wait3A_241 = arith.constant 0 : i32
      %dma_wait3A_242 = arith.constant 0 : i32
      %dma_wait3A_243 = tpu.memref_slice %arg5[%dma_wait3A_241, %dma_wait3A_242] : memref<10240x128xf32, #tpu.memory_space<hbm>> -> memref<10240x128xf32, #tpu.memory_space<hbm>>
      tpu.wait_indirect_dma semaphore(%arg14 : memref<!tpu.dma_semaphore, #tpu.memory_space<semaphore_mem>>) src(%dma_wait3A_243 : memref<10240x128xf32, #tpu.memory_space<hbm>>) dst(%arg10 : memref<125x128xf32, #tpu.memory_space<vmem>>)
      %mul3A_244 = arith.constant 125 : i32
      %mul3A_245 = arith.muli %select_n3A_208, %mul3A_244 : i32
      %parallel_loop3A = arith.constant 0 : i32
      %parallel_loop3A_246 = arith.constant 125 : i32
      %parallel_loop3A_247 = arith.constant 1 : i32
      scf.for %parallel_loop3A_363 = %parallel_loop3A to %parallel_loop3A_246 step %parallel_loop3A_247  : i32 {
        %parallel_loop3A_364 = vector.broadcast %select_n3A_192 : i32 to vector<16xi32>
        %parallel_loop3A_365 = vector.broadcast %mul3A_245 : i32 to vector<16xi32>
        %parallel_loop3A_366 = vector.broadcast %parallel_loop3A_363 : i32 to vector<16xi32>
        %parallel_loop3A_367 = arith.addi %parallel_loop3A_365, %parallel_loop3A_366 : vector<16xi32>
        %parallel_loop3A_368 = tpu.vector_load_idx %arg9[%parallel_loop3A_364, %parallel_loop3A_367] : memref<2x2000xf32, #tpu.memory_space<vmem>>[vector<16xi32>, vector<16xi32>], vector<16xf32>,
        %parallel_loop3A_369 = arith.index_cast %parallel_loop3A_363 : i32 to index
        %parallel_loop3A_370 = arith.constant 0 : index
        %parallel_loop3A_371 = tpu.vector_load %arg10[%parallel_loop3A_369, %parallel_loop3A_370] {strides = array<i32>} : memref<125x128xf32, #tpu.memory_space<vmem>>, vector<16xf32>,
        %parallel_loop3A_372 = arith.mulf %parallel_loop3A_371, %parallel_loop3A_368 : vector<16xf32>
        %parallel_loop3A_373 = arith.index_cast %parallel_loop3A_363 : i32 to index
        %parallel_loop3A_374 = arith.constant 0 : index
        %parallel_loop3A_375 = tpu.vector_load %arg10[%parallel_loop3A_373, %parallel_loop3A_374] {strides = array<i32>} : memref<125x128xf32, #tpu.memory_space<vmem>>, vector<16xf32>,
        tpu.vector_store %arg10[%parallel_loop3A_373, %parallel_loop3A_374], %parallel_loop3A_372 {strides = array<i32>} : memref<125x128xf32, #tpu.memory_space<vmem>>, vector<16xf32>,
        %parallel_loop3A_376 = arith.index_cast %parallel_loop3A_363 : i32 to index
        %parallel_loop3A_377 = arith.constant 16 : index
        %parallel_loop3A_378 = tpu.vector_load %arg10[%parallel_loop3A_376, %parallel_loop3A_377] {strides = array<i32>} : memref<125x128xf32, #tpu.memory_space<vmem>>, vector<16xf32>,
        %parallel_loop3A_379 = arith.mulf %parallel_loop3A_378, %parallel_loop3A_368 : vector<16xf32>
        %parallel_loop3A_380 = arith.index_cast %parallel_loop3A_363 : i32 to index
        %parallel_loop3A_381 = arith.constant 16 : index
        %parallel_loop3A_382 = tpu.vector_load %arg10[%parallel_loop3A_380, %parallel_loop3A_381] {strides = array<i32>} : memref<125x128xf32, #tpu.memory_space<vmem>>, vector<16xf32>,
        tpu.vector_store %arg10[%parallel_loop3A_380, %parallel_loop3A_381], %parallel_loop3A_379 {strides = array<i32>} : memref<125x128xf32, #tpu.memory_space<vmem>>, vector<16xf32>,
        %parallel_loop3A_383 = arith.index_cast %parallel_loop3A_363 : i32 to index
        %parallel_loop3A_384 = arith.constant 32 : index
        %parallel_loop3A_385 = tpu.vector_load %arg10[%parallel_loop3A_383, %parallel_loop3A_384] {strides = array<i32>} : memref<125x128xf32, #tpu.memory_space<vmem>>, vector<16xf32>,
        %parallel_loop3A_386 = arith.mulf %parallel_loop3A_385, %parallel_loop3A_368 : vector<16xf32>
        %parallel_loop3A_387 = arith.index_cast %parallel_loop3A_363 : i32 to index
        %parallel_loop3A_388 = arith.constant 32 : index
        %parallel_loop3A_389 = tpu.vector_load %arg10[%parallel_loop3A_387, %parallel_loop3A_388] {strides = array<i32>} : memref<125x128xf32, #tpu.memory_space<vmem>>, vector<16xf32>,
        tpu.vector_store %arg10[%parallel_loop3A_387, %parallel_loop3A_388], %parallel_loop3A_386 {strides = array<i32>} : memref<125x128xf32, #tpu.memory_space<vmem>>, vector<16xf32>,
        %parallel_loop3A_390 = arith.index_cast %parallel_loop3A_363 : i32 to index
        %parallel_loop3A_391 = arith.constant 48 : index
        %parallel_loop3A_392 = tpu.vector_load %arg10[%parallel_loop3A_390, %parallel_loop3A_391] {strides = array<i32>} : memref<125x128xf32, #tpu.memory_space<vmem>>, vector<16xf32>,
        %parallel_loop3A_393 = arith.mulf %parallel_loop3A_392, %parallel_loop3A_368 : vector<16xf32>
        %parallel_loop3A_394 = arith.index_cast %parallel_loop3A_363 : i32 to index
        %parallel_loop3A_395 = arith.constant 48 : index
        %parallel_loop3A_396 = tpu.vector_load %arg10[%parallel_loop3A_394, %parallel_loop3A_395] {strides = array<i32>} : memref<125x128xf32, #tpu.memory_space<vmem>>, vector<16xf32>,
        tpu.vector_store %arg10[%parallel_loop3A_394, %parallel_loop3A_395], %parallel_loop3A_393 {strides = array<i32>} : memref<125x128xf32, #tpu.memory_space<vmem>>, vector<16xf32>,
        %parallel_loop3A_397 = arith.index_cast %parallel_loop3A_363 : i32 to index
        %parallel_loop3A_398 = arith.constant 64 : index
        %parallel_loop3A_399 = tpu.vector_load %arg10[%parallel_loop3A_397, %parallel_loop3A_398] {strides = array<i32>} : memref<125x128xf32, #tpu.memory_space<vmem>>, vector<16xf32>,
        %parallel_loop3A_400 = arith.mulf %parallel_loop3A_399, %parallel_loop3A_368 : vector<16xf32>
        %parallel_loop3A_401 = arith.index_cast %parallel_loop3A_363 : i32 to index
        %parallel_loop3A_402 = arith.constant 64 : index
        %parallel_loop3A_403 = tpu.vector_load %arg10[%parallel_loop3A_401, %parallel_loop3A_402] {strides = array<i32>} : memref<125x128xf32, #tpu.memory_space<vmem>>, vector<16xf32>,
        tpu.vector_store %arg10[%parallel_loop3A_401, %parallel_loop3A_402], %parallel_loop3A_400 {strides = array<i32>} : memref<125x128xf32, #tpu.memory_space<vmem>>, vector<16xf32>,
        %parallel_loop3A_404 = arith.index_cast %parallel_loop3A_363 : i32 to index
        %parallel_loop3A_405 = arith.constant 80 : index
        %parallel_loop3A_406 = tpu.vector_load %arg10[%parallel_loop3A_404, %parallel_loop3A_405] {strides = array<i32>} : memref<125x128xf32, #tpu.memory_space<vmem>>, vector<16xf32>,
        %parallel_loop3A_407 = arith.mulf %parallel_loop3A_406, %parallel_loop3A_368 : vector<16xf32>
        %parallel_loop3A_408 = arith.index_cast %parallel_loop3A_363 : i32 to index
        %parallel_loop3A_409 = arith.constant 80 : index
        %parallel_loop3A_410 = tpu.vector_load %arg10[%parallel_loop3A_408, %parallel_loop3A_409] {strides = array<i32>} : memref<125x128xf32, #tpu.memory_space<vmem>>, vector<16xf32>,
        tpu.vector_store %arg10[%parallel_loop3A_408, %parallel_loop3A_409], %parallel_loop3A_407 {strides = array<i32>} : memref<125x128xf32, #tpu.memory_space<vmem>>, vector<16xf32>,
        %parallel_loop3A_411 = arith.index_cast %parallel_loop3A_363 : i32 to index
        %parallel_loop3A_412 = arith.constant 96 : index
        %parallel_loop3A_413 = tpu.vector_load %arg10[%parallel_loop3A_411, %parallel_loop3A_412] {strides = array<i32>} : memref<125x128xf32, #tpu.memory_space<vmem>>, vector<16xf32>,
        %parallel_loop3A_414 = arith.mulf %parallel_loop3A_413, %parallel_loop3A_368 : vector<16xf32>
        %parallel_loop3A_415 = arith.index_cast %parallel_loop3A_363 : i32 to index
        %parallel_loop3A_416 = arith.constant 96 : index
        %parallel_loop3A_417 = tpu.vector_load %arg10[%parallel_loop3A_415, %parallel_loop3A_416] {strides = array<i32>} : memref<125x128xf32, #tpu.memory_space<vmem>>, vector<16xf32>,
        tpu.vector_store %arg10[%parallel_loop3A_415, %parallel_loop3A_416], %parallel_loop3A_414 {strides = array<i32>} : memref<125x128xf32, #tpu.memory_space<vmem>>, vector<16xf32>,
        %parallel_loop3A_418 = arith.index_cast %parallel_loop3A_363 : i32 to index
        %parallel_loop3A_419 = arith.constant 112 : index
        %parallel_loop3A_420 = tpu.vector_load %arg10[%parallel_loop3A_418, %parallel_loop3A_419] {strides = array<i32>} : memref<125x128xf32, #tpu.memory_space<vmem>>, vector<16xf32>,
        %parallel_loop3A_421 = arith.mulf %parallel_loop3A_420, %parallel_loop3A_368 : vector<16xf32>
        %parallel_loop3A_422 = arith.index_cast %parallel_loop3A_363 : i32 to index
        %parallel_loop3A_423 = arith.constant 112 : index
        %parallel_loop3A_424 = tpu.vector_load %arg10[%parallel_loop3A_422, %parallel_loop3A_423] {strides = array<i32>} : memref<125x128xf32, #tpu.memory_space<vmem>>, vector<16xf32>,
        tpu.vector_store %arg10[%parallel_loop3A_422, %parallel_loop3A_423], %parallel_loop3A_421 {strides = array<i32>} : memref<125x128xf32, #tpu.memory_space<vmem>>, vector<16xf32>,
      } {sc.loop_unroll_factor = 5 : i64, sc.parallel_access}
      %dma_start3A_248 = arith.constant 0 : i32
      %dma_start3A_249 = tpu.memref_slice %arg8[%select_n3A_192, %select_n3A_208, %dma_start3A_248] : memref<2x16x125xi32, #tpu.memory_space<vmem>> -> memref<1x1x125xi32, #tpu.memory_space<vmem>>
      %dma_start3A_250 = tpu.memref_squeeze %dma_start3A_249 : memref<1x1x125xi32, #tpu.memory_space<vmem>> -> memref<125xi32, #tpu.memory_space<vmem>>
      %dma_start3A_251 = arith.constant 0 : i32
      %dma_start3A_252 = arith.constant 0 : i32
      %dma_start3A_253 = tpu.memref_slice %arg13[%dma_start3A_251, %dma_start3A_252] : memref<10240x128xf32, #tpu.memory_space<vmem_shared>> -> memref<10240x128xf32, #tpu.memory_space<vmem_shared>>
      tpu.enqueue_indirect_dma source(%arg10 : memref<125x128xf32, #tpu.memory_space<vmem>>) target(%dma_start3A_253 : memref<10240x128xf32, #tpu.memory_space<vmem_shared>>) offsets(%dma_start3A_250 : memref<125xi32, #tpu.memory_space<vmem>>) semaphore(%arg16 : memref<!tpu.dma_semaphore, #tpu.memory_space<semaphore_mem>>) {add = true}
      %mul3A_254 = arith.constant 2 : i32
      %mul3A_255 = arith.muli %mul3A_254, %scan3A_158 : i32
      %add3A_256 = arith.constant 1 : i32
      %add3A_257 = arith.addi %mul3A_255, %add3A_256 : i32
      %jit3A_258 = arith.constant 16 : i32
      %div3A_259 = arith.divsi %add3A_257, %jit3A_258 : i32
      %sign3A_260 = arith.constant 0 : i32
      %sign3A_261 = arith.cmpi sgt, %add3A_257, %sign3A_260 : i32
      %sign3A_262 = arith.extui %sign3A_261 : i1 to i32
      %sign3A_263 = arith.constant 0 : i32
      %sign3A_264 = arith.cmpi slt, %add3A_257, %sign3A_263 : i32
      %sign3A_265 = arith.extui %sign3A_264 : i1 to i32
      %sign3A_266 = arith.subi %sign3A_262, %sign3A_265 : i32
      %sign3A_267 = arith.constant 0 : i32
      %sign3A_268 = arith.cmpi sgt, %jit3A_258, %sign3A_267 : i32
      %sign3A_269 = arith.extui %sign3A_268 : i1 to i32
      %sign3A_270 = arith.constant 0 : i32
      %sign3A_271 = arith.cmpi slt, %jit3A_258, %sign3A_270 : i32
      %sign3A_272 = arith.extui %sign3A_271 : i1 to i32
      %sign3A_273 = arith.subi %sign3A_269, %sign3A_272 : i32
      %ne3A_274 = arith.cmpi ne, %sign3A_266, %sign3A_273 : i32
      %rem3A_275 = arith.remsi %add3A_257, %jit3A_258 : i32
      %ne3A_276 = arith.constant 0 : i32
      %ne3A_277 = arith.cmpi ne, %rem3A_275, %ne3A_276 : i32
      %and3A_278 = arith.andi %ne3A_274, %ne3A_277 : i1
      %sub3A_279 = arith.constant 1 : i32
      %sub3A_280 = arith.subi %div3A_259, %sub3A_279 : i32
      %select_n3A_281 = arith.select %and3A_278, %sub3A_280, %div3A_259 : i32
      %jit3A_282 = arith.constant 2 : i32
      %eq3A_283 = arith.constant 0 : i32
      %eq3A_284 = arith.cmpi eq, %jit3A_282, %eq3A_283 : i32
      %jit3A_285 = arith.constant 1 : i32
      %select_n3A_286 = arith.select %eq3A_284, %jit3A_285, %jit3A_282 : i32
      %rem3A_287 = arith.remsi %select_n3A_281, %select_n3A_286 : i32
      %ne3A_288 = arith.constant 0 : i32
      %ne3A_289 = arith.cmpi ne, %rem3A_287, %ne3A_288 : i32
      %lt3A_290 = arith.constant 0 : i32
      %lt3A_291 = arith.cmpi slt, %rem3A_287, %lt3A_290 : i32
      %lt3A_292 = arith.constant 0 : i32
      %lt3A_293 = arith.cmpi slt, %select_n3A_286, %lt3A_292 : i32
      %ne3A_294 = arith.xori %lt3A_291, %lt3A_293 : i1
      %and3A_295 = arith.andi %ne3A_294, %ne3A_289 : i1
      %add3A_296 = arith.addi %rem3A_287, %select_n3A_286 : i32
      %select_n3A_297 = arith.select %and3A_295, %add3A_296, %rem3A_287 : i32
      %jit3A_298 = arith.constant 16 : i32
      %eq3A_299 = arith.constant 0 : i32
      %eq3A_300 = arith.cmpi eq, %jit3A_298, %eq3A_299 : i32
      %jit3A_301 = arith.constant 1 : i32
      %select_n3A_302 = arith.select %eq3A_300, %jit3A_301, %jit3A_298 : i32
      %rem3A_303 = arith.remsi %add3A_257, %select_n3A_302 : i32
      %ne3A_304 = arith.constant 0 : i32
      %ne3A_305 = arith.cmpi ne, %rem3A_303, %ne3A_304 : i32
      %lt3A_306 = arith.constant 0 : i32
      %lt3A_307 = arith.cmpi slt, %rem3A_303, %lt3A_306 : i32
      %lt3A_308 = arith.constant 0 : i32
      %lt3A_309 = arith.cmpi slt, %select_n3A_302, %lt3A_308 : i32
      %ne3A_310 = arith.xori %lt3A_307, %lt3A_309 : i1
      %and3A_311 = arith.andi %ne3A_310, %ne3A_305 : i1
      %add3A_312 = arith.addi %rem3A_303, %select_n3A_302 : i32
      %select_n3A_313 = arith.select %and3A_311, %add3A_312, %rem3A_303 : i32
      %ge3A_314 = arith.constant 1 : i32
      %ge3A_315 = arith.cmpi sge, %add3A_257, %ge3A_314 : i32
      %convert_element_type3A_316 = arith.extui %ge3A_315 : i1 to i32
      %cond3A_317 = arith.constant 0 : i32
      %cond3A_318 = arith.cmpi ne, %convert_element_type3A_316, %cond3A_317 : i32
      scf.if %cond3A_318 {
        %dma_wait3A_363 = arith.constant 0 : i32
        %dma_wait3A_364 = tpu.memref_slice %arg8[%select_n3A_297, %select_n3A_313, %dma_wait3A_363] : memref<2x16x125xi32, #tpu.memory_space<vmem>> -> memref<1x1x125xi32, #tpu.memory_space<vmem>>
        %dma_wait3A_365 = tpu.memref_squeeze %dma_wait3A_364 : memref<1x1x125xi32, #tpu.memory_space<vmem>> -> memref<125xi32, #tpu.memory_space<vmem>>
        %dma_wait3A_366 = arith.constant 0 : i32
        %dma_wait3A_367 = arith.constant 0 : i32
        %dma_wait3A_368 = tpu.memref_slice %arg13[%dma_wait3A_366, %dma_wait3A_367] : memref<10240x128xf32, #tpu.memory_space<vmem_shared>> -> memref<10240x128xf32, #tpu.memory_space<vmem_shared>>
        tpu.wait_indirect_dma semaphore(%arg16 : memref<!tpu.dma_semaphore, #tpu.memory_space<semaphore_mem>>) src(%arg10 : memref<125x128xf32, #tpu.memory_space<vmem>>) dst(%dma_wait3A_368 : memref<10240x128xf32, #tpu.memory_space<vmem_shared>>)
      } else {
      }
      %eq3A_319 = arith.constant 0 : i32
      %eq3A_320 = arith.cmpi eq, %select_n3A_313, %eq3A_319 : i32
      %add3A_321 = arith.constant 16 : i32
      %add3A_322 = arith.addi %add3A_257, %add3A_321 : i32
      %lt3A_323 = arith.constant 80 : i32
      %lt3A_324 = arith.cmpi slt, %add3A_322, %lt3A_323 : i32
      %and3A_325 = arith.andi %eq3A_320, %lt3A_324 : i1
      %convert_element_type3A_326 = arith.extui %and3A_325 : i1 to i32
      %cond3A_327 = arith.constant 0 : i32
      %cond3A_328 = arith.cmpi ne, %convert_element_type3A_326, %cond3A_327 : i32
      scf.if %cond3A_328 {
        %jit3A_363 = arith.constant 16 : i32
        %div3A_364 = arith.divsi %add3A_257, %jit3A_363 : i32
        %sign3A_365 = arith.constant 0 : i32
        %sign3A_366 = arith.cmpi sgt, %add3A_257, %sign3A_365 : i32
        %sign3A_367 = arith.extui %sign3A_366 : i1 to i32
        %sign3A_368 = arith.constant 0 : i32
        %sign3A_369 = arith.cmpi slt, %add3A_257, %sign3A_368 : i32
        %sign3A_370 = arith.extui %sign3A_369 : i1 to i32
        %sign3A_371 = arith.subi %sign3A_367, %sign3A_370 : i32
        %sign3A_372 = arith.constant 0 : i32
        %sign3A_373 = arith.cmpi sgt, %jit3A_363, %sign3A_372 : i32
        %sign3A_374 = arith.extui %sign3A_373 : i1 to i32
        %sign3A_375 = arith.constant 0 : i32
        %sign3A_376 = arith.cmpi slt, %jit3A_363, %sign3A_375 : i32
        %sign3A_377 = arith.extui %sign3A_376 : i1 to i32
        %sign3A_378 = arith.subi %sign3A_374, %sign3A_377 : i32
        %ne3A_379 = arith.cmpi ne, %sign3A_371, %sign3A_378 : i32
        %rem3A_380 = arith.remsi %add3A_257, %jit3A_363 : i32
        %ne3A_381 = arith.constant 0 : i32
        %ne3A_382 = arith.cmpi ne, %rem3A_380, %ne3A_381 : i32
        %and3A_383 = arith.andi %ne3A_379, %ne3A_382 : i1
        %sub3A_384 = arith.constant 1 : i32
        %sub3A_385 = arith.subi %div3A_364, %sub3A_384 : i32
        %select_n3A_386 = arith.select %and3A_383, %sub3A_385, %div3A_364 : i32
        %add3A_387 = arith.constant 1 : i32
        %add3A_388 = arith.addi %select_n3A_386, %add3A_387 : i32
        %sub3A_389 = arith.constant 1 : i32
        %sub3A_390 = arith.subi %sub3A_389, %select_n3A_297 : i32
        %mul3A_391 = arith.constant 16 : i32
        %mul3A_392 = arith.muli %add3A_388, %mul3A_391 : i32
        %dma_start3A_393 = arith.constant 0 : i32
        %dma_start3A_394 = arith.constant 0 : i32
        %dma_start3A_395 = tpu.memref_slice %arg7[%sub3A_390, %dma_start3A_393, %dma_start3A_394] : memref<2x16x125xi32, #tpu.memory_space<vmem>> -> memref<1x16x125xi32, #tpu.memory_space<vmem>>
        %dma_start3A_396 = tpu.memref_squeeze %dma_start3A_395 : memref<1x16x125xi32, #tpu.memory_space<vmem>> -> memref<16x125xi32, #tpu.memory_space<vmem>>
        %dma_start3A_397 = arith.constant 0 : i32
        %dma_start3A_398 = arith.constant 0 : i32
        %dma_start3A_399 = tpu.memref_slice %arg2[%add3A, %dma_start3A_397, %dma_start3A_398] : memref<32x80x125xi32, #tpu.memory_space<hbm>> -> memref<1x80x125xi32, #tpu.memory_space<hbm>>
        %dma_start3A_400 = tpu.memref_squeeze %dma_start3A_399 : memref<1x80x125xi32, #tpu.memory_space<hbm>> -> memref<80x125xi32, #tpu.memory_space<hbm>>
        %dma_start3A_401 = arith.constant 0 : i32
        %dma_start3A_402 = tpu.memref_slice %dma_start3A_400[%mul3A_392, %dma_start3A_401] : memref<80x125xi32, #tpu.memory_space<hbm>> -> memref<16x125xi32, #tpu.memory_space<hbm>>
        %dma_start3A_403 = arith.constant 0 : i32
        %dma_start3A_404 = arith.constant 0 : i32
        %dma_start3A_405 = tpu.memref_slice %arg7[%sub3A_390, %dma_start3A_403, %dma_start3A_404] : memref<2x16x125xi32, #tpu.memory_space<vmem>> -> memref<1x16x125xi32, #tpu.memory_space<vmem>>
        %dma_start3A_406 = tpu.memref_squeeze %dma_start3A_405 : memref<1x16x125xi32, #tpu.memory_space<vmem>> -> memref<16x125xi32, #tpu.memory_space<vmem>>
        %dma_start3A_407 = arith.constant 0 : i32
        %dma_start3A_408 = arith.constant 0 : i32
        %dma_start3A_409 = tpu.memref_slice %arg2[%add3A, %dma_start3A_407, %dma_start3A_408] : memref<32x80x125xi32, #tpu.memory_space<hbm>> -> memref<1x80x125xi32, #tpu.memory_space<hbm>>
        %dma_start3A_410 = tpu.memref_squeeze %dma_start3A_409 : memref<1x80x125xi32, #tpu.memory_space<hbm>> -> memref<80x125xi32, #tpu.memory_space<hbm>>
        %dma_start3A_411 = arith.constant 0 : i32
        %dma_start3A_412 = tpu.memref_slice %dma_start3A_410[%mul3A_392, %dma_start3A_411] : memref<80x125xi32, #tpu.memory_space<hbm>> -> memref<16x125xi32, #tpu.memory_space<hbm>>
        tpu.enqueue_dma source(%dma_start3A_412 : memref<16x125xi32, #tpu.memory_space<hbm>>) target(%dma_start3A_406 : memref<16x125xi32, #tpu.memory_space<vmem>>) target_semaphore(%arg18 : memref<!tpu.dma_semaphore, #tpu.memory_space<semaphore_mem>>)
        %mul3A_413 = arith.constant 16 : i32
        %mul3A_414 = arith.muli %add3A_388, %mul3A_413 : i32
        %dma_start3A_415 = arith.constant 0 : i32
        %dma_start3A_416 = arith.constant 0 : i32
        %dma_start3A_417 = tpu.memref_slice %arg8[%sub3A_390, %dma_start3A_415, %dma_start3A_416] : memref<2x16x125xi32, #tpu.memory_space<vmem>> -> memref<1x16x125xi32, #tpu.memory_space<vmem>>
        %dma_start3A_418 = tpu.memref_squeeze %dma_start3A_417 : memref<1x16x125xi32, #tpu.memory_space<vmem>> -> memref<16x125xi32, #tpu.memory_space<vmem>>
        %dma_start3A_419 = arith.constant 0 : i32
        %dma_start3A_420 = arith.constant 0 : i32
        %dma_start3A_421 = tpu.memref_slice %arg3[%add3A, %dma_start3A_419, %dma_start3A_420] : memref<32x80x125xi32, #tpu.memory_space<hbm>> -> memref<1x80x125xi32, #tpu.memory_space<hbm>>
        %dma_start3A_422 = tpu.memref_squeeze %dma_start3A_421 : memref<1x80x125xi32, #tpu.memory_space<hbm>> -> memref<80x125xi32, #tpu.memory_space<hbm>>
        %dma_start3A_423 = arith.constant 0 : i32
        %dma_start3A_424 = tpu.memref_slice %dma_start3A_422[%mul3A_414, %dma_start3A_423] : memref<80x125xi32, #tpu.memory_space<hbm>> -> memref<16x125xi32, #tpu.memory_space<hbm>>
        %dma_start3A_425 = arith.constant 0 : i32
        %dma_start3A_426 = arith.constant 0 : i32
        %dma_start3A_427 = tpu.memref_slice %arg8[%sub3A_390, %dma_start3A_425, %dma_start3A_426] : memref<2x16x125xi32, #tpu.memory_space<vmem>> -> memref<1x16x125xi32, #tpu.memory_space<vmem>>
        %dma_start3A_428 = tpu.memref_squeeze %dma_start3A_427 : memref<1x16x125xi32, #tpu.memory_space<vmem>> -> memref<16x125xi32, #tpu.memory_space<vmem>>
        %dma_start3A_429 = arith.constant 0 : i32
        %dma_start3A_430 = arith.constant 0 : i32
        %dma_start3A_431 = tpu.memref_slice %arg3[%add3A, %dma_start3A_429, %dma_start3A_430] : memref<32x80x125xi32, #tpu.memory_space<hbm>> -> memref<1x80x125xi32, #tpu.memory_space<hbm>>
        %dma_start3A_432 = tpu.memref_squeeze %dma_start3A_431 : memref<1x80x125xi32, #tpu.memory_space<hbm>> -> memref<80x125xi32, #tpu.memory_space<hbm>>
        %dma_start3A_433 = arith.constant 0 : i32
        %dma_start3A_434 = tpu.memref_slice %dma_start3A_432[%mul3A_414, %dma_start3A_433] : memref<80x125xi32, #tpu.memory_space<hbm>> -> memref<16x125xi32, #tpu.memory_space<hbm>>
        tpu.enqueue_dma source(%dma_start3A_434 : memref<16x125xi32, #tpu.memory_space<hbm>>) target(%dma_start3A_428 : memref<16x125xi32, #tpu.memory_space<vmem>>) target_semaphore(%arg18 : memref<!tpu.dma_semaphore, #tpu.memory_space<semaphore_mem>>)
        %mul3A_435 = arith.constant 5 : i32
        %mul3A_436 = arith.muli %add3A, %mul3A_435 : i32
        %add3A_437 = arith.addi %mul3A_436, %add3A_388 : i32
        %dma_start3A_438 = arith.constant 0 : i32
        %dma_start3A_439 = tpu.memref_slice %arg9[%sub3A_390, %dma_start3A_438] : memref<2x2000xf32, #tpu.memory_space<vmem>> -> memref<1x2000xf32, #tpu.memory_space<vmem>>
        %dma_start3A_440 = tpu.memref_squeeze %dma_start3A_439 : memref<1x2000xf32, #tpu.memory_space<vmem>> -> memref<2000xf32, #tpu.memory_space<vmem>>
        %dma_start3A_441 = arith.constant 0 : i32
        %dma_start3A_442 = tpu.memref_slice %arg4[%add3A_437, %dma_start3A_441] : memref<160x2000xf32, #tpu.memory_space<hbm>> -> memref<1x2000xf32, #tpu.memory_space<hbm>>
        %dma_start3A_443 = tpu.memref_squeeze %dma_start3A_442 : memref<1x2000xf32, #tpu.memory_space<hbm>> -> memref<2000xf32, #tpu.memory_space<hbm>>
        %dma_start3A_444 = arith.constant 0 : i32
        %dma_start3A_445 = tpu.memref_slice %arg9[%sub3A_390, %dma_start3A_444] : memref<2x2000xf32, #tpu.memory_space<vmem>> -> memref<1x2000xf32, #tpu.memory_space<vmem>>
        %dma_start3A_446 = tpu.memref_squeeze %dma_start3A_445 : memref<1x2000xf32, #tpu.memory_space<vmem>> -> memref<2000xf32, #tpu.memory_space<vmem>>
        %dma_start3A_447 = arith.constant 0 : i32
        %dma_start3A_448 = tpu.memref_slice %arg4[%add3A_437, %dma_start3A_447] : memref<160x2000xf32, #tpu.memory_space<hbm>> -> memref<1x2000xf32, #tpu.memory_space<hbm>>
        %dma_start3A_449 = tpu.memref_squeeze %dma_start3A_448 : memref<1x2000xf32, #tpu.memory_space<hbm>> -> memref<2000xf32, #tpu.memory_space<hbm>>
        tpu.enqueue_dma source(%dma_start3A_449 : memref<2000xf32, #tpu.memory_space<hbm>>) target(%dma_start3A_446 : memref<2000xf32, #tpu.memory_space<vmem>>) target_semaphore(%arg18 : memref<!tpu.dma_semaphore, #tpu.memory_space<semaphore_mem>>)
      } else {
      }
      %eq3A_329 = arith.constant 15 : i32
      %eq3A_330 = arith.cmpi eq, %select_n3A_313, %eq3A_329 : i32
      %add3A_331 = arith.constant 1 : i32
      %add3A_332 = arith.addi %add3A_257, %add3A_331 : i32
      %lt3A_333 = arith.constant 80 : i32
      %lt3A_334 = arith.cmpi slt, %add3A_332, %lt3A_333 : i32
      %and3A_335 = arith.andi %eq3A_330, %lt3A_334 : i1
      %convert_element_type3A_336 = arith.extui %and3A_335 : i1 to i32
      %cond3A_337 = arith.constant 0 : i32
      %cond3A_338 = arith.cmpi ne, %convert_element_type3A_336, %cond3A_337 : i32
      scf.if %cond3A_338 {
        %sub3A_363 = arith.constant 1 : i32
        %sub3A_364 = arith.subi %sub3A_363, %select_n3A_297 : i32
        %dma_wait3A_365 = arith.constant 0 : i32
        %dma_wait3A_366 = arith.constant 0 : i32
        %dma_wait3A_367 = tpu.memref_slice %arg7[%sub3A_364, %dma_wait3A_365, %dma_wait3A_366] : memref<2x16x125xi32, #tpu.memory_space<vmem>> -> memref<1x16x125xi32, #tpu.memory_space<vmem>>
        %dma_wait3A_368 = tpu.memref_squeeze %dma_wait3A_367 : memref<1x16x125xi32, #tpu.memory_space<vmem>> -> memref<16x125xi32, #tpu.memory_space<vmem>>
        %dma_wait3A_369 = arith.constant 0 : i32
        %dma_wait3A_370 = arith.constant 0 : i32
        %dma_wait3A_371 = tpu.memref_slice %arg2[%add3A, %dma_wait3A_369, %dma_wait3A_370] : memref<32x80x125xi32, #tpu.memory_space<hbm>> -> memref<1x80x125xi32, #tpu.memory_space<hbm>>
        %dma_wait3A_372 = tpu.memref_squeeze %dma_wait3A_371 : memref<1x80x125xi32, #tpu.memory_space<hbm>> -> memref<80x125xi32, #tpu.memory_space<hbm>>
        %dma_wait3A_373 = arith.constant 0 : i32
        %dma_wait3A_374 = arith.constant 0 : i32
        %dma_wait3A_375 = tpu.memref_slice %dma_wait3A_372[%dma_wait3A_373, %dma_wait3A_374] : memref<80x125xi32, #tpu.memory_space<hbm>> -> memref<16x125xi32, #tpu.memory_space<hbm>>
        %dma_wait3A_376 = arith.constant 0 : i32
        %dma_wait3A_377 = arith.constant 0 : i32
        %dma_wait3A_378 = tpu.memref_slice %arg7[%sub3A_364, %dma_wait3A_376, %dma_wait3A_377] : memref<2x16x125xi32, #tpu.memory_space<vmem>> -> memref<1x16x125xi32, #tpu.memory_space<vmem>>
        %dma_wait3A_379 = tpu.memref_squeeze %dma_wait3A_378 : memref<1x16x125xi32, #tpu.memory_space<vmem>> -> memref<16x125xi32, #tpu.memory_space<vmem>>
        %dma_wait3A_380 = arith.constant 0 : i32
        %dma_wait3A_381 = arith.constant 0 : i32
        %dma_wait3A_382 = tpu.memref_slice %arg2[%add3A, %dma_wait3A_380, %dma_wait3A_381] : memref<32x80x125xi32, #tpu.memory_space<hbm>> -> memref<1x80x125xi32, #tpu.memory_space<hbm>>
        %dma_wait3A_383 = tpu.memref_squeeze %dma_wait3A_382 : memref<1x80x125xi32, #tpu.memory_space<hbm>> -> memref<80x125xi32, #tpu.memory_space<hbm>>
        %dma_wait3A_384 = arith.constant 0 : i32
        %dma_wait3A_385 = arith.constant 0 : i32
        %dma_wait3A_386 = tpu.memref_slice %dma_wait3A_383[%dma_wait3A_384, %dma_wait3A_385] : memref<80x125xi32, #tpu.memory_space<hbm>> -> memref<16x125xi32, #tpu.memory_space<hbm>>
        tpu.wait_dma2 semaphore(%arg18 : memref<!tpu.dma_semaphore, #tpu.memory_space<semaphore_mem>>) src(%dma_wait3A_386 : memref<16x125xi32, #tpu.memory_space<hbm>>) dst(%dma_wait3A_379 : memref<16x125xi32, #tpu.memory_space<vmem>>)
        %dma_wait3A_387 = arith.constant 0 : i32
        %dma_wait3A_388 = arith.constant 0 : i32
        %dma_wait3A_389 = tpu.memref_slice %arg8[%sub3A_364, %dma_wait3A_387, %dma_wait3A_388] : memref<2x16x125xi32, #tpu.memory_space<vmem>> -> memref<1x16x125xi32, #tpu.memory_space<vmem>>
        %dma_wait3A_390 = tpu.memref_squeeze %dma_wait3A_389 : memref<1x16x125xi32, #tpu.memory_space<vmem>> -> memref<16x125xi32, #tpu.memory_space<vmem>>
        %dma_wait3A_391 = arith.constant 0 : i32
        %dma_wait3A_392 = arith.constant 0 : i32
        %dma_wait3A_393 = tpu.memref_slice %arg3[%add3A, %dma_wait3A_391, %dma_wait3A_392] : memref<32x80x125xi32, #tpu.memory_space<hbm>> -> memref<1x80x125xi32, #tpu.memory_space<hbm>>
        %dma_wait3A_394 = tpu.memref_squeeze %dma_wait3A_393 : memref<1x80x125xi32, #tpu.memory_space<hbm>> -> memref<80x125xi32, #tpu.memory_space<hbm>>
        %dma_wait3A_395 = arith.constant 0 : i32
        %dma_wait3A_396 = arith.constant 0 : i32
        %dma_wait3A_397 = tpu.memref_slice %dma_wait3A_394[%dma_wait3A_395, %dma_wait3A_396] : memref<80x125xi32, #tpu.memory_space<hbm>> -> memref<16x125xi32, #tpu.memory_space<hbm>>
        %dma_wait3A_398 = arith.constant 0 : i32
        %dma_wait3A_399 = arith.constant 0 : i32
        %dma_wait3A_400 = tpu.memref_slice %arg8[%sub3A_364, %dma_wait3A_398, %dma_wait3A_399] : memref<2x16x125xi32, #tpu.memory_space<vmem>> -> memref<1x16x125xi32, #tpu.memory_space<vmem>>
        %dma_wait3A_401 = tpu.memref_squeeze %dma_wait3A_400 : memref<1x16x125xi32, #tpu.memory_space<vmem>> -> memref<16x125xi32, #tpu.memory_space<vmem>>
        %dma_wait3A_402 = arith.constant 0 : i32
        %dma_wait3A_403 = arith.constant 0 : i32
        %dma_wait3A_404 = tpu.memref_slice %arg3[%add3A, %dma_wait3A_402, %dma_wait3A_403] : memref<32x80x125xi32, #tpu.memory_space<hbm>> -> memref<1x80x125xi32, #tpu.memory_space<hbm>>
        %dma_wait3A_405 = tpu.memref_squeeze %dma_wait3A_404 : memref<1x80x125xi32, #tpu.memory_space<hbm>> -> memref<80x125xi32, #tpu.memory_space<hbm>>
        %dma_wait3A_406 = arith.constant 0 : i32
        %dma_wait3A_407 = arith.constant 0 : i32
        %dma_wait3A_408 = tpu.memref_slice %dma_wait3A_405[%dma_wait3A_406, %dma_wait3A_407] : memref<80x125xi32, #tpu.memory_space<hbm>> -> memref<16x125xi32, #tpu.memory_space<hbm>>
        tpu.wait_dma2 semaphore(%arg18 : memref<!tpu.dma_semaphore, #tpu.memory_space<semaphore_mem>>) src(%dma_wait3A_408 : memref<16x125xi32, #tpu.memory_space<hbm>>) dst(%dma_wait3A_401 : memref<16x125xi32, #tpu.memory_space<vmem>>)
        %mul3A_409 = arith.constant 5 : i32
        %mul3A_410 = arith.muli %add3A, %mul3A_409 : i32
        %dma_wait3A_411 = arith.constant 0 : i32
        %dma_wait3A_412 = tpu.memref_slice %arg9[%sub3A_364, %dma_wait3A_411] : memref<2x2000xf32, #tpu.memory_space<vmem>> -> memref<1x2000xf32, #tpu.memory_space<vmem>>
        %dma_wait3A_413 = tpu.memref_squeeze %dma_wait3A_412 : memref<1x2000xf32, #tpu.memory_space<vmem>> -> memref<2000xf32, #tpu.memory_space<vmem>>
        %dma_wait3A_414 = arith.constant 0 : i32
        %dma_wait3A_415 = tpu.memref_slice %arg4[%mul3A_410, %dma_wait3A_414] : memref<160x2000xf32, #tpu.memory_space<hbm>> -> memref<1x2000xf32, #tpu.memory_space<hbm>>
        %dma_wait3A_416 = tpu.memref_squeeze %dma_wait3A_415 : memref<1x2000xf32, #tpu.memory_space<hbm>> -> memref<2000xf32, #tpu.memory_space<hbm>>
        %dma_wait3A_417 = arith.constant 0 : i32
        %dma_wait3A_418 = tpu.memref_slice %arg9[%sub3A_364, %dma_wait3A_417] : memref<2x2000xf32, #tpu.memory_space<vmem>> -> memref<1x2000xf32, #tpu.memory_space<vmem>>
        %dma_wait3A_419 = tpu.memref_squeeze %dma_wait3A_418 : memref<1x2000xf32, #tpu.memory_space<vmem>> -> memref<2000xf32, #tpu.memory_space<vmem>>
        %dma_wait3A_420 = arith.constant 0 : i32
        %dma_wait3A_421 = tpu.memref_slice %arg4[%mul3A_410, %dma_wait3A_420] : memref<160x2000xf32, #tpu.memory_space<hbm>> -> memref<1x2000xf32, #tpu.memory_space<hbm>>
        %dma_wait3A_422 = tpu.memref_squeeze %dma_wait3A_421 : memref<1x2000xf32, #tpu.memory_space<hbm>> -> memref<2000xf32, #tpu.memory_space<hbm>>
        tpu.wait_dma2 semaphore(%arg18 : memref<!tpu.dma_semaphore, #tpu.memory_space<semaphore_mem>>) src(%dma_wait3A_422 : memref<2000xf32, #tpu.memory_space<hbm>>) dst(%dma_wait3A_419 : memref<2000xf32, #tpu.memory_space<vmem>>)
      } else {
      }
      %add3A_339 = arith.constant 1 : i32
      %add3A_340 = arith.addi %add3A_257, %add3A_339 : i32
      %lt3A_341 = arith.constant 80 : i32
      %lt3A_342 = arith.cmpi slt, %add3A_340, %lt3A_341 : i32
      %convert_element_type3A_343 = arith.extui %lt3A_342 : i1 to i32
      %cond3A_344 = arith.constant 0 : i32
      %cond3A_345 = arith.cmpi ne, %convert_element_type3A_343, %cond3A_344 : i32
      scf.if %cond3A_345 {
        %add3A_363 = arith.constant 1 : i32
        %add3A_364 = arith.addi %add3A_257, %add3A_363 : i32
        %jit3A_365 = arith.constant 16 : i32
        %div3A_366 = arith.divsi %add3A_364, %jit3A_365 : i32
        %sign3A_367 = arith.constant 0 : i32
        %sign3A_368 = arith.cmpi sgt, %add3A_364, %sign3A_367 : i32
        %sign3A_369 = arith.extui %sign3A_368 : i1 to i32
        %sign3A_370 = arith.constant 0 : i32
        %sign3A_371 = arith.cmpi slt, %add3A_364, %sign3A_370 : i32
        %sign3A_372 = arith.extui %sign3A_371 : i1 to i32
        %sign3A_373 = arith.subi %sign3A_369, %sign3A_372 : i32
        %sign3A_374 = arith.constant 0 : i32
        %sign3A_375 = arith.cmpi sgt, %jit3A_365, %sign3A_374 : i32
        %sign3A_376 = arith.extui %sign3A_375 : i1 to i32
        %sign3A_377 = arith.constant 0 : i32
        %sign3A_378 = arith.cmpi slt, %jit3A_365, %sign3A_377 : i32
        %sign3A_379 = arith.extui %sign3A_378 : i1 to i32
        %sign3A_380 = arith.subi %sign3A_376, %sign3A_379 : i32
        %ne3A_381 = arith.cmpi ne, %sign3A_373, %sign3A_380 : i32
        %rem3A_382 = arith.remsi %add3A_364, %jit3A_365 : i32
        %ne3A_383 = arith.constant 0 : i32
        %ne3A_384 = arith.cmpi ne, %rem3A_382, %ne3A_383 : i32
        %and3A_385 = arith.andi %ne3A_381, %ne3A_384 : i1
        %sub3A_386 = arith.constant 1 : i32
        %sub3A_387 = arith.subi %div3A_366, %sub3A_386 : i32
        %select_n3A_388 = arith.select %and3A_385, %sub3A_387, %div3A_366 : i32
        %jit3A_389 = arith.constant 2 : i32
        %eq3A_390 = arith.constant 0 : i32
        %eq3A_391 = arith.cmpi eq, %jit3A_389, %eq3A_390 : i32
        %jit3A_392 = arith.constant 1 : i32
        %select_n3A_393 = arith.select %eq3A_391, %jit3A_392, %jit3A_389 : i32
        %rem3A_394 = arith.remsi %select_n3A_388, %select_n3A_393 : i32
        %ne3A_395 = arith.constant 0 : i32
        %ne3A_396 = arith.cmpi ne, %rem3A_394, %ne3A_395 : i32
        %lt3A_397 = arith.constant 0 : i32
        %lt3A_398 = arith.cmpi slt, %rem3A_394, %lt3A_397 : i32
        %lt3A_399 = arith.constant 0 : i32
        %lt3A_400 = arith.cmpi slt, %select_n3A_393, %lt3A_399 : i32
        %ne3A_401 = arith.xori %lt3A_398, %lt3A_400 : i1
        %and3A_402 = arith.andi %ne3A_401, %ne3A_396 : i1
        %add3A_403 = arith.addi %rem3A_394, %select_n3A_393 : i32
        %select_n3A_404 = arith.select %and3A_402, %add3A_403, %rem3A_394 : i32
        %jit3A_405 = arith.constant 16 : i32
        %eq3A_406 = arith.constant 0 : i32
        %eq3A_407 = arith.cmpi eq, %jit3A_405, %eq3A_406 : i32
        %jit3A_408 = arith.constant 1 : i32
        %select_n3A_409 = arith.select %eq3A_407, %jit3A_408, %jit3A_405 : i32
        %rem3A_410 = arith.remsi %add3A_364, %select_n3A_409 : i32
        %ne3A_411 = arith.constant 0 : i32
        %ne3A_412 = arith.cmpi ne, %rem3A_410, %ne3A_411 : i32
        %lt3A_413 = arith.constant 0 : i32
        %lt3A_414 = arith.cmpi slt, %rem3A_410, %lt3A_413 : i32
        %lt3A_415 = arith.constant 0 : i32
        %lt3A_416 = arith.cmpi slt, %select_n3A_409, %lt3A_415 : i32
        %ne3A_417 = arith.xori %lt3A_414, %lt3A_416 : i1
        %and3A_418 = arith.andi %ne3A_417, %ne3A_412 : i1
        %add3A_419 = arith.addi %rem3A_410, %select_n3A_409 : i32
        %select_n3A_420 = arith.select %and3A_418, %add3A_419, %rem3A_410 : i32
        %dma_start3A_421 = arith.constant 0 : i32
        %dma_start3A_422 = tpu.memref_slice %arg7[%select_n3A_404, %select_n3A_420, %dma_start3A_421] : memref<2x16x125xi32, #tpu.memory_space<vmem>> -> memref<1x1x125xi32, #tpu.memory_space<vmem>>
        %dma_start3A_423 = tpu.memref_squeeze %dma_start3A_422 : memref<1x1x125xi32, #tpu.memory_space<vmem>> -> memref<125xi32, #tpu.memory_space<vmem>>
        %dma_start3A_424 = arith.constant 0 : i32
        %dma_start3A_425 = arith.constant 0 : i32
        %dma_start3A_426 = tpu.memref_slice %arg5[%dma_start3A_424, %dma_start3A_425] : memref<10240x128xf32, #tpu.memory_space<hbm>> -> memref<10240x128xf32, #tpu.memory_space<hbm>>
        tpu.enqueue_indirect_dma source(%dma_start3A_426 : memref<10240x128xf32, #tpu.memory_space<hbm>>) target(%arg10 : memref<125x128xf32, #tpu.memory_space<vmem>>) offsets(%dma_start3A_423 : memref<125xi32, #tpu.memory_space<vmem>>) semaphore(%arg14 : memref<!tpu.dma_semaphore, #tpu.memory_space<semaphore_mem>>)
      } else {
      }
      %dma_wait3A_346 = arith.constant 0 : i32
      %dma_wait3A_347 = tpu.memref_slice %arg7[%select_n3A_297, %select_n3A_313, %dma_wait3A_346] : memref<2x16x125xi32, #tpu.memory_space<vmem>> -> memref<1x1x125xi32, #tpu.memory_space<vmem>>
      %dma_wait3A_348 = tpu.memref_squeeze %dma_wait3A_347 : memref<1x1x125xi32, #tpu.memory_space<vmem>> -> memref<125xi32, #tpu.memory_space<vmem>>
      %dma_wait3A_349 = arith.constant 0 : i32
      %dma_wait3A_350 = arith.constant 0 : i32
      %dma_wait3A_351 = tpu.memref_slice %arg5[%dma_wait3A_349, %dma_wait3A_350] : memref<10240x128xf32, #tpu.memory_space<hbm>> -> memref<10240x128xf32, #tpu.memory_space<hbm>>
      tpu.wait_indirect_dma semaphore(%arg15 : memref<!tpu.dma_semaphore, #tpu.memory_space<semaphore_mem>>) src(%dma_wait3A_351 : memref<10240x128xf32, #tpu.memory_space<hbm>>) dst(%arg11 : memref<125x128xf32, #tpu.memory_space<vmem>>)
      %mul3A_352 = arith.constant 125 : i32
      %mul3A_353 = arith.muli %select_n3A_313, %mul3A_352 : i32
      %parallel_loop3A_354 = arith.constant 0 : i32
      %parallel_loop3A_355 = arith.constant 125 : i32
      %parallel_loop3A_356 = arith.constant 1 : i32
      scf.for %parallel_loop3A_363 = %parallel_loop3A_354 to %parallel_loop3A_355 step %parallel_loop3A_356  : i32 {
        %parallel_loop3A_364 = vector.broadcast %select_n3A_297 : i32 to vector<16xi32>
        %parallel_loop3A_365 = vector.broadcast %mul3A_353 : i32 to vector<16xi32>
        %parallel_loop3A_366 = vector.broadcast %parallel_loop3A_363 : i32 to vector<16xi32>
        %parallel_loop3A_367 = arith.addi %parallel_loop3A_365, %parallel_loop3A_366 : vector<16xi32>
        %parallel_loop3A_368 = tpu.vector_load_idx %arg9[%parallel_loop3A_364, %parallel_loop3A_367] : memref<2x2000xf32, #tpu.memory_space<vmem>>[vector<16xi32>, vector<16xi32>], vector<16xf32>,
        %parallel_loop3A_369 = arith.index_cast %parallel_loop3A_363 : i32 to index
        %parallel_loop3A_370 = arith.constant 0 : index
        %parallel_loop3A_371 = tpu.vector_load %arg11[%parallel_loop3A_369, %parallel_loop3A_370] {strides = array<i32>} : memref<125x128xf32, #tpu.memory_space<vmem>>, vector<16xf32>,
        %parallel_loop3A_372 = arith.mulf %parallel_loop3A_371, %parallel_loop3A_368 : vector<16xf32>
        %parallel_loop3A_373 = arith.index_cast %parallel_loop3A_363 : i32 to index
        %parallel_loop3A_374 = arith.constant 0 : index
        %parallel_loop3A_375 = tpu.vector_load %arg11[%parallel_loop3A_373, %parallel_loop3A_374] {strides = array<i32>} : memref<125x128xf32, #tpu.memory_space<vmem>>, vector<16xf32>,
        tpu.vector_store %arg11[%parallel_loop3A_373, %parallel_loop3A_374], %parallel_loop3A_372 {strides = array<i32>} : memref<125x128xf32, #tpu.memory_space<vmem>>, vector<16xf32>,
        %parallel_loop3A_376 = arith.index_cast %parallel_loop3A_363 : i32 to index
        %parallel_loop3A_377 = arith.constant 16 : index
        %parallel_loop3A_378 = tpu.vector_load %arg11[%parallel_loop3A_376, %parallel_loop3A_377] {strides = array<i32>} : memref<125x128xf32, #tpu.memory_space<vmem>>, vector<16xf32>,
        %parallel_loop3A_379 = arith.mulf %parallel_loop3A_378, %parallel_loop3A_368 : vector<16xf32>
        %parallel_loop3A_380 = arith.index_cast %parallel_loop3A_363 : i32 to index
        %parallel_loop3A_381 = arith.constant 16 : index
        %parallel_loop3A_382 = tpu.vector_load %arg11[%parallel_loop3A_380, %parallel_loop3A_381] {strides = array<i32>} : memref<125x128xf32, #tpu.memory_space<vmem>>, vector<16xf32>,
        tpu.vector_store %arg11[%parallel_loop3A_380, %parallel_loop3A_381], %parallel_loop3A_379 {strides = array<i32>} : memref<125x128xf32, #tpu.memory_space<vmem>>, vector<16xf32>,
        %parallel_loop3A_383 = arith.index_cast %parallel_loop3A_363 : i32 to index
        %parallel_loop3A_384 = arith.constant 32 : index
        %parallel_loop3A_385 = tpu.vector_load %arg11[%parallel_loop3A_383, %parallel_loop3A_384] {strides = array<i32>} : memref<125x128xf32, #tpu.memory_space<vmem>>, vector<16xf32>,
        %parallel_loop3A_386 = arith.mulf %parallel_loop3A_385, %parallel_loop3A_368 : vector<16xf32>
        %parallel_loop3A_387 = arith.index_cast %parallel_loop3A_363 : i32 to index
        %parallel_loop3A_388 = arith.constant 32 : index
        %parallel_loop3A_389 = tpu.vector_load %arg11[%parallel_loop3A_387, %parallel_loop3A_388] {strides = array<i32>} : memref<125x128xf32, #tpu.memory_space<vmem>>, vector<16xf32>,
        tpu.vector_store %arg11[%parallel_loop3A_387, %parallel_loop3A_388], %parallel_loop3A_386 {strides = array<i32>} : memref<125x128xf32, #tpu.memory_space<vmem>>, vector<16xf32>,
        %parallel_loop3A_390 = arith.index_cast %parallel_loop3A_363 : i32 to index
        %parallel_loop3A_391 = arith.constant 48 : index
        %parallel_loop3A_392 = tpu.vector_load %arg11[%parallel_loop3A_390, %parallel_loop3A_391] {strides = array<i32>} : memref<125x128xf32, #tpu.memory_space<vmem>>, vector<16xf32>,
        %parallel_loop3A_393 = arith.mulf %parallel_loop3A_392, %parallel_loop3A_368 : vector<16xf32>
        %parallel_loop3A_394 = arith.index_cast %parallel_loop3A_363 : i32 to index
        %parallel_loop3A_395 = arith.constant 48 : index
        %parallel_loop3A_396 = tpu.vector_load %arg11[%parallel_loop3A_394, %parallel_loop3A_395] {strides = array<i32>} : memref<125x128xf32, #tpu.memory_space<vmem>>, vector<16xf32>,
        tpu.vector_store %arg11[%parallel_loop3A_394, %parallel_loop3A_395], %parallel_loop3A_393 {strides = array<i32>} : memref<125x128xf32, #tpu.memory_space<vmem>>, vector<16xf32>,
        %parallel_loop3A_397 = arith.index_cast %parallel_loop3A_363 : i32 to index
        %parallel_loop3A_398 = arith.constant 64 : index
        %parallel_loop3A_399 = tpu.vector_load %arg11[%parallel_loop3A_397, %parallel_loop3A_398] {strides = array<i32>} : memref<125x128xf32, #tpu.memory_space<vmem>>, vector<16xf32>,
        %parallel_loop3A_400 = arith.mulf %parallel_loop3A_399, %parallel_loop3A_368 : vector<16xf32>
        %parallel_loop3A_401 = arith.index_cast %parallel_loop3A_363 : i32 to index
        %parallel_loop3A_402 = arith.constant 64 : index
        %parallel_loop3A_403 = tpu.vector_load %arg11[%parallel_loop3A_401, %parallel_loop3A_402] {strides = array<i32>} : memref<125x128xf32, #tpu.memory_space<vmem>>, vector<16xf32>,
        tpu.vector_store %arg11[%parallel_loop3A_401, %parallel_loop3A_402], %parallel_loop3A_400 {strides = array<i32>} : memref<125x128xf32, #tpu.memory_space<vmem>>, vector<16xf32>,
        %parallel_loop3A_404 = arith.index_cast %parallel_loop3A_363 : i32 to index
        %parallel_loop3A_405 = arith.constant 80 : index
        %parallel_loop3A_406 = tpu.vector_load %arg11[%parallel_loop3A_404, %parallel_loop3A_405] {strides = array<i32>} : memref<125x128xf32, #tpu.memory_space<vmem>>, vector<16xf32>,
        %parallel_loop3A_407 = arith.mulf %parallel_loop3A_406, %parallel_loop3A_368 : vector<16xf32>
        %parallel_loop3A_408 = arith.index_cast %parallel_loop3A_363 : i32 to index
        %parallel_loop3A_409 = arith.constant 80 : index
        %parallel_loop3A_410 = tpu.vector_load %arg11[%parallel_loop3A_408, %parallel_loop3A_409] {strides = array<i32>} : memref<125x128xf32, #tpu.memory_space<vmem>>, vector<16xf32>,
        tpu.vector_store %arg11[%parallel_loop3A_408, %parallel_loop3A_409], %parallel_loop3A_407 {strides = array<i32>} : memref<125x128xf32, #tpu.memory_space<vmem>>, vector<16xf32>,
        %parallel_loop3A_411 = arith.index_cast %parallel_loop3A_363 : i32 to index
        %parallel_loop3A_412 = arith.constant 96 : index
        %parallel_loop3A_413 = tpu.vector_load %arg11[%parallel_loop3A_411, %parallel_loop3A_412] {strides = array<i32>} : memref<125x128xf32, #tpu.memory_space<vmem>>, vector<16xf32>,
        %parallel_loop3A_414 = arith.mulf %parallel_loop3A_413, %parallel_loop3A_368 : vector<16xf32>
        %parallel_loop3A_415 = arith.index_cast %parallel_loop3A_363 : i32 to index
        %parallel_loop3A_416 = arith.constant 96 : index
        %parallel_loop3A_417 = tpu.vector_load %arg11[%parallel_loop3A_415, %parallel_loop3A_416] {strides = array<i32>} : memref<125x128xf32, #tpu.memory_space<vmem>>, vector<16xf32>,
        tpu.vector_store %arg11[%parallel_loop3A_415, %parallel_loop3A_416], %parallel_loop3A_414 {strides = array<i32>} : memref<125x128xf32, #tpu.memory_space<vmem>>, vector<16xf32>,
        %parallel_loop3A_418 = arith.index_cast %parallel_loop3A_363 : i32 to index
        %parallel_loop3A_419 = arith.constant 112 : index
        %parallel_loop3A_420 = tpu.vector_load %arg11[%parallel_loop3A_418, %parallel_loop3A_419] {strides = array<i32>} : memref<125x128xf32, #tpu.memory_space<vmem>>, vector<16xf32>,
        %parallel_loop3A_421 = arith.mulf %parallel_loop3A_420, %parallel_loop3A_368 : vector<16xf32>
        %parallel_loop3A_422 = arith.index_cast %parallel_loop3A_363 : i32 to index
        %parallel_loop3A_423 = arith.constant 112 : index
        %parallel_loop3A_424 = tpu.vector_load %arg11[%parallel_loop3A_422, %parallel_loop3A_423] {strides = array<i32>} : memref<125x128xf32, #tpu.memory_space<vmem>>, vector<16xf32>,
        tpu.vector_store %arg11[%parallel_loop3A_422, %parallel_loop3A_423], %parallel_loop3A_421 {strides = array<i32>} : memref<125x128xf32, #tpu.memory_space<vmem>>, vector<16xf32>,
      } {sc.loop_unroll_factor = 5 : i64, sc.parallel_access}
      %dma_start3A_357 = arith.constant 0 : i32
      %dma_start3A_358 = tpu.memref_slice %arg8[%select_n3A_297, %select_n3A_313, %dma_start3A_357] : memref<2x16x125xi32, #tpu.memory_space<vmem>> -> memref<1x1x125xi32, #tpu.memory_space<vmem>>
      %dma_start3A_359 = tpu.memref_squeeze %dma_start3A_358 : memref<1x1x125xi32, #tpu.memory_space<vmem>> -> memref<125xi32, #tpu.memory_space<vmem>>
      %dma_start3A_360 = arith.constant 0 : i32
      %dma_start3A_361 = arith.constant 0 : i32
      %dma_start3A_362 = tpu.memref_slice %arg13[%dma_start3A_360, %dma_start3A_361] : memref<10240x128xf32, #tpu.memory_space<vmem_shared>> -> memref<10240x128xf32, #tpu.memory_space<vmem_shared>>
      tpu.enqueue_indirect_dma source(%arg11 : memref<125x128xf32, #tpu.memory_space<vmem>>) target(%dma_start3A_362 : memref<10240x128xf32, #tpu.memory_space<vmem_shared>>) offsets(%dma_start3A_359 : memref<125xi32, #tpu.memory_space<vmem>>) semaphore(%arg17 : memref<!tpu.dma_semaphore, #tpu.memory_space<semaphore_mem>>) {add = true}
    }
    %scan3A_144 = arith.constant 40 : i32
    %dma_wait3A_145 = arith.constant 0 : i32
    %dma_wait3A_146 = arith.constant 15 : i32
    %dma_wait3A_147 = arith.constant 0 : i32
    %dma_wait3A_148 = tpu.memref_slice %arg8[%dma_wait3A_145, %dma_wait3A_146, %dma_wait3A_147] : memref<2x16x125xi32, #tpu.memory_space<vmem>> -> memref<1x1x125xi32, #tpu.memory_space<vmem>>
    %dma_wait3A_149 = tpu.memref_squeeze %dma_wait3A_148 : memref<1x1x125xi32, #tpu.memory_space<vmem>> -> memref<125xi32, #tpu.memory_space<vmem>>
    %dma_wait3A_150 = arith.constant 0 : i32
    %dma_wait3A_151 = arith.constant 0 : i32
    %dma_wait3A_152 = tpu.memref_slice %arg13[%dma_wait3A_150, %dma_wait3A_151] : memref<10240x128xf32, #tpu.memory_space<vmem_shared>> -> memref<10240x128xf32, #tpu.memory_space<vmem_shared>>
    tpu.wait_indirect_dma semaphore(%arg17 : memref<!tpu.dma_semaphore, #tpu.memory_space<semaphore_mem>>) src(%arg11 : memref<125x128xf32, #tpu.memory_space<vmem>>) dst(%dma_wait3A_152 : memref<10240x128xf32, #tpu.memory_space<vmem_shared>>)
    %barrier3A_153 = arith.constant 0 : index
    tpu.barrier barrier_id(%barrier3A_153)
    %mul3A_154 = arith.constant 640 : i32
    %mul3A_155 = arith.muli %arg1, %mul3A_154 : i32
    %mul3A_156 = arith.constant 640 : i32
    %mul3A_157 = arith.muli %arg1, %mul3A_156 : i32
    "tpu.region"() ({
      %run_scoped3A = tpu.sem_alloc : memref<!tpu.dma_semaphore, #tpu.memory_space<semaphore_mem>>
      %dma_start3A_158 = arith.constant 0 : i32
      %dma_start3A_159 = arith.constant 0 : i32
      %dma_start3A_160 = tpu.memref_slice %arg6[%arg0, %dma_start3A_158, %dma_start3A_159] : memref<2x10240x128xf32, #tpu.memory_space<hbm>> -> memref<1x10240x128xf32, #tpu.memory_space<hbm>>
      %dma_start3A_161 = tpu.memref_squeeze %dma_start3A_160 : memref<1x10240x128xf32, #tpu.memory_space<hbm>> -> memref<10240x128xf32, #tpu.memory_space<hbm>>
      %dma_start3A_162 = arith.constant 0 : i32
      %dma_start3A_163 = tpu.memref_slice %dma_start3A_161[%mul3A_157, %dma_start3A_162] : memref<10240x128xf32, #tpu.memory_space<hbm>> -> memref<640x128xf32, #tpu.memory_space<hbm>>
      %dma_start3A_164 = arith.constant 0 : i32
      %dma_start3A_165 = tpu.memref_slice %arg13[%mul3A_155, %dma_start3A_164] : memref<10240x128xf32, #tpu.memory_space<vmem_shared>> -> memref<640x128xf32, #tpu.memory_space<vmem_shared>>
      tpu.enqueue_dma source(%dma_start3A_165 : memref<640x128xf32, #tpu.memory_space<vmem_shared>>) target(%dma_start3A_163 : memref<640x128xf32, #tpu.memory_space<hbm>>) target_semaphore(%run_scoped3A : memref<!tpu.dma_semaphore, #tpu.memory_space<semaphore_mem>>)
      %dma_wait3A_166 = arith.constant 0 : i32
      %dma_wait3A_167 = arith.constant 0 : i32
      %dma_wait3A_168 = tpu.memref_slice %arg6[%arg0, %dma_wait3A_166, %dma_wait3A_167] : memref<2x10240x128xf32, #tpu.memory_space<hbm>> -> memref<1x10240x128xf32, #tpu.memory_space<hbm>>
      %dma_wait3A_169 = tpu.memref_squeeze %dma_wait3A_168 : memref<1x10240x128xf32, #tpu.memory_space<hbm>> -> memref<10240x128xf32, #tpu.memory_space<hbm>>
      %dma_wait3A_170 = arith.constant 0 : i32
      %dma_wait3A_171 = tpu.memref_slice %dma_wait3A_169[%mul3A_157, %dma_wait3A_170] : memref<10240x128xf32, #tpu.memory_space<hbm>> -> memref<640x128xf32, #tpu.memory_space<hbm>>
      %dma_wait3A_172 = arith.constant 0 : i32
      %dma_wait3A_173 = tpu.memref_slice %arg13[%mul3A_155, %dma_wait3A_172] : memref<10240x128xf32, #tpu.memory_space<vmem_shared>> -> memref<640x128xf32, #tpu.memory_space<vmem_shared>>
      tpu.wait_dma2 semaphore(%run_scoped3A : memref<!tpu.dma_semaphore, #tpu.memory_space<semaphore_mem>>) src(%dma_wait3A_173 : memref<640x128xf32, #tpu.memory_space<vmem_shared>>) dst(%dma_wait3A_171 : memref<640x128xf32, #tpu.memory_space<hbm>>)
      tpu.yield
    }) : () -> ()
    return
  }
}

module attributes {stable_mosaic.version = 14 : i64} {
  func.func @_prep_body(%arg0: i32, %arg1: memref<2x1024x1xf32, #tpu.memory_space<vmem>>, %arg2: memref<1024x128xf32, #tpu.memory_space<vmem>>, %arg3: memref<1024x1xf32, #tpu.memory_space<vmem>>, %arg4: memref<1024x128xf32, #tpu.memory_space<vmem>>) attributes {dimension_semantics = [#tpu.dimension_semantics<arbitrary>], iteration_bounds = array<i64: 10>, scalar_prefetch = 0 : i64, scratch_operands = 0 : i64, tpu.core_type = #tpu.core_type<tc>, window_params = [{transform_indices = @transform_0, window_bounds = array<i64: 2, 1024, 1>}, {transform_indices = @transform_1, window_bounds = array<i64: 1024, 128>}, {transform_indices = @transform_2, window_bounds = array<i64: 1024, 1>}, {transform_indices = @transform_3, window_bounds = array<i64: 1024, 128>}]} {
    %get3A = arith.constant 0 : index
    %get3A_0 = arith.constant 0 : index
    %get3A_1 = arith.constant 0 : index
    %get3A_2 = vector.load %arg1[%get3A, %get3A_0, %get3A_1] : memref<2x1024x1xf32, #tpu.memory_space<vmem>>, vector<1x1024x1xf32>
    %get3A_3 = vector.shape_cast %get3A_2 : vector<1x1024x1xf32> to vector<1024x1xf32>
    %get3A_4 = arith.constant 1 : index
    %get3A_5 = arith.constant 0 : index
    %get3A_6 = arith.constant 0 : index
    %get3A_7 = vector.load %arg1[%get3A_4, %get3A_5, %get3A_6] : memref<2x1024x1xf32, #tpu.memory_space<vmem>>, vector<1x1024x1xf32>
    %get3A_8 = vector.shape_cast %get3A_7 : vector<1x1024x1xf32> to vector<1024x1xf32>
    %add3A = arith.addf %get3A_3, %get3A_8 : vector<1024x1xf32>
    %gt3A = arith.constant 0.000000e+00 : f32
    %gt3A_9 = vector.broadcast %gt3A : f32 to vector<1024x1xf32>
    %gt3A_10 = arith.cmpf ogt, %add3A, %gt3A_9 : vector<1024x1xf32>
    %rsqrt3A = math.rsqrt %add3A : vector<1024x1xf32>
    %jit3A = arith.constant 0.000000e+00 : f32
    %broadcast_in_dim3A = vector.broadcast %jit3A : f32 to vector<1024x1xf32>
    %select_n3A = arith.select %gt3A_10, %rsqrt3A, %broadcast_in_dim3A : vector<1024x1xi1>, vector<1024x1xf32>
    %swap3A = arith.constant 0 : index
    %swap3A_11 = arith.constant 0 : index
    %swap3A_12 = vector.load %arg3[%swap3A, %swap3A_11] : memref<1024x1xf32, #tpu.memory_space<vmem>>, vector<1024x1xf32>
    tpu.vector_store %arg3[%swap3A, %swap3A_11], %select_n3A {strides = array<i32>} : memref<1024x1xf32, #tpu.memory_space<vmem>>, vector<1024x1xf32>,
    %get3A_13 = arith.constant 0 : index
    %get3A_14 = arith.constant 0 : index
    %get3A_15 = vector.load %arg2[%get3A_13, %get3A_14] : memref<1024x128xf32, #tpu.memory_space<vmem>>, vector<1024x128xf32>
    %mul3A = vector.broadcast %select_n3A : vector<1024x1xf32> to vector<1024x128xf32>
    %mul3A_16 = arith.mulf %get3A_15, %mul3A : vector<1024x128xf32>
    %swap3A_17 = arith.constant 0 : index
    %swap3A_18 = arith.constant 0 : index
    %swap3A_19 = vector.load %arg4[%swap3A_17, %swap3A_18] : memref<1024x128xf32, #tpu.memory_space<vmem>>, vector<1024x128xf32>
    tpu.vector_store %arg4[%swap3A_17, %swap3A_18], %mul3A_16 {strides = array<i32>} : memref<1024x128xf32, #tpu.memory_space<vmem>>, vector<1024x128xf32>,
    return
  }
  func.func @transform_0(%arg0: i32) -> (i32, i32, i32) {
    %c0_i32 = arith.constant 0 : i32
    %c0_i32_0 = arith.constant 0 : i32
    %c0_i32_1 = arith.constant 0 : i32
    return %c0_i32, %arg0, %c0_i32_0 : i32, i32, i32
  }
  func.func @transform_1(%arg0: i32) -> (i32, i32) {
    %c0_i32 = arith.constant 0 : i32
    %c0_i32_0 = arith.constant 0 : i32
    return %arg0, %c0_i32 : i32, i32
  }
  func.func @transform_2(%arg0: i32) -> (i32, i32) {
    %c0_i32 = arith.constant 0 : i32
    %c0_i32_0 = arith.constant 0 : i32
    return %arg0, %c0_i32 : i32, i32
  }
  func.func @transform_3(%arg0: i32) -> (i32, i32) {
    %c0_i32 = arith.constant 0 : i32
    %c0_i32_0 = arith.constant 0 : i32
    return %arg0, %c0_i32 : i32, i32
  }
}

module attributes {stable_mosaic.version = 14 : i64} {
  func.func @_mid_body(%arg0: i32, %arg1: memref<2x1024x128xf32, #tpu.memory_space<vmem>>, %arg2: memref<1024x1xf32, #tpu.memory_space<vmem>>, %arg3: memref<128x256xf32, #tpu.memory_space<vmem>>, %arg4: memref<1x256xf32, #tpu.memory_space<vmem>>, %arg5: memref<256x128xf32, #tpu.memory_space<vmem>>, %arg6: memref<1024x128xf32, #tpu.memory_space<vmem>>) attributes {dimension_semantics = [#tpu.dimension_semantics<arbitrary>], iteration_bounds = array<i64: 10>, scalar_prefetch = 0 : i64, scratch_operands = 0 : i64, tpu.core_type = #tpu.core_type<tc>, window_params = [{transform_indices = @transform_0, window_bounds = array<i64: 2, 1024, 128>}, {transform_indices = @transform_1, window_bounds = array<i64: 1024, 1>}, {pipeline_mode = #tpu.pipeline_mode<synchronous>, transform_indices = @transform_2, window_bounds = array<i64: 128, 256>}, {pipeline_mode = #tpu.pipeline_mode<synchronous>, transform_indices = @transform_3, window_bounds = array<i64: 1, 256>}, {pipeline_mode = #tpu.pipeline_mode<synchronous>, transform_indices = @transform_4, window_bounds = array<i64: 256, 128>}, {transform_indices = @transform_5, window_bounds = array<i64: 1024, 128>}]} {
    %get3A = arith.constant 0 : index
    %get3A_0 = arith.constant 0 : index
    %get3A_1 = vector.load %arg2[%get3A, %get3A_0] : memref<1024x1xf32, #tpu.memory_space<vmem>>, vector<1024x1xf32>
    %get3A_2 = arith.constant 0 : index
    %get3A_3 = arith.constant 0 : index
    %get3A_4 = arith.constant 0 : index
    %get3A_5 = vector.load %arg1[%get3A_2, %get3A_3, %get3A_4] : memref<2x1024x128xf32, #tpu.memory_space<vmem>>, vector<1x1024x128xf32>
    %get3A_6 = vector.shape_cast %get3A_5 : vector<1x1024x128xf32> to vector<1024x128xf32>
    %get3A_7 = arith.constant 1 : index
    %get3A_8 = arith.constant 0 : index
    %get3A_9 = arith.constant 0 : index
    %get3A_10 = vector.load %arg1[%get3A_7, %get3A_8, %get3A_9] : memref<2x1024x128xf32, #tpu.memory_space<vmem>>, vector<1x1024x128xf32>
    %get3A_11 = vector.shape_cast %get3A_10 : vector<1x1024x128xf32> to vector<1024x128xf32>
    %add3A = arith.addf %get3A_6, %get3A_11 : vector<1024x128xf32>
    %mul3A = vector.broadcast %get3A_1 : vector<1024x1xf32> to vector<1024x128xf32>
    %mul3A_12 = arith.mulf %add3A, %mul3A : vector<1024x128xf32>
    %get3A_13 = arith.constant 0 : index
    %get3A_14 = arith.constant 0 : index
    %get3A_15 = vector.load %arg3[%get3A_13, %get3A_14] : memref<128x256xf32, #tpu.memory_space<vmem>>, vector<128x256xf32>
    %dot_general3A = arith.constant dense<0.000000e+00> : vector<1024x256xf32>
    %dot_general3A_16 = tpu.matmul %mul3A_12, %get3A_15, %dot_general3A {dimension_numbers = #tpu.dot_dimension_numbers<[1], [0], [0], [1], [0, 0, 1, 1], [], []>, transpose_lhs_hint = false} : vector<1024x128xf32>, vector<128x256xf32>, vector<1024x256xf32> -> vector<1024x256xf32>
    %get3A_17 = arith.constant 0 : index
    %get3A_18 = arith.constant 0 : index
    %get3A_19 = vector.load %arg4[%get3A_17, %get3A_18] : memref<1x256xf32, #tpu.memory_space<vmem>>, vector<1x256xf32>
    %add3A_20 = vector.broadcast %get3A_19 : vector<1x256xf32> to vector<1024x256xf32>
    %add3A_21 = arith.addf %dot_general3A_16, %add3A_20 : vector<1024x256xf32>
    %max3A = arith.constant 0.000000e+00 : f32
    %max3A_22 = vector.broadcast %max3A : f32 to vector<1024x256xf32>
    %max3A_23 = arith.maximumf %add3A_21, %max3A_22 : vector<1024x256xf32>
    %get3A_24 = arith.constant 0 : index
    %get3A_25 = arith.constant 0 : index
    %get3A_26 = vector.load %arg5[%get3A_24, %get3A_25] : memref<256x128xf32, #tpu.memory_space<vmem>>, vector<256x128xf32>
    %dot_general3A_27 = arith.constant dense<0.000000e+00> : vector<1024x128xf32>
    %dot_general3A_28 = tpu.matmul %max3A_23, %get3A_26, %dot_general3A_27 {dimension_numbers = #tpu.dot_dimension_numbers<[1], [0], [0], [1], [0, 0, 1, 1], [], []>, transpose_lhs_hint = false} : vector<1024x256xf32>, vector<256x128xf32>, vector<1024x128xf32> -> vector<1024x128xf32>
    %mul3A_29 = vector.broadcast %get3A_1 : vector<1024x1xf32> to vector<1024x128xf32>
    %mul3A_30 = arith.mulf %dot_general3A_28, %mul3A_29 : vector<1024x128xf32>
    %swap3A = arith.constant 0 : index
    %swap3A_31 = arith.constant 0 : index
    %swap3A_32 = vector.load %arg6[%swap3A, %swap3A_31] : memref<1024x128xf32, #tpu.memory_space<vmem>>, vector<1024x128xf32>
    tpu.vector_store %arg6[%swap3A, %swap3A_31], %mul3A_30 {strides = array<i32>} : memref<1024x128xf32, #tpu.memory_space<vmem>>, vector<1024x128xf32>,
    return
  }
  func.func @transform_0(%arg0: i32) -> (i32, i32, i32) {
    %c0_i32 = arith.constant 0 : i32
    %c0_i32_0 = arith.constant 0 : i32
    %c0_i32_1 = arith.constant 0 : i32
    return %c0_i32, %arg0, %c0_i32_0 : i32, i32, i32
  }
  func.func @transform_1(%arg0: i32) -> (i32, i32) {
    %c0_i32 = arith.constant 0 : i32
    %c0_i32_0 = arith.constant 0 : i32
    return %arg0, %c0_i32 : i32, i32
  }
  func.func @transform_2(%arg0: i32) -> (i32, i32) {
    %c0_i32 = arith.constant 0 : i32
    %c0_i32_0 = arith.constant 0 : i32
    %c0_i32_1 = arith.constant 0 : i32
    return %c0_i32, %c0_i32_0 : i32, i32
  }
  func.func @transform_3(%arg0: i32) -> (i32, i32) {
    %c0_i32 = arith.constant 0 : i32
    %c0_i32_0 = arith.constant 0 : i32
    %c0_i32_1 = arith.constant 0 : i32
    return %c0_i32, %c0_i32_0 : i32, i32
  }
  func.func @transform_4(%arg0: i32) -> (i32, i32) {
    %c0_i32 = arith.constant 0 : i32
    %c0_i32_0 = arith.constant 0 : i32
    %c0_i32_1 = arith.constant 0 : i32
    return %c0_i32, %c0_i32_0 : i32, i32
  }
  func.func @transform_5(%arg0: i32) -> (i32, i32) {
    %c0_i32 = arith.constant 0 : i32
    %c0_i32_0 = arith.constant 0 : i32
    return %arg0, %c0_i32 : i32, i32
  }
}

module attributes {stable_mosaic.version = 14 : i64} {
  func.func @_post_body(%arg0: i32, %arg1: memref<2x1024x128xf32, #tpu.memory_space<vmem>>, %arg2: memref<1024x1xf32, #tpu.memory_space<vmem>>, %arg3: memref<1x64xf32, #tpu.memory_space<vmem>>, %arg4: memref<1x64xf32, #tpu.memory_space<vmem>>, %arg5: memref<1024x64xf32, #tpu.memory_space<vmem>>, %arg6: memref<1024x64xf32, #tpu.memory_space<vmem>>) attributes {dimension_semantics = [#tpu.dimension_semantics<arbitrary>], iteration_bounds = array<i64: 10>, scalar_prefetch = 0 : i64, scratch_operands = 0 : i64, tpu.core_type = #tpu.core_type<tc>, window_params = [{transform_indices = @transform_0, window_bounds = array<i64: 2, 1024, 128>}, {transform_indices = @transform_1, window_bounds = array<i64: 1024, 1>}, {pipeline_mode = #tpu.pipeline_mode<synchronous>, transform_indices = @transform_2, window_bounds = array<i64: 1, 64>}, {pipeline_mode = #tpu.pipeline_mode<synchronous>, transform_indices = @transform_3, window_bounds = array<i64: 1, 64>}, {transform_indices = @transform_4, window_bounds = array<i64: 1024, 64>}, {transform_indices = @transform_5, window_bounds = array<i64: 1024, 64>}]} {
    %get3A = arith.constant 0 : index
    %get3A_0 = arith.constant 0 : index
    %get3A_1 = arith.constant 0 : index
    %get3A_2 = vector.load %arg1[%get3A, %get3A_0, %get3A_1] : memref<2x1024x128xf32, #tpu.memory_space<vmem>>, vector<1x1024x128xf32>
    %get3A_3 = vector.shape_cast %get3A_2 : vector<1x1024x128xf32> to vector<1024x128xf32>
    %get3A_4 = arith.constant 1 : index
    %get3A_5 = arith.constant 0 : index
    %get3A_6 = arith.constant 0 : index
    %get3A_7 = vector.load %arg1[%get3A_4, %get3A_5, %get3A_6] : memref<2x1024x128xf32, #tpu.memory_space<vmem>>, vector<1x1024x128xf32>
    %get3A_8 = vector.shape_cast %get3A_7 : vector<1x1024x128xf32> to vector<1024x128xf32>
    %add3A = arith.addf %get3A_3, %get3A_8 : vector<1024x128xf32>
    %get3A_9 = arith.constant 0 : index
    %get3A_10 = arith.constant 0 : index
    %get3A_11 = vector.load %arg2[%get3A_9, %get3A_10] : memref<1024x1xf32, #tpu.memory_space<vmem>>, vector<1024x1xf32>
    %mul3A = vector.broadcast %get3A_11 : vector<1024x1xf32> to vector<1024x128xf32>
    %mul3A_12 = arith.mulf %add3A, %mul3A : vector<1024x128xf32>
    %slice3A = vector.extract_strided_slice %mul3A_12 {offsets = [0, 0], sizes = [1024, 64], strides = [1, 1]} : vector<1024x128xf32> to vector<1024x64xf32>
    %get3A_13 = arith.constant 0 : index
    %get3A_14 = arith.constant 0 : index
    %get3A_15 = vector.load %arg3[%get3A_13, %get3A_14] : memref<1x64xf32, #tpu.memory_space<vmem>>, vector<1x64xf32>
    %add3A_16 = vector.broadcast %get3A_15 : vector<1x64xf32> to vector<1024x64xf32>
    %add3A_17 = arith.addf %slice3A, %add3A_16 : vector<1024x64xf32>
    %swap3A = arith.constant 0 : index
    %swap3A_18 = arith.constant 0 : index
    %swap3A_19 = vector.load %arg5[%swap3A, %swap3A_18] : memref<1024x64xf32, #tpu.memory_space<vmem>>, vector<1024x64xf32>
    tpu.vector_store %arg5[%swap3A, %swap3A_18], %add3A_17 {strides = array<i32>} : memref<1024x64xf32, #tpu.memory_space<vmem>>, vector<1024x64xf32>,
    %slice3A_20 = vector.extract_strided_slice %mul3A_12 {offsets = [0, 64], sizes = [1024, 64], strides = [1, 1]} : vector<1024x128xf32> to vector<1024x64xf32>
    %get3A_21 = arith.constant 0 : index
    %get3A_22 = arith.constant 0 : index
    %get3A_23 = vector.load %arg4[%get3A_21, %get3A_22] : memref<1x64xf32, #tpu.memory_space<vmem>>, vector<1x64xf32>
    %add3A_24 = vector.broadcast %get3A_23 : vector<1x64xf32> to vector<1024x64xf32>
    %add3A_25 = arith.addf %slice3A_20, %add3A_24 : vector<1024x64xf32>
    %swap3A_26 = arith.constant 0 : index
    %swap3A_27 = arith.constant 0 : index
    %swap3A_28 = vector.load %arg6[%swap3A_26, %swap3A_27] : memref<1024x64xf32, #tpu.memory_space<vmem>>, vector<1024x64xf32>
    tpu.vector_store %arg6[%swap3A_26, %swap3A_27], %add3A_25 {strides = array<i32>} : memref<1024x64xf32, #tpu.memory_space<vmem>>, vector<1024x64xf32>,
    return
  }
  func.func @transform_0(%arg0: i32) -> (i32, i32, i32) {
    %c0_i32 = arith.constant 0 : i32
    %c0_i32_0 = arith.constant 0 : i32
    %c0_i32_1 = arith.constant 0 : i32
    return %c0_i32, %arg0, %c0_i32_0 : i32, i32, i32
  }
  func.func @transform_1(%arg0: i32) -> (i32, i32) {
    %c0_i32 = arith.constant 0 : i32
    %c0_i32_0 = arith.constant 0 : i32
    return %arg0, %c0_i32 : i32, i32
  }
  func.func @transform_2(%arg0: i32) -> (i32, i32) {
    %c0_i32 = arith.constant 0 : i32
    %c0_i32_0 = arith.constant 0 : i32
    %c0_i32_1 = arith.constant 0 : i32
    return %c0_i32, %c0_i32_0 : i32, i32
  }
  func.func @transform_3(%arg0: i32) -> (i32, i32) {
    %c0_i32 = arith.constant 0 : i32
    %c0_i32_0 = arith.constant 0 : i32
    %c0_i32_1 = arith.constant 0 : i32
    return %c0_i32, %c0_i32_0 : i32, i32
  }
  func.func @transform_4(%arg0: i32) -> (i32, i32) {
    %c0_i32 = arith.constant 0 : i32
    %c0_i32_0 = arith.constant 0 : i32
    return %arg0, %c0_i32 : i32, i32
  }
  func.func @transform_5(%arg0: i32) -> (i32, i32) {
    %c0_i32 = arith.constant 0 : i32
    %c0_i32_0 = arith.constant 0 : i32
    return %arg0, %c0_i32 : i32, i32
  }
}

</mosaic_0001>

<sc_bundles>
// kernel: kernel.11.cloned.1.call-start
scs
__scs_entry_jumppad:
0x0: {  	(pc) =	sbr.rel $0x88, $3  }
0x1: {  	(tag) =	ssettag $0x0;
	lr =	simm.s32 $0x1  }
0x2: {  	[smem:$0x3F98] =	sst lr;
	_ =	strace $0xD0000000  }
0x3: {  	_ = 	snop  }
0x4: {  	_ = 	snop  }
0x5: {  	_ = 	snop  }
0x6: {  	_ = 	snop  }
0x7: {  	_ = 	snop  }
__scs_overlays_trampoline_lowered:
0x8: {  	[smem:$0x3FA7] =	sst s0  }
0x9: {  	[smem:$0x3FA8] =	sst s1  }
0xa: {  	[smem:$0x3FA9] =	sst s2  }
0xb: {  	[smem:$0x3FAA] =	sst s3  }
0xc: {  	[smem:$0x3FAB] =	sst s4  }
0xd: {  	[smem:$0x3FAC] =	sst s5  }
0xe: {  	[smem:$0x3FAD] =	sst s6  }
0xf: {  	[smem:$0x3FAE] =	sst s7  }
0x10: {  	[smem:$0x3FAF] =	sst s8  }
0x11: {  	[smem:$0x3FB0] =	sst s9;
	s0 =	simm.s32 @!p0 $0x0  }
0x12: {  	s1 =	sld [smem:$0x3F96];
	s0 =	simm.s32 @p0 $0x1  }
0x13: {  	[smem:$0x3FB1] =	sst s0;
	s0 =	simm.s32 @!p1 $0x0  }
0x14: {  	s2 =	sld [smem:$0x3F95];
	s0 =	simm.s32 @p1 $0x1  }
0x15: {  	[smem:$0x3FB2] =	sst s0;
	s0 =	simm.s32 @!p2 $0x0  }
0x16: {  	s3 =	sld [smem:$0x3FDB];
	s0 =	simm.s32 @p2 $0x1  }
0x17: {  	s4 =	simm.s32 $0x1BF5;
	[smem:$0x3FB4] =	sst s0  }
0x18: {  	s0 =	sld [smem:$0x3F97];
	_ =	swait.ge [sflag:s4], $0x0  }
0x19: {  	s7 =	sld [smem:$0x3F98]  }
0x1a: {  	s8 =	sadd.s32 $0xFFFFE003, lr  }
0x1b: {  	s9 =	sadd.s32 $0xFFFFFEF7, lr;
	s5 =	simm.s32 $0xFFFFFFFF;
	p2 =	slt.u32 s8, $0xFFFFF086  }
0x1c: {  	p1 =	slt.u32 s9, $0xF7A;
	s5 =	simm.s32 @!p2 $0x0  }
0x1d: {  	s5 =	simm.s32 @p1 $0x1;
	p0 =	seq.s32 s7, s2  }
0x1e: {  	s7 =	smul.u32 @!p0 $0xF7A, s2;
	p2 =	seq.s32 @!p0 s5, $0x0  }
0x1f: {  	s9 =	smul.u32 $0xF7A, s1;
	s8 =	simm.s32 @!p0 $0x1BF5;
	p2 =	por !p2, p0  }
0x20: {  	[sflag:s8] =	ssyncset.s32 @!p0 $0xFFFFF086;
	s6 =	sadd.s32 @!p0 s3, s7;
	s7 =	simm.s32 @!p0 $0x108  }
0x21: {  	s3 =	sadd.s32 s3, s9;
	s6 =	sadd.s32 @!p0 $0x88, s6;
	s7 =	simm.s32 @p2 $0x1082  }
0x22: {  	[simem:s7], [sflag:s8] =	dma.local @!p0 [hbm:s6], $0xF7A  }
0x23: {  	s9 =	sor.u32 $0xD0000000, s2;
	s6 =	simm.s32 $0x108;
	_ =	swait.ge @!p0 [sflag:s8], $0x0  }
0x24: {  	s3 =	sadd.s32 $0x88, s3;
	s6 =	simm.s32 @!p1 $0x1082;
	[sflag:s4] =	ssyncset.s32 $0xFFFFF086  }
0x25: {  	[simem:s6], [sflag:s4] =	dma.local [hbm:s3], $0xF7A  }
0x26: {  	[smem:$0x3F98] =	sst s1;
	(tag) =	ssettag s2;
	_ =	strace s9  }
0x27: {  	s1 =	sld [smem:$0x3FA8]  }
0x28: {  	s2 =	sld [smem:$0x3FA9]  }
0x29: {  	s4 =	sld [smem:$0x3FAB]  }
0x2a: {  	p0 =	seq.s32 s5, $0x0;
	s5 =	sld [smem:$0x3FAC]  }
0x2b: {  	s6 =	sld [smem:$0x3FAD]  }
0x2c: {  	s7 =	sld [smem:$0x3FAE]  }
0x2d: {  	s3 =	simm.s32 $0x108;
	s8 =	sld [smem:$0x3FAF]  }
0x2e: {  	s3 =	simm.s32 @!p0 $0x1082;
	s9 =	sld [smem:$0x3FB0]  }
0x2f: {  	lr =	sadd.s32 s0, s3;
	s0 =	sld [smem:$0x3FA7]  }
0x30: {  	s3 =	sld [smem:$0x3FAA]  }
0x31: {  	[smem:$0x3FB3] =	sst s10  }
0x32: {  	s10 =	sld [smem:$0x3FB1];
	_ =	sdelay $0x3  }
0x33: {  	p0 =	seq.s32 s10, $0x1;
	s10 =	sld [smem:$0x3FB3];
	_ =	sdelay $0x3  }
0x34: {  	[smem:$0x3FB3] =	sst s10  }
0x35: {  	s10 =	sld [smem:$0x3FB2];
	_ =	sdelay $0x3  }
0x36: {  	p1 =	seq.s32 s10, $0x1;
	s10 =	sld [smem:$0x3FB3];
	_ =	sdelay $0x3  }
0x37: {  	[smem:$0x3FB3] =	sst s10  }
0x38: {  	s10 =	sld [smem:$0x3FB4]  }
0x39: {  	_ = 	snop;
	(pc) =	sbr.ind lr, $3  }
0x3a: {  	_ = 	snop  }
0x3b: {  	_ = 	snop  }
0x3c: {  	p2 =	seq.s32 s10, $0x1;
	s10 =	sld [smem:$0x3FB3]  }
0x3d: {  	_ =	shalt  }
0x3e: {  	_ =	shalt  }
0x3f: {  	_ =	shalt  }
0x40: {  	_ =	shalt  }
0x41: {  	_ =	shalt  }
0x42: {  	_ =	shalt  }
0x43: {  	_ =	shalt  }
0x44: {  	_ =	shalt  }
0x45: {  	_ =	shalt  }
0x46: {  	_ =	shalt  }
0x47: {  	_ =	shalt  }
0x48: {  	_ =	shalt  }
0x49: {  	_ =	shalt  }
0x4a: {  	_ =	shalt  }
0x4b: {  	_ =	shalt  }
0x4c: {  	_ =	shalt  }
0x4d: {  	_ =	shalt  }
0x4e: {  	_ =	shalt  }
0x4f: {  	_ =	shalt  }
0x50: {  	_ =	shalt  }
0x51: {  	_ =	shalt  }
0x52: {  	_ =	shalt  }
0x53: {  	_ =	shalt  }
0x54: {  	_ =	shalt  }
0x55: {  	_ =	shalt  }
0x56: {  	_ =	shalt  }
0x57: {  	_ =	shalt  }
0x58: {  	_ =	shalt  }
0x59: {  	_ =	shalt  }
0x5a: {  	_ =	shalt  }
0x5b: {  	_ =	shalt  }
0x5c: {  	_ =	shalt  }
0x5d: {  	_ =	shalt  }
0x5e: {  	_ =	shalt  }
0x5f: {  	_ =	shalt  }
0x60: {  	_ =	shalt  }
0x61: {  	_ =	shalt  }
0x62: {  	_ =	shalt  }
0x63: {  	_ =	shalt  }
0x64: {  	_ =	shalt  }
0x65: {  	_ =	shalt  }
0x66: {  	_ =	shalt  }
0x67: {  	_ =	shalt  }
0x68: {  	_ =	shalt  }
0x69: {  	_ =	shalt  }
0x6a: {  	_ =	shalt  }
0x6b: {  	_ =	shalt  }
0x6c: {  	_ =	shalt  }
0x6d: {  	_ =	shalt  }
0x6e: {  	_ =	shalt  }
0x6f: {  	_ =	shalt  }
0x70: {  	_ =	shalt  }
0x71: {  	_ =	shalt  }
0x72: {  	_ =	shalt  }
0x73: {  	_ =	shalt  }
0x74: {  	_ =	shalt  }
0x75: {  	_ =	shalt  }
0x76: {  	_ =	shalt  }
0x77: {  	_ =	shalt  }
0x78: {  	_ =	shalt  }
0x79: {  	_ =	shalt  }
0x7a: {  	_ =	shalt  }
0x7b: {  	_ =	shalt  }
0x7c: {  	_ =	shalt  }
0x7d: {  	_ =	shalt  }
0x7e: {  	_ =	shalt  }
0x7f: {  	_ =	shalt  }
0x80: {  	_ =	shalt  }
0x81: {  	_ =	shalt  }
0x82: {  	_ =	shalt  }
0x83: {  	_ =	shalt  }
0x84: {  	_ =	shalt  }
0x85: {  	_ =	shalt  }
0x86: {  	_ =	shalt  }
0x87: {  	_ =	shalt  }
.Lfunc_end0:
.L_simem_size_0:
called_computation.1_lowered:
.L_overlay_start_0:
0x88: {  	s2 =	sld [smem:$0x3FD9]  }
0x89: {  	s3 =	sld [smem:$0x3FFE];
	_ =	sdelay $0x1  }
0x8a: {  	s1 =	srdreg.scid  }
0x8b: {  	s0 =	sand.u32 $0x1, s1  }
0x8c: {  	s14 =	sshll.u32 s0, $0xA;
	s2 =	sadd.s32 s3, s2  }
0x8d: {  	s2 =	sadd.s32 s2, s14  }
0x8e: {  	[smem:$0x3FBF] =	sst s2  }
0x8f: {  	_ = 	snop  }
0x90: {  	s2 =	sld [smem:$0x3FD0];
	_ =	sdelay $0x2  }
0x91: {  	s15 =	simm.s32 $0xA;
	s4 =	simm.s32 $0x10  }
0x92: {  	[smem:s4], [sflag:s15] =	dma.local [hbm:s2], $0x1  }
0x93: {  	_ =	swait.eq [sflag:s15], $0x1  }
0x94: {  	[sflag:s15] =	ssyncset.done $0x0  }
0x95: {  	s16 =	sld [smem:$0x10];
	[sflag:s15] =	ssyncadd.s32 $0xFFFFFFFF  }
0x96: {  	s17 =	sld [smem:$0x11];
	(tm) =	ssettm $0x1  }
0x97: {  	s18 =	sld [smem:$0x3FFB];
	_ =	sdelay $0x3  }
0x98: {  	_ =	strace s18  }
0x99: {  	s4 =	sld [smem:$0x3FFC];
	_ =	sdelay $0x3  }
0x9a: {  	_ =	strace s4  }
0x9b: {  	s4 =	sld [smem:$0x3FFD];
	_ =	sdelay $0x3  }
0x9c: {  	_ =	strace s4  }
0x9d: {  	_ =	strace $0x8FFFFFFF  }
0x9e: {  	s19 =	sld [smem:$0x3FDB];
	_ =	sdelay $0x1  }
0x9f: {  	s5 =	simm.s32 $_scs_section_size  }
0xa0: {  	s6 =	simm.s32 $_size__tile_overlayer_lowered;
	s7 =	simm.s32 $_tile_overlayer_lowered  }
0xa1: {  	s22 =	simm.s32 $0x1BFF;
	s21 =	sshll.u32 s7, $0x1;
	s4 =	sadd.s32 s5, s19  }
0xa2: {  	s8 =	simm.s32 $0x0;
	s20 =	sshll.u32 s6, $0x1;
	s6 =	sadd.s32 s21, s4  }
0xa3: {  	[timem:s8], [sflag:s22] =	dma.local [hbm:s6], s20  }
0xa4: {  	_ =	swait.ge [sflag:s22], s20  }
0xa5: {  	s5 =	ssub.s32 $0x0, s20;
	[sflag:s22] =	ssyncset.done $0x0  }
0xa6: {  	[sflag:s22] =	ssyncadd.s32 s5;
	_ =	sdelay $0x1  }
0xa7: {  	s23 =	simm.s32 $0x1B8B  }
0xa8: {  	_ =	swait.ge [sflag:s23], $0x1  }
0xa9: {  	[sflag:s23] =	ssyncset.done $0x0  }
0xaa: {  	s25 =	simm.s32 $0x1B8E;
	s24 =	sld [smem:$0x3FFE];
	[sflag:s23] =	ssyncadd.s32 $0xFFFFFFFF  }
0xab: {  	s26 =	simm.s32 $execute0_lowered;
	[smem:$0x3FD2] =	sst s25  }
0xac: {  	s6 =	sshll.u32 s26, $0x1;
	_ =	strace $0x80000049;
	[dreg:$0x1] =	wrdreg $0xFFFFFFFF  }
0xad: {  	s28 =	simm.s32 $_size_execute0_lowered;
	s4 =	sadd.s32 s4, s6;
	[dreg:$0x0] =	wrdreg $0x0  }
0xae: {  	s6 =	sshll.u32 s28, $0x1;
	[dreg:$0x2] =	wrdreg s4  }
0xaf: {  	[dreg:$0x3] =	wrdreg s6  }
0xb0: {  	[dreg:$0x4] =	wrdreg $0xC0  }
0xb1: {  	_ =	task [dreg:s8], $0x5FFFF  }
0xb2: {  	[dreg:$0x1] =	wrdreg $0xFFFFFFFF  }
0xb3: {  	[dreg:$0x0] =	wrdreg $0x60  }
0xb4: {  	[dreg:$0x2] =	wrdreg s17  }
0xb5: {  	[dreg:$0x3] =	wrdreg s16  }
0xb6: {  	[dreg:$0x4] =	wrdreg s24  }
0xb7: {  	[dreg:$0x5] =	wrdreg $0xB8000  }
0xb8: {  	[dreg:$0x6] =	wrdreg $0x9  }
0xb9: {  	_ =	task.clear_ibuf [dreg:s8], $0x7FFFF;
	_ =	strace $0x90000049  }
0xba: {  	s29 =	simm.s32 $0x9;
	_ =	strace $0x8000004B  }
0xbb: {  	_ =	swait.ge [sflag:s29], $0x1  }
0xbc: {  	[sflag:s29] =	ssyncadd.s32 $0xFFFFFFFF  }
0xbd: {  	_ =	strace $0x9000004B  }
0xbe: {  	_ =	sfence  }
0xbf: {  	s30 =	sld [smem:$0x0];
	_ =	sdelay $0x2  }
0xc0: {  	s31 =	sshll.u32 s1, $0xD;
	s1 =	sshrl.u32 s1, $0x2  }
0xc1: {  	s3 =	sand.u32 $0x4000, s31;
	s1 =	sadd.s32 s1, s30  }
0xc2: {  	s0 =	sor.u32 s3, s0;
	s1 =	sshll.u32 s1, $0x11  }
0xc3: {  	s0 =	sor.u32 s1, s0  }
0xc4: {  	s0 =	sadd.s32 $0x8F2B, s0  }
0xc5: {  	[sflag:s0] =	ssyncadd.remote.s32 $0x1  }
0xc6: {  	_ =	sfence.sel $0xFFFF  }
0xc7: {  	[dreg:$0x0] =	wrdreg $0xFFFFFFFF;
	(pc) =	sbr.abs _section_cstart, $3  }
0xc8: {  	[dreg:$0x1] =	wrdreg $0xFFFFFFFF  }
0xc9: {  	_ =	task.clear_ibuf [dreg:s8], $0x2FFFF;
	_ =	strace $0x9FFFFFFF  }
0xca: {  	(tm) =	ssettm $0x7FFFFFFF  }
0xcb: {  	_ =	shalt  }
tec
execute0_lowered:
.L_overlay_start_1:
0x0: {  	(tag) =	ssettag $0x1  }
0x1: {  	s0 =	rddreg [dreg:$0x0]  }
0x2: {  	s2 =	rddreg [dreg:$0x1]  }
0x3: {  	s6 =	rddreg [dreg:$0x2]  }
0x4: {  	s1 =	rddreg [dreg:$0x3];
	s3 =	srdreg.scid  }
0x5: {  	s14 =	stileid.u32;
	s5 =	sand.u32 $0x1, s3;
	s3 =	simm.s32 $0x0  }
0x6: {  	s28 =	smul.u32 $0x2800, s14;
	s4 =	sshll.u32 s5, $0x4;
	[smem:$0x7FF] =	sst s3  }
0x7: {  	s7 =	smul.u32 $0x28000, s5;
	s10 =	ssub.s32 $0x2, s5;
	s8 =	sor.u32 s14, s4  }
0x8: {  	s5 =	sadd.s32 $0x16E00, s6;
	_ =	strace $0x8000004A;
	s9 =	smul.u32 $0x2800, s8  }
0x9: {  	s4 =	sadd.s32 $0xCE00, s6;
	s21 =	sshrl.u32 s10, $0x1;
	s11 =	smul.u32 $0x280, s8  }
0xa: {  	s12 =	sadd.s32 s7, s6;
	s22 =	smul.u32 $0x500, s8;
	s13 =	ssub.s32 s10, s21  }
0xb: {  	s26 =	sadd.s32 $0x3EE00, s12;
	s9 =	sand.u32 $0x7C000, s9;
	s11 =	sand.u32 $0x380, s11  }
0xc: {  	s12 =	smax.u32 s13, $0x1;
	s6 =	sadd.s32 s0, s22;
	s9 =	sor.u32 s11, s9  }
0xd: {  	[dreg:$0x6] =	wrdreg s12;
	s0 =	sadd.s32 s28, s26;
	s24 =	sshrl.u32 s9, $0x3  }
0xe: {  	[dreg:$0x13] =	wrdreg s0;
	s9 =	sadd.s32 s4, s24  }
0xf: {  	s13 =	sadd.s32 $0x80, s9;
	[dreg:$0x5] =	wrdreg s9  }
0x10: {  	s23 =	smul.u32 $0x50000, s14;
	s14 =	sadd.s32 $0x100, s9;
	[dreg:$0x7] =	wrdreg s13  }
0x11: {  	s15 =	sadd.s32 $0x180, s9;
	[dreg:$0x8] =	wrdreg s14  }
0x12: {  	s16 =	sadd.s32 $0x200, s9;
	[dreg:$0x9] =	wrdreg s15  }
0x13: {  	s30 =	simm.s32 $0x2000;
	s17 =	sadd.s32 $0x280, s9;
	[dreg:$0xa] =	wrdreg s16  }
0x14: {  	s31 =	simm.s32 $0x5;
	s18 =	sadd.s32 $0x300, s9;
	[dreg:$0xb] =	wrdreg s17  }
0x15: {  	s29 =	simm.s32 $0x3000;
	s19 =	sadd.s32 $0x380, s9;
	[dreg:$0xc] =	wrdreg s18  }
0x16: {  	s25 =	sshrl.u32 s23, $0x2;
	s20 =	sadd.s32 $0x400, s9;
	[dreg:$0xd] =	wrdreg s19  }
0x17: {  	s8 =	smul.u32 $0x5, s8;
	s21 =	sadd.s32 $0x480, s9;
	[dreg:$0xe] =	wrdreg s20  }
0x18: {  	s7 =	sadd.s32 s2, s22;
	s22 =	sadd.s32 $0x500, s9;
	[dreg:$0xf] =	wrdreg s21  }
0x19: {  	s10 =	sadd.s32 s25, s1;
	s23 =	sadd.s32 $0x580, s9;
	[dreg:$0x10] =	wrdreg s22  }
0x1a: {  	s2 =	simm.s32 $0xB000;
	s24 =	sadd.s32 $0x600, s9;
	[dreg:$0x11] =	wrdreg s23  }
.Ltmp0:
0x1b: {  	s25 =	sadd.s32 $0x680, s9;
	[dreg:$0x12] =	wrdreg s24;
	(pc) =	sbr.rel .LBB2_1-.Ltmp0, $4  }
0x1c: {  	s12 =	simm.s32 $0x7000;
	s26 =	sadd.s32 $0x700, s9;
	[dreg:$0x14] =	wrdreg s25  }
0x1d: {  	s0 =	simm.s32 $0x7D;
	s28 =	sadd.s32 $0x780, s9;
	[dreg:$0x15] =	wrdreg s26  }
0x1e: {  	s11 =	simm.s32 $0x6;
	[dreg:$0x16] =	wrdreg s28;
	s13 =	simm.s32 $0x1  }
0x1f: {  	v0 =	vimm.f32 $0.0e+00;
	s14 =	simm.s32 $0x3;
	s15 =	simm.s32 $0x2;
	s17 =	simm.s32 $0x0  }
.LBB2_17:
0x20: {  	s9 =	simm.s32 $0x4  }
0x21: {  	_ =	swait.ge [sflag:s9], $0x3E80  }
0x22: {  	[sflag:s9] =	ssyncset.done $0x0  }
0x23: {  	s26 =	stileid.u32;
	[sflag:s9] =	ssyncadd.s32 $0xFFFFC180  }
0x24: {  	s9 =	sshll.u32 s26, $0x6;
	[bflag:$0x0] =	sbarrier.arrive $0xFFFF  }
0x25: {  	s16 =	sshrl.u32 s10, $0x3;
	s9 =	sor.u32 $0x1C06, s9;
	s18 =	rddreg [dreg:$0x13]  }
0x26: {  	[hbm:s18], [sflag:s9] =	dma.local [spmem:s16], $0x2800  }
0x27: {  	_ =	swait.ge [sflag:s11], $0x2800  }
0x28: {  	s17 =	sadd.s32 $0x1, s17;
	s28 =	rddreg [dreg:$0x6]  }
0x29: {  	p0 =	sne.s32 s17, s28  }
.Ltmp1:
0x2a: {  	_ = 	snop;
	(pc) =	sbr.rel @!p0 .LBB2_18-.Ltmp1, $3  }
0x2b: {  	_ =	sdelay $0x1  }
0x2c: {  	[sflag:s11] =	ssyncset.done $0x0  }
0x2d: {  	[sflag:s11] =	ssyncadd.s32 $0xFFFFD800  }
.LBB2_1:
0x2e: {  	[tilespmem:s3], [sflag:$0x5] =	stream.linear.gather [hbm4b:s6+s3], $0x800, $0x38;
	[tilespmem:$0x1F800] =	vst v63  }
0x2f: {  	s9 =	simm.s32 $0x1000;
	s18 =	rddreg [dreg:$0x5]  }
0x30: {  	[tilespmem:s9], [sflag:$0x5] =	stream.linear.gather [hbm4b:s7+s3], $0x800, $0x38;
	[tilespmem:$0x1F800] =	vst v63  }
0x31: {  	s19 =	rddreg [dreg:$0x7]  }
0x32: {  	[tilespmem:s30], [sflag:$0x5] =	stream.linear.gather [hbm4b:s18+s3], $0x80, $0x38;
	[tilespmem:$0x1F800] =	vst v63  }
0x33: {  	s16 =	simm.s32 $0x2100;
	s20 =	rddreg [dreg:$0x8]  }
0x34: {  	[tilespmem:s16], [sflag:$0x5] =	stream.linear.gather [hbm4b:s19+s3], $0x80, $0x38;
	[tilespmem:$0x1F800] =	vst v63  }
0x35: {  	s21 =	simm.s32 $0x2200;
	s22 =	rddreg [dreg:$0x9]  }
0x36: {  	[tilespmem:s21], [sflag:$0x5] =	stream.linear.gather [hbm4b:s20+s3], $0x80, $0x38;
	[tilespmem:$0x1F800] =	vst v63  }
0x37: {  	s23 =	simm.s32 $0x2300;
	s24 =	rddreg [dreg:$0xa]  }
0x38: {  	[tilespmem:s23], [sflag:$0x5] =	stream.linear.gather [hbm4b:s22+s3], $0x80, $0x38;
	[tilespmem:$0x1F800] =	vst v63  }
0x39: {  	s25 =	simm.s32 $0x2400;
	s26 =	rddreg [dreg:$0xb]  }
0x3a: {  	[tilespmem:s25], [sflag:$0x5] =	stream.linear.gather [hbm4b:s24+s3], $0x80, $0x38;
	[tilespmem:$0x1F800] =	vst v63  }
0x3b: {  	s28 =	simm.s32 $0x2500;
	s18 =	rddreg [dreg:$0xc]  }
0x3c: {  	[tilespmem:s28], [sflag:$0x5] =	stream.linear.gather [hbm4b:s26+s3], $0x80, $0x38;
	[tilespmem:$0x1F800] =	vst v63  }
0x3d: {  	s19 =	simm.s32 $0x2600;
	s20 =	rddreg [dreg:$0xd]  }
0x3e: {  	[tilespmem:s19], [sflag:$0x5] =	stream.linear.gather [hbm4b:s18+s3], $0x80, $0x38;
	[tilespmem:$0x1F800] =	vst v63  }
0x3f: {  	s21 =	simm.s32 $0x2700;
	s22 =	rddreg [dreg:$0xe]  }
0x40: {  	[tilespmem:s21], [sflag:$0x5] =	stream.linear.gather [hbm4b:s20+s3], $0x80, $0x38;
	[tilespmem:$0x1F800] =	vst v63  }
0x41: {  	s23 =	simm.s32 $0x2800;
	s24 =	rddreg [dreg:$0xf]  }
0x42: {  	[tilespmem:s23], [sflag:$0x5] =	stream.linear.gather [hbm4b:s22+s3], $0x80, $0x38;
	[tilespmem:$0x1F800] =	vst v63  }
0x43: {  	s25 =	simm.s32 $0x2900;
	s26 =	rddreg [dreg:$0x10]  }
0x44: {  	[tilespmem:s25], [sflag:$0x5] =	stream.linear.gather [hbm4b:s24+s3], $0x80, $0x38;
	[tilespmem:$0x1F800] =	vst v63  }
0x45: {  	s28 =	simm.s32 $0x2A00;
	s18 =	rddreg [dreg:$0x11]  }
0x46: {  	[tilespmem:s28], [sflag:$0x5] =	stream.linear.gather [hbm4b:s26+s3], $0x80, $0x38;
	[tilespmem:$0x1F800] =	vst v63  }
0x47: {  	s19 =	simm.s32 $0x2B00;
	s20 =	rddreg [dreg:$0x12]  }
0x48: {  	[tilespmem:s19], [sflag:$0x5] =	stream.linear.gather [hbm4b:s18+s3], $0x80, $0x38;
	[tilespmem:$0x1F800] =	vst v63  }
0x49: {  	s21 =	simm.s32 $0x2C00;
	s22 =	rddreg [dreg:$0x14]  }
0x4a: {  	[tilespmem:s21], [sflag:$0x5] =	stream.linear.gather [hbm4b:s20+s3], $0x80, $0x38;
	[tilespmem:$0x1F800] =	vst v63  }
0x4b: {  	s23 =	simm.s32 $0x2D00;
	s24 =	rddreg [dreg:$0x15]  }
0x4c: {  	[tilespmem:s23], [sflag:$0x5] =	stream.linear.gather [hbm4b:s22+s3], $0x80, $0x38;
	[tilespmem:$0x1F800] =	vst v63  }
0x4d: {  	s25 =	simm.s32 $0x2E00;
	s26 =	rddreg [dreg:$0x16]  }
0x4e: {  	[tilespmem:s25], [sflag:$0x5] =	stream.linear.gather [hbm4b:s24+s3], $0x80, $0x38;
	[tilespmem:$0x1F800] =	vst v63  }
0x4f: {  	s28 =	simm.s32 $0x2F00;
	s18 =	simm.s32 $0x0;
	s19 =	simm.s32 $0x200  }
0x50: {  	[tilespmem:s28], [sflag:$0x5] =	stream.linear.gather [hbm4b:s26+s3], $0x80, $0x38;
	[tilespmem:$0x1F800] =	vst v63  }
.LBB2_2:
0x51: {  	p0 =	sne.s32 s19, $0x1E00;
	[tilespmem:s18+$0xB070] =	vst v0  }
0x52: {  	[tilespmem:s18+$0xB000] =	vst v0  }
0x53: {  	[tilespmem:s18+$0xB010] =	vst v0  }
.Ltmp2:
0x54: {  	[tilespmem:s18+$0xB020] =	vst v0;
	(pc) =	sbr.rel @p0 .LBB2_2-.Ltmp2, $4  }
0x55: {  	[tilespmem:s18+$0xB030] =	vst v0  }
0x56: {  	[tilespmem:s18+$0xB040] =	vst v0  }
0x57: {  	[tilespmem:s18+$0xB050] =	vst v0  }
0x58: {  	[tilespmem:s18+$0xB060] =	vst v0;
	s18 =	sshra.s32 s19, $0x2;
	s19 =	sadd.s32 $0x200, s19  }
0x59: {  	[tilespmem:s18+$0xB070] =	vst v0  }
0x5a: {  	[tilespmem:s18+$0xB000] =	vst v0  }
0x5b: {  	[tilespmem:s18+$0xB010] =	vst v0  }
0x5c: {  	[tilespmem:s18+$0xB020] =	vst v0  }
0x5d: {  	[tilespmem:s18+$0xB030] =	vst v0  }
0x5e: {  	[tilespmem:s18+$0xB040] =	vst v0  }
0x5f: {  	[tilespmem:s18+$0xB050] =	vst v0  }
0x60: {  	[tilespmem:s18+$0xB060] =	vst v0  }
0x61: {  	_ =	swait.ge [sflag:s31], $0x800  }
0x62: {  	[sflag:s31] =	ssyncset.done $0x0  }
0x63: {  	[sflag:s31] =	ssyncadd.s32 $0xFFFFF800  }
0x64: {  	_ =	swait.ge [sflag:s31], $0x800  }
0x65: {  	[sflag:s31] =	ssyncset.done $0x0  }
0x66: {  	[sflag:s31] =	ssyncadd.s32 $0xFFFFF800  }
0x67: {  	_ =	swait.ge [sflag:s31], $0x800  }
0x68: {  	[sflag:s31] =	ssyncset.done $0x0  }
0x69: {  	s26 =	simm.s32 $0x0;
	[sflag:s31] =	ssyncadd.s32 $0xFFFFF800  }
0x6a: {  	[tilespmem:s29], [sflag:$0x1] =	stream.indirect.gather [hbm4b:s5+s0], $0x80, s26, s0, $0xb8;
	[tilespmem:$0x1F800] =	vst v63  }
0x6b: {  	s28 =	sadd.s32 $0x0, s10  }
0x6c: {  	[spmem:s28] =	stream.linear.scatter [tilespmem:s2], [sflag:$0x6], $0x800, $0x38;
	[tilespmem:$0x1F800] =	vst v63  }
0x6d: {  	s18 =	simm.s32 $0x2000;
	_ =	swait.ge [sflag:s11], $0x800  }
.LBB2_4:
0x6e: {  	s19 =	sshra.s32 s18, $0x2;
	[sflag:s11] =	ssyncset.done $0x0;
	p0 =	sne.s32 s18, $0x4E000  }
.Ltmp3:
0x6f: {  	s19 =	sadd.s32 s19, s10;
	[sflag:s11] =	ssyncadd.s32 $0xFFFFF800;
	(pc) =	sbr.rel @p0 .LBB2_4-.Ltmp3, $3  }
0x70: {  	[spmem:s19] =	stream.linear.scatter [tilespmem:s2], [sflag:$0x6], $0x800, $0x38;
	[tilespmem:$0x1F800] =	vst v63  }
0x71: {  	s18 =	sadd.s32 $0x2000, s18;
	_ =	sdelay $0x1  }
0x72: {  	_ =	swait.ge [sflag:s11], $0x800  }
0x73: {  	[sflag:s11] =	ssyncset.done $0x0  }
0x74: {  	[sflag:s11] =	ssyncadd.s32 $0xFFFFF800  }
0x75: {  	s18 =	simm.s32 $0x0;
	[bflag:$0x0] =	sbarrier.arrive $0xFFFF  }
.LBB2_6:
0x76: {  	s21 =	sshll.u32 s18, $0x1  }
0x77: {  	p1 =	sgt.u32 s18, $0x1F;
	s19 =	sand.u32 $0xE, s21  }
0x78: {  	p2 =	sne.s32 @!p1 s19, $0x0  }
0x79: {  	p1 =	por p1, p2  }
.Ltmp4:
0x7a: {  	p0 =	seq.s32 s18, $0x0;
	(pc) =	sbr.rel @p1 .LBB2_8-.Ltmp4, $4  }
0x7b: {  	s23 =	simm.s32 @!p0 $0x4  }
0x7c: {  	_ =	swait.ge @!p0 [sflag:s23], $0x3E80  }
0x7d: {  	s22 =	sshrl.u32 s18, $0x3;
	[sflag:s23] =	ssyncset.done @!p0 $0x0  }
0x7e: {  	s20 =	sand.u32 $0x1, s22;
	[sflag:s23] =	ssyncadd.s32 @!p0 $0xFFFFC180  }
0x7f: {  	s22 =	sadd.s32 $0x1, s22  }
0x80: {  	s23 =	sxor.u32 $0x1, s20;
	s24 =	sshll.u32 s22, $0x8  }
0x81: {  	s25 =	sshll.u32 s23, $0xB;
	s22 =	sadd.s32 s8, s22;
	s26 =	sadd.s32 s6, s24  }
0x82: {  	[tilespmem:s25], [sflag:$0x5] =	stream.linear.gather [hbm4b:s26+s3], $0x800, $0x38;
	[tilespmem:$0x1F800] =	vst v63  }
0x83: {  	s24 =	sadd.s32 s7, s24;
	s28 =	sshll.u32 s22, $0x4;
	s25 =	sor.u32 $0x1000, s25  }
0x84: {  	[tilespmem:s25], [sflag:$0x5] =	stream.linear.gather [hbm4b:s24+s3], $0x800, $0x38;
	[tilespmem:$0x1F800] =	vst v63  }
0x85: {  	s22 =	sshll.u32 s22, $0x8;
	s24 =	sand.u32 $0x70, s28  }
0x86: {  	s23 =	sshll.u32 s23, $0x7;
	s22 =	sand.u32 $0xFFFF800, s22;
	s24 =	sadd.s32 s4, s24  }
0x87: {  	s9 =	sor.u32 $0x2000, s23;
	s22 =	sadd.s32 s22, s24  }
0x88: {  	[tilespmem:s9], [sflag:$0x5] =	stream.linear.gather [hbm4b:s22+s3], $0x80, $0x38;
	[tilespmem:$0x1F800] =	vst v63  }
0x89: {  	s16 =	sor.u32 $0x2100, s23;
	s24 =	sadd.s32 $0x80, s22  }
0x8a: {  	[tilespmem:s16], [sflag:$0x5] =	stream.linear.gather [hbm4b:s24+s3], $0x80, $0x38;
	[tilespmem:$0x1F800] =	vst v63  }
0x8b: {  	s28 =	sor.u32 $0x2200, s23;
	s26 =	sadd.s32 $0x100, s22  }
0x8c: {  	[tilespmem:s28], [sflag:$0x5] =	stream.linear.gather [hbm4b:s26+s3], $0x80, $0x38;
	[tilespmem:$0x1F800] =	vst v63  }
0x8d: {  	s9 =	sadd.s32 $0x180, s22;
	s16 =	sor.u32 $0x2300, s23  }
0x8e: {  	[tilespmem:s16], [sflag:$0x5] =	stream.linear.gather [hbm4b:s9+s3], $0x80, $0x38;
	[tilespmem:$0x1F800] =	vst v63  }
0x8f: {  	s26 =	sadd.s32 $0x200, s22;
	s28 =	sor.u32 $0x2400, s23  }
0x90: {  	[tilespmem:s28], [sflag:$0x5] =	stream.linear.gather [hbm4b:s26+s3], $0x80, $0x38;
	[tilespmem:$0x1F800] =	vst v63  }
0x91: {  	s9 =	sadd.s32 $0x280, s22;
	s16 =	sor.u32 $0x2500, s23  }
0x92: {  	[tilespmem:s16], [sflag:$0x5] =	stream.linear.gather [hbm4b:s9+s3], $0x80, $0x38;
	[tilespmem:$0x1F800] =	vst v63  }
0x93: {  	s26 =	sadd.s32 $0x300, s22;
	s28 =	sor.u32 $0x2600, s23  }
0x94: {  	[tilespmem:s28], [sflag:$0x5] =	stream.linear.gather [hbm4b:s26+s3], $0x80, $0x38;
	[tilespmem:$0x1F800] =	vst v63  }
0x95: {  	s9 =	sadd.s32 $0x380, s22;
	s16 =	sor.u32 $0x2700, s23  }
0x96: {  	[tilespmem:s16], [sflag:$0x5] =	stream.linear.gather [hbm4b:s9+s3], $0x80, $0x38;
	[tilespmem:$0x1F800] =	vst v63  }
0x97: {  	s26 =	sadd.s32 $0x400, s22;
	s28 =	sor.u32 $0x2800, s23  }
0x98: {  	[tilespmem:s28], [sflag:$0x5] =	stream.linear.gather [hbm4b:s26+s3], $0x80, $0x38;
	[tilespmem:$0x1F800] =	vst v63  }
0x99: {  	s9 =	sadd.s32 $0x480, s22;
	s16 =	sor.u32 $0x2900, s23  }
0x9a: {  	[tilespmem:s16], [sflag:$0x5] =	stream.linear.gather [hbm4b:s9+s3], $0x80, $0x38;
	[tilespmem:$0x1F800] =	vst v63  }
0x9b: {  	s26 =	sadd.s32 $0x500, s22;
	s28 =	sor.u32 $0x2A00, s23  }
0x9c: {  	[tilespmem:s28], [sflag:$0x5] =	stream.linear.gather [hbm4b:s26+s3], $0x80, $0x38;
	[tilespmem:$0x1F800] =	vst v63  }
0x9d: {  	s9 =	sadd.s32 $0x580, s22;
	s16 =	sor.u32 $0x2B00, s23  }
0x9e: {  	[tilespmem:s16], [sflag:$0x5] =	stream.linear.gather [hbm4b:s9+s3], $0x80, $0x38;
	[tilespmem:$0x1F800] =	vst v63  }
0x9f: {  	s26 =	sadd.s32 $0x600, s22;
	s28 =	sor.u32 $0x2C00, s23  }
0xa0: {  	[tilespmem:s28], [sflag:$0x5] =	stream.linear.gather [hbm4b:s26+s3], $0x80, $0x38;
	[tilespmem:$0x1F800] =	vst v63  }
0xa1: {  	s9 =	sadd.s32 $0x680, s22;
	s16 =	sor.u32 $0x2D00, s23  }
0xa2: {  	[tilespmem:s16], [sflag:$0x5] =	stream.linear.gather [hbm4b:s9+s3], $0x80, $0x38;
	[tilespmem:$0x1F800] =	vst v63  }
0xa3: {  	s26 =	sadd.s32 $0x700, s22;
	s28 =	sor.u32 $0x2E00, s23  }
0xa4: {  	[tilespmem:s28], [sflag:$0x5] =	stream.linear.gather [hbm4b:s26+s3], $0x80, $0x38;
	[tilespmem:$0x1F800] =	vst v63  }
0xa5: {  	s22 =	sadd.s32 $0x780, s22;
	s23 =	sor.u32 $0x2F00, s23  }
0xa6: {  	[tilespmem:s23], [sflag:$0x5] =	stream.linear.gather [hbm4b:s22+s3], $0x80, $0x38;
	[tilespmem:$0x1F800] =	vst v63  }
.LBB2_8:
0xa7: {  	s24 =	smul.u32 $0x7D, s19;
	_ =	sdelay $0x1  }
0xa8: {  	s25 =	sadd.s32 $0x0, s24  }
0xa9: {  	s22 =	sadd.s32 $0x4, s25  }
0xaa: {  	v1 =	vmov s22;
	s22 =	sor.u32 $0x1, s21  }
0xab: {  	v4 =	vmov s25;
	s21 =	sshll.u32 s18, $0x8;
	s23 =	sshll.u32 s22, $0x7  }
0xac: {  	v6 =	vshll.u32 v4, $0x1;
	s28 =	sand.u32 $0x800, s21;
	s23 =	sand.u32 $0x780, s23  }
0xad: {  	s26 =	sshll.u32 s20, $0x7;
	s9 =	sadd.s32 $0x1, s25;
	v4 =	vand.u32 $0x7F, v4;
	v2 =	vshll.u32 v1, $0x1;
	v1 =	vand.u32 $0x7F, v1;
	s23 =	sor.u32 s23, s28  }
0xae: {  	v6 =	vand.u32 $0x7FFFFF00, v6;
	v3 =	vand.u32 $0x7FFFFF00, v2;
	v2 =	vmov s26;
	[tilespmem:s12], [sflag:$0x2] =	stream.indirect.gather [hbm4b:s5+s0], $0x80, s23, s0, $0xb8;
	[tilespmem:$0x1F800] =	vst v63  }
0xaf: {  	v4 =	vor.u32 v6, v4;
	v1 =	vor.u32 v3, v1;
	v3 =	vmov s9;
	_ =	swait.ge [sflag:s13], $0x3E80  }
0xb0: {  	v4 =	vor.u32 v2, v4;
	v5 =	vshll.u32 v3, $0x1;
	[sflag:s13] =	ssyncset.done $0x0  }
0xb1: {  	v3 =	vand.u32 $0x7F, v3;
	s23 =	simm.s32 $0x3140;
	v5 =	vand.u32 $0x7FFFFF00, v5;
	[sflag:s13] =	ssyncadd.s32 $0xFFFFC180  }
0xb2: {  	v3 =	vor.u32 v5, v3;
	v5 =	vld [tilespmem:s23+$0x130]  }
0xb3: {  	v6 =	vld [tilespmem:s23+$0xFFFFFEC0]  }
0xb4: {  	v7 =	vld [tilespmem:s23+$0xFFFFFED0]  }
0xb5: {  	v10 =	vld.idx.msk [tilespmem:v4+s30+$0x0], $0xffff  }
0xb6: {  	v4 =	vld [tilespmem:s23+$0xFFFFFEE0]  }
0xb7: {  	v8 =	vld [tilespmem:s23+$0xFFFFFEF0]  }
0xb8: {  	v1 =	vor.u32 v2, v1;
	v9 =	vld [tilespmem:s23+$0xFFFFFF00]  }
0xb9: {  	v11 =	vld [tilespmem:s23+$0xFFFFFF10]  }
0xba: {  	s16 =	sadd.s32 $0x2, s25;
	v13 =	vld [tilespmem:s23+$0xFFFFFF20]  }
0xbb: {  	v12 =	vmov s16;
	v3 =	vor.u32 v2, v3;
	v15 =	vld [tilespmem:s23+$0xFFFFFF30]  }
0xbc: {  	v14 =	vshll.u32 v12, $0x1;
	v16 =	vld [tilespmem:s23+$0xFFFFFF40]  }
0xbd: {  	v12 =	vand.u32 $0x7F, v12;
	v14 =	vand.u32 $0x7FFFFF00, v14;
	v1 =	vld.idx.msk [tilespmem:v1+s30+$0x0], $0xffff  }
0xbe: {  	v12 =	vor.u32 v14, v12;
	v14 =	vld [tilespmem:s23+$0xFFFFFF50]  }
0xbf: {  	v17 =	vld [tilespmem:s23+$0xFFFFFF60]  }
0xc0: {  	v3 =	vld.idx.msk [tilespmem:v3+s30+$0x0], $0xffff;
	v6 =	vmul.f32 v6, v10  }
0xc1: {  	v18 =	vld [tilespmem:s23+$0xFFFFFF70];
	v4 =	vmul.f32 v4, v10  }
0xc2: {  	v12 =	vor.u32 v2, v12;
	v58 =	vld [tilespmem:s23+$0xFFFFFF90];
	v5 =	vmul.f32 v5, v1;
	[tilespmem:s23+$0xFFFFFEC0] =	vst v6  }
0xc3: {  	v59 =	vld [tilespmem:s23+$0xFFFFFFC0];
	v8 =	vmul.f32 v8, v10;
	[tilespmem:s23+$0xFFFFFEE0] =	vst v4  }
0xc4: {  	[tilespmem:s23+$0x130] =	vst v5;
	v5 =	vmul.f32 v7, v10;
	v7 =	vld [tilespmem:s23+$0xFFFFFF80]  }
0xc5: {  	v60 =	vld [tilespmem:s23+$0xFFFFFFF0];
	[tilespmem:s23+$0xFFFFFEF0] =	vst v8;
	v6 =	vmul.f32 v16, v3  }
0xc6: {  	s25 =	sadd.s32 $0x3, s25;
	v4 =	vmul.f32 v14, v3;
	[tilespmem:s23+$0xFFFFFED0] =	vst v5;
	v5 =	vld [tilespmem:s23+$0xFFFFFFA0]  }
0xc7: {  	v19 =	vmov s25;
	v20 =	vld.idx.msk [tilespmem:v12+s30+$0x0], $0xffff;
	v8 =	vmul.f32 v17, v3;
	[tilespmem:s23+$0xFFFFFF40] =	vst v6  }
0xc8: {  	v12 =	vld [tilespmem:s23+$0xFFFFFFB0];
	v6 =	vshll.u32 v19, $0x1;
	[tilespmem:s23+$0xFFFFFF50] =	vst v4;
	v4 =	vmul.f32 v18, v3  }
0xc9: {  	v14 =	vand.u32 $0x7F, v19;
	[tilespmem:s23+$0xFFFFFF60] =	vst v8;
	v8 =	vld [tilespmem:s23+$0xFFFFFFE0];
	v6 =	vand.u32 $0x7FFFFF00, v6;
	v7 =	vmul.f32 v7, v3  }
0xca: {  	v6 =	vor.u32 v6, v14;
	v14 =	vld [tilespmem:s23+$0xFFFFFFD0];
	[tilespmem:s23+$0xFFFFFF70] =	vst v4;
	v4 =	vmul.f32 v58, v3  }
0xcb: {  	v61 =	vld [tilespmem:s23+$0x0];
	v6 =	vor.u32 v2, v6;
	[tilespmem:s23+$0xFFFFFF80] =	vst v7;
	v5 =	vmul.f32 v5, v3  }
0xcc: {  	v62 =	vld [tilespmem:s23+$0x10];
	[tilespmem:s23+$0xFFFFFF90] =	vst v4;
	v4 =	vmul.f32 v59, v20  }
0xcd: {  	v63 =	vld [tilespmem:s23+$0x20];
	v7 =	vmul.f32 v12, v3;
	[tilespmem:s23+$0xFFFFFFA0] =	vst v5  }
0xce: {  	v21 =	vld [tilespmem:s23+$0x30];
	[tilespmem:s23+$0xFFFFFFC0] =	vst v4;
	v4 =	vmul.f32 v8, v20  }
0xcf: {  	v12 =	vld [tilespmem:s23+$0x40];
	[tilespmem:s23+$0xFFFFFFB0] =	vst v7;
	v5 =	vmul.f32 v14, v20  }
0xd0: {  	v7 =	vmul.f32 v9, v10;
	v14 =	vmul.f32 v61, v20;
	v3 =	vld.idx.msk [tilespmem:v6+s30+$0x0], $0xffff;
	[tilespmem:s23+$0xFFFFFFE0] =	vst v4  }
0xd1: {  	v9 =	vld [tilespmem:s23+$0x50];
	v6 =	vmul.f32 v11, v10;
	v11 =	vmul.f32 v62, v20;
	[tilespmem:s23+$0xFFFFFFD0] =	vst v5  }
0xd2: {  	v8 =	vld [tilespmem:s23+$0x60];
	v5 =	vmul.f32 v60, v20;
	[tilespmem:s23+$0x0] =	vst v14  }
0xd3: {  	v4 =	vmul.f32 v13, v10;
	v14 =	vmul.f32 v63, v20;
	[tilespmem:s23+$0x10] =	vst v11;
	v11 =	vld [tilespmem:s23+$0x80]  }
0xd4: {  	s25 =	simm.s32 $0x3140;
	s26 =	simm.s32 $0xA;
	s28 =	sadd.s32 $0x5, s24;
	v13 =	vmul.f32 v21, v20;
	[tilespmem:s23+$0xFFFFFFF0] =	vst v5;
	v5 =	vmul.f32 v15, v10;
	v10 =	vld [tilespmem:s23+$0x70]  }
.LBB2_9:
0xd5: {  	p0 =	slt.u32 s26, $0x78;
	v15 =	vmov s28;
	s9 =	sadd.s32 $0x1, s28;
	s16 =	sadd.s32 $0x4, s28;
	[tilespmem:s23+$0x20] =	vst v14;
	v12 =	vmul.f32 v12, v3;
	v14 =	vld [tilespmem:s23+$0x90]  }
0xd6: {  	v16 =	vshll.u32 v15, $0x1;
	v17 =	vmov s9;
	s9 =	sadd.s32 $0x2, s28;
	s28 =	sadd.s32 $0x3, s28;
	v18 =	vmov s16;
	[tilespmem:s23+$0x30] =	vst v13;
	v13 =	vld [tilespmem:s23+$0xA0]  }
0xd7: {  	v19 =	vmov s9;
	v20 =	vmov s28;
	v21 =	vshll.u32 v18, $0x1;
	[tilespmem:s23+$0x40] =	vst v12;
	v12 =	vld [tilespmem:s23+$0xB0]  }
0xd8: {  	v22 =	vshll.u32 v17, $0x1;
	v18 =	vand.u32 $0x7F, v18;
	v21 =	vand.u32 $0x7FFFFF00, v21;
	[tilespmem:s23+$0xFFFFFF00] =	vst v7;
	v7 =	vld [tilespmem:s23+$0xC0]  }
0xd9: {  	v23 =	vshll.u32 v19, $0x1;
	v24 =	vshll.u32 v20, $0x1;
	v18 =	vor.u32 v21, v18;
	[tilespmem:s23+$0xFFFFFF10] =	vst v6;
	v6 =	vld [tilespmem:s23+$0xD0]  }
0xda: {  	v21 =	vand.u32 $0x7FFFFF00, v22;
	v22 =	vand.u32 $0x7FFFFF00, v23;
	v18 =	vor.u32 v2, v18;
	[tilespmem:s23+$0xFFFFFF20] =	vst v4;
	v4 =	vld [tilespmem:s23+$0xE0]  }
0xdb: {  	v16 =	vand.u32 $0x7FFFFF00, v16;
	v17 =	vand.u32 $0x7F, v17;
	v23 =	vand.u32 $0x7FFFFF00, v24;
	[tilespmem:s23+$0xFFFFFF30] =	vst v5;
	v5 =	vld [tilespmem:s23+$0xF0]  }
0xdc: {  	v15 =	vand.u32 $0x7F, v15;
	v19 =	vand.u32 $0x7F, v19;
	v20 =	vand.u32 $0x7F, v20;
	v24 =	vld [tilespmem:s23+$0x100]  }
0xdd: {  	v17 =	vor.u32 v21, v17;
	v19 =	vor.u32 v22, v19;
	v20 =	vor.u32 v23, v20;
	v21 =	vld [tilespmem:s23+$0x110]  }
0xde: {  	v15 =	vor.u32 v16, v15;
	v16 =	vor.u32 v2, v17;
	v17 =	vor.u32 v2, v19;
	v19 =	vld [tilespmem:s23+$0x120]  }
0xdf: {  	v9 =	vmul.f32 v9, v3;
	v15 =	vor.u32 v2, v15;
	v20 =	vor.u32 v2, v20;
	s23 =	sadd.s32 $0x280, s23;
	v18 =	vld.idx.msk [tilespmem:v18+s30+$0x0], $0xffff  }
0xe0: {  	v8 =	vmul.f32 v8, v3;
	v10 =	vmul.f32 v10, v3;
	v22 =	vld [tilespmem:s23+$0x130]  }
0xe1: {  	v23 =	vld [tilespmem:s23+$0xFFFFFEC0];
	[tilespmem:s25+$0x50] =	vst v9;
	v9 =	vmul.f32 v11, v3;
	v11 =	vmul.f32 v14, v3  }
0xe2: {  	v12 =	vmul.f32 v12, v3;
	v14 =	vld [tilespmem:s23+$0xFFFFFED0];
	[tilespmem:s25+$0x60] =	vst v8;
	v8 =	vmul.f32 v13, v3  }
0xe3: {  	v7 =	vmul.f32 v7, v1;
	v6 =	vmul.f32 v6, v1;
	v13 =	vld.idx.msk [tilespmem:v16+s30+$0x0], $0xffff;
	[tilespmem:s25+$0x70] =	vst v10  }
0xe4: {  	v4 =	vmul.f32 v4, v1;
	v5 =	vmul.f32 v5, v1;
	v16 =	vld.idx.msk [tilespmem:v17+s30+$0x0], $0xffff;
	[tilespmem:s25+$0x80] =	vst v9  }
0xe5: {  	v10 =	vmul.f32 v24, v1;
	v3 =	vld.idx.msk [tilespmem:v20+s30+$0x0], $0xffff;
	v9 =	vmul.f32 v22, v18;
	[tilespmem:s25+$0x90] =	vst v11  }
0xe6: {  	v11 =	vld.idx.msk [tilespmem:v15+s30+$0x0], $0xffff;
	[tilespmem:s25+$0xA0] =	vst v8;
	v8 =	vmul.f32 v21, v1;
	v15 =	vmul.f32 v19, v1;
	v1 =	vmov v18  }
0xe7: {  	v17 =	vld [tilespmem:s23+$0xFFFFFEE0];
	[tilespmem:s23+$0x130] =	vst v9  }
0xe8: {  	v9 =	vld [tilespmem:s23+$0xFFFFFEF0];
	[tilespmem:s25+$0xB0] =	vst v12  }
0xe9: {  	v12 =	vld [tilespmem:s23+$0xFFFFFF00];
	[tilespmem:s25+$0xC0] =	vst v7  }
0xea: {  	v18 =	vld [tilespmem:s23+$0xFFFFFF10];
	[tilespmem:s25+$0xD0] =	vst v6  }
0xeb: {  	v19 =	vld [tilespmem:s23+$0xFFFFFF20];
	[tilespmem:s25+$0xE0] =	vst v4  }
0xec: {  	v4 =	vmul.f32 v23, v11;
	v14 =	vmul.f32 v14, v11;
	v20 =	vld [tilespmem:s23+$0xFFFFFF30];
	[tilespmem:s25+$0xF0] =	vst v5  }
0xed: {  	v17 =	vmul.f32 v17, v11;
	v9 =	vmul.f32 v9, v11;
	v21 =	vld [tilespmem:s23+$0xFFFFFF40];
	[tilespmem:s25+$0x100] =	vst v10  }
0xee: {  	v7 =	vmul.f32 v12, v11;
	v10 =	vld [tilespmem:s23+$0xFFFFFF50];
	[tilespmem:s25+$0x110] =	vst v8  }
0xef: {  	v6 =	vmul.f32 v18, v11;
	v8 =	vld [tilespmem:s23+$0xFFFFFF60];
	[tilespmem:s25+$0x120] =	vst v15;
	s25 =	smov.u32 s23  }
0xf0: {  	[tilespmem:s23+$0xFFFFFEC0] =	vst v4;
	v4 =	vmul.f32 v19, v11;
	v12 =	vld [tilespmem:s23+$0xFFFFFF70]  }
0xf1: {  	[tilespmem:s23+$0xFFFFFED0] =	vst v14;
	v5 =	vmul.f32 v20, v11;
	v11 =	vld [tilespmem:s23+$0xFFFFFF80]  }
0xf2: {  	[tilespmem:s23+$0xFFFFFEE0] =	vst v17;
	v14 =	vmul.f32 v21, v13;
	v15 =	vld [tilespmem:s23+$0xFFFFFF90]  }
0xf3: {  	[tilespmem:s23+$0xFFFFFEF0] =	vst v9;
	v9 =	vmul.f32 v10, v13;
	v10 =	vld [tilespmem:s23+$0xFFFFFFA0]  }
0xf4: {  	[tilespmem:s23+$0xFFFFFF40] =	vst v14;
	v8 =	vmul.f32 v8, v13;
	v14 =	vld [tilespmem:s23+$0xFFFFFFB0]  }
0xf5: {  	[tilespmem:s23+$0xFFFFFF50] =	vst v9;
	v9 =	vmul.f32 v12, v13;
	v12 =	vld [tilespmem:s23+$0xFFFFFFC0]  }
0xf6: {  	[tilespmem:s23+$0xFFFFFF60] =	vst v8;
	v8 =	vmul.f32 v11, v13;
	v11 =	vld [tilespmem:s23+$0xFFFFFFD0]  }
0xf7: {  	[tilespmem:s23+$0xFFFFFF70] =	vst v9;
	v9 =	vmul.f32 v15, v13;
	v15 =	vld [tilespmem:s23+$0xFFFFFFE0]  }
0xf8: {  	[tilespmem:s23+$0xFFFFFF80] =	vst v8;
	v8 =	vmul.f32 v10, v13;
	v10 =	vld [tilespmem:s23+$0xFFFFFFF0]  }
0xf9: {  	[tilespmem:s23+$0xFFFFFF90] =	vst v9;
	v9 =	vmul.f32 v14, v13;
	v13 =	vld [tilespmem:s23+$0x0]  }
0xfa: {  	[tilespmem:s23+$0xFFFFFFA0] =	vst v8;
	v8 =	vmul.f32 v12, v16;
	v14 =	vld [tilespmem:s23+$0x10]  }
0xfb: {  	[tilespmem:s23+$0xFFFFFFB0] =	vst v9;
	v9 =	vmul.f32 v11, v16;
	v11 =	vld [tilespmem:s23+$0x20]  }
0xfc: {  	[tilespmem:s23+$0xFFFFFFC0] =	vst v8;
	v8 =	vmul.f32 v15, v16;
	v15 =	vld [tilespmem:s23+$0x30]  }
.Ltmp5:
0xfd: {  	[tilespmem:s23+$0xFFFFFFD0] =	vst v9;
	v10 =	vmul.f32 v10, v16;
	v12 =	vld [tilespmem:s23+$0x40];
	(pc) =	sbr.rel @p0 .LBB2_9-.Ltmp5, $4  }
0xfe: {  	[tilespmem:s23+$0xFFFFFFE0] =	vst v8;
	v13 =	vmul.f32 v13, v16;
	v9 =	vld [tilespmem:s23+$0x50]  }
0xff: {  	[tilespmem:s23+$0xFFFFFFF0] =	vst v10;
	v17 =	vmul.f32 v14, v16;
	v8 =	vld [tilespmem:s23+$0x60]  }
0x100: {  	[tilespmem:s23+$0x0] =	vst v13;
	v14 =	vmul.f32 v11, v16;
	v10 =	vld [tilespmem:s23+$0x70]  }
0x101: {  	s28 =	sadd.s32 s24, s26;
	s26 =	sadd.s32 $0x5, s26;
	[tilespmem:s23+$0x10] =	vst v17;
	v13 =	vmul.f32 v15, v16;
	v11 =	vld [tilespmem:s23+$0x80]  }
0x102: {  	v17 =	vld [tilespmem:s23+$0x90]  }
0x103: {  	v18 =	vld [tilespmem:s23+$0xA0];
	[tilespmem:s23+$0x20] =	vst v14  }
0x104: {  	v48 =	vld [tilespmem:s23+$0xB0];
	[tilespmem:s23+$0xFFFFFF00] =	vst v7  }
0x105: {  	v21 =	vld [tilespmem:s23+$0xC0];
	[tilespmem:s23+$0xFFFFFF10] =	vst v6  }
0x106: {  	s9 =	sadd.s32 $0x4, s28;
	v45 =	vmov s28;
	v24 =	vld [tilespmem:s23+$0xD0];
	[tilespmem:s23+$0xFFFFFF20] =	vst v4  }
0x107: {  	v12 =	vmul.f32 v12, v3;
	s26 =	sadd.s32 $0x1, s28;
	s24 =	sadd.s32 $0x3, s28;
	v52 =	vld [tilespmem:s23+$0xE0];
	[tilespmem:s23+$0xFFFFFF30] =	vst v5;
	v15 =	vmov s9;
	v47 =	vshll.u32 v45, $0x1  }
0x108: {  	v56 =	vld [tilespmem:s23+$0xF0];
	v19 =	vmov s26;
	[tilespmem:s23+$0x30] =	vst v13;
	v20 =	vmov s24;
	v9 =	vmul.f32 v9, v3  }
0x109: {  	v57 =	vld [tilespmem:s23+$0x100];
	v53 =	vand.u32 $0x7F, v45;
	v16 =	vshll.u32 v15, $0x1;
	[tilespmem:s23+$0x40] =	vst v12;
	v8 =	vmul.f32 v8, v3  }
0x10a: {  	v58 =	vld [tilespmem:s23+$0x110];
	v15 =	vand.u32 $0x7F, v15;
	v14 =	vand.u32 $0x7FFFFF00, v47;
	v10 =	vmul.f32 v10, v3;
	[tilespmem:s25+$0x50] =	vst v9  }
0x10b: {  	v61 =	vld [tilespmem:s23+$0x120];
	s24 =	sadd.s32 $0x280, s23;
	v22 =	vshll.u32 v19, $0x1;
	v5 =	vor.u32 v14, v53;
	v11 =	vmul.f32 v11, v3;
	[tilespmem:s25+$0x60] =	vst v8  }
0x10c: {  	v23 =	vshll.u32 v20, $0x1;
	v55 =	vld [tilespmem:s24+$0x130];
	v5 =	vor.u32 v2, v5;
	v59 =	vmul.f32 v17, v3;
	[tilespmem:s25+$0x70] =	vst v10  }
0x10d: {  	v19 =	vand.u32 $0x7F, v19;
	v20 =	vand.u32 $0x7F, v20;
	v63 =	vld [tilespmem:s24+$0xFFFFFEC0];
	v62 =	vmul.f32 v18, v3;
	[tilespmem:s25+$0x80] =	vst v11  }
0x10e: {  	v25 =	vld [tilespmem:s24+$0xFFFFFEF0];
	v16 =	vand.u32 $0x7FFFFF00, v16;
	v23 =	vand.u32 $0x7FFFFF00, v23;
	v3 =	vmul.f32 v48, v3;
	[tilespmem:s25+$0x90] =	vst v59  }
0x10f: {  	v26 =	vld [tilespmem:s24+$0xFFFFFF40];
	v51 =	vand.u32 $0x7FFFFF00, v22;
	v60 =	vor.u32 v23, v20;
	v20 =	vmul.f32 v21, v1;
	[tilespmem:s25+$0xA0] =	vst v62  }
0x110: {  	v28 =	vld [tilespmem:s24+$0xFFFFFF50];
	v15 =	vor.u32 v16, v15;
	v6 =	vor.u32 v51, v19;
	v21 =	vmul.f32 v24, v1;
	[tilespmem:s25+$0xB0] =	vst v3  }
0x111: {  	s16 =	sadd.s32 $0x2, s28;
	v46 =	vor.u32 v2, v15;
	v23 =	vmul.f32 v56, v1;
	[tilespmem:s25+$0xC0] =	vst v20;
	v5 =	vld.idx.msk [tilespmem:v5+s30+$0x0], $0xffff  }
0x112: {  	v49 =	vmov s16;
	v19 =	vld [tilespmem:s24+$0xFFFFFED0];
	v6 =	vor.u32 v2, v6;
	v3 =	vmul.f32 v52, v1;
	[tilespmem:s25+$0xD0] =	vst v21  }
0x113: {  	v50 =	vshll.u32 v49, $0x1;
	v9 =	vmul.f32 v57, v1;
	v24 =	vld [tilespmem:s24+$0xFFFFFEE0];
	[tilespmem:s25+$0xF0] =	vst v23  }
0x114: {  	v54 =	vand.u32 $0x7F, v49;
	v29 =	vld [tilespmem:s24+$0xFFFFFF60];
	v7 =	vand.u32 $0x7FFFFF00, v50;
	[tilespmem:s25+$0xE0] =	vst v3;
	v3 =	vmul.f32 v58, v1  }
0x115: {  	v45 =	vld [tilespmem:s24+$0xFFFFFF00];
	v7 =	vor.u32 v7, v54;
	[tilespmem:s25+$0x100] =	vst v9;
	v1 =	vmul.f32 v61, v1  }
0x116: {  	v7 =	vor.u32 v2, v7;
	v4 =	vld.idx.msk [tilespmem:v46+s30+$0x0], $0xffff;
	[tilespmem:s25+$0x110] =	vst v3;
	v27 =	vmul.f32 v63, v5  }
0x117: {  	v2 =	vor.u32 v2, v60;
	v6 =	vld.idx.msk [tilespmem:v6+s30+$0x0], $0xffff;
	[tilespmem:s25+$0x120] =	vst v1;
	v3 =	vmul.f32 v19, v5  }
0x118: {  	v30 =	vld [tilespmem:s24+$0xFFFFFF70];
	v1 =	vmul.f32 v24, v5;
	[tilespmem:s24+$0xFFFFFEC0] =	vst v27  }
0x119: {  	v31 =	vld [tilespmem:s24+$0xFFFFFF90];
	v8 =	vmul.f32 v25, v5;
	[tilespmem:s24+$0xFFFFFED0] =	vst v3  }
0x11a: {  	v33 =	vld [tilespmem:s24+$0xFFFFFFA0];
	v50 =	vmul.f32 v45, v5;
	[tilespmem:s24+$0xFFFFFEE0] =	vst v1  }
0x11b: {  	v51 =	vld [tilespmem:s24+$0x60];
	v18 =	vmul.f32 v55, v4;
	[tilespmem:s24+$0xFFFFFEF0] =	vst v8  }
0x11c: {  	v2 =	vld.idx.msk [tilespmem:v2+s30+$0x0], $0xffff;
	v32 =	vmul.f32 v28, v6;
	[tilespmem:s24+$0xFFFFFF00] =	vst v50  }
0x11d: {  	v35 =	vmul.f32 v30, v6;
	v3 =	vld [tilespmem:s24+$0xFFFFFF80];
	[tilespmem:s24+$0x130] =	vst v18  }
0x11e: {  	v53 =	vld [tilespmem:s24+$0x80];
	v1 =	vmul.f32 v26, v6;
	[tilespmem:s24+$0xFFFFFF50] =	vst v32  }
0x11f: {  	v36 =	vld [tilespmem:s24+$0xFFFFFFC0];
	v37 =	vmul.f32 v31, v6;
	[tilespmem:s24+$0xFFFFFF70] =	vst v35  }
0x120: {  	v57 =	vld [tilespmem:s24+$0xC0];
	[tilespmem:s24+$0xFFFFFF40] =	vst v1;
	v1 =	vmul.f32 v29, v6  }
0x121: {  	v7 =	vld.idx.msk [tilespmem:v7+s30+$0x0], $0xffff;
	v56 =	vmul.f32 v51, v2;
	[tilespmem:s24+$0xFFFFFF90] =	vst v37  }
0x122: {  	[tilespmem:s24+$0xFFFFFF60] =	vst v1;
	v1 =	vmul.f32 v3, v6;
	v3 =	vld [tilespmem:s24+$0xFFFFFFD0]  }
0x123: {  	v38 =	vld [tilespmem:s24+$0xFFFFFFE0];
	v9 =	vmul.f32 v53, v2;
	[tilespmem:s24+$0x60] =	vst v56  }
0x124: {  	v39 =	vld [tilespmem:s24+$0xFFFFFFF0];
	[tilespmem:s24+$0xFFFFFF80] =	vst v1;
	v1 =	vmul.f32 v33, v6  }
0x125: {  	v40 =	vld [tilespmem:s24+$0x0];
	v62 =	vmul.f32 v57, v4;
	[tilespmem:s24+$0x80] =	vst v9  }
0x126: {  	v41 =	vld [tilespmem:s24+$0x10];
	[tilespmem:s24+$0xFFFFFFA0] =	vst v1;
	v1 =	vmul.f32 v36, v7  }
0x127: {  	v42 =	vld [tilespmem:s24+$0x20];
	[tilespmem:s24+$0xC0] =	vst v62;
	v3 =	vmul.f32 v3, v7  }
0x128: {  	v43 =	vld [tilespmem:s24+$0x30];
	[tilespmem:s24+$0xFFFFFFC0] =	vst v1;
	v1 =	vmul.f32 v38, v7  }
0x129: {  	v44 =	vld [tilespmem:s24+$0x40];
	[tilespmem:s24+$0xFFFFFFD0] =	vst v3;
	v3 =	vmul.f32 v39, v7  }
0x12a: {  	v46 =	vld [tilespmem:s24+$0xFFFFFF10];
	[tilespmem:s24+$0xFFFFFFE0] =	vst v1;
	v1 =	vmul.f32 v40, v7  }
0x12b: {  	v59 =	vld [tilespmem:s24+$0xF0];
	[tilespmem:s24+$0xFFFFFFF0] =	vst v3;
	v3 =	vmul.f32 v41, v7  }
0x12c: {  	v47 =	vld [tilespmem:s24+$0xFFFFFF20];
	[tilespmem:s24+$0x0] =	vst v1;
	v1 =	vmul.f32 v42, v7  }
0x12d: {  	v34 =	vld [tilespmem:s24+$0xFFFFFFB0];
	[tilespmem:s24+$0x10] =	vst v3;
	v3 =	vmul.f32 v43, v7  }
0x12e: {  	v49 =	vld [tilespmem:s24+$0x50];
	[tilespmem:s24+$0x20] =	vst v1;
	v1 =	vmul.f32 v44, v2  }
0x12f: {  	v52 =	vld [tilespmem:s24+$0x70];
	[tilespmem:s24+$0x30] =	vst v3;
	v3 =	vmul.f32 v46, v5  }
0x130: {  	v54 =	vld [tilespmem:s24+$0x90];
	v63 =	vmul.f32 v59, v4;
	[tilespmem:s24+$0x40] =	vst v1  }
0x131: {  	v1 =	vmul.f32 v47, v5;
	[tilespmem:s24+$0xFFFFFF10] =	vst v3;
	v3 =	vld [tilespmem:s24+$0xA0]  }
0x132: {  	v55 =	vld [tilespmem:s24+$0xB0];
	[tilespmem:s24+$0xF0] =	vst v63;
	v6 =	vmul.f32 v34, v6  }
0x133: {  	v48 =	vld [tilespmem:s24+$0xFFFFFF30];
	[tilespmem:s24+$0xFFFFFF20] =	vst v1;
	v1 =	vmul.f32 v49, v2  }
0x134: {  	v58 =	vld [tilespmem:s24+$0xE0];
	v8 =	vmul.f32 v52, v2;
	[tilespmem:s24+$0xFFFFFFB0] =	vst v6  }
0x135: {  	v6 =	vmul.f32 v54, v2;
	[tilespmem:s24+$0x50] =	vst v1;
	v1 =	vld [tilespmem:s24+$0xD0]  }
0x136: {  	v61 =	vld [tilespmem:s24+$0x110];
	[tilespmem:s24+$0x70] =	vst v8;
	v3 =	vmul.f32 v3, v2  }
0x137: {  	v60 =	vld [tilespmem:s24+$0x100];
	[tilespmem:s24+$0x90] =	vst v6;
	v2 =	vmul.f32 v55, v2  }
0x138: {  	v5 =	vmul.f32 v48, v5;
	[tilespmem:s24+$0xA0] =	vst v3;
	v3 =	vld [tilespmem:s24+$0x120]  }
0x139: {  	[tilespmem:s24+$0xB0] =	vst v2;
	v2 =	vmul.f32 v58, v4  }
0x13a: {  	[tilespmem:s24+$0xFFFFFF30] =	vst v5;
	v1 =	vmul.f32 v1, v4  }
0x13b: {  	[tilespmem:s24+$0xE0] =	vst v2;
	v2 =	vmul.f32 v61, v4  }
0x13c: {  	s28 =	sshll.u32 s19, $0x7;
	s19 =	sand.u32 $0xF, s22;
	p0 =	seq.s32 s18, $0x27;
	[tilespmem:s24+$0xD0] =	vst v1;
	v1 =	vmul.f32 v60, v4  }
0x13d: {  	s26 =	sshll.u32 s20, $0xB;
	p1 =	sne.s32 @!p0 s19, $0xF;
	[tilespmem:s24+$0x110] =	vst v2;
	v3 =	vmul.f32 v3, v4  }
0x13e: {  	s9 =	sor.u32 s28, s26;
	p1 =	por p0, p1;
	[tilespmem:s24+$0x100] =	vst v1  }
.Ltmp6:
0x13f: {  	s9 =	sor.u32 $0x1000, s9;
	[tilespmem:s24+$0x120] =	vst v3;
	(pc) =	sbr.rel @p1 .LBB2_12-.Ltmp6, $4  }
0x140: {  	[spmem:s1] =	stream.indirect.scatter.add.f32 [tilespmem:s29], [sflag:$0x3], $0x80, s9, s0, $0xb8;
	[tilespmem:$0x1F800] =	vst v63  }
0x141: {  	_ =	swait.ge [sflag:s14], $0x3E80  }
0x142: {  	[sflag:s14] =	ssyncset.done $0x0  }
0x143: {  	[sflag:s14] =	ssyncadd.s32 $0xFFFFC180  }
0x144: {  	_ =	swait.ge [sflag:s31], $0x800  }
0x145: {  	[sflag:s31] =	ssyncset.done $0x0  }
0x146: {  	[sflag:s31] =	ssyncadd.s32 $0xFFFFF800  }
0x147: {  	_ =	swait.ge [sflag:s31], $0x800  }
0x148: {  	[sflag:s31] =	ssyncset.done $0x0  }
0x149: {  	[sflag:s31] =	ssyncadd.s32 $0xFFFFF800  }
0x14a: {  	_ =	swait.ge [sflag:s31], $0x800  }
0x14b: {  	[sflag:s31] =	ssyncset.done $0x0  }
0x14c: {  	[sflag:s31] =	ssyncadd.s32 $0xFFFFF800  }
.LBB2_13:
0x14d: {  	s9 =	sadd.s32 $0x100, s21  }
0x14e: {  	s9 =	sand.u32 $0xF00, s9  }
0x14f: {  	[tilespmem:s29], [sflag:$0x1] =	stream.indirect.gather [hbm4b:s5+s0], $0x80, s9, s0, $0xb8;
	[tilespmem:$0x1F800] =	vst v63  }
.LBB2_14:
0x150: {  	s22 =	smul.u32 $0x7D, s19;
	_ =	swait.ge [sflag:s15], $0x3E80  }
0x151: {  	[sflag:s15] =	ssyncset.done $0x0  }
0x152: {  	s21 =	simm.s32 $0x7140;
	s9 =	sadd.s32 $0x0, s22;
	[sflag:s15] =	ssyncadd.s32 $0xFFFFC180  }
0x153: {  	s20 =	sand.u32 $0x8, s18;
	s16 =	sadd.s32 $0x4, s9;
	v4 =	vmov s9;
	v7 =	vld [tilespmem:s21+$0xFFFFFED0]  }
0x154: {  	s25 =	sshrl.u32 s20, $0x3;
	v8 =	vld [tilespmem:s21+$0xFFFFFEF0];
	v1 =	vmov s16;
	v6 =	vshll.u32 v4, $0x1  }
0x155: {  	v9 =	vld [tilespmem:s21+$0xFFFFFF00];
	s16 =	sshll.u32 s25, $0x7;
	v4 =	vand.u32 $0x7F, v4;
	v2 =	vshll.u32 v1, $0x1;
	v6 =	vand.u32 $0x7FFFFF00, v6  }
0x156: {  	v11 =	vld [tilespmem:s21+$0xFFFFFF10];
	v3 =	vand.u32 $0x7FFFFF00, v2;
	v2 =	vmov s16;
	v4 =	vor.u32 v6, v4  }
0x157: {  	s26 =	sadd.s32 $0x1, s9;
	v13 =	vld [tilespmem:s21+$0xFFFFFF20];
	v1 =	vand.u32 $0x7F, v1;
	v4 =	vor.u32 v2, v4  }
0x158: {  	v15 =	vld [tilespmem:s21+$0xFFFFFF30];
	v1 =	vor.u32 v3, v1;
	v3 =	vmov s26  }
0x159: {  	v16 =	vld [tilespmem:s21+$0xFFFFFF40];
	v1 =	vor.u32 v2, v1;
	v5 =	vshll.u32 v3, $0x1  }
0x15a: {  	v6 =	vld [tilespmem:s21+$0xFFFFFEC0];
	v3 =	vand.u32 $0x7F, v3;
	v5 =	vand.u32 $0x7FFFFF00, v5  }
0x15b: {  	v3 =	vor.u32 v5, v3;
	v5 =	vld [tilespmem:s21+$0x130]  }
0x15c: {  	v3 =	vor.u32 v2, v3;
	v10 =	vld.idx.msk [tilespmem:v4+s30+$0x0], $0xffff  }
0x15d: {  	v4 =	vld [tilespmem:s21+$0xFFFFFEE0]  }
0x15e: {  	s28 =	sadd.s32 $0x2, s9;
	v1 =	vld.idx.msk [tilespmem:v1+s30+$0x0], $0xffff  }
0x15f: {  	v17 =	vld [tilespmem:s21+$0xFFFFFF60];
	v12 =	vmov s28  }
0x160: {  	v18 =	vld [tilespmem:s21+$0xFFFFFF70];
	v14 =	vshll.u32 v12, $0x1  }
0x161: {  	v12 =	vand.u32 $0x7F, v12;
	v14 =	vand.u32 $0x7FFFFF00, v14;
	v3 =	vld.idx.msk [tilespmem:v3+s30+$0x0], $0xffff;
	v6 =	vmul.f32 v6, v10  }
0x162: {  	v12 =	vor.u32 v14, v12;
	v14 =	vld [tilespmem:s21+$0xFFFFFF50];
	v4 =	vmul.f32 v4, v10  }
0x163: {  	v58 =	vld [tilespmem:s21+$0xFFFFFF90];
	v12 =	vor.u32 v2, v12;
	v5 =	vmul.f32 v5, v1;
	[tilespmem:s21+$0xFFFFFEC0] =	vst v6  }
0x164: {  	v59 =	vld [tilespmem:s21+$0xFFFFFFC0];
	v8 =	vmul.f32 v8, v10;
	[tilespmem:s21+$0xFFFFFEE0] =	vst v4  }
0x165: {  	[tilespmem:s21+$0x130] =	vst v5;
	v5 =	vmul.f32 v7, v10;
	v7 =	vld [tilespmem:s21+$0xFFFFFF80]  }
0x166: {  	v60 =	vld [tilespmem:s21+$0xFFFFFFF0];
	[tilespmem:s21+$0xFFFFFEF0] =	vst v8;
	v6 =	vmul.f32 v16, v3  }
0x167: {  	s9 =	sadd.s32 $0x3, s9;
	v4 =	vmul.f32 v14, v3;
	[tilespmem:s21+$0xFFFFFED0] =	vst v5;
	v5 =	vld [tilespmem:s21+$0xFFFFFFA0]  }
0x168: {  	v19 =	vmov s9;
	v20 =	vld.idx.msk [tilespmem:v12+s30+$0x0], $0xffff;
	v8 =	vmul.f32 v17, v3;
	[tilespmem:s21+$0xFFFFFF40] =	vst v6  }
0x169: {  	v12 =	vld [tilespmem:s21+$0xFFFFFFB0];
	v6 =	vshll.u32 v19, $0x1;
	[tilespmem:s21+$0xFFFFFF50] =	vst v4;
	v4 =	vmul.f32 v18, v3  }
0x16a: {  	v14 =	vand.u32 $0x7F, v19;
	[tilespmem:s21+$0xFFFFFF60] =	vst v8;
	v8 =	vld [tilespmem:s21+$0xFFFFFFE0];
	v6 =	vand.u32 $0x7FFFFF00, v6;
	v7 =	vmul.f32 v7, v3  }
0x16b: {  	v6 =	vor.u32 v6, v14;
	v14 =	vld [tilespmem:s21+$0xFFFFFFD0];
	[tilespmem:s21+$0xFFFFFF70] =	vst v4;
	v4 =	vmul.f32 v58, v3  }
0x16c: {  	v61 =	vld [tilespmem:s21+$0x0];
	v6 =	vor.u32 v2, v6;
	[tilespmem:s21+$0xFFFFFF80] =	vst v7;
	v5 =	vmul.f32 v5, v3  }
0x16d: {  	v62 =	vld [tilespmem:s21+$0x10];
	[tilespmem:s21+$0xFFFFFF90] =	vst v4;
	v4 =	vmul.f32 v59, v20  }
0x16e: {  	v63 =	vld [tilespmem:s21+$0x20];
	v7 =	vmul.f32 v12, v3;
	[tilespmem:s21+$0xFFFFFFA0] =	vst v5  }
0x16f: {  	v21 =	vld [tilespmem:s21+$0x30];
	[tilespmem:s21+$0xFFFFFFC0] =	vst v4;
	v4 =	vmul.f32 v8, v20  }
0x170: {  	v12 =	vld [tilespmem:s21+$0x40];
	[tilespmem:s21+$0xFFFFFFB0] =	vst v7;
	v5 =	vmul.f32 v14, v20  }
0x171: {  	v7 =	vmul.f32 v9, v10;
	v14 =	vmul.f32 v61, v20;
	v3 =	vld.idx.msk [tilespmem:v6+s30+$0x0], $0xffff;
	[tilespmem:s21+$0xFFFFFFE0] =	vst v4  }
0x172: {  	v9 =	vld [tilespmem:s21+$0x50];
	v6 =	vmul.f32 v11, v10;
	v11 =	vmul.f32 v62, v20;
	[tilespmem:s21+$0xFFFFFFD0] =	vst v5  }
0x173: {  	v8 =	vld [tilespmem:s21+$0x60];
	v5 =	vmul.f32 v60, v20;
	[tilespmem:s21+$0x0] =	vst v14  }
0x174: {  	v4 =	vmul.f32 v13, v10;
	v14 =	vmul.f32 v63, v20;
	[tilespmem:s21+$0x10] =	vst v11;
	v11 =	vld [tilespmem:s21+$0x80]  }
0x175: {  	s24 =	simm.s32 $0xA;
	s23 =	simm.s32 $0x7140;
	s25 =	sadd.s32 $0x5, s22;
	v13 =	vmul.f32 v21, v20;
	[tilespmem:s21+$0xFFFFFFF0] =	vst v5;
	v5 =	vmul.f32 v15, v10;
	v10 =	vld [tilespmem:s21+$0x70]  }
.LBB2_15:
0x176: {  	p0 =	slt.u32 s24, $0x78;
	v15 =	vmov s25;
	s9 =	sadd.s32 $0x1, s25;
	s16 =	sadd.s32 $0x4, s25;
	[tilespmem:s21+$0x20] =	vst v14;
	v12 =	vmul.f32 v12, v3;
	v14 =	vld [tilespmem:s21+$0x90]  }
0x177: {  	v16 =	vshll.u32 v15, $0x1;
	v17 =	vmov s9;
	s9 =	sadd.s32 $0x2, s25;
	s25 =	sadd.s32 $0x3, s25;
	v18 =	vmov s16;
	[tilespmem:s21+$0x30] =	vst v13;
	v13 =	vld [tilespmem:s21+$0xA0]  }
0x178: {  	v19 =	vmov s9;
	v20 =	vmov s25;
	v21 =	vshll.u32 v18, $0x1;
	[tilespmem:s21+$0x40] =	vst v12;
	v12 =	vld [tilespmem:s21+$0xB0]  }
0x179: {  	v22 =	vshll.u32 v17, $0x1;
	v18 =	vand.u32 $0x7F, v18;
	v21 =	vand.u32 $0x7FFFFF00, v21;
	[tilespmem:s21+$0xFFFFFF00] =	vst v7;
	v7 =	vld [tilespmem:s21+$0xC0]  }
0x17a: {  	v23 =	vshll.u32 v19, $0x1;
	v24 =	vshll.u32 v20, $0x1;
	v18 =	vor.u32 v21, v18;
	[tilespmem:s21+$0xFFFFFF10] =	vst v6;
	v6 =	vld [tilespmem:s21+$0xD0]  }
0x17b: {  	v21 =	vand.u32 $0x7FFFFF00, v22;
	v22 =	vand.u32 $0x7FFFFF00, v23;
	v18 =	vor.u32 v2, v18;
	[tilespmem:s21+$0xFFFFFF20] =	vst v4;
	v4 =	vld [tilespmem:s21+$0xE0]  }
0x17c: {  	v16 =	vand.u32 $0x7FFFFF00, v16;
	v17 =	vand.u32 $0x7F, v17;
	v23 =	vand.u32 $0x7FFFFF00, v24;
	[tilespmem:s21+$0xFFFFFF30] =	vst v5;
	v5 =	vld [tilespmem:s21+$0xF0]  }
0x17d: {  	v15 =	vand.u32 $0x7F, v15;
	v19 =	vand.u32 $0x7F, v19;
	v20 =	vand.u32 $0x7F, v20;
	v24 =	vld [tilespmem:s21+$0x100]  }
0x17e: {  	v17 =	vor.u32 v21, v17;
	v19 =	vor.u32 v22, v19;
	v20 =	vor.u32 v23, v20;
	v21 =	vld [tilespmem:s21+$0x110]  }
0x17f: {  	v15 =	vor.u32 v16, v15;
	v16 =	vor.u32 v2, v17;
	v17 =	vor.u32 v2, v19;
	v19 =	vld [tilespmem:s21+$0x120]  }
0x180: {  	v9 =	vmul.f32 v9, v3;
	v15 =	vor.u32 v2, v15;
	v20 =	vor.u32 v2, v20;
	s21 =	sadd.s32 $0x280, s21;
	v18 =	vld.idx.msk [tilespmem:v18+s30+$0x0], $0xffff  }
0x181: {  	v8 =	vmul.f32 v8, v3;
	v10 =	vmul.f32 v10, v3;
	v22 =	vld [tilespmem:s21+$0x130]  }
0x182: {  	v23 =	vld [tilespmem:s21+$0xFFFFFEC0];
	[tilespmem:s23+$0x50] =	vst v9;
	v9 =	vmul.f32 v11, v3;
	v11 =	vmul.f32 v14, v3  }
0x183: {  	v12 =	vmul.f32 v12, v3;
	v14 =	vld [tilespmem:s21+$0xFFFFFED0];
	[tilespmem:s23+$0x60] =	vst v8;
	v8 =	vmul.f32 v13, v3  }
0x184: {  	v7 =	vmul.f32 v7, v1;
	v6 =	vmul.f32 v6, v1;
	v13 =	vld.idx.msk [tilespmem:v16+s30+$0x0], $0xffff;
	[tilespmem:s23+$0x70] =	vst v10  }
0x185: {  	v4 =	vmul.f32 v4, v1;
	v5 =	vmul.f32 v5, v1;
	v16 =	vld.idx.msk [tilespmem:v17+s30+$0x0], $0xffff;
	[tilespmem:s23+$0x80] =	vst v9  }
0x186: {  	v10 =	vmul.f32 v24, v1;
	v3 =	vld.idx.msk [tilespmem:v20+s30+$0x0], $0xffff;
	v9 =	vmul.f32 v22, v18;
	[tilespmem:s23+$0x90] =	vst v11  }
0x187: {  	v11 =	vld.idx.msk [tilespmem:v15+s30+$0x0], $0xffff;
	[tilespmem:s23+$0xA0] =	vst v8;
	v8 =	vmul.f32 v21, v1;
	v15 =	vmul.f32 v19, v1;
	v1 =	vmov v18  }
0x188: {  	v17 =	vld [tilespmem:s21+$0xFFFFFEE0];
	[tilespmem:s21+$0x130] =	vst v9  }
0x189: {  	v9 =	vld [tilespmem:s21+$0xFFFFFEF0];
	[tilespmem:s23+$0xB0] =	vst v12  }
0x18a: {  	v12 =	vld [tilespmem:s21+$0xFFFFFF00];
	[tilespmem:s23+$0xC0] =	vst v7  }
0x18b: {  	v18 =	vld [tilespmem:s21+$0xFFFFFF10];
	[tilespmem:s23+$0xD0] =	vst v6  }
0x18c: {  	v19 =	vld [tilespmem:s21+$0xFFFFFF20];
	[tilespmem:s23+$0xE0] =	vst v4  }
0x18d: {  	v4 =	vmul.f32 v23, v11;
	v14 =	vmul.f32 v14, v11;
	v20 =	vld [tilespmem:s21+$0xFFFFFF30];
	[tilespmem:s23+$0xF0] =	vst v5  }
0x18e: {  	v17 =	vmul.f32 v17, v11;
	v9 =	vmul.f32 v9, v11;
	v21 =	vld [tilespmem:s21+$0xFFFFFF40];
	[tilespmem:s23+$0x100] =	vst v10  }
0x18f: {  	v7 =	vmul.f32 v12, v11;
	v10 =	vld [tilespmem:s21+$0xFFFFFF50];
	[tilespmem:s23+$0x110] =	vst v8  }
0x190: {  	v6 =	vmul.f32 v18, v11;
	v8 =	vld [tilespmem:s21+$0xFFFFFF60];
	[tilespmem:s23+$0x120] =	vst v15;
	s23 =	smov.u32 s21  }
0x191: {  	[tilespmem:s21+$0xFFFFFEC0] =	vst v4;
	v4 =	vmul.f32 v19, v11;
	v12 =	vld [tilespmem:s21+$0xFFFFFF70]  }
0x192: {  	[tilespmem:s21+$0xFFFFFED0] =	vst v14;
	v5 =	vmul.f32 v20, v11;
	v11 =	vld [tilespmem:s21+$0xFFFFFF80]  }
0x193: {  	[tilespmem:s21+$0xFFFFFEE0] =	vst v17;
	v14 =	vmul.f32 v21, v13;
	v15 =	vld [tilespmem:s21+$0xFFFFFF90]  }
0x194: {  	[tilespmem:s21+$0xFFFFFEF0] =	vst v9;
	v9 =	vmul.f32 v10, v13;
	v10 =	vld [tilespmem:s21+$0xFFFFFFA0]  }
0x195: {  	[tilespmem:s21+$0xFFFFFF40] =	vst v14;
	v8 =	vmul.f32 v8, v13;
	v14 =	vld [tilespmem:s21+$0xFFFFFFB0]  }
0x196: {  	[tilespmem:s21+$0xFFFFFF50] =	vst v9;
	v9 =	vmul.f32 v12, v13;
	v12 =	vld [tilespmem:s21+$0xFFFFFFC0]  }
0x197: {  	[tilespmem:s21+$0xFFFFFF60] =	vst v8;
	v8 =	vmul.f32 v11, v13;
	v11 =	vld [tilespmem:s21+$0xFFFFFFD0]  }
0x198: {  	[tilespmem:s21+$0xFFFFFF70] =	vst v9;
	v9 =	vmul.f32 v15, v13;
	v15 =	vld [tilespmem:s21+$0xFFFFFFE0]  }
0x199: {  	[tilespmem:s21+$0xFFFFFF80] =	vst v8;
	v8 =	vmul.f32 v10, v13;
	v10 =	vld [tilespmem:s21+$0xFFFFFFF0]  }
0x19a: {  	[tilespmem:s21+$0xFFFFFF90] =	vst v9;
	v9 =	vmul.f32 v14, v13;
	v13 =	vld [tilespmem:s21+$0x0]  }
0x19b: {  	[tilespmem:s21+$0xFFFFFFA0] =	vst v8;
	v8 =	vmul.f32 v12, v16;
	v14 =	vld [tilespmem:s21+$0x10]  }
0x19c: {  	[tilespmem:s21+$0xFFFFFFB0] =	vst v9;
	v9 =	vmul.f32 v11, v16;
	v11 =	vld [tilespmem:s21+$0x20]  }
0x19d: {  	[tilespmem:s21+$0xFFFFFFC0] =	vst v8;
	v8 =	vmul.f32 v15, v16;
	v15 =	vld [tilespmem:s21+$0x30]  }
.Ltmp7:
0x19e: {  	[tilespmem:s21+$0xFFFFFFD0] =	vst v9;
	v10 =	vmul.f32 v10, v16;
	v12 =	vld [tilespmem:s21+$0x40];
	(pc) =	sbr.rel @p0 .LBB2_15-.Ltmp7, $4  }
0x19f: {  	[tilespmem:s21+$0xFFFFFFE0] =	vst v8;
	v13 =	vmul.f32 v13, v16;
	v9 =	vld [tilespmem:s21+$0x50]  }
0x1a0: {  	[tilespmem:s21+$0xFFFFFFF0] =	vst v10;
	v17 =	vmul.f32 v14, v16;
	v8 =	vld [tilespmem:s21+$0x60]  }
0x1a1: {  	[tilespmem:s21+$0x0] =	vst v13;
	v14 =	vmul.f32 v11, v16;
	v10 =	vld [tilespmem:s21+$0x70]  }
0x1a2: {  	s25 =	sadd.s32 s22, s24;
	s24 =	sadd.s32 $0x5, s24;
	[tilespmem:s21+$0x10] =	vst v17;
	v13 =	vmul.f32 v15, v16;
	v11 =	vld [tilespmem:s21+$0x80]  }
0x1a3: {  	v17 =	vld [tilespmem:s21+$0x90]  }
0x1a4: {  	v18 =	vld [tilespmem:s21+$0xA0];
	[tilespmem:s21+$0x20] =	vst v14  }
0x1a5: {  	v48 =	vld [tilespmem:s21+$0xB0];
	[tilespmem:s21+$0xFFFFFF00] =	vst v7  }
0x1a6: {  	v21 =	vld [tilespmem:s21+$0xC0];
	[tilespmem:s21+$0xFFFFFF10] =	vst v6  }
0x1a7: {  	s9 =	sadd.s32 $0x4, s25;
	v45 =	vmov s25;
	v24 =	vld [tilespmem:s21+$0xD0];
	[tilespmem:s21+$0xFFFFFF20] =	vst v4  }
0x1a8: {  	v12 =	vmul.f32 v12, v3;
	s24 =	sadd.s32 $0x1, s25;
	s22 =	sadd.s32 $0x3, s25;
	v52 =	vld [tilespmem:s21+$0xE0];
	[tilespmem:s21+$0xFFFFFF30] =	vst v5;
	v15 =	vmov s9;
	v47 =	vshll.u32 v45, $0x1  }
0x1a9: {  	v56 =	vld [tilespmem:s21+$0xF0];
	v19 =	vmov s24;
	[tilespmem:s21+$0x30] =	vst v13;
	v20 =	vmov s22;
	v9 =	vmul.f32 v9, v3  }
0x1aa: {  	v57 =	vld [tilespmem:s21+$0x100];
	v53 =	vand.u32 $0x7F, v45;
	v16 =	vshll.u32 v15, $0x1;
	[tilespmem:s21+$0x40] =	vst v12;
	v8 =	vmul.f32 v8, v3  }
0x1ab: {  	v58 =	vld [tilespmem:s21+$0x110];
	v15 =	vand.u32 $0x7F, v15;
	v14 =	vand.u32 $0x7FFFFF00, v47;
	v10 =	vmul.f32 v10, v3;
	[tilespmem:s23+$0x50] =	vst v9  }
0x1ac: {  	s16 =	sadd.s32 $0x2, s25;
	s25 =	sadd.s32 $0x280, s21;
	v61 =	vld [tilespmem:s21+$0x120];
	v22 =	vshll.u32 v19, $0x1;
	v5 =	vor.u32 v14, v53;
	v11 =	vmul.f32 v11, v3;
	[tilespmem:s23+$0x60] =	vst v8  }
0x1ad: {  	v55 =	vld [tilespmem:s25+$0x130];
	v23 =	vshll.u32 v20, $0x1;
	v5 =	vor.u32 v2, v5;
	v59 =	vmul.f32 v17, v3;
	[tilespmem:s23+$0x70] =	vst v10  }
0x1ae: {  	v63 =	vld [tilespmem:s25+$0xFFFFFEC0];
	v19 =	vand.u32 $0x7F, v19;
	v20 =	vand.u32 $0x7F, v20;
	v62 =	vmul.f32 v18, v3;
	[tilespmem:s23+$0x80] =	vst v11  }
0x1af: {  	v25 =	vld [tilespmem:s25+$0xFFFFFEF0];
	v16 =	vand.u32 $0x7FFFFF00, v16;
	v23 =	vand.u32 $0x7FFFFF00, v23;
	v3 =	vmul.f32 v48, v3;
	[tilespmem:s23+$0x90] =	vst v59  }
0x1b0: {  	v26 =	vld [tilespmem:s25+$0xFFFFFF40];
	v51 =	vand.u32 $0x7FFFFF00, v22;
	v60 =	vor.u32 v23, v20;
	v20 =	vmul.f32 v21, v1;
	[tilespmem:s23+$0xA0] =	vst v62  }
0x1b1: {  	v28 =	vld [tilespmem:s25+$0xFFFFFF50];
	v15 =	vor.u32 v16, v15;
	v6 =	vor.u32 v51, v19;
	v21 =	vmul.f32 v24, v1;
	[tilespmem:s23+$0xB0] =	vst v3  }
0x1b2: {  	v46 =	vor.u32 v2, v15;
	v23 =	vmul.f32 v56, v1;
	[tilespmem:s23+$0xC0] =	vst v20;
	v5 =	vld.idx.msk [tilespmem:v5+s30+$0x0], $0xffff  }
0x1b3: {  	v49 =	vmov s16;
	v19 =	vld [tilespmem:s25+$0xFFFFFED0];
	v6 =	vor.u32 v2, v6;
	v3 =	vmul.f32 v52, v1;
	[tilespmem:s23+$0xD0] =	vst v21  }
0x1b4: {  	v50 =	vshll.u32 v49, $0x1;
	v9 =	vmul.f32 v57, v1;
	v24 =	vld [tilespmem:s25+$0xFFFFFEE0];
	[tilespmem:s23+$0xF0] =	vst v23  }
0x1b5: {  	v29 =	vld [tilespmem:s25+$0xFFFFFF60];
	v54 =	vand.u32 $0x7F, v49;
	v7 =	vand.u32 $0x7FFFFF00, v50;
	[tilespmem:s23+$0xE0] =	vst v3;
	v3 =	vmul.f32 v58, v1  }
0x1b6: {  	v45 =	vld [tilespmem:s25+$0xFFFFFF00];
	v7 =	vor.u32 v7, v54;
	[tilespmem:s23+$0x100] =	vst v9;
	v1 =	vmul.f32 v61, v1  }
0x1b7: {  	v7 =	vor.u32 v2, v7;
	v4 =	vld.idx.msk [tilespmem:v46+s30+$0x0], $0xffff;
	[tilespmem:s23+$0x110] =	vst v3;
	v27 =	vmul.f32 v63, v5  }
0x1b8: {  	v2 =	vor.u32 v2, v60;
	v6 =	vld.idx.msk [tilespmem:v6+s30+$0x0], $0xffff;
	[tilespmem:s23+$0x120] =	vst v1;
	v3 =	vmul.f32 v19, v5  }
0x1b9: {  	v30 =	vld [tilespmem:s25+$0xFFFFFF70];
	v1 =	vmul.f32 v24, v5;
	[tilespmem:s25+$0xFFFFFEC0] =	vst v27  }
0x1ba: {  	v31 =	vld [tilespmem:s25+$0xFFFFFF90];
	v8 =	vmul.f32 v25, v5;
	[tilespmem:s25+$0xFFFFFED0] =	vst v3  }
0x1bb: {  	v33 =	vld [tilespmem:s25+$0xFFFFFFA0];
	v50 =	vmul.f32 v45, v5;
	[tilespmem:s25+$0xFFFFFEE0] =	vst v1  }
0x1bc: {  	v51 =	vld [tilespmem:s25+$0x60];
	v18 =	vmul.f32 v55, v4;
	[tilespmem:s25+$0xFFFFFEF0] =	vst v8  }
0x1bd: {  	v2 =	vld.idx.msk [tilespmem:v2+s30+$0x0], $0xffff;
	v32 =	vmul.f32 v28, v6;
	[tilespmem:s25+$0xFFFFFF00] =	vst v50  }
0x1be: {  	v35 =	vmul.f32 v30, v6;
	v3 =	vld [tilespmem:s25+$0xFFFFFF80];
	[tilespmem:s25+$0x130] =	vst v18  }
0x1bf: {  	v53 =	vld [tilespmem:s25+$0x80];
	v1 =	vmul.f32 v26, v6;
	[tilespmem:s25+$0xFFFFFF50] =	vst v32  }
0x1c0: {  	v36 =	vld [tilespmem:s25+$0xFFFFFFC0];
	v37 =	vmul.f32 v31, v6;
	[tilespmem:s25+$0xFFFFFF70] =	vst v35  }
0x1c1: {  	v57 =	vld [tilespmem:s25+$0xC0];
	[tilespmem:s25+$0xFFFFFF40] =	vst v1;
	v1 =	vmul.f32 v29, v6  }
0x1c2: {  	v7 =	vld.idx.msk [tilespmem:v7+s30+$0x0], $0xffff;
	v56 =	vmul.f32 v51, v2;
	[tilespmem:s25+$0xFFFFFF90] =	vst v37  }
0x1c3: {  	[tilespmem:s25+$0xFFFFFF60] =	vst v1;
	v1 =	vmul.f32 v3, v6;
	v3 =	vld [tilespmem:s25+$0xFFFFFFD0]  }
0x1c4: {  	v38 =	vld [tilespmem:s25+$0xFFFFFFE0];
	v9 =	vmul.f32 v53, v2;
	[tilespmem:s25+$0x60] =	vst v56  }
0x1c5: {  	v39 =	vld [tilespmem:s25+$0xFFFFFFF0];
	[tilespmem:s25+$0xFFFFFF80] =	vst v1;
	v1 =	vmul.f32 v33, v6  }
0x1c6: {  	v40 =	vld [tilespmem:s25+$0x0];
	v62 =	vmul.f32 v57, v4;
	[tilespmem:s25+$0x80] =	vst v9  }
0x1c7: {  	v41 =	vld [tilespmem:s25+$0x10];
	[tilespmem:s25+$0xFFFFFFA0] =	vst v1;
	v1 =	vmul.f32 v36, v7  }
0x1c8: {  	v42 =	vld [tilespmem:s25+$0x20];
	[tilespmem:s25+$0xC0] =	vst v62;
	v3 =	vmul.f32 v3, v7  }
0x1c9: {  	v43 =	vld [tilespmem:s25+$0x30];
	[tilespmem:s25+$0xFFFFFFC0] =	vst v1;
	v1 =	vmul.f32 v38, v7  }
0x1ca: {  	v44 =	vld [tilespmem:s25+$0x40];
	[tilespmem:s25+$0xFFFFFFD0] =	vst v3;
	v3 =	vmul.f32 v39, v7  }
0x1cb: {  	v46 =	vld [tilespmem:s25+$0xFFFFFF10];
	[tilespmem:s25+$0xFFFFFFE0] =	vst v1;
	v1 =	vmul.f32 v40, v7  }
0x1cc: {  	v59 =	vld [tilespmem:s25+$0xF0];
	[tilespmem:s25+$0xFFFFFFF0] =	vst v3;
	v3 =	vmul.f32 v41, v7  }
0x1cd: {  	v47 =	vld [tilespmem:s25+$0xFFFFFF20];
	[tilespmem:s25+$0x0] =	vst v1;
	v1 =	vmul.f32 v42, v7  }
0x1ce: {  	v34 =	vld [tilespmem:s25+$0xFFFFFFB0];
	[tilespmem:s25+$0x10] =	vst v3;
	v3 =	vmul.f32 v43, v7  }
0x1cf: {  	v49 =	vld [tilespmem:s25+$0x50];
	[tilespmem:s25+$0x20] =	vst v1;
	v1 =	vmul.f32 v44, v2  }
0x1d0: {  	v52 =	vld [tilespmem:s25+$0x70];
	[tilespmem:s25+$0x30] =	vst v3;
	v3 =	vmul.f32 v46, v5  }
0x1d1: {  	v54 =	vld [tilespmem:s25+$0x90];
	v63 =	vmul.f32 v59, v4;
	[tilespmem:s25+$0x40] =	vst v1  }
0x1d2: {  	v1 =	vmul.f32 v47, v5;
	[tilespmem:s25+$0xFFFFFF10] =	vst v3;
	v3 =	vld [tilespmem:s25+$0xA0]  }
0x1d3: {  	v55 =	vld [tilespmem:s25+$0xB0];
	[tilespmem:s25+$0xF0] =	vst v63;
	v6 =	vmul.f32 v34, v6  }
0x1d4: {  	v48 =	vld [tilespmem:s25+$0xFFFFFF30];
	[tilespmem:s25+$0xFFFFFF20] =	vst v1;
	v1 =	vmul.f32 v49, v2  }
0x1d5: {  	v58 =	vld [tilespmem:s25+$0xE0];
	v8 =	vmul.f32 v52, v2;
	[tilespmem:s25+$0xFFFFFFB0] =	vst v6  }
0x1d6: {  	v6 =	vmul.f32 v54, v2;
	[tilespmem:s25+$0x50] =	vst v1;
	v1 =	vld [tilespmem:s25+$0xD0]  }
0x1d7: {  	v61 =	vld [tilespmem:s25+$0x110];
	[tilespmem:s25+$0x70] =	vst v8;
	v3 =	vmul.f32 v3, v2  }
0x1d8: {  	v60 =	vld [tilespmem:s25+$0x100];
	[tilespmem:s25+$0x90] =	vst v6;
	v2 =	vmul.f32 v55, v2  }
0x1d9: {  	v5 =	vmul.f32 v48, v5;
	[tilespmem:s25+$0xA0] =	vst v3;
	v3 =	vld [tilespmem:s25+$0x120]  }
0x1da: {  	[tilespmem:s25+$0xB0] =	vst v2;
	v2 =	vmul.f32 v58, v4  }
0x1db: {  	s18 =	sadd.s32 $0x1, s18;
	[tilespmem:s25+$0xFFFFFF30] =	vst v5;
	v1 =	vmul.f32 v1, v4  }
0x1dc: {  	p0 =	sne.s32 s18, $0x28;
	[tilespmem:s25+$0xE0] =	vst v2;
	v2 =	vmul.f32 v61, v4  }
.Ltmp8:
0x1dd: {  	[tilespmem:s25+$0xD0] =	vst v1;
	v1 =	vmul.f32 v60, v4;
	(pc) =	sbr.rel @p0 .LBB2_6-.Ltmp8, $4  }
.Ltmp9:
0x1de: {  	s26 =	sshll.u32 s20, $0x8;
	s28 =	sshll.u32 s19, $0x7;
	[tilespmem:s25+$0x110] =	vst v2;
	v3 =	vmul.f32 v3, v4;
	(pc) =	sbr.rel @!p0 .LBB2_17-.Ltmp9, $4  }
0x1df: {  	s9 =	sadd.s32 s28, s26;
	[tilespmem:s25+$0x100] =	vst v1  }
0x1e0: {  	s9 =	sadd.s32 $0x1000, s9;
	[tilespmem:s25+$0x120] =	vst v3  }
0x1e1: {  	[spmem:s1] =	stream.indirect.scatter.add.f32 [tilespmem:s12], [sflag:$0x4], $0x80, s9, s0, $0xb8;
	[tilespmem:$0x1F800] =	vst v63  }
0x1e2: {  	_ = 	snop  }
.LBB2_12:
.Ltmp10:
0x1e3: {  	(pc) =	sbr.rel @p0 .LBB2_14-.Ltmp10, $4  }
.Ltmp11:
0x1e4: {  	(pc) =	sbr.rel @!p0 .LBB2_13-.Ltmp11, $4  }
0x1e5: {  	_ = 	snop  }
0x1e6: {  	_ = 	snop  }
0x1e7: {  	_ = 	snop  }
0x1e8: {  	_ = 	snop  }
.LBB2_18:
0x1e9: {  	_ =	sfence.sel $0x180000  }
0x1ea: {  	[bflag:$0x0] =	sbarrier.arrive $0xFFFF  }
0x1eb: {  	_ =	strace $0x9000004A  }
0x1ec: {  	s0 =	stileid.u32;
	[bflag:$0x2] =	sbarrier.arrive $0xFFFF  }
0x1ed: {  	p0 =	sne.s32 s0, $0x0;
	s0 =	rddreg [dreg:$0x4]  }
0x1ee: {  	s0 =	sadd.s32 @!p0 $0x100000, s0  }
0x1ef: {  	[sflag:s0] =	ssyncadd.tile.s32 @!p0 $0x1;
	_ =	shalt  }
.Lfunc_end2:
_tile_overlayer_lowered:
.L_overlay_start_2:
0x1f0: {  	(tag) =	ssettag $0x2  }
0x1f1: {  	s0 =	rddreg [dreg:$0x0];
	s2 =	stileid.u32  }
0x1f2: {  	s1 =	rddreg [dreg:$0x1];
	p0 =	sne.s32 s2, $0x0  }
0x1f3: {  	s3 =	rddreg [dreg:$0x2];
	[bflag:$0x3] =	sbarrier.arrive $0xFFFF;
	s2 =	simm.s32 @!p0 $0x1C06  }
0x1f4: {  	[timem:s3], [sflag:s2] =	dma.local @!p0 [hbm:s0], s1  }
0x1f5: {  	s0 =	simm.s32 @!p0 $0x6  }
0x1f6: {  	_ =	swait.ge @!p0 [sflag:s0], s1  }
0x1f7: {  	s1 =	ssub.s32 @!p0 $0x0, s1;
	[sflag:s0] =	ssyncset.done @!p0 $0x0  }
0x1f8: {  	[sflag:s0] =	ssyncadd.s32 @!p0 s1  }
0x1f9: {  	[bflag:$0x3] =	sbarrier.arrive $0xFFFF  }
0x1fa: {  	_ =	shalt  }

// kernel: kernel.14.cloned.1.call-start
scs
__scs_entry_jumppad:
0x0: {  	(pc) =	sbr.rel $0x88, $3  }
0x1: {  	(tag) =	ssettag $0x0;
	lr =	simm.s32 $0x1  }
0x2: {  	[smem:$0x3F98] =	sst lr;
	_ =	strace $0xD0000000  }
0x3: {  	_ = 	snop  }
0x4: {  	_ = 	snop  }
0x5: {  	_ = 	snop  }
0x6: {  	_ = 	snop  }
0x7: {  	_ = 	snop  }
__scs_overlays_trampoline_lowered:
0x8: {  	[smem:$0x3FA7] =	sst s0  }
0x9: {  	[smem:$0x3FA8] =	sst s1  }
0xa: {  	[smem:$0x3FA9] =	sst s2  }
0xb: {  	[smem:$0x3FAA] =	sst s3  }
0xc: {  	[smem:$0x3FAB] =	sst s4  }
0xd: {  	[smem:$0x3FAC] =	sst s5  }
0xe: {  	[smem:$0x3FAD] =	sst s6  }
0xf: {  	[smem:$0x3FAE] =	sst s7  }
0x10: {  	[smem:$0x3FAF] =	sst s8  }
0x11: {  	[smem:$0x3FB0] =	sst s9;
	s0 =	simm.s32 @!p0 $0x0  }
0x12: {  	s1 =	sld [smem:$0x3F96];
	s0 =	simm.s32 @p0 $0x1  }
0x13: {  	[smem:$0x3FB1] =	sst s0;
	s0 =	simm.s32 @!p1 $0x0  }
0x14: {  	s2 =	sld [smem:$0x3F95];
	s0 =	simm.s32 @p1 $0x1  }
0x15: {  	[smem:$0x3FB2] =	sst s0;
	s0 =	simm.s32 @!p2 $0x0  }
0x16: {  	s3 =	sld [smem:$0x3FDB];
	s0 =	simm.s32 @p2 $0x1  }
0x17: {  	s4 =	simm.s32 $0x1BF5;
	[smem:$0x3FB4] =	sst s0  }
0x18: {  	s0 =	sld [smem:$0x3F97];
	_ =	swait.ge [sflag:s4], $0x0  }
0x19: {  	s7 =	sld [smem:$0x3F98]  }
0x1a: {  	s8 =	sadd.s32 $0xFFFFE003, lr  }
0x1b: {  	s9 =	sadd.s32 $0xFFFFFEF7, lr;
	s5 =	simm.s32 $0xFFFFFFFF;
	p2 =	slt.u32 s8, $0xFFFFF086  }
0x1c: {  	p1 =	slt.u32 s9, $0xF7A;
	s5 =	simm.s32 @!p2 $0x0  }
0x1d: {  	s5 =	simm.s32 @p1 $0x1;
	p0 =	seq.s32 s7, s2  }
0x1e: {  	s7 =	smul.u32 @!p0 $0xF7A, s2;
	p2 =	seq.s32 @!p0 s5, $0x0  }
0x1f: {  	s9 =	smul.u32 $0xF7A, s1;
	s8 =	simm.s32 @!p0 $0x1BF5;
	p2 =	por !p2, p0  }
0x20: {  	[sflag:s8] =	ssyncset.s32 @!p0 $0xFFFFF086;
	s6 =	sadd.s32 @!p0 s3, s7;
	s7 =	simm.s32 @!p0 $0x108  }
0x21: {  	s3 =	sadd.s32 s3, s9;
	s6 =	sadd.s32 @!p0 $0x88, s6;
	s7 =	simm.s32 @p2 $0x1082  }
0x22: {  	[simem:s7], [sflag:s8] =	dma.local @!p0 [hbm:s6], $0xF7A  }
0x23: {  	s9 =	sor.u32 $0xD0000000, s2;
	s6 =	simm.s32 $0x108;
	_ =	swait.ge @!p0 [sflag:s8], $0x0  }
0x24: {  	s3 =	sadd.s32 $0x88, s3;
	s6 =	simm.s32 @!p1 $0x1082;
	[sflag:s4] =	ssyncset.s32 $0xFFFFF086  }
0x25: {  	[simem:s6], [sflag:s4] =	dma.local [hbm:s3], $0xF7A  }
0x26: {  	[smem:$0x3F98] =	sst s1;
	(tag) =	ssettag s2;
	_ =	strace s9  }
0x27: {  	s1 =	sld [smem:$0x3FA8]  }
0x28: {  	s2 =	sld [smem:$0x3FA9]  }
0x29: {  	s4 =	sld [smem:$0x3FAB]  }
0x2a: {  	p0 =	seq.s32 s5, $0x0;
	s5 =	sld [smem:$0x3FAC]  }
0x2b: {  	s6 =	sld [smem:$0x3FAD]  }
0x2c: {  	s7 =	sld [smem:$0x3FAE]  }
0x2d: {  	s3 =	simm.s32 $0x108;
	s8 =	sld [smem:$0x3FAF]  }
0x2e: {  	s3 =	simm.s32 @!p0 $0x1082;
	s9 =	sld [smem:$0x3FB0]  }
0x2f: {  	lr =	sadd.s32 s0, s3;
	s0 =	sld [smem:$0x3FA7]  }
0x30: {  	s3 =	sld [smem:$0x3FAA]  }
0x31: {  	[smem:$0x3FB3] =	sst s10  }
0x32: {  	s10 =	sld [smem:$0x3FB1];
	_ =	sdelay $0x3  }
0x33: {  	p0 =	seq.s32 s10, $0x1;
	s10 =	sld [smem:$0x3FB3];
	_ =	sdelay $0x3  }
0x34: {  	[smem:$0x3FB3] =	sst s10  }
0x35: {  	s10 =	sld [smem:$0x3FB2];
	_ =	sdelay $0x3  }
0x36: {  	p1 =	seq.s32 s10, $0x1;
	s10 =	sld [smem:$0x3FB3];
	_ =	sdelay $0x3  }
0x37: {  	[smem:$0x3FB3] =	sst s10  }
0x38: {  	s10 =	sld [smem:$0x3FB4]  }
0x39: {  	_ = 	snop;
	(pc) =	sbr.ind lr, $3  }
0x3a: {  	_ = 	snop  }
0x3b: {  	_ = 	snop  }
0x3c: {  	p2 =	seq.s32 s10, $0x1;
	s10 =	sld [smem:$0x3FB3]  }
0x3d: {  	_ =	shalt  }
0x3e: {  	_ =	shalt  }
0x3f: {  	_ =	shalt  }
0x40: {  	_ =	shalt  }
0x41: {  	_ =	shalt  }
0x42: {  	_ =	shalt  }
0x43: {  	_ =	shalt  }
0x44: {  	_ =	shalt  }
0x45: {  	_ =	shalt  }
0x46: {  	_ =	shalt  }
0x47: {  	_ =	shalt  }
0x48: {  	_ =	shalt  }
0x49: {  	_ =	shalt  }
0x4a: {  	_ =	shalt  }
0x4b: {  	_ =	shalt  }
0x4c: {  	_ =	shalt  }
0x4d: {  	_ =	shalt  }
0x4e: {  	_ =	shalt  }
0x4f: {  	_ =	shalt  }
0x50: {  	_ =	shalt  }
0x51: {  	_ =	shalt  }
0x52: {  	_ =	shalt  }
0x53: {  	_ =	shalt  }
0x54: {  	_ =	shalt  }
0x55: {  	_ =	shalt  }
0x56: {  	_ =	shalt  }
0x57: {  	_ =	shalt  }
0x58: {  	_ =	shalt  }
0x59: {  	_ =	shalt  }
0x5a: {  	_ =	shalt  }
0x5b: {  	_ =	shalt  }
0x5c: {  	_ =	shalt  }
0x5d: {  	_ =	shalt  }
0x5e: {  	_ =	shalt  }
0x5f: {  	_ =	shalt  }
0x60: {  	_ =	shalt  }
0x61: {  	_ =	shalt  }
0x62: {  	_ =	shalt  }
0x63: {  	_ =	shalt  }
0x64: {  	_ =	shalt  }
0x65: {  	_ =	shalt  }
0x66: {  	_ =	shalt  }
0x67: {  	_ =	shalt  }
0x68: {  	_ =	shalt  }
0x69: {  	_ =	shalt  }
0x6a: {  	_ =	shalt  }
0x6b: {  	_ =	shalt  }
0x6c: {  	_ =	shalt  }
0x6d: {  	_ =	shalt  }
0x6e: {  	_ =	shalt  }
0x6f: {  	_ =	shalt  }
0x70: {  	_ =	shalt  }
0x71: {  	_ =	shalt  }
0x72: {  	_ =	shalt  }
0x73: {  	_ =	shalt  }
0x74: {  	_ =	shalt  }
0x75: {  	_ =	shalt  }
0x76: {  	_ =	shalt  }
0x77: {  	_ =	shalt  }
0x78: {  	_ =	shalt  }
0x79: {  	_ =	shalt  }
0x7a: {  	_ =	shalt  }
0x7b: {  	_ =	shalt  }
0x7c: {  	_ =	shalt  }
0x7d: {  	_ =	shalt  }
0x7e: {  	_ =	shalt  }
0x7f: {  	_ =	shalt  }
0x80: {  	_ =	shalt  }
0x81: {  	_ =	shalt  }
0x82: {  	_ =	shalt  }
0x83: {  	_ =	shalt  }
0x84: {  	_ =	shalt  }
0x85: {  	_ =	shalt  }
0x86: {  	_ =	shalt  }
0x87: {  	_ =	shalt  }
.Lfunc_end0:
.L_simem_size_0:
called_computation.2_lowered:
.L_overlay_start_0:
0x88: {  	s2 =	sld [smem:$0x3FD9]  }
0x89: {  	s3 =	sld [smem:$0x3FFE];
	_ =	sdelay $0x1  }
0x8a: {  	s1 =	srdreg.scid  }
0x8b: {  	s0 =	sand.u32 $0x1, s1  }
0x8c: {  	s14 =	sshll.u32 s0, $0xA;
	s2 =	sadd.s32 s3, s2  }
0x8d: {  	s2 =	sadd.s32 s2, s14  }
0x8e: {  	[smem:$0x3FBF] =	sst s2  }
0x8f: {  	_ = 	snop  }
0x90: {  	s2 =	sld [smem:$0x3FD0];
	_ =	sdelay $0x2  }
0x91: {  	s15 =	simm.s32 $0xA;
	s4 =	simm.s32 $0x10  }
0x92: {  	[smem:s4], [sflag:s15] =	dma.local [hbm:s2], $0x1  }
0x93: {  	_ =	swait.eq [sflag:s15], $0x1  }
0x94: {  	[sflag:s15] =	ssyncset.done $0x0  }
0x95: {  	s16 =	sld [smem:$0x10];
	[sflag:s15] =	ssyncadd.s32 $0xFFFFFFFF  }
0x96: {  	s17 =	sld [smem:$0x11];
	(tm) =	ssettm $0x1  }
0x97: {  	s18 =	sld [smem:$0x3FFB];
	_ =	sdelay $0x3  }
0x98: {  	_ =	strace s18  }
0x99: {  	s4 =	sld [smem:$0x3FFC];
	_ =	sdelay $0x3  }
0x9a: {  	_ =	strace s4  }
0x9b: {  	s4 =	sld [smem:$0x3FFD];
	_ =	sdelay $0x3  }
0x9c: {  	_ =	strace s4  }
0x9d: {  	_ =	strace $0x8FFFFFFF  }
0x9e: {  	s19 =	sld [smem:$0x3FDB];
	_ =	sdelay $0x1  }
0x9f: {  	s5 =	simm.s32 $_scs_section_size  }
0xa0: {  	s6 =	simm.s32 $_size__tile_overlayer_lowered;
	s7 =	simm.s32 $_tile_overlayer_lowered  }
0xa1: {  	s22 =	simm.s32 $0x1BFF;
	s21 =	sshll.u32 s7, $0x1;
	s4 =	sadd.s32 s5, s19  }
0xa2: {  	s8 =	simm.s32 $0x0;
	s20 =	sshll.u32 s6, $0x1;
	s6 =	sadd.s32 s21, s4  }
0xa3: {  	[timem:s8], [sflag:s22] =	dma.local [hbm:s6], s20  }
0xa4: {  	_ =	swait.ge [sflag:s22], s20  }
0xa5: {  	s5 =	ssub.s32 $0x0, s20;
	[sflag:s22] =	ssyncset.done $0x0  }
0xa6: {  	[sflag:s22] =	ssyncadd.s32 s5;
	_ =	sdelay $0x1  }
0xa7: {  	s23 =	simm.s32 $0x1B8B  }
0xa8: {  	_ =	swait.ge [sflag:s23], $0x1  }
0xa9: {  	[sflag:s23] =	ssyncset.done $0x0  }
0xaa: {  	s25 =	simm.s32 $0x1B8E;
	s24 =	sld [smem:$0x3FFE];
	[sflag:s23] =	ssyncadd.s32 $0xFFFFFFFF  }
0xab: {  	s26 =	simm.s32 $execute0_lowered;
	[smem:$0x3FD2] =	sst s25  }
0xac: {  	s6 =	sshll.u32 s26, $0x1;
	_ =	strace $0x8000004C;
	[dreg:$0x1] =	wrdreg $0xFFFFFFFF  }
0xad: {  	s28 =	simm.s32 $_size_execute0_lowered;
	s4 =	sadd.s32 s4, s6;
	[dreg:$0x0] =	wrdreg $0x0  }
0xae: {  	s6 =	sshll.u32 s28, $0x1;
	[dreg:$0x2] =	wrdreg s4  }
0xaf: {  	[dreg:$0x3] =	wrdreg s6  }
0xb0: {  	[dreg:$0x4] =	wrdreg $0xC0  }
0xb1: {  	_ =	task [dreg:s8], $0x5FFFF  }
0xb2: {  	[dreg:$0x1] =	wrdreg $0xFFFFFFFF  }
0xb3: {  	[dreg:$0x0] =	wrdreg $0x60  }
0xb4: {  	[dreg:$0x2] =	wrdreg s17  }
0xb5: {  	[dreg:$0x3] =	wrdreg s16  }
0xb6: {  	[dreg:$0x4] =	wrdreg s24  }
0xb7: {  	[dreg:$0x5] =	wrdreg $0xB8000  }
0xb8: {  	[dreg:$0x6] =	wrdreg $0x9  }
0xb9: {  	_ =	task.clear_ibuf [dreg:s8], $0x7FFFF;
	_ =	strace $0x9000004C  }
0xba: {  	s29 =	simm.s32 $0x9;
	_ =	strace $0x8000004E  }
0xbb: {  	_ =	swait.ge [sflag:s29], $0x1  }
0xbc: {  	[sflag:s29] =	ssyncadd.s32 $0xFFFFFFFF  }
0xbd: {  	_ =	strace $0x9000004E  }
0xbe: {  	_ =	sfence  }
0xbf: {  	s30 =	sld [smem:$0x0];
	_ =	sdelay $0x2  }
0xc0: {  	s31 =	sshll.u32 s1, $0xD;
	s1 =	sshrl.u32 s1, $0x2  }
0xc1: {  	s3 =	sand.u32 $0x4000, s31;
	s1 =	sadd.s32 s1, s30  }
0xc2: {  	s0 =	sor.u32 s3, s0;
	s1 =	sshll.u32 s1, $0x11  }
0xc3: {  	s0 =	sor.u32 s1, s0  }
0xc4: {  	s0 =	sadd.s32 $0x8F2B, s0  }
0xc5: {  	[sflag:s0] =	ssyncadd.remote.s32 $0x1  }
0xc6: {  	_ =	sfence.sel $0xFFFF  }
0xc7: {  	[dreg:$0x0] =	wrdreg $0xFFFFFFFF;
	(pc) =	sbr.abs _section_cstart, $3  }
0xc8: {  	[dreg:$0x1] =	wrdreg $0xFFFFFFFF  }
0xc9: {  	_ =	task.clear_ibuf [dreg:s8], $0x2FFFF;
	_ =	strace $0x9FFFFFFF  }
0xca: {  	(tm) =	ssettm $0x7FFFFFFF  }
0xcb: {  	_ =	shalt  }
tec
execute0_lowered:
.L_overlay_start_1:
0x0: {  	(tag) =	ssettag $0x1  }
0x1: {  	s0 =	rddreg [dreg:$0x0]  }
0x2: {  	s2 =	rddreg [dreg:$0x1]  }
0x3: {  	s6 =	rddreg [dreg:$0x2]  }
0x4: {  	s1 =	rddreg [dreg:$0x3];
	s3 =	srdreg.scid  }
0x5: {  	s14 =	stileid.u32;
	s5 =	sand.u32 $0x1, s3;
	s3 =	simm.s32 $0x0  }
0x6: {  	s28 =	smul.u32 $0x2800, s14;
	s4 =	sshll.u32 s5, $0x4;
	[smem:$0x7FF] =	sst s3  }
0x7: {  	s7 =	smul.u32 $0x28000, s5;
	s10 =	ssub.s32 $0x2, s5;
	s8 =	sor.u32 s14, s4  }
0x8: {  	s5 =	sadd.s32 $0x16E00, s6;
	_ =	strace $0x8000004D;
	s9 =	smul.u32 $0x2800, s8  }
0x9: {  	s4 =	sadd.s32 $0xCE00, s6;
	s21 =	sshrl.u32 s10, $0x1;
	s11 =	smul.u32 $0x280, s8  }
0xa: {  	s12 =	sadd.s32 s7, s6;
	s22 =	smul.u32 $0x500, s8;
	s13 =	ssub.s32 s10, s21  }
0xb: {  	s26 =	sadd.s32 $0x3EE00, s12;
	s9 =	sand.u32 $0x7C000, s9;
	s11 =	sand.u32 $0x380, s11  }
0xc: {  	s12 =	smax.u32 s13, $0x1;
	s6 =	sadd.s32 s0, s22;
	s9 =	sor.u32 s11, s9  }
0xd: {  	[dreg:$0x6] =	wrdreg s12;
	s0 =	sadd.s32 s28, s26;
	s24 =	sshrl.u32 s9, $0x3  }
0xe: {  	[dreg:$0x13] =	wrdreg s0;
	s9 =	sadd.s32 s4, s24  }
0xf: {  	s13 =	sadd.s32 $0x80, s9;
	[dreg:$0x5] =	wrdreg s9  }
0x10: {  	s23 =	smul.u32 $0x50000, s14;
	s14 =	sadd.s32 $0x100, s9;
	[dreg:$0x7] =	wrdreg s13  }
0x11: {  	s15 =	sadd.s32 $0x180, s9;
	[dreg:$0x8] =	wrdreg s14  }
0x12: {  	s16 =	sadd.s32 $0x200, s9;
	[dreg:$0x9] =	wrdreg s15  }
0x13: {  	s30 =	simm.s32 $0x2000;
	s17 =	sadd.s32 $0x280, s9;
	[dreg:$0xa] =	wrdreg s16  }
0x14: {  	s31 =	simm.s32 $0x5;
	s18 =	sadd.s32 $0x300, s9;
	[dreg:$0xb] =	wrdreg s17  }
0x15: {  	s29 =	simm.s32 $0x3000;
	s19 =	sadd.s32 $0x380, s9;
	[dreg:$0xc] =	wrdreg s18  }
0x16: {  	s25 =	sshrl.u32 s23, $0x2;
	s20 =	sadd.s32 $0x400, s9;
	[dreg:$0xd] =	wrdreg s19  }
0x17: {  	s8 =	smul.u32 $0x5, s8;
	s21 =	sadd.s32 $0x480, s9;
	[dreg:$0xe] =	wrdreg s20  }
0x18: {  	s7 =	sadd.s32 s2, s22;
	s22 =	sadd.s32 $0x500, s9;
	[dreg:$0xf] =	wrdreg s21  }
0x19: {  	s10 =	sadd.s32 s25, s1;
	s23 =	sadd.s32 $0x580, s9;
	[dreg:$0x10] =	wrdreg s22  }
0x1a: {  	s2 =	simm.s32 $0xB000;
	s24 =	sadd.s32 $0x600, s9;
	[dreg:$0x11] =	wrdreg s23  }
.Ltmp0:
0x1b: {  	s25 =	sadd.s32 $0x680, s9;
	[dreg:$0x12] =	wrdreg s24;
	(pc) =	sbr.rel .LBB2_1-.Ltmp0, $4  }
0x1c: {  	s12 =	simm.s32 $0x7000;
	s26 =	sadd.s32 $0x700, s9;
	[dreg:$0x14] =	wrdreg s25  }
0x1d: {  	s0 =	simm.s32 $0x7D;
	s28 =	sadd.s32 $0x780, s9;
	[dreg:$0x15] =	wrdreg s26  }
0x1e: {  	s11 =	simm.s32 $0x6;
	[dreg:$0x16] =	wrdreg s28;
	s13 =	simm.s32 $0x1  }
0x1f: {  	v0 =	vimm.f32 $0.0e+00;
	s14 =	simm.s32 $0x3;
	s15 =	simm.s32 $0x2;
	s17 =	simm.s32 $0x0  }
.LBB2_17:
0x20: {  	s9 =	simm.s32 $0x4  }
0x21: {  	_ =	swait.ge [sflag:s9], $0x3E80  }
0x22: {  	[sflag:s9] =	ssyncset.done $0x0  }
0x23: {  	s26 =	stileid.u32;
	[sflag:s9] =	ssyncadd.s32 $0xFFFFC180  }
0x24: {  	s9 =	sshll.u32 s26, $0x6;
	[bflag:$0x0] =	sbarrier.arrive $0xFFFF  }
0x25: {  	s16 =	sshrl.u32 s10, $0x3;
	s9 =	sor.u32 $0x1C06, s9;
	s18 =	rddreg [dreg:$0x13]  }
0x26: {  	[hbm:s18], [sflag:s9] =	dma.local [spmem:s16], $0x2800  }
0x27: {  	_ =	swait.ge [sflag:s11], $0x2800  }
0x28: {  	s17 =	sadd.s32 $0x1, s17;
	s28 =	rddreg [dreg:$0x6]  }
0x29: {  	p0 =	sne.s32 s17, s28  }
.Ltmp1:
0x2a: {  	_ = 	snop;
	(pc) =	sbr.rel @!p0 .LBB2_18-.Ltmp1, $3  }
0x2b: {  	_ =	sdelay $0x1  }
0x2c: {  	[sflag:s11] =	ssyncset.done $0x0  }
0x2d: {  	[sflag:s11] =	ssyncadd.s32 $0xFFFFD800  }
.LBB2_1:
0x2e: {  	[tilespmem:s3], [sflag:$0x5] =	stream.linear.gather [hbm4b:s6+s3], $0x800, $0x38;
	[tilespmem:$0x1F800] =	vst v63  }
0x2f: {  	s9 =	simm.s32 $0x1000;
	s18 =	rddreg [dreg:$0x5]  }
0x30: {  	[tilespmem:s9], [sflag:$0x5] =	stream.linear.gather [hbm4b:s7+s3], $0x800, $0x38;
	[tilespmem:$0x1F800] =	vst v63  }
0x31: {  	s19 =	rddreg [dreg:$0x7]  }
0x32: {  	[tilespmem:s30], [sflag:$0x5] =	stream.linear.gather [hbm4b:s18+s3], $0x80, $0x38;
	[tilespmem:$0x1F800] =	vst v63  }
0x33: {  	s16 =	simm.s32 $0x2100;
	s20 =	rddreg [dreg:$0x8]  }
0x34: {  	[tilespmem:s16], [sflag:$0x5] =	stream.linear.gather [hbm4b:s19+s3], $0x80, $0x38;
	[tilespmem:$0x1F800] =	vst v63  }
0x35: {  	s21 =	simm.s32 $0x2200;
	s22 =	rddreg [dreg:$0x9]  }
0x36: {  	[tilespmem:s21], [sflag:$0x5] =	stream.linear.gather [hbm4b:s20+s3], $0x80, $0x38;
	[tilespmem:$0x1F800] =	vst v63  }
0x37: {  	s23 =	simm.s32 $0x2300;
	s24 =	rddreg [dreg:$0xa]  }
0x38: {  	[tilespmem:s23], [sflag:$0x5] =	stream.linear.gather [hbm4b:s22+s3], $0x80, $0x38;
	[tilespmem:$0x1F800] =	vst v63  }
0x39: {  	s25 =	simm.s32 $0x2400;
	s26 =	rddreg [dreg:$0xb]  }
0x3a: {  	[tilespmem:s25], [sflag:$0x5] =	stream.linear.gather [hbm4b:s24+s3], $0x80, $0x38;
	[tilespmem:$0x1F800] =	vst v63  }
0x3b: {  	s28 =	simm.s32 $0x2500;
	s18 =	rddreg [dreg:$0xc]  }
0x3c: {  	[tilespmem:s28], [sflag:$0x5] =	stream.linear.gather [hbm4b:s26+s3], $0x80, $0x38;
	[tilespmem:$0x1F800] =	vst v63  }
0x3d: {  	s19 =	simm.s32 $0x2600;
	s20 =	rddreg [dreg:$0xd]  }
0x3e: {  	[tilespmem:s19], [sflag:$0x5] =	stream.linear.gather [hbm4b:s18+s3], $0x80, $0x38;
	[tilespmem:$0x1F800] =	vst v63  }
0x3f: {  	s21 =	simm.s32 $0x2700;
	s22 =	rddreg [dreg:$0xe]  }
0x40: {  	[tilespmem:s21], [sflag:$0x5] =	stream.linear.gather [hbm4b:s20+s3], $0x80, $0x38;
	[tilespmem:$0x1F800] =	vst v63  }
0x41: {  	s23 =	simm.s32 $0x2800;
	s24 =	rddreg [dreg:$0xf]  }
0x42: {  	[tilespmem:s23], [sflag:$0x5] =	stream.linear.gather [hbm4b:s22+s3], $0x80, $0x38;
	[tilespmem:$0x1F800] =	vst v63  }
0x43: {  	s25 =	simm.s32 $0x2900;
	s26 =	rddreg [dreg:$0x10]  }
0x44: {  	[tilespmem:s25], [sflag:$0x5] =	stream.linear.gather [hbm4b:s24+s3], $0x80, $0x38;
	[tilespmem:$0x1F800] =	vst v63  }
0x45: {  	s28 =	simm.s32 $0x2A00;
	s18 =	rddreg [dreg:$0x11]  }
0x46: {  	[tilespmem:s28], [sflag:$0x5] =	stream.linear.gather [hbm4b:s26+s3], $0x80, $0x38;
	[tilespmem:$0x1F800] =	vst v63  }
0x47: {  	s19 =	simm.s32 $0x2B00;
	s20 =	rddreg [dreg:$0x12]  }
0x48: {  	[tilespmem:s19], [sflag:$0x5] =	stream.linear.gather [hbm4b:s18+s3], $0x80, $0x38;
	[tilespmem:$0x1F800] =	vst v63  }
0x49: {  	s21 =	simm.s32 $0x2C00;
	s22 =	rddreg [dreg:$0x14]  }
0x4a: {  	[tilespmem:s21], [sflag:$0x5] =	stream.linear.gather [hbm4b:s20+s3], $0x80, $0x38;
	[tilespmem:$0x1F800] =	vst v63  }
0x4b: {  	s23 =	simm.s32 $0x2D00;
	s24 =	rddreg [dreg:$0x15]  }
0x4c: {  	[tilespmem:s23], [sflag:$0x5] =	stream.linear.gather [hbm4b:s22+s3], $0x80, $0x38;
	[tilespmem:$0x1F800] =	vst v63  }
0x4d: {  	s25 =	simm.s32 $0x2E00;
	s26 =	rddreg [dreg:$0x16]  }
0x4e: {  	[tilespmem:s25], [sflag:$0x5] =	stream.linear.gather [hbm4b:s24+s3], $0x80, $0x38;
	[tilespmem:$0x1F800] =	vst v63  }
0x4f: {  	s28 =	simm.s32 $0x2F00;
	s18 =	simm.s32 $0x0;
	s19 =	simm.s32 $0x200  }
0x50: {  	[tilespmem:s28], [sflag:$0x5] =	stream.linear.gather [hbm4b:s26+s3], $0x80, $0x38;
	[tilespmem:$0x1F800] =	vst v63  }
.LBB2_2:
0x51: {  	p0 =	sne.s32 s19, $0x1E00;
	[tilespmem:s18+$0xB070] =	vst v0  }
0x52: {  	[tilespmem:s18+$0xB000] =	vst v0  }
0x53: {  	[tilespmem:s18+$0xB010] =	vst v0  }
.Ltmp2:
0x54: {  	[tilespmem:s18+$0xB020] =	vst v0;
	(pc) =	sbr.rel @p0 .LBB2_2-.Ltmp2, $4  }
0x55: {  	[tilespmem:s18+$0xB030] =	vst v0  }
0x56: {  	[tilespmem:s18+$0xB040] =	vst v0  }
0x57: {  	[tilespmem:s18+$0xB050] =	vst v0  }
0x58: {  	[tilespmem:s18+$0xB060] =	vst v0;
	s18 =	sshra.s32 s19, $0x2;
	s19 =	sadd.s32 $0x200, s19  }
0x59: {  	[tilespmem:s18+$0xB070] =	vst v0  }
0x5a: {  	[tilespmem:s18+$0xB000] =	vst v0  }
0x5b: {  	[tilespmem:s18+$0xB010] =	vst v0  }
0x5c: {  	[tilespmem:s18+$0xB020] =	vst v0  }
0x5d: {  	[tilespmem:s18+$0xB030] =	vst v0  }
0x5e: {  	[tilespmem:s18+$0xB040] =	vst v0  }
0x5f: {  	[tilespmem:s18+$0xB050] =	vst v0  }
0x60: {  	[tilespmem:s18+$0xB060] =	vst v0  }
0x61: {  	_ =	swait.ge [sflag:s31], $0x800  }
0x62: {  	[sflag:s31] =	ssyncset.done $0x0  }
0x63: {  	[sflag:s31] =	ssyncadd.s32 $0xFFFFF800  }
0x64: {  	_ =	swait.ge [sflag:s31], $0x800  }
0x65: {  	[sflag:s31] =	ssyncset.done $0x0  }
0x66: {  	[sflag:s31] =	ssyncadd.s32 $0xFFFFF800  }
0x67: {  	_ =	swait.ge [sflag:s31], $0x800  }
0x68: {  	[sflag:s31] =	ssyncset.done $0x0  }
0x69: {  	s26 =	simm.s32 $0x0;
	[sflag:s31] =	ssyncadd.s32 $0xFFFFF800  }
0x6a: {  	[tilespmem:s29], [sflag:$0x1] =	stream.indirect.gather [hbm4b:s5+s0], $0x80, s26, s0, $0xb8;
	[tilespmem:$0x1F800] =	vst v63  }
0x6b: {  	s28 =	sadd.s32 $0x0, s10  }
0x6c: {  	[spmem:s28] =	stream.linear.scatter [tilespmem:s2], [sflag:$0x6], $0x800, $0x38;
	[tilespmem:$0x1F800] =	vst v63  }
0x6d: {  	s18 =	simm.s32 $0x2000;
	_ =	swait.ge [sflag:s11], $0x800  }
.LBB2_4:
0x6e: {  	s19 =	sshra.s32 s18, $0x2;
	[sflag:s11] =	ssyncset.done $0x0;
	p0 =	sne.s32 s18, $0x4E000  }
.Ltmp3:
0x6f: {  	s19 =	sadd.s32 s19, s10;
	[sflag:s11] =	ssyncadd.s32 $0xFFFFF800;
	(pc) =	sbr.rel @p0 .LBB2_4-.Ltmp3, $3  }
0x70: {  	[spmem:s19] =	stream.linear.scatter [tilespmem:s2], [sflag:$0x6], $0x800, $0x38;
	[tilespmem:$0x1F800] =	vst v63  }
0x71: {  	s18 =	sadd.s32 $0x2000, s18;
	_ =	sdelay $0x1  }
0x72: {  	_ =	swait.ge [sflag:s11], $0x800  }
0x73: {  	[sflag:s11] =	ssyncset.done $0x0  }
0x74: {  	[sflag:s11] =	ssyncadd.s32 $0xFFFFF800  }
0x75: {  	s18 =	simm.s32 $0x0;
	[bflag:$0x0] =	sbarrier.arrive $0xFFFF  }
.LBB2_6:
0x76: {  	s21 =	sshll.u32 s18, $0x1  }
0x77: {  	p1 =	sgt.u32 s18, $0x1F;
	s19 =	sand.u32 $0xE, s21  }
0x78: {  	p2 =	sne.s32 @!p1 s19, $0x0  }
0x79: {  	p1 =	por p1, p2  }
.Ltmp4:
0x7a: {  	p0 =	seq.s32 s18, $0x0;
	(pc) =	sbr.rel @p1 .LBB2_8-.Ltmp4, $4  }
0x7b: {  	s23 =	simm.s32 @!p0 $0x4  }
0x7c: {  	_ =	swait.ge @!p0 [sflag:s23], $0x3E80  }
0x7d: {  	s22 =	sshrl.u32 s18, $0x3;
	[sflag:s23] =	ssyncset.done @!p0 $0x0  }
0x7e: {  	s20 =	sand.u32 $0x1, s22;
	[sflag:s23] =	ssyncadd.s32 @!p0 $0xFFFFC180  }
0x7f: {  	s22 =	sadd.s32 $0x1, s22  }
0x80: {  	s23 =	sxor.u32 $0x1, s20;
	s24 =	sshll.u32 s22, $0x8  }
0x81: {  	s25 =	sshll.u32 s23, $0xB;
	s22 =	sadd.s32 s8, s22;
	s26 =	sadd.s32 s6, s24  }
0x82: {  	[tilespmem:s25], [sflag:$0x5] =	stream.linear.gather [hbm4b:s26+s3], $0x800, $0x38;
	[tilespmem:$0x1F800] =	vst v63  }
0x83: {  	s24 =	sadd.s32 s7, s24;
	s28 =	sshll.u32 s22, $0x4;
	s25 =	sor.u32 $0x1000, s25  }
0x84: {  	[tilespmem:s25], [sflag:$0x5] =	stream.linear.gather [hbm4b:s24+s3], $0x800, $0x38;
	[tilespmem:$0x1F800] =	vst v63  }
0x85: {  	s22 =	sshll.u32 s22, $0x8;
	s24 =	sand.u32 $0x70, s28  }
0x86: {  	s23 =	sshll.u32 s23, $0x7;
	s22 =	sand.u32 $0xFFFF800, s22;
	s24 =	sadd.s32 s4, s24  }
0x87: {  	s9 =	sor.u32 $0x2000, s23;
	s22 =	sadd.s32 s22, s24  }
0x88: {  	[tilespmem:s9], [sflag:$0x5] =	stream.linear.gather [hbm4b:s22+s3], $0x80, $0x38;
	[tilespmem:$0x1F800] =	vst v63  }
0x89: {  	s16 =	sor.u32 $0x2100, s23;
	s24 =	sadd.s32 $0x80, s22  }
0x8a: {  	[tilespmem:s16], [sflag:$0x5] =	stream.linear.gather [hbm4b:s24+s3], $0x80, $0x38;
	[tilespmem:$0x1F800] =	vst v63  }
0x8b: {  	s28 =	sor.u32 $0x2200, s23;
	s26 =	sadd.s32 $0x100, s22  }
0x8c: {  	[tilespmem:s28], [sflag:$0x5] =	stream.linear.gather [hbm4b:s26+s3], $0x80, $0x38;
	[tilespmem:$0x1F800] =	vst v63  }
0x8d: {  	s9 =	sadd.s32 $0x180, s22;
	s16 =	sor.u32 $0x2300, s23  }
0x8e: {  	[tilespmem:s16], [sflag:$0x5] =	stream.linear.gather [hbm4b:s9+s3], $0x80, $0x38;
	[tilespmem:$0x1F800] =	vst v63  }
0x8f: {  	s26 =	sadd.s32 $0x200, s22;
	s28 =	sor.u32 $0x2400, s23  }
0x90: {  	[tilespmem:s28], [sflag:$0x5] =	stream.linear.gather [hbm4b:s26+s3], $0x80, $0x38;
	[tilespmem:$0x1F800] =	vst v63  }
0x91: {  	s9 =	sadd.s32 $0x280, s22;
	s16 =	sor.u32 $0x2500, s23  }
0x92: {  	[tilespmem:s16], [sflag:$0x5] =	stream.linear.gather [hbm4b:s9+s3], $0x80, $0x38;
	[tilespmem:$0x1F800] =	vst v63  }
0x93: {  	s26 =	sadd.s32 $0x300, s22;
	s28 =	sor.u32 $0x2600, s23  }
0x94: {  	[tilespmem:s28], [sflag:$0x5] =	stream.linear.gather [hbm4b:s26+s3], $0x80, $0x38;
	[tilespmem:$0x1F800] =	vst v63  }
0x95: {  	s9 =	sadd.s32 $0x380, s22;
	s16 =	sor.u32 $0x2700, s23  }
0x96: {  	[tilespmem:s16], [sflag:$0x5] =	stream.linear.gather [hbm4b:s9+s3], $0x80, $0x38;
	[tilespmem:$0x1F800] =	vst v63  }
0x97: {  	s26 =	sadd.s32 $0x400, s22;
	s28 =	sor.u32 $0x2800, s23  }
0x98: {  	[tilespmem:s28], [sflag:$0x5] =	stream.linear.gather [hbm4b:s26+s3], $0x80, $0x38;
	[tilespmem:$0x1F800] =	vst v63  }
0x99: {  	s9 =	sadd.s32 $0x480, s22;
	s16 =	sor.u32 $0x2900, s23  }
0x9a: {  	[tilespmem:s16], [sflag:$0x5] =	stream.linear.gather [hbm4b:s9+s3], $0x80, $0x38;
	[tilespmem:$0x1F800] =	vst v63  }
0x9b: {  	s26 =	sadd.s32 $0x500, s22;
	s28 =	sor.u32 $0x2A00, s23  }
0x9c: {  	[tilespmem:s28], [sflag:$0x5] =	stream.linear.gather [hbm4b:s26+s3], $0x80, $0x38;
	[tilespmem:$0x1F800] =	vst v63  }
0x9d: {  	s9 =	sadd.s32 $0x580, s22;
	s16 =	sor.u32 $0x2B00, s23  }
0x9e: {  	[tilespmem:s16], [sflag:$0x5] =	stream.linear.gather [hbm4b:s9+s3], $0x80, $0x38;
	[tilespmem:$0x1F800] =	vst v63  }
0x9f: {  	s26 =	sadd.s32 $0x600, s22;
	s28 =	sor.u32 $0x2C00, s23  }
0xa0: {  	[tilespmem:s28], [sflag:$0x5] =	stream.linear.gather [hbm4b:s26+s3], $0x80, $0x38;
	[tilespmem:$0x1F800] =	vst v63  }
0xa1: {  	s9 =	sadd.s32 $0x680, s22;
	s16 =	sor.u32 $0x2D00, s23  }
0xa2: {  	[tilespmem:s16], [sflag:$0x5] =	stream.linear.gather [hbm4b:s9+s3], $0x80, $0x38;
	[tilespmem:$0x1F800] =	vst v63  }
0xa3: {  	s26 =	sadd.s32 $0x700, s22;
	s28 =	sor.u32 $0x2E00, s23  }
0xa4: {  	[tilespmem:s28], [sflag:$0x5] =	stream.linear.gather [hbm4b:s26+s3], $0x80, $0x38;
	[tilespmem:$0x1F800] =	vst v63  }
0xa5: {  	s22 =	sadd.s32 $0x780, s22;
	s23 =	sor.u32 $0x2F00, s23  }
0xa6: {  	[tilespmem:s23], [sflag:$0x5] =	stream.linear.gather [hbm4b:s22+s3], $0x80, $0x38;
	[tilespmem:$0x1F800] =	vst v63  }
.LBB2_8:
0xa7: {  	s24 =	smul.u32 $0x7D, s19;
	_ =	sdelay $0x1  }
0xa8: {  	s25 =	sadd.s32 $0x0, s24  }
0xa9: {  	s22 =	sadd.s32 $0x4, s25  }
0xaa: {  	v1 =	vmov s22;
	s22 =	sor.u32 $0x1, s21  }
0xab: {  	v4 =	vmov s25;
	s21 =	sshll.u32 s18, $0x8;
	s23 =	sshll.u32 s22, $0x7  }
0xac: {  	v6 =	vshll.u32 v4, $0x1;
	s28 =	sand.u32 $0x800, s21;
	s23 =	sand.u32 $0x780, s23  }
0xad: {  	s26 =	sshll.u32 s20, $0x7;
	s9 =	sadd.s32 $0x1, s25;
	v4 =	vand.u32 $0x7F, v4;
	v2 =	vshll.u32 v1, $0x1;
	v1 =	vand.u32 $0x7F, v1;
	s23 =	sor.u32 s23, s28  }
0xae: {  	v6 =	vand.u32 $0x7FFFFF00, v6;
	v3 =	vand.u32 $0x7FFFFF00, v2;
	v2 =	vmov s26;
	[tilespmem:s12], [sflag:$0x2] =	stream.indirect.gather [hbm4b:s5+s0], $0x80, s23, s0, $0xb8;
	[tilespmem:$0x1F800] =	vst v63  }
0xaf: {  	v4 =	vor.u32 v6, v4;
	v1 =	vor.u32 v3, v1;
	v3 =	vmov s9;
	_ =	swait.ge [sflag:s13], $0x3E80  }
0xb0: {  	v4 =	vor.u32 v2, v4;
	v5 =	vshll.u32 v3, $0x1;
	[sflag:s13] =	ssyncset.done $0x0  }
0xb1: {  	v3 =	vand.u32 $0x7F, v3;
	s23 =	simm.s32 $0x3140;
	v5 =	vand.u32 $0x7FFFFF00, v5;
	[sflag:s13] =	ssyncadd.s32 $0xFFFFC180  }
0xb2: {  	v3 =	vor.u32 v5, v3;
	v5 =	vld [tilespmem:s23+$0x130]  }
0xb3: {  	v6 =	vld [tilespmem:s23+$0xFFFFFEC0]  }
0xb4: {  	v7 =	vld [tilespmem:s23+$0xFFFFFED0]  }
0xb5: {  	v10 =	vld.idx.msk [tilespmem:v4+s30+$0x0], $0xffff  }
0xb6: {  	v4 =	vld [tilespmem:s23+$0xFFFFFEE0]  }
0xb7: {  	v8 =	vld [tilespmem:s23+$0xFFFFFEF0]  }
0xb8: {  	v1 =	vor.u32 v2, v1;
	v9 =	vld [tilespmem:s23+$0xFFFFFF00]  }
0xb9: {  	v11 =	vld [tilespmem:s23+$0xFFFFFF10]  }
0xba: {  	s16 =	sadd.s32 $0x2, s25;
	v13 =	vld [tilespmem:s23+$0xFFFFFF20]  }
0xbb: {  	v12 =	vmov s16;
	v3 =	vor.u32 v2, v3;
	v15 =	vld [tilespmem:s23+$0xFFFFFF30]  }
0xbc: {  	v14 =	vshll.u32 v12, $0x1;
	v16 =	vld [tilespmem:s23+$0xFFFFFF40]  }
0xbd: {  	v12 =	vand.u32 $0x7F, v12;
	v14 =	vand.u32 $0x7FFFFF00, v14;
	v1 =	vld.idx.msk [tilespmem:v1+s30+$0x0], $0xffff  }
0xbe: {  	v12 =	vor.u32 v14, v12;
	v14 =	vld [tilespmem:s23+$0xFFFFFF50]  }
0xbf: {  	v17 =	vld [tilespmem:s23+$0xFFFFFF60]  }
0xc0: {  	v3 =	vld.idx.msk [tilespmem:v3+s30+$0x0], $0xffff;
	v6 =	vmul.f32 v6, v10  }
0xc1: {  	v18 =	vld [tilespmem:s23+$0xFFFFFF70];
	v4 =	vmul.f32 v4, v10  }
0xc2: {  	v12 =	vor.u32 v2, v12;
	v58 =	vld [tilespmem:s23+$0xFFFFFF90];
	v5 =	vmul.f32 v5, v1;
	[tilespmem:s23+$0xFFFFFEC0] =	vst v6  }
0xc3: {  	v59 =	vld [tilespmem:s23+$0xFFFFFFC0];
	v8 =	vmul.f32 v8, v10;
	[tilespmem:s23+$0xFFFFFEE0] =	vst v4  }
0xc4: {  	[tilespmem:s23+$0x130] =	vst v5;
	v5 =	vmul.f32 v7, v10;
	v7 =	vld [tilespmem:s23+$0xFFFFFF80]  }
0xc5: {  	v60 =	vld [tilespmem:s23+$0xFFFFFFF0];
	[tilespmem:s23+$0xFFFFFEF0] =	vst v8;
	v6 =	vmul.f32 v16, v3  }
0xc6: {  	s25 =	sadd.s32 $0x3, s25;
	v4 =	vmul.f32 v14, v3;
	[tilespmem:s23+$0xFFFFFED0] =	vst v5;
	v5 =	vld [tilespmem:s23+$0xFFFFFFA0]  }
0xc7: {  	v19 =	vmov s25;
	v20 =	vld.idx.msk [tilespmem:v12+s30+$0x0], $0xffff;
	v8 =	vmul.f32 v17, v3;
	[tilespmem:s23+$0xFFFFFF40] =	vst v6  }
0xc8: {  	v12 =	vld [tilespmem:s23+$0xFFFFFFB0];
	v6 =	vshll.u32 v19, $0x1;
	[tilespmem:s23+$0xFFFFFF50] =	vst v4;
	v4 =	vmul.f32 v18, v3  }
0xc9: {  	v14 =	vand.u32 $0x7F, v19;
	[tilespmem:s23+$0xFFFFFF60] =	vst v8;
	v8 =	vld [tilespmem:s23+$0xFFFFFFE0];
	v6 =	vand.u32 $0x7FFFFF00, v6;
	v7 =	vmul.f32 v7, v3  }
0xca: {  	v6 =	vor.u32 v6, v14;
	v14 =	vld [tilespmem:s23+$0xFFFFFFD0];
	[tilespmem:s23+$0xFFFFFF70] =	vst v4;
	v4 =	vmul.f32 v58, v3  }
0xcb: {  	v61 =	vld [tilespmem:s23+$0x0];
	v6 =	vor.u32 v2, v6;
	[tilespmem:s23+$0xFFFFFF80] =	vst v7;
	v5 =	vmul.f32 v5, v3  }
0xcc: {  	v62 =	vld [tilespmem:s23+$0x10];
	[tilespmem:s23+$0xFFFFFF90] =	vst v4;
	v4 =	vmul.f32 v59, v20  }
0xcd: {  	v63 =	vld [tilespmem:s23+$0x20];
	v7 =	vmul.f32 v12, v3;
	[tilespmem:s23+$0xFFFFFFA0] =	vst v5  }
0xce: {  	v21 =	vld [tilespmem:s23+$0x30];
	[tilespmem:s23+$0xFFFFFFC0] =	vst v4;
	v4 =	vmul.f32 v8, v20  }
0xcf: {  	v12 =	vld [tilespmem:s23+$0x40];
	[tilespmem:s23+$0xFFFFFFB0] =	vst v7;
	v5 =	vmul.f32 v14, v20  }
0xd0: {  	v7 =	vmul.f32 v9, v10;
	v14 =	vmul.f32 v61, v20;
	v3 =	vld.idx.msk [tilespmem:v6+s30+$0x0], $0xffff;
	[tilespmem:s23+$0xFFFFFFE0] =	vst v4  }
0xd1: {  	v9 =	vld [tilespmem:s23+$0x50];
	v6 =	vmul.f32 v11, v10;
	v11 =	vmul.f32 v62, v20;
	[tilespmem:s23+$0xFFFFFFD0] =	vst v5  }
0xd2: {  	v8 =	vld [tilespmem:s23+$0x60];
	v5 =	vmul.f32 v60, v20;
	[tilespmem:s23+$0x0] =	vst v14  }
0xd3: {  	v4 =	vmul.f32 v13, v10;
	v14 =	vmul.f32 v63, v20;
	[tilespmem:s23+$0x10] =	vst v11;
	v11 =	vld [tilespmem:s23+$0x80]  }
0xd4: {  	s25 =	simm.s32 $0x3140;
	s26 =	simm.s32 $0xA;
	s28 =	sadd.s32 $0x5, s24;
	v13 =	vmul.f32 v21, v20;
	[tilespmem:s23+$0xFFFFFFF0] =	vst v5;
	v5 =	vmul.f32 v15, v10;
	v10 =	vld [tilespmem:s23+$0x70]  }
.LBB2_9:
0xd5: {  	p0 =	slt.u32 s26, $0x78;
	v15 =	vmov s28;
	s9 =	sadd.s32 $0x1, s28;
	s16 =	sadd.s32 $0x4, s28;
	[tilespmem:s23+$0x20] =	vst v14;
	v12 =	vmul.f32 v12, v3;
	v14 =	vld [tilespmem:s23+$0x90]  }
0xd6: {  	v16 =	vshll.u32 v15, $0x1;
	v17 =	vmov s9;
	s9 =	sadd.s32 $0x2, s28;
	s28 =	sadd.s32 $0x3, s28;
	v18 =	vmov s16;
	[tilespmem:s23+$0x30] =	vst v13;
	v13 =	vld [tilespmem:s23+$0xA0]  }
0xd7: {  	v19 =	vmov s9;
	v20 =	vmov s28;
	v21 =	vshll.u32 v18, $0x1;
	[tilespmem:s23+$0x40] =	vst v12;
	v12 =	vld [tilespmem:s23+$0xB0]  }
0xd8: {  	v22 =	vshll.u32 v17, $0x1;
	v18 =	vand.u32 $0x7F, v18;
	v21 =	vand.u32 $0x7FFFFF00, v21;
	[tilespmem:s23+$0xFFFFFF00] =	vst v7;
	v7 =	vld [tilespmem:s23+$0xC0]  }
0xd9: {  	v23 =	vshll.u32 v19, $0x1;
	v24 =	vshll.u32 v20, $0x1;
	v18 =	vor.u32 v21, v18;
	[tilespmem:s23+$0xFFFFFF10] =	vst v6;
	v6 =	vld [tilespmem:s23+$0xD0]  }
0xda: {  	v21 =	vand.u32 $0x7FFFFF00, v22;
	v22 =	vand.u32 $0x7FFFFF00, v23;
	v18 =	vor.u32 v2, v18;
	[tilespmem:s23+$0xFFFFFF20] =	vst v4;
	v4 =	vld [tilespmem:s23+$0xE0]  }
0xdb: {  	v16 =	vand.u32 $0x7FFFFF00, v16;
	v17 =	vand.u32 $0x7F, v17;
	v23 =	vand.u32 $0x7FFFFF00, v24;
	[tilespmem:s23+$0xFFFFFF30] =	vst v5;
	v5 =	vld [tilespmem:s23+$0xF0]  }
0xdc: {  	v15 =	vand.u32 $0x7F, v15;
	v19 =	vand.u32 $0x7F, v19;
	v20 =	vand.u32 $0x7F, v20;
	v24 =	vld [tilespmem:s23+$0x100]  }
0xdd: {  	v17 =	vor.u32 v21, v17;
	v19 =	vor.u32 v22, v19;
	v20 =	vor.u32 v23, v20;
	v21 =	vld [tilespmem:s23+$0x110]  }
0xde: {  	v15 =	vor.u32 v16, v15;
	v16 =	vor.u32 v2, v17;
	v17 =	vor.u32 v2, v19;
	v19 =	vld [tilespmem:s23+$0x120]  }
0xdf: {  	v9 =	vmul.f32 v9, v3;
	v15 =	vor.u32 v2, v15;
	v20 =	vor.u32 v2, v20;
	s23 =	sadd.s32 $0x280, s23;
	v18 =	vld.idx.msk [tilespmem:v18+s30+$0x0], $0xffff  }
0xe0: {  	v8 =	vmul.f32 v8, v3;
	v10 =	vmul.f32 v10, v3;
	v22 =	vld [tilespmem:s23+$0x130]  }
0xe1: {  	v23 =	vld [tilespmem:s23+$0xFFFFFEC0];
	[tilespmem:s25+$0x50] =	vst v9;
	v9 =	vmul.f32 v11, v3;
	v11 =	vmul.f32 v14, v3  }
0xe2: {  	v12 =	vmul.f32 v12, v3;
	v14 =	vld [tilespmem:s23+$0xFFFFFED0];
	[tilespmem:s25+$0x60] =	vst v8;
	v8 =	vmul.f32 v13, v3  }
0xe3: {  	v7 =	vmul.f32 v7, v1;
	v6 =	vmul.f32 v6, v1;
	v13 =	vld.idx.msk [tilespmem:v16+s30+$0x0], $0xffff;
	[tilespmem:s25+$0x70] =	vst v10  }
0xe4: {  	v4 =	vmul.f32 v4, v1;
	v5 =	vmul.f32 v5, v1;
	v16 =	vld.idx.msk [tilespmem:v17+s30+$0x0], $0xffff;
	[tilespmem:s25+$0x80] =	vst v9  }
0xe5: {  	v10 =	vmul.f32 v24, v1;
	v3 =	vld.idx.msk [tilespmem:v20+s30+$0x0], $0xffff;
	v9 =	vmul.f32 v22, v18;
	[tilespmem:s25+$0x90] =	vst v11  }
0xe6: {  	v11 =	vld.idx.msk [tilespmem:v15+s30+$0x0], $0xffff;
	[tilespmem:s25+$0xA0] =	vst v8;
	v8 =	vmul.f32 v21, v1;
	v15 =	vmul.f32 v19, v1;
	v1 =	vmov v18  }
0xe7: {  	v17 =	vld [tilespmem:s23+$0xFFFFFEE0];
	[tilespmem:s23+$0x130] =	vst v9  }
0xe8: {  	v9 =	vld [tilespmem:s23+$0xFFFFFEF0];
	[tilespmem:s25+$0xB0] =	vst v12  }
0xe9: {  	v12 =	vld [tilespmem:s23+$0xFFFFFF00];
	[tilespmem:s25+$0xC0] =	vst v7  }
0xea: {  	v18 =	vld [tilespmem:s23+$0xFFFFFF10];
	[tilespmem:s25+$0xD0] =	vst v6  }
0xeb: {  	v19 =	vld [tilespmem:s23+$0xFFFFFF20];
	[tilespmem:s25+$0xE0] =	vst v4  }
0xec: {  	v4 =	vmul.f32 v23, v11;
	v14 =	vmul.f32 v14, v11;
	v20 =	vld [tilespmem:s23+$0xFFFFFF30];
	[tilespmem:s25+$0xF0] =	vst v5  }
0xed: {  	v17 =	vmul.f32 v17, v11;
	v9 =	vmul.f32 v9, v11;
	v21 =	vld [tilespmem:s23+$0xFFFFFF40];
	[tilespmem:s25+$0x100] =	vst v10  }
0xee: {  	v7 =	vmul.f32 v12, v11;
	v10 =	vld [tilespmem:s23+$0xFFFFFF50];
	[tilespmem:s25+$0x110] =	vst v8  }
0xef: {  	v6 =	vmul.f32 v18, v11;
	v8 =	vld [tilespmem:s23+$0xFFFFFF60];
	[tilespmem:s25+$0x120] =	vst v15;
	s25 =	smov.u32 s23  }
0xf0: {  	[tilespmem:s23+$0xFFFFFEC0] =	vst v4;
	v4 =	vmul.f32 v19, v11;
	v12 =	vld [tilespmem:s23+$0xFFFFFF70]  }
0xf1: {  	[tilespmem:s23+$0xFFFFFED0] =	vst v14;
	v5 =	vmul.f32 v20, v11;
	v11 =	vld [tilespmem:s23+$0xFFFFFF80]  }
0xf2: {  	[tilespmem:s23+$0xFFFFFEE0] =	vst v17;
	v14 =	vmul.f32 v21, v13;
	v15 =	vld [tilespmem:s23+$0xFFFFFF90]  }
0xf3: {  	[tilespmem:s23+$0xFFFFFEF0] =	vst v9;
	v9 =	vmul.f32 v10, v13;
	v10 =	vld [tilespmem:s23+$0xFFFFFFA0]  }
0xf4: {  	[tilespmem:s23+$0xFFFFFF40] =	vst v14;
	v8 =	vmul.f32 v8, v13;
	v14 =	vld [tilespmem:s23+$0xFFFFFFB0]  }
0xf5: {  	[tilespmem:s23+$0xFFFFFF50] =	vst v9;
	v9 =	vmul.f32 v12, v13;
	v12 =	vld [tilespmem:s23+$0xFFFFFFC0]  }
0xf6: {  	[tilespmem:s23+$0xFFFFFF60] =	vst v8;
	v8 =	vmul.f32 v11, v13;
	v11 =	vld [tilespmem:s23+$0xFFFFFFD0]  }
0xf7: {  	[tilespmem:s23+$0xFFFFFF70] =	vst v9;
	v9 =	vmul.f32 v15, v13;
	v15 =	vld [tilespmem:s23+$0xFFFFFFE0]  }
0xf8: {  	[tilespmem:s23+$0xFFFFFF80] =	vst v8;
	v8 =	vmul.f32 v10, v13;
	v10 =	vld [tilespmem:s23+$0xFFFFFFF0]  }
0xf9: {  	[tilespmem:s23+$0xFFFFFF90] =	vst v9;
	v9 =	vmul.f32 v14, v13;
	v13 =	vld [tilespmem:s23+$0x0]  }
0xfa: {  	[tilespmem:s23+$0xFFFFFFA0] =	vst v8;
	v8 =	vmul.f32 v12, v16;
	v14 =	vld [tilespmem:s23+$0x10]  }
0xfb: {  	[tilespmem:s23+$0xFFFFFFB0] =	vst v9;
	v9 =	vmul.f32 v11, v16;
	v11 =	vld [tilespmem:s23+$0x20]  }
0xfc: {  	[tilespmem:s23+$0xFFFFFFC0] =	vst v8;
	v8 =	vmul.f32 v15, v16;
	v15 =	vld [tilespmem:s23+$0x30]  }
.Ltmp5:
0xfd: {  	[tilespmem:s23+$0xFFFFFFD0] =	vst v9;
	v10 =	vmul.f32 v10, v16;
	v12 =	vld [tilespmem:s23+$0x40];
	(pc) =	sbr.rel @p0 .LBB2_9-.Ltmp5, $4  }
0xfe: {  	[tilespmem:s23+$0xFFFFFFE0] =	vst v8;
	v13 =	vmul.f32 v13, v16;
	v9 =	vld [tilespmem:s23+$0x50]  }
0xff: {  	[tilespmem:s23+$0xFFFFFFF0] =	vst v10;
	v17 =	vmul.f32 v14, v16;
	v8 =	vld [tilespmem:s23+$0x60]  }
0x100: {  	[tilespmem:s23+$0x0] =	vst v13;
	v14 =	vmul.f32 v11, v16;
	v10 =	vld [tilespmem:s23+$0x70]  }
0x101: {  	s28 =	sadd.s32 s24, s26;
	s26 =	sadd.s32 $0x5, s26;
	[tilespmem:s23+$0x10] =	vst v17;
	v13 =	vmul.f32 v15, v16;
	v11 =	vld [tilespmem:s23+$0x80]  }
0x102: {  	v17 =	vld [tilespmem:s23+$0x90]  }
0x103: {  	v18 =	vld [tilespmem:s23+$0xA0];
	[tilespmem:s23+$0x20] =	vst v14  }
0x104: {  	v48 =	vld [tilespmem:s23+$0xB0];
	[tilespmem:s23+$0xFFFFFF00] =	vst v7  }
0x105: {  	v21 =	vld [tilespmem:s23+$0xC0];
	[tilespmem:s23+$0xFFFFFF10] =	vst v6  }
0x106: {  	s9 =	sadd.s32 $0x4, s28;
	v45 =	vmov s28;
	v24 =	vld [tilespmem:s23+$0xD0];
	[tilespmem:s23+$0xFFFFFF20] =	vst v4  }
0x107: {  	v12 =	vmul.f32 v12, v3;
	s26 =	sadd.s32 $0x1, s28;
	s24 =	sadd.s32 $0x3, s28;
	v52 =	vld [tilespmem:s23+$0xE0];
	[tilespmem:s23+$0xFFFFFF30] =	vst v5;
	v15 =	vmov s9;
	v47 =	vshll.u32 v45, $0x1  }
0x108: {  	v56 =	vld [tilespmem:s23+$0xF0];
	v19 =	vmov s26;
	[tilespmem:s23+$0x30] =	vst v13;
	v20 =	vmov s24;
	v9 =	vmul.f32 v9, v3  }
0x109: {  	v57 =	vld [tilespmem:s23+$0x100];
	v53 =	vand.u32 $0x7F, v45;
	v16 =	vshll.u32 v15, $0x1;
	[tilespmem:s23+$0x40] =	vst v12;
	v8 =	vmul.f32 v8, v3  }
0x10a: {  	v58 =	vld [tilespmem:s23+$0x110];
	v15 =	vand.u32 $0x7F, v15;
	v14 =	vand.u32 $0x7FFFFF00, v47;
	v10 =	vmul.f32 v10, v3;
	[tilespmem:s25+$0x50] =	vst v9  }
0x10b: {  	v61 =	vld [tilespmem:s23+$0x120];
	s24 =	sadd.s32 $0x280, s23;
	v22 =	vshll.u32 v19, $0x1;
	v5 =	vor.u32 v14, v53;
	v11 =	vmul.f32 v11, v3;
	[tilespmem:s25+$0x60] =	vst v8  }
0x10c: {  	v23 =	vshll.u32 v20, $0x1;
	v55 =	vld [tilespmem:s24+$0x130];
	v5 =	vor.u32 v2, v5;
	v59 =	vmul.f32 v17, v3;
	[tilespmem:s25+$0x70] =	vst v10  }
0x10d: {  	v19 =	vand.u32 $0x7F, v19;
	v20 =	vand.u32 $0x7F, v20;
	v63 =	vld [tilespmem:s24+$0xFFFFFEC0];
	v62 =	vmul.f32 v18, v3;
	[tilespmem:s25+$0x80] =	vst v11  }
0x10e: {  	v25 =	vld [tilespmem:s24+$0xFFFFFEF0];
	v16 =	vand.u32 $0x7FFFFF00, v16;
	v23 =	vand.u32 $0x7FFFFF00, v23;
	v3 =	vmul.f32 v48, v3;
	[tilespmem:s25+$0x90] =	vst v59  }
0x10f: {  	v26 =	vld [tilespmem:s24+$0xFFFFFF40];
	v51 =	vand.u32 $0x7FFFFF00, v22;
	v60 =	vor.u32 v23, v20;
	v20 =	vmul.f32 v21, v1;
	[tilespmem:s25+$0xA0] =	vst v62  }
0x110: {  	v28 =	vld [tilespmem:s24+$0xFFFFFF50];
	v15 =	vor.u32 v16, v15;
	v6 =	vor.u32 v51, v19;
	v21 =	vmul.f32 v24, v1;
	[tilespmem:s25+$0xB0] =	vst v3  }
0x111: {  	s16 =	sadd.s32 $0x2, s28;
	v46 =	vor.u32 v2, v15;
	v23 =	vmul.f32 v56, v1;
	[tilespmem:s25+$0xC0] =	vst v20;
	v5 =	vld.idx.msk [tilespmem:v5+s30+$0x0], $0xffff  }
0x112: {  	v49 =	vmov s16;
	v19 =	vld [tilespmem:s24+$0xFFFFFED0];
	v6 =	vor.u32 v2, v6;
	v3 =	vmul.f32 v52, v1;
	[tilespmem:s25+$0xD0] =	vst v21  }
0x113: {  	v50 =	vshll.u32 v49, $0x1;
	v9 =	vmul.f32 v57, v1;
	v24 =	vld [tilespmem:s24+$0xFFFFFEE0];
	[tilespmem:s25+$0xF0] =	vst v23  }
0x114: {  	v54 =	vand.u32 $0x7F, v49;
	v29 =	vld [tilespmem:s24+$0xFFFFFF60];
	v7 =	vand.u32 $0x7FFFFF00, v50;
	[tilespmem:s25+$0xE0] =	vst v3;
	v3 =	vmul.f32 v58, v1  }
0x115: {  	v45 =	vld [tilespmem:s24+$0xFFFFFF00];
	v7 =	vor.u32 v7, v54;
	[tilespmem:s25+$0x100] =	vst v9;
	v1 =	vmul.f32 v61, v1  }
0x116: {  	v7 =	vor.u32 v2, v7;
	v4 =	vld.idx.msk [tilespmem:v46+s30+$0x0], $0xffff;
	[tilespmem:s25+$0x110] =	vst v3;
	v27 =	vmul.f32 v63, v5  }
0x117: {  	v2 =	vor.u32 v2, v60;
	v6 =	vld.idx.msk [tilespmem:v6+s30+$0x0], $0xffff;
	[tilespmem:s25+$0x120] =	vst v1;
	v3 =	vmul.f32 v19, v5  }
0x118: {  	v30 =	vld [tilespmem:s24+$0xFFFFFF70];
	v1 =	vmul.f32 v24, v5;
	[tilespmem:s24+$0xFFFFFEC0] =	vst v27  }
0x119: {  	v31 =	vld [tilespmem:s24+$0xFFFFFF90];
	v8 =	vmul.f32 v25, v5;
	[tilespmem:s24+$0xFFFFFED0] =	vst v3  }
0x11a: {  	v33 =	vld [tilespmem:s24+$0xFFFFFFA0];
	v50 =	vmul.f32 v45, v5;
	[tilespmem:s24+$0xFFFFFEE0] =	vst v1  }
0x11b: {  	v51 =	vld [tilespmem:s24+$0x60];
	v18 =	vmul.f32 v55, v4;
	[tilespmem:s24+$0xFFFFFEF0] =	vst v8  }
0x11c: {  	v2 =	vld.idx.msk [tilespmem:v2+s30+$0x0], $0xffff;
	v32 =	vmul.f32 v28, v6;
	[tilespmem:s24+$0xFFFFFF00] =	vst v50  }
0x11d: {  	v35 =	vmul.f32 v30, v6;
	v3 =	vld [tilespmem:s24+$0xFFFFFF80];
	[tilespmem:s24+$0x130] =	vst v18  }
0x11e: {  	v53 =	vld [tilespmem:s24+$0x80];
	v1 =	vmul.f32 v26, v6;
	[tilespmem:s24+$0xFFFFFF50] =	vst v32  }
0x11f: {  	v36 =	vld [tilespmem:s24+$0xFFFFFFC0];
	v37 =	vmul.f32 v31, v6;
	[tilespmem:s24+$0xFFFFFF70] =	vst v35  }
0x120: {  	v57 =	vld [tilespmem:s24+$0xC0];
	[tilespmem:s24+$0xFFFFFF40] =	vst v1;
	v1 =	vmul.f32 v29, v6  }
0x121: {  	v7 =	vld.idx.msk [tilespmem:v7+s30+$0x0], $0xffff;
	v56 =	vmul.f32 v51, v2;
	[tilespmem:s24+$0xFFFFFF90] =	vst v37  }
0x122: {  	[tilespmem:s24+$0xFFFFFF60] =	vst v1;
	v1 =	vmul.f32 v3, v6;
	v3 =	vld [tilespmem:s24+$0xFFFFFFD0]  }
0x123: {  	v38 =	vld [tilespmem:s24+$0xFFFFFFE0];
	v9 =	vmul.f32 v53, v2;
	[tilespmem:s24+$0x60] =	vst v56  }
0x124: {  	v39 =	vld [tilespmem:s24+$0xFFFFFFF0];
	[tilespmem:s24+$0xFFFFFF80] =	vst v1;
	v1 =	vmul.f32 v33, v6  }
0x125: {  	v40 =	vld [tilespmem:s24+$0x0];
	v62 =	vmul.f32 v57, v4;
	[tilespmem:s24+$0x80] =	vst v9  }
0x126: {  	v41 =	vld [tilespmem:s24+$0x10];
	[tilespmem:s24+$0xFFFFFFA0] =	vst v1;
	v1 =	vmul.f32 v36, v7  }
0x127: {  	v42 =	vld [tilespmem:s24+$0x20];
	[tilespmem:s24+$0xC0] =	vst v62;
	v3 =	vmul.f32 v3, v7  }
0x128: {  	v43 =	vld [tilespmem:s24+$0x30];
	[tilespmem:s24+$0xFFFFFFC0] =	vst v1;
	v1 =	vmul.f32 v38, v7  }
0x129: {  	v44 =	vld [tilespmem:s24+$0x40];
	[tilespmem:s24+$0xFFFFFFD0] =	vst v3;
	v3 =	vmul.f32 v39, v7  }
0x12a: {  	v46 =	vld [tilespmem:s24+$0xFFFFFF10];
	[tilespmem:s24+$0xFFFFFFE0] =	vst v1;
	v1 =	vmul.f32 v40, v7  }
0x12b: {  	v59 =	vld [tilespmem:s24+$0xF0];
	[tilespmem:s24+$0xFFFFFFF0] =	vst v3;
	v3 =	vmul.f32 v41, v7  }
0x12c: {  	v47 =	vld [tilespmem:s24+$0xFFFFFF20];
	[tilespmem:s24+$0x0] =	vst v1;
	v1 =	vmul.f32 v42, v7  }
0x12d: {  	v34 =	vld [tilespmem:s24+$0xFFFFFFB0];
	[tilespmem:s24+$0x10] =	vst v3;
	v3 =	vmul.f32 v43, v7  }
0x12e: {  	v49 =	vld [tilespmem:s24+$0x50];
	[tilespmem:s24+$0x20] =	vst v1;
	v1 =	vmul.f32 v44, v2  }
0x12f: {  	v52 =	vld [tilespmem:s24+$0x70];
	[tilespmem:s24+$0x30] =	vst v3;
	v3 =	vmul.f32 v46, v5  }
0x130: {  	v54 =	vld [tilespmem:s24+$0x90];
	v63 =	vmul.f32 v59, v4;
	[tilespmem:s24+$0x40] =	vst v1  }
0x131: {  	v1 =	vmul.f32 v47, v5;
	[tilespmem:s24+$0xFFFFFF10] =	vst v3;
	v3 =	vld [tilespmem:s24+$0xA0]  }
0x132: {  	v55 =	vld [tilespmem:s24+$0xB0];
	[tilespmem:s24+$0xF0] =	vst v63;
	v6 =	vmul.f32 v34, v6  }
0x133: {  	v48 =	vld [tilespmem:s24+$0xFFFFFF30];
	[tilespmem:s24+$0xFFFFFF20] =	vst v1;
	v1 =	vmul.f32 v49, v2  }
0x134: {  	v58 =	vld [tilespmem:s24+$0xE0];
	v8 =	vmul.f32 v52, v2;
	[tilespmem:s24+$0xFFFFFFB0] =	vst v6  }
0x135: {  	v6 =	vmul.f32 v54, v2;
	[tilespmem:s24+$0x50] =	vst v1;
	v1 =	vld [tilespmem:s24+$0xD0]  }
0x136: {  	v61 =	vld [tilespmem:s24+$0x110];
	[tilespmem:s24+$0x70] =	vst v8;
	v3 =	vmul.f32 v3, v2  }
0x137: {  	v60 =	vld [tilespmem:s24+$0x100];
	[tilespmem:s24+$0x90] =	vst v6;
	v2 =	vmul.f32 v55, v2  }
0x138: {  	v5 =	vmul.f32 v48, v5;
	[tilespmem:s24+$0xA0] =	vst v3;
	v3 =	vld [tilespmem:s24+$0x120]  }
0x139: {  	[tilespmem:s24+$0xB0] =	vst v2;
	v2 =	vmul.f32 v58, v4  }
0x13a: {  	[tilespmem:s24+$0xFFFFFF30] =	vst v5;
	v1 =	vmul.f32 v1, v4  }
0x13b: {  	[tilespmem:s24+$0xE0] =	vst v2;
	v2 =	vmul.f32 v61, v4  }
0x13c: {  	s28 =	sshll.u32 s19, $0x7;
	s19 =	sand.u32 $0xF, s22;
	p0 =	seq.s32 s18, $0x27;
	[tilespmem:s24+$0xD0] =	vst v1;
	v1 =	vmul.f32 v60, v4  }
0x13d: {  	s26 =	sshll.u32 s20, $0xB;
	p1 =	sne.s32 @!p0 s19, $0xF;
	[tilespmem:s24+$0x110] =	vst v2;
	v3 =	vmul.f32 v3, v4  }
0x13e: {  	s9 =	sor.u32 s28, s26;
	p1 =	por p0, p1;
	[tilespmem:s24+$0x100] =	vst v1  }
.Ltmp6:
0x13f: {  	s9 =	sor.u32 $0x1000, s9;
	[tilespmem:s24+$0x120] =	vst v3;
	(pc) =	sbr.rel @p1 .LBB2_12-.Ltmp6, $4  }
0x140: {  	[spmem:s1] =	stream.indirect.scatter.add.f32 [tilespmem:s29], [sflag:$0x3], $0x80, s9, s0, $0xb8;
	[tilespmem:$0x1F800] =	vst v63  }
0x141: {  	_ =	swait.ge [sflag:s14], $0x3E80  }
0x142: {  	[sflag:s14] =	ssyncset.done $0x0  }
0x143: {  	[sflag:s14] =	ssyncadd.s32 $0xFFFFC180  }
0x144: {  	_ =	swait.ge [sflag:s31], $0x800  }
0x145: {  	[sflag:s31] =	ssyncset.done $0x0  }
0x146: {  	[sflag:s31] =	ssyncadd.s32 $0xFFFFF800  }
0x147: {  	_ =	swait.ge [sflag:s31], $0x800  }
0x148: {  	[sflag:s31] =	ssyncset.done $0x0  }
0x149: {  	[sflag:s31] =	ssyncadd.s32 $0xFFFFF800  }
0x14a: {  	_ =	swait.ge [sflag:s31], $0x800  }
0x14b: {  	[sflag:s31] =	ssyncset.done $0x0  }
0x14c: {  	[sflag:s31] =	ssyncadd.s32 $0xFFFFF800  }
.LBB2_13:
0x14d: {  	s9 =	sadd.s32 $0x100, s21  }
0x14e: {  	s9 =	sand.u32 $0xF00, s9  }
0x14f: {  	[tilespmem:s29], [sflag:$0x1] =	stream.indirect.gather [hbm4b:s5+s0], $0x80, s9, s0, $0xb8;
	[tilespmem:$0x1F800] =	vst v63  }
.LBB2_14:
0x150: {  	s22 =	smul.u32 $0x7D, s19;
	_ =	swait.ge [sflag:s15], $0x3E80  }
0x151: {  	[sflag:s15] =	ssyncset.done $0x0  }
0x152: {  	s21 =	simm.s32 $0x7140;
	s9 =	sadd.s32 $0x0, s22;
	[sflag:s15] =	ssyncadd.s32 $0xFFFFC180  }
0x153: {  	s20 =	sand.u32 $0x8, s18;
	s16 =	sadd.s32 $0x4, s9;
	v4 =	vmov s9;
	v7 =	vld [tilespmem:s21+$0xFFFFFED0]  }
0x154: {  	s25 =	sshrl.u32 s20, $0x3;
	v8 =	vld [tilespmem:s21+$0xFFFFFEF0];
	v1 =	vmov s16;
	v6 =	vshll.u32 v4, $0x1  }
0x155: {  	v9 =	vld [tilespmem:s21+$0xFFFFFF00];
	s16 =	sshll.u32 s25, $0x7;
	v4 =	vand.u32 $0x7F, v4;
	v2 =	vshll.u32 v1, $0x1;
	v6 =	vand.u32 $0x7FFFFF00, v6  }
0x156: {  	v11 =	vld [tilespmem:s21+$0xFFFFFF10];
	v3 =	vand.u32 $0x7FFFFF00, v2;
	v2 =	vmov s16;
	v4 =	vor.u32 v6, v4  }
0x157: {  	s26 =	sadd.s32 $0x1, s9;
	v13 =	vld [tilespmem:s21+$0xFFFFFF20];
	v1 =	vand.u32 $0x7F, v1;
	v4 =	vor.u32 v2, v4  }
0x158: {  	v15 =	vld [tilespmem:s21+$0xFFFFFF30];
	v1 =	vor.u32 v3, v1;
	v3 =	vmov s26  }
0x159: {  	v16 =	vld [tilespmem:s21+$0xFFFFFF40];
	v1 =	vor.u32 v2, v1;
	v5 =	vshll.u32 v3, $0x1  }
0x15a: {  	v6 =	vld [tilespmem:s21+$0xFFFFFEC0];
	v3 =	vand.u32 $0x7F, v3;
	v5 =	vand.u32 $0x7FFFFF00, v5  }
0x15b: {  	v3 =	vor.u32 v5, v3;
	v5 =	vld [tilespmem:s21+$0x130]  }
0x15c: {  	v3 =	vor.u32 v2, v3;
	v10 =	vld.idx.msk [tilespmem:v4+s30+$0x0], $0xffff  }
0x15d: {  	v4 =	vld [tilespmem:s21+$0xFFFFFEE0]  }
0x15e: {  	s28 =	sadd.s32 $0x2, s9;
	v1 =	vld.idx.msk [tilespmem:v1+s30+$0x0], $0xffff  }
0x15f: {  	v17 =	vld [tilespmem:s21+$0xFFFFFF60];
	v12 =	vmov s28  }
0x160: {  	v18 =	vld [tilespmem:s21+$0xFFFFFF70];
	v14 =	vshll.u32 v12, $0x1  }
0x161: {  	v12 =	vand.u32 $0x7F, v12;
	v14 =	vand.u32 $0x7FFFFF00, v14;
	v3 =	vld.idx.msk [tilespmem:v3+s30+$0x0], $0xffff;
	v6 =	vmul.f32 v6, v10  }
0x162: {  	v12 =	vor.u32 v14, v12;
	v14 =	vld [tilespmem:s21+$0xFFFFFF50];
	v4 =	vmul.f32 v4, v10  }
0x163: {  	v58 =	vld [tilespmem:s21+$0xFFFFFF90];
	v12 =	vor.u32 v2, v12;
	v5 =	vmul.f32 v5, v1;
	[tilespmem:s21+$0xFFFFFEC0] =	vst v6  }
0x164: {  	v59 =	vld [tilespmem:s21+$0xFFFFFFC0];
	v8 =	vmul.f32 v8, v10;
	[tilespmem:s21+$0xFFFFFEE0] =	vst v4  }
0x165: {  	[tilespmem:s21+$0x130] =	vst v5;
	v5 =	vmul.f32 v7, v10;
	v7 =	vld [tilespmem:s21+$0xFFFFFF80]  }
0x166: {  	v60 =	vld [tilespmem:s21+$0xFFFFFFF0];
	[tilespmem:s21+$0xFFFFFEF0] =	vst v8;
	v6 =	vmul.f32 v16, v3  }
0x167: {  	s9 =	sadd.s32 $0x3, s9;
	v4 =	vmul.f32 v14, v3;
	[tilespmem:s21+$0xFFFFFED0] =	vst v5;
	v5 =	vld [tilespmem:s21+$0xFFFFFFA0]  }
0x168: {  	v19 =	vmov s9;
	v20 =	vld.idx.msk [tilespmem:v12+s30+$0x0], $0xffff;
	v8 =	vmul.f32 v17, v3;
	[tilespmem:s21+$0xFFFFFF40] =	vst v6  }
0x169: {  	v12 =	vld [tilespmem:s21+$0xFFFFFFB0];
	v6 =	vshll.u32 v19, $0x1;
	[tilespmem:s21+$0xFFFFFF50] =	vst v4;
	v4 =	vmul.f32 v18, v3  }
0x16a: {  	v14 =	vand.u32 $0x7F, v19;
	[tilespmem:s21+$0xFFFFFF60] =	vst v8;
	v8 =	vld [tilespmem:s21+$0xFFFFFFE0];
	v6 =	vand.u32 $0x7FFFFF00, v6;
	v7 =	vmul.f32 v7, v3  }
0x16b: {  	v6 =	vor.u32 v6, v14;
	v14 =	vld [tilespmem:s21+$0xFFFFFFD0];
	[tilespmem:s21+$0xFFFFFF70] =	vst v4;
	v4 =	vmul.f32 v58, v3  }
0x16c: {  	v61 =	vld [tilespmem:s21+$0x0];
	v6 =	vor.u32 v2, v6;
	[tilespmem:s21+$0xFFFFFF80] =	vst v7;
	v5 =	vmul.f32 v5, v3  }
0x16d: {  	v62 =	vld [tilespmem:s21+$0x10];
	[tilespmem:s21+$0xFFFFFF90] =	vst v4;
	v4 =	vmul.f32 v59, v20  }
0x16e: {  	v63 =	vld [tilespmem:s21+$0x20];
	v7 =	vmul.f32 v12, v3;
	[tilespmem:s21+$0xFFFFFFA0] =	vst v5  }
0x16f: {  	v21 =	vld [tilespmem:s21+$0x30];
	[tilespmem:s21+$0xFFFFFFC0] =	vst v4;
	v4 =	vmul.f32 v8, v20  }
0x170: {  	v12 =	vld [tilespmem:s21+$0x40];
	[tilespmem:s21+$0xFFFFFFB0] =	vst v7;
	v5 =	vmul.f32 v14, v20  }
0x171: {  	v7 =	vmul.f32 v9, v10;
	v14 =	vmul.f32 v61, v20;
	v3 =	vld.idx.msk [tilespmem:v6+s30+$0x0], $0xffff;
	[tilespmem:s21+$0xFFFFFFE0] =	vst v4  }
0x172: {  	v9 =	vld [tilespmem:s21+$0x50];
	v6 =	vmul.f32 v11, v10;
	v11 =	vmul.f32 v62, v20;
	[tilespmem:s21+$0xFFFFFFD0] =	vst v5  }
0x173: {  	v8 =	vld [tilespmem:s21+$0x60];
	v5 =	vmul.f32 v60, v20;
	[tilespmem:s21+$0x0] =	vst v14  }
0x174: {  	v4 =	vmul.f32 v13, v10;
	v14 =	vmul.f32 v63, v20;
	[tilespmem:s21+$0x10] =	vst v11;
	v11 =	vld [tilespmem:s21+$0x80]  }
0x175: {  	s24 =	simm.s32 $0xA;
	s23 =	simm.s32 $0x7140;
	s25 =	sadd.s32 $0x5, s22;
	v13 =	vmul.f32 v21, v20;
	[tilespmem:s21+$0xFFFFFFF0] =	vst v5;
	v5 =	vmul.f32 v15, v10;
	v10 =	vld [tilespmem:s21+$0x70]  }
.LBB2_15:
0x176: {  	p0 =	slt.u32 s24, $0x78;
	v15 =	vmov s25;
	s9 =	sadd.s32 $0x1, s25;
	s16 =	sadd.s32 $0x4, s25;
	[tilespmem:s21+$0x20] =	vst v14;
	v12 =	vmul.f32 v12, v3;
	v14 =	vld [tilespmem:s21+$0x90]  }
0x177: {  	v16 =	vshll.u32 v15, $0x1;
	v17 =	vmov s9;
	s9 =	sadd.s32 $0x2, s25;
	s25 =	sadd.s32 $0x3, s25;
	v18 =	vmov s16;
	[tilespmem:s21+$0x30] =	vst v13;
	v13 =	vld [tilespmem:s21+$0xA0]  }
0x178: {  	v19 =	vmov s9;
	v20 =	vmov s25;
	v21 =	vshll.u32 v18, $0x1;
	[tilespmem:s21+$0x40] =	vst v12;
	v12 =	vld [tilespmem:s21+$0xB0]  }
0x179: {  	v22 =	vshll.u32 v17, $0x1;
	v18 =	vand.u32 $0x7F, v18;
	v21 =	vand.u32 $0x7FFFFF00, v21;
	[tilespmem:s21+$0xFFFFFF00] =	vst v7;
	v7 =	vld [tilespmem:s21+$0xC0]  }
0x17a: {  	v23 =	vshll.u32 v19, $0x1;
	v24 =	vshll.u32 v20, $0x1;
	v18 =	vor.u32 v21, v18;
	[tilespmem:s21+$0xFFFFFF10] =	vst v6;
	v6 =	vld [tilespmem:s21+$0xD0]  }
0x17b: {  	v21 =	vand.u32 $0x7FFFFF00, v22;
	v22 =	vand.u32 $0x7FFFFF00, v23;
	v18 =	vor.u32 v2, v18;
	[tilespmem:s21+$0xFFFFFF20] =	vst v4;
	v4 =	vld [tilespmem:s21+$0xE0]  }
0x17c: {  	v16 =	vand.u32 $0x7FFFFF00, v16;
	v17 =	vand.u32 $0x7F, v17;
	v23 =	vand.u32 $0x7FFFFF00, v24;
	[tilespmem:s21+$0xFFFFFF30] =	vst v5;
	v5 =	vld [tilespmem:s21+$0xF0]  }
0x17d: {  	v15 =	vand.u32 $0x7F, v15;
	v19 =	vand.u32 $0x7F, v19;
	v20 =	vand.u32 $0x7F, v20;
	v24 =	vld [tilespmem:s21+$0x100]  }
0x17e: {  	v17 =	vor.u32 v21, v17;
	v19 =	vor.u32 v22, v19;
	v20 =	vor.u32 v23, v20;
	v21 =	vld [tilespmem:s21+$0x110]  }
0x17f: {  	v15 =	vor.u32 v16, v15;
	v16 =	vor.u32 v2, v17;
	v17 =	vor.u32 v2, v19;
	v19 =	vld [tilespmem:s21+$0x120]  }
0x180: {  	v9 =	vmul.f32 v9, v3;
	v15 =	vor.u32 v2, v15;
	v20 =	vor.u32 v2, v20;
	s21 =	sadd.s32 $0x280, s21;
	v18 =	vld.idx.msk [tilespmem:v18+s30+$0x0], $0xffff  }
0x181: {  	v8 =	vmul.f32 v8, v3;
	v10 =	vmul.f32 v10, v3;
	v22 =	vld [tilespmem:s21+$0x130]  }
0x182: {  	v23 =	vld [tilespmem:s21+$0xFFFFFEC0];
	[tilespmem:s23+$0x50] =	vst v9;
	v9 =	vmul.f32 v11, v3;
	v11 =	vmul.f32 v14, v3  }
0x183: {  	v12 =	vmul.f32 v12, v3;
	v14 =	vld [tilespmem:s21+$0xFFFFFED0];
	[tilespmem:s23+$0x60] =	vst v8;
	v8 =	vmul.f32 v13, v3  }
0x184: {  	v7 =	vmul.f32 v7, v1;
	v6 =	vmul.f32 v6, v1;
	v13 =	vld.idx.msk [tilespmem:v16+s30+$0x0], $0xffff;
	[tilespmem:s23+$0x70] =	vst v10  }
0x185: {  	v4 =	vmul.f32 v4, v1;
	v5 =	vmul.f32 v5, v1;
	v16 =	vld.idx.msk [tilespmem:v17+s30+$0x0], $0xffff;
	[tilespmem:s23+$0x80] =	vst v9  }
0x186: {  	v10 =	vmul.f32 v24, v1;
	v3 =	vld.idx.msk [tilespmem:v20+s30+$0x0], $0xffff;
	v9 =	vmul.f32 v22, v18;
	[tilespmem:s23+$0x90] =	vst v11  }
0x187: {  	v11 =	vld.idx.msk [tilespmem:v15+s30+$0x0], $0xffff;
	[tilespmem:s23+$0xA0] =	vst v8;
	v8 =	vmul.f32 v21, v1;
	v15 =	vmul.f32 v19, v1;
	v1 =	vmov v18  }
0x188: {  	v17 =	vld [tilespmem:s21+$0xFFFFFEE0];
	[tilespmem:s21+$0x130] =	vst v9  }
0x189: {  	v9 =	vld [tilespmem:s21+$0xFFFFFEF0];
	[tilespmem:s23+$0xB0] =	vst v12  }
0x18a: {  	v12 =	vld [tilespmem:s21+$0xFFFFFF00];
	[tilespmem:s23+$0xC0] =	vst v7  }
0x18b: {  	v18 =	vld [tilespmem:s21+$0xFFFFFF10];
	[tilespmem:s23+$0xD0] =	vst v6  }
0x18c: {  	v19 =	vld [tilespmem:s21+$0xFFFFFF20];
	[tilespmem:s23+$0xE0] =	vst v4  }
0x18d: {  	v4 =	vmul.f32 v23, v11;
	v14 =	vmul.f32 v14, v11;
	v20 =	vld [tilespmem:s21+$0xFFFFFF30];
	[tilespmem:s23+$0xF0] =	vst v5  }
0x18e: {  	v17 =	vmul.f32 v17, v11;
	v9 =	vmul.f32 v9, v11;
	v21 =	vld [tilespmem:s21+$0xFFFFFF40];
	[tilespmem:s23+$0x100] =	vst v10  }
0x18f: {  	v7 =	vmul.f32 v12, v11;
	v10 =	vld [tilespmem:s21+$0xFFFFFF50];
	[tilespmem:s23+$0x110] =	vst v8  }
0x190: {  	v6 =	vmul.f32 v18, v11;
	v8 =	vld [tilespmem:s21+$0xFFFFFF60];
	[tilespmem:s23+$0x120] =	vst v15;
	s23 =	smov.u32 s21  }
0x191: {  	[tilespmem:s21+$0xFFFFFEC0] =	vst v4;
	v4 =	vmul.f32 v19, v11;
	v12 =	vld [tilespmem:s21+$0xFFFFFF70]  }
0x192: {  	[tilespmem:s21+$0xFFFFFED0] =	vst v14;
	v5 =	vmul.f32 v20, v11;
	v11 =	vld [tilespmem:s21+$0xFFFFFF80]  }
0x193: {  	[tilespmem:s21+$0xFFFFFEE0] =	vst v17;
	v14 =	vmul.f32 v21, v13;
	v15 =	vld [tilespmem:s21+$0xFFFFFF90]  }
0x194: {  	[tilespmem:s21+$0xFFFFFEF0] =	vst v9;
	v9 =	vmul.f32 v10, v13;
	v10 =	vld [tilespmem:s21+$0xFFFFFFA0]  }
0x195: {  	[tilespmem:s21+$0xFFFFFF40] =	vst v14;
	v8 =	vmul.f32 v8, v13;
	v14 =	vld [tilespmem:s21+$0xFFFFFFB0]  }
0x196: {  	[tilespmem:s21+$0xFFFFFF50] =	vst v9;
	v9 =	vmul.f32 v12, v13;
	v12 =	vld [tilespmem:s21+$0xFFFFFFC0]  }
0x197: {  	[tilespmem:s21+$0xFFFFFF60] =	vst v8;
	v8 =	vmul.f32 v11, v13;
	v11 =	vld [tilespmem:s21+$0xFFFFFFD0]  }
0x198: {  	[tilespmem:s21+$0xFFFFFF70] =	vst v9;
	v9 =	vmul.f32 v15, v13;
	v15 =	vld [tilespmem:s21+$0xFFFFFFE0]  }
0x199: {  	[tilespmem:s21+$0xFFFFFF80] =	vst v8;
	v8 =	vmul.f32 v10, v13;
	v10 =	vld [tilespmem:s21+$0xFFFFFFF0]  }
0x19a: {  	[tilespmem:s21+$0xFFFFFF90] =	vst v9;
	v9 =	vmul.f32 v14, v13;
	v13 =	vld [tilespmem:s21+$0x0]  }
0x19b: {  	[tilespmem:s21+$0xFFFFFFA0] =	vst v8;
	v8 =	vmul.f32 v12, v16;
	v14 =	vld [tilespmem:s21+$0x10]  }
0x19c: {  	[tilespmem:s21+$0xFFFFFFB0] =	vst v9;
	v9 =	vmul.f32 v11, v16;
	v11 =	vld [tilespmem:s21+$0x20]  }
0x19d: {  	[tilespmem:s21+$0xFFFFFFC0] =	vst v8;
	v8 =	vmul.f32 v15, v16;
	v15 =	vld [tilespmem:s21+$0x30]  }
.Ltmp7:
0x19e: {  	[tilespmem:s21+$0xFFFFFFD0] =	vst v9;
	v10 =	vmul.f32 v10, v16;
	v12 =	vld [tilespmem:s21+$0x40];
	(pc) =	sbr.rel @p0 .LBB2_15-.Ltmp7, $4  }
0x19f: {  	[tilespmem:s21+$0xFFFFFFE0] =	vst v8;
	v13 =	vmul.f32 v13, v16;
	v9 =	vld [tilespmem:s21+$0x50]  }
0x1a0: {  	[tilespmem:s21+$0xFFFFFFF0] =	vst v10;
	v17 =	vmul.f32 v14, v16;
	v8 =	vld [tilespmem:s21+$0x60]  }
0x1a1: {  	[tilespmem:s21+$0x0] =	vst v13;
	v14 =	vmul.f32 v11, v16;
	v10 =	vld [tilespmem:s21+$0x70]  }
0x1a2: {  	s25 =	sadd.s32 s22, s24;
	s24 =	sadd.s32 $0x5, s24;
	[tilespmem:s21+$0x10] =	vst v17;
	v13 =	vmul.f32 v15, v16;
	v11 =	vld [tilespmem:s21+$0x80]  }
0x1a3: {  	v17 =	vld [tilespmem:s21+$0x90]  }
0x1a4: {  	v18 =	vld [tilespmem:s21+$0xA0];
	[tilespmem:s21+$0x20] =	vst v14  }
0x1a5: {  	v48 =	vld [tilespmem:s21+$0xB0];
	[tilespmem:s21+$0xFFFFFF00] =	vst v7  }
0x1a6: {  	v21 =	vld [tilespmem:s21+$0xC0];
	[tilespmem:s21+$0xFFFFFF10] =	vst v6  }
0x1a7: {  	s9 =	sadd.s32 $0x4, s25;
	v45 =	vmov s25;
	v24 =	vld [tilespmem:s21+$0xD0];
	[tilespmem:s21+$0xFFFFFF20] =	vst v4  }
0x1a8: {  	v12 =	vmul.f32 v12, v3;
	s24 =	sadd.s32 $0x1, s25;
	s22 =	sadd.s32 $0x3, s25;
	v52 =	vld [tilespmem:s21+$0xE0];
	[tilespmem:s21+$0xFFFFFF30] =	vst v5;
	v15 =	vmov s9;
	v47 =	vshll.u32 v45, $0x1  }
0x1a9: {  	v56 =	vld [tilespmem:s21+$0xF0];
	v19 =	vmov s24;
	[tilespmem:s21+$0x30] =	vst v13;
	v20 =	vmov s22;
	v9 =	vmul.f32 v9, v3  }
0x1aa: {  	v57 =	vld [tilespmem:s21+$0x100];
	v53 =	vand.u32 $0x7F, v45;
	v16 =	vshll.u32 v15, $0x1;
	[tilespmem:s21+$0x40] =	vst v12;
	v8 =	vmul.f32 v8, v3  }
0x1ab: {  	v58 =	vld [tilespmem:s21+$0x110];
	v15 =	vand.u32 $0x7F, v15;
	v14 =	vand.u32 $0x7FFFFF00, v47;
	v10 =	vmul.f32 v10, v3;
	[tilespmem:s23+$0x50] =	vst v9  }
0x1ac: {  	s16 =	sadd.s32 $0x2, s25;
	s25 =	sadd.s32 $0x280, s21;
	v61 =	vld [tilespmem:s21+$0x120];
	v22 =	vshll.u32 v19, $0x1;
	v5 =	vor.u32 v14, v53;
	v11 =	vmul.f32 v11, v3;
	[tilespmem:s23+$0x60] =	vst v8  }
0x1ad: {  	v55 =	vld [tilespmem:s25+$0x130];
	v23 =	vshll.u32 v20, $0x1;
	v5 =	vor.u32 v2, v5;
	v59 =	vmul.f32 v17, v3;
	[tilespmem:s23+$0x70] =	vst v10  }
0x1ae: {  	v63 =	vld [tilespmem:s25+$0xFFFFFEC0];
	v19 =	vand.u32 $0x7F, v19;
	v20 =	vand.u32 $0x7F, v20;
	v62 =	vmul.f32 v18, v3;
	[tilespmem:s23+$0x80] =	vst v11  }
0x1af: {  	v25 =	vld [tilespmem:s25+$0xFFFFFEF0];
	v16 =	vand.u32 $0x7FFFFF00, v16;
	v23 =	vand.u32 $0x7FFFFF00, v23;
	v3 =	vmul.f32 v48, v3;
	[tilespmem:s23+$0x90] =	vst v59  }
0x1b0: {  	v26 =	vld [tilespmem:s25+$0xFFFFFF40];
	v51 =	vand.u32 $0x7FFFFF00, v22;
	v60 =	vor.u32 v23, v20;
	v20 =	vmul.f32 v21, v1;
	[tilespmem:s23+$0xA0] =	vst v62  }
0x1b1: {  	v28 =	vld [tilespmem:s25+$0xFFFFFF50];
	v15 =	vor.u32 v16, v15;
	v6 =	vor.u32 v51, v19;
	v21 =	vmul.f32 v24, v1;
	[tilespmem:s23+$0xB0] =	vst v3  }
0x1b2: {  	v46 =	vor.u32 v2, v15;
	v23 =	vmul.f32 v56, v1;
	[tilespmem:s23+$0xC0] =	vst v20;
	v5 =	vld.idx.msk [tilespmem:v5+s30+$0x0], $0xffff  }
0x1b3: {  	v49 =	vmov s16;
	v19 =	vld [tilespmem:s25+$0xFFFFFED0];
	v6 =	vor.u32 v2, v6;
	v3 =	vmul.f32 v52, v1;
	[tilespmem:s23+$0xD0] =	vst v21  }
0x1b4: {  	v50 =	vshll.u32 v49, $0x1;
	v9 =	vmul.f32 v57, v1;
	v24 =	vld [tilespmem:s25+$0xFFFFFEE0];
	[tilespmem:s23+$0xF0] =	vst v23  }
0x1b5: {  	v29 =	vld [tilespmem:s25+$0xFFFFFF60];
	v54 =	vand.u32 $0x7F, v49;
	v7 =	vand.u32 $0x7FFFFF00, v50;
	[tilespmem:s23+$0xE0] =	vst v3;
	v3 =	vmul.f32 v58, v1  }
0x1b6: {  	v45 =	vld [tilespmem:s25+$0xFFFFFF00];
	v7 =	vor.u32 v7, v54;
	[tilespmem:s23+$0x100] =	vst v9;
	v1 =	vmul.f32 v61, v1  }
0x1b7: {  	v7 =	vor.u32 v2, v7;
	v4 =	vld.idx.msk [tilespmem:v46+s30+$0x0], $0xffff;
	[tilespmem:s23+$0x110] =	vst v3;
	v27 =	vmul.f32 v63, v5  }
0x1b8: {  	v2 =	vor.u32 v2, v60;
	v6 =	vld.idx.msk [tilespmem:v6+s30+$0x0], $0xffff;
	[tilespmem:s23+$0x120] =	vst v1;
	v3 =	vmul.f32 v19, v5  }
0x1b9: {  	v30 =	vld [tilespmem:s25+$0xFFFFFF70];
	v1 =	vmul.f32 v24, v5;
	[tilespmem:s25+$0xFFFFFEC0] =	vst v27  }
0x1ba: {  	v31 =	vld [tilespmem:s25+$0xFFFFFF90];
	v8 =	vmul.f32 v25, v5;
	[tilespmem:s25+$0xFFFFFED0] =	vst v3  }
0x1bb: {  	v33 =	vld [tilespmem:s25+$0xFFFFFFA0];
	v50 =	vmul.f32 v45, v5;
	[tilespmem:s25+$0xFFFFFEE0] =	vst v1  }
0x1bc: {  	v51 =	vld [tilespmem:s25+$0x60];
	v18 =	vmul.f32 v55, v4;
	[tilespmem:s25+$0xFFFFFEF0] =	vst v8  }
0x1bd: {  	v2 =	vld.idx.msk [tilespmem:v2+s30+$0x0], $0xffff;
	v32 =	vmul.f32 v28, v6;
	[tilespmem:s25+$0xFFFFFF00] =	vst v50  }
0x1be: {  	v35 =	vmul.f32 v30, v6;
	v3 =	vld [tilespmem:s25+$0xFFFFFF80];
	[tilespmem:s25+$0x130] =	vst v18  }
0x1bf: {  	v53 =	vld [tilespmem:s25+$0x80];
	v1 =	vmul.f32 v26, v6;
	[tilespmem:s25+$0xFFFFFF50] =	vst v32  }
0x1c0: {  	v36 =	vld [tilespmem:s25+$0xFFFFFFC0];
	v37 =	vmul.f32 v31, v6;
	[tilespmem:s25+$0xFFFFFF70] =	vst v35  }
0x1c1: {  	v57 =	vld [tilespmem:s25+$0xC0];
	[tilespmem:s25+$0xFFFFFF40] =	vst v1;
	v1 =	vmul.f32 v29, v6  }
0x1c2: {  	v7 =	vld.idx.msk [tilespmem:v7+s30+$0x0], $0xffff;
	v56 =	vmul.f32 v51, v2;
	[tilespmem:s25+$0xFFFFFF90] =	vst v37  }
0x1c3: {  	[tilespmem:s25+$0xFFFFFF60] =	vst v1;
	v1 =	vmul.f32 v3, v6;
	v3 =	vld [tilespmem:s25+$0xFFFFFFD0]  }
0x1c4: {  	v38 =	vld [tilespmem:s25+$0xFFFFFFE0];
	v9 =	vmul.f32 v53, v2;
	[tilespmem:s25+$0x60] =	vst v56  }
0x1c5: {  	v39 =	vld [tilespmem:s25+$0xFFFFFFF0];
	[tilespmem:s25+$0xFFFFFF80] =	vst v1;
	v1 =	vmul.f32 v33, v6  }
0x1c6: {  	v40 =	vld [tilespmem:s25+$0x0];
	v62 =	vmul.f32 v57, v4;
	[tilespmem:s25+$0x80] =	vst v9  }
0x1c7: {  	v41 =	vld [tilespmem:s25+$0x10];
	[tilespmem:s25+$0xFFFFFFA0] =	vst v1;
	v1 =	vmul.f32 v36, v7  }
0x1c8: {  	v42 =	vld [tilespmem:s25+$0x20];
	[tilespmem:s25+$0xC0] =	vst v62;
	v3 =	vmul.f32 v3, v7  }
0x1c9: {  	v43 =	vld [tilespmem:s25+$0x30];
	[tilespmem:s25+$0xFFFFFFC0] =	vst v1;
	v1 =	vmul.f32 v38, v7  }
0x1ca: {  	v44 =	vld [tilespmem:s25+$0x40];
	[tilespmem:s25+$0xFFFFFFD0] =	vst v3;
	v3 =	vmul.f32 v39, v7  }
0x1cb: {  	v46 =	vld [tilespmem:s25+$0xFFFFFF10];
	[tilespmem:s25+$0xFFFFFFE0] =	vst v1;
	v1 =	vmul.f32 v40, v7  }
0x1cc: {  	v59 =	vld [tilespmem:s25+$0xF0];
	[tilespmem:s25+$0xFFFFFFF0] =	vst v3;
	v3 =	vmul.f32 v41, v7  }
0x1cd: {  	v47 =	vld [tilespmem:s25+$0xFFFFFF20];
	[tilespmem:s25+$0x0] =	vst v1;
	v1 =	vmul.f32 v42, v7  }
0x1ce: {  	v34 =	vld [tilespmem:s25+$0xFFFFFFB0];
	[tilespmem:s25+$0x10] =	vst v3;
	v3 =	vmul.f32 v43, v7  }
0x1cf: {  	v49 =	vld [tilespmem:s25+$0x50];
	[tilespmem:s25+$0x20] =	vst v1;
	v1 =	vmul.f32 v44, v2  }
0x1d0: {  	v52 =	vld [tilespmem:s25+$0x70];
	[tilespmem:s25+$0x30] =	vst v3;
	v3 =	vmul.f32 v46, v5  }
0x1d1: {  	v54 =	vld [tilespmem:s25+$0x90];
	v63 =	vmul.f32 v59, v4;
	[tilespmem:s25+$0x40] =	vst v1  }
0x1d2: {  	v1 =	vmul.f32 v47, v5;
	[tilespmem:s25+$0xFFFFFF10] =	vst v3;
	v3 =	vld [tilespmem:s25+$0xA0]  }
0x1d3: {  	v55 =	vld [tilespmem:s25+$0xB0];
	[tilespmem:s25+$0xF0] =	vst v63;
	v6 =	vmul.f32 v34, v6  }
0x1d4: {  	v48 =	vld [tilespmem:s25+$0xFFFFFF30];
	[tilespmem:s25+$0xFFFFFF20] =	vst v1;
	v1 =	vmul.f32 v49, v2  }
0x1d5: {  	v58 =	vld [tilespmem:s25+$0xE0];
	v8 =	vmul.f32 v52, v2;
	[tilespmem:s25+$0xFFFFFFB0] =	vst v6  }
0x1d6: {  	v6 =	vmul.f32 v54, v2;
	[tilespmem:s25+$0x50] =	vst v1;
	v1 =	vld [tilespmem:s25+$0xD0]  }
0x1d7: {  	v61 =	vld [tilespmem:s25+$0x110];
	[tilespmem:s25+$0x70] =	vst v8;
	v3 =	vmul.f32 v3, v2  }
0x1d8: {  	v60 =	vld [tilespmem:s25+$0x100];
	[tilespmem:s25+$0x90] =	vst v6;
	v2 =	vmul.f32 v55, v2  }
0x1d9: {  	v5 =	vmul.f32 v48, v5;
	[tilespmem:s25+$0xA0] =	vst v3;
	v3 =	vld [tilespmem:s25+$0x120]  }
0x1da: {  	[tilespmem:s25+$0xB0] =	vst v2;
	v2 =	vmul.f32 v58, v4  }
0x1db: {  	s18 =	sadd.s32 $0x1, s18;
	[tilespmem:s25+$0xFFFFFF30] =	vst v5;
	v1 =	vmul.f32 v1, v4  }
0x1dc: {  	p0 =	sne.s32 s18, $0x28;
	[tilespmem:s25+$0xE0] =	vst v2;
	v2 =	vmul.f32 v61, v4  }
.Ltmp8:
0x1dd: {  	[tilespmem:s25+$0xD0] =	vst v1;
	v1 =	vmul.f32 v60, v4;
	(pc) =	sbr.rel @p0 .LBB2_6-.Ltmp8, $4  }
.Ltmp9:
0x1de: {  	s26 =	sshll.u32 s20, $0x8;
	s28 =	sshll.u32 s19, $0x7;
	[tilespmem:s25+$0x110] =	vst v2;
	v3 =	vmul.f32 v3, v4;
	(pc) =	sbr.rel @!p0 .LBB2_17-.Ltmp9, $4  }
0x1df: {  	s9 =	sadd.s32 s28, s26;
	[tilespmem:s25+$0x100] =	vst v1  }
0x1e0: {  	s9 =	sadd.s32 $0x1000, s9;
	[tilespmem:s25+$0x120] =	vst v3  }
0x1e1: {  	[spmem:s1] =	stream.indirect.scatter.add.f32 [tilespmem:s12], [sflag:$0x4], $0x80, s9, s0, $0xb8;
	[tilespmem:$0x1F800] =	vst v63  }
0x1e2: {  	_ = 	snop  }
.LBB2_12:
.Ltmp10:
0x1e3: {  	(pc) =	sbr.rel @p0 .LBB2_14-.Ltmp10, $4  }
.Ltmp11:
0x1e4: {  	(pc) =	sbr.rel @!p0 .LBB2_13-.Ltmp11, $4  }
0x1e5: {  	_ = 	snop  }
0x1e6: {  	_ = 	snop  }
0x1e7: {  	_ = 	snop  }
0x1e8: {  	_ = 	snop  }
.LBB2_18:
0x1e9: {  	_ =	sfence.sel $0x180000  }
0x1ea: {  	[bflag:$0x0] =	sbarrier.arrive $0xFFFF  }
0x1eb: {  	_ =	strace $0x9000004D  }
0x1ec: {  	s0 =	stileid.u32;
	[bflag:$0x2] =	sbarrier.arrive $0xFFFF  }
0x1ed: {  	p0 =	sne.s32 s0, $0x0;
	s0 =	rddreg [dreg:$0x4]  }
0x1ee: {  	s0 =	sadd.s32 @!p0 $0x100000, s0  }
0x1ef: {  	[sflag:s0] =	ssyncadd.tile.s32 @!p0 $0x1;
	_ =	shalt  }
.Lfunc_end2:
_tile_overlayer_lowered:
.L_overlay_start_2:
0x1f0: {  	(tag) =	ssettag $0x2  }
0x1f1: {  	s0 =	rddreg [dreg:$0x0];
	s2 =	stileid.u32  }
0x1f2: {  	s1 =	rddreg [dreg:$0x1];
	p0 =	sne.s32 s2, $0x0  }
0x1f3: {  	s3 =	rddreg [dreg:$0x2];
	[bflag:$0x3] =	sbarrier.arrive $0xFFFF;
	s2 =	simm.s32 @!p0 $0x1C06  }
0x1f4: {  	[timem:s3], [sflag:s2] =	dma.local @!p0 [hbm:s0], s1  }
0x1f5: {  	s0 =	simm.s32 @!p0 $0x6  }
0x1f6: {  	_ =	swait.ge @!p0 [sflag:s0], s1  }
0x1f7: {  	s1 =	ssub.s32 @!p0 $0x0, s1;
	[sflag:s0] =	ssyncset.done @!p0 $0x0  }
0x1f8: {  	[sflag:s0] =	ssyncadd.s32 @!p0 s1  }
0x1f9: {  	[bflag:$0x3] =	sbarrier.arrive $0xFFFF  }
0x1fa: {  	_ =	shalt  }

// kernel: kernel.8.cloned.1.call-start
scs
__scs_entry_jumppad:
0x0: {  	(pc) =	sbr.rel $0x88, $3  }
0x1: {  	(tag) =	ssettag $0x0;
	lr =	simm.s32 $0x1  }
0x2: {  	[smem:$0x3F98] =	sst lr;
	_ =	strace $0xD0000000  }
0x3: {  	_ = 	snop  }
0x4: {  	_ = 	snop  }
0x5: {  	_ = 	snop  }
0x6: {  	_ = 	snop  }
0x7: {  	_ = 	snop  }
__scs_overlays_trampoline_lowered:
0x8: {  	[smem:$0x3FA7] =	sst s0  }
0x9: {  	[smem:$0x3FA8] =	sst s1  }
0xa: {  	[smem:$0x3FA9] =	sst s2  }
0xb: {  	[smem:$0x3FAA] =	sst s3  }
0xc: {  	[smem:$0x3FAB] =	sst s4  }
0xd: {  	[smem:$0x3FAC] =	sst s5  }
0xe: {  	[smem:$0x3FAD] =	sst s6  }
0xf: {  	[smem:$0x3FAE] =	sst s7  }
0x10: {  	[smem:$0x3FAF] =	sst s8  }
0x11: {  	[smem:$0x3FB0] =	sst s9;
	s0 =	simm.s32 @!p0 $0x0  }
0x12: {  	s1 =	sld [smem:$0x3F96];
	s0 =	simm.s32 @p0 $0x1  }
0x13: {  	[smem:$0x3FB1] =	sst s0;
	s0 =	simm.s32 @!p1 $0x0  }
0x14: {  	s2 =	sld [smem:$0x3F95];
	s0 =	simm.s32 @p1 $0x1  }
0x15: {  	[smem:$0x3FB2] =	sst s0;
	s0 =	simm.s32 @!p2 $0x0  }
0x16: {  	s3 =	sld [smem:$0x3FDB];
	s0 =	simm.s32 @p2 $0x1  }
0x17: {  	s4 =	simm.s32 $0x1BF5;
	[smem:$0x3FB4] =	sst s0  }
0x18: {  	s0 =	sld [smem:$0x3F97];
	_ =	swait.ge [sflag:s4], $0x0  }
0x19: {  	s7 =	sld [smem:$0x3F98]  }
0x1a: {  	s8 =	sadd.s32 $0xFFFFE003, lr  }
0x1b: {  	s9 =	sadd.s32 $0xFFFFFEF7, lr;
	s5 =	simm.s32 $0xFFFFFFFF;
	p2 =	slt.u32 s8, $0xFFFFF086  }
0x1c: {  	p1 =	slt.u32 s9, $0xF7A;
	s5 =	simm.s32 @!p2 $0x0  }
0x1d: {  	s5 =	simm.s32 @p1 $0x1;
	p0 =	seq.s32 s7, s2  }
0x1e: {  	s7 =	smul.u32 @!p0 $0xF7A, s2;
	p2 =	seq.s32 @!p0 s5, $0x0  }
0x1f: {  	s9 =	smul.u32 $0xF7A, s1;
	s8 =	simm.s32 @!p0 $0x1BF5;
	p2 =	por !p2, p0  }
0x20: {  	[sflag:s8] =	ssyncset.s32 @!p0 $0xFFFFF086;
	s6 =	sadd.s32 @!p0 s3, s7;
	s7 =	simm.s32 @!p0 $0x108  }
0x21: {  	s3 =	sadd.s32 s3, s9;
	s6 =	sadd.s32 @!p0 $0x88, s6;
	s7 =	simm.s32 @p2 $0x1082  }
0x22: {  	[simem:s7], [sflag:s8] =	dma.local @!p0 [hbm:s6], $0xF7A  }
0x23: {  	s9 =	sor.u32 $0xD0000000, s2;
	s6 =	simm.s32 $0x108;
	_ =	swait.ge @!p0 [sflag:s8], $0x0  }
0x24: {  	s3 =	sadd.s32 $0x88, s3;
	s6 =	simm.s32 @!p1 $0x1082;
	[sflag:s4] =	ssyncset.s32 $0xFFFFF086  }
0x25: {  	[simem:s6], [sflag:s4] =	dma.local [hbm:s3], $0xF7A  }
0x26: {  	[smem:$0x3F98] =	sst s1;
	(tag) =	ssettag s2;
	_ =	strace s9  }
0x27: {  	s1 =	sld [smem:$0x3FA8]  }
0x28: {  	s2 =	sld [smem:$0x3FA9]  }
0x29: {  	s4 =	sld [smem:$0x3FAB]  }
0x2a: {  	p0 =	seq.s32 s5, $0x0;
	s5 =	sld [smem:$0x3FAC]  }
0x2b: {  	s6 =	sld [smem:$0x3FAD]  }
0x2c: {  	s7 =	sld [smem:$0x3FAE]  }
0x2d: {  	s3 =	simm.s32 $0x108;
	s8 =	sld [smem:$0x3FAF]  }
0x2e: {  	s3 =	simm.s32 @!p0 $0x1082;
	s9 =	sld [smem:$0x3FB0]  }
0x2f: {  	lr =	sadd.s32 s0, s3;
	s0 =	sld [smem:$0x3FA7]  }
0x30: {  	s3 =	sld [smem:$0x3FAA]  }
0x31: {  	[smem:$0x3FB3] =	sst s10  }
0x32: {  	s10 =	sld [smem:$0x3FB1];
	_ =	sdelay $0x3  }
0x33: {  	p0 =	seq.s32 s10, $0x1;
	s10 =	sld [smem:$0x3FB3];
	_ =	sdelay $0x3  }
0x34: {  	[smem:$0x3FB3] =	sst s10  }
0x35: {  	s10 =	sld [smem:$0x3FB2];
	_ =	sdelay $0x3  }
0x36: {  	p1 =	seq.s32 s10, $0x1;
	s10 =	sld [smem:$0x3FB3];
	_ =	sdelay $0x3  }
0x37: {  	[smem:$0x3FB3] =	sst s10  }
0x38: {  	s10 =	sld [smem:$0x3FB4]  }
0x39: {  	_ = 	snop;
	(pc) =	sbr.ind lr, $3  }
0x3a: {  	_ = 	snop  }
0x3b: {  	_ = 	snop  }
0x3c: {  	p2 =	seq.s32 s10, $0x1;
	s10 =	sld [smem:$0x3FB3]  }
0x3d: {  	_ =	shalt  }
0x3e: {  	_ =	shalt  }
0x3f: {  	_ =	shalt  }
0x40: {  	_ =	shalt  }
0x41: {  	_ =	shalt  }
0x42: {  	_ =	shalt  }
0x43: {  	_ =	shalt  }
0x44: {  	_ =	shalt  }
0x45: {  	_ =	shalt  }
0x46: {  	_ =	shalt  }
0x47: {  	_ =	shalt  }
0x48: {  	_ =	shalt  }
0x49: {  	_ =	shalt  }
0x4a: {  	_ =	shalt  }
0x4b: {  	_ =	shalt  }
0x4c: {  	_ =	shalt  }
0x4d: {  	_ =	shalt  }
0x4e: {  	_ =	shalt  }
0x4f: {  	_ =	shalt  }
0x50: {  	_ =	shalt  }
0x51: {  	_ =	shalt  }
0x52: {  	_ =	shalt  }
0x53: {  	_ =	shalt  }
0x54: {  	_ =	shalt  }
0x55: {  	_ =	shalt  }
0x56: {  	_ =	shalt  }
0x57: {  	_ =	shalt  }
0x58: {  	_ =	shalt  }
0x59: {  	_ =	shalt  }
0x5a: {  	_ =	shalt  }
0x5b: {  	_ =	shalt  }
0x5c: {  	_ =	shalt  }
0x5d: {  	_ =	shalt  }
0x5e: {  	_ =	shalt  }
0x5f: {  	_ =	shalt  }
0x60: {  	_ =	shalt  }
0x61: {  	_ =	shalt  }
0x62: {  	_ =	shalt  }
0x63: {  	_ =	shalt  }
0x64: {  	_ =	shalt  }
0x65: {  	_ =	shalt  }
0x66: {  	_ =	shalt  }
0x67: {  	_ =	shalt  }
0x68: {  	_ =	shalt  }
0x69: {  	_ =	shalt  }
0x6a: {  	_ =	shalt  }
0x6b: {  	_ =	shalt  }
0x6c: {  	_ =	shalt  }
0x6d: {  	_ =	shalt  }
0x6e: {  	_ =	shalt  }
0x6f: {  	_ =	shalt  }
0x70: {  	_ =	shalt  }
0x71: {  	_ =	shalt  }
0x72: {  	_ =	shalt  }
0x73: {  	_ =	shalt  }
0x74: {  	_ =	shalt  }
0x75: {  	_ =	shalt  }
0x76: {  	_ =	shalt  }
0x77: {  	_ =	shalt  }
0x78: {  	_ =	shalt  }
0x79: {  	_ =	shalt  }
0x7a: {  	_ =	shalt  }
0x7b: {  	_ =	shalt  }
0x7c: {  	_ =	shalt  }
0x7d: {  	_ =	shalt  }
0x7e: {  	_ =	shalt  }
0x7f: {  	_ =	shalt  }
0x80: {  	_ =	shalt  }
0x81: {  	_ =	shalt  }
0x82: {  	_ =	shalt  }
0x83: {  	_ =	shalt  }
0x84: {  	_ =	shalt  }
0x85: {  	_ =	shalt  }
0x86: {  	_ =	shalt  }
0x87: {  	_ =	shalt  }
.Lfunc_end0:
.L_simem_size_0:
called_computation_lowered:
.L_overlay_start_0:
0x88: {  	s2 =	sld [smem:$0x3FD9]  }
0x89: {  	s3 =	sld [smem:$0x3FFE];
	_ =	sdelay $0x1  }
0x8a: {  	s1 =	srdreg.scid  }
0x8b: {  	s0 =	sand.u32 $0x1, s1  }
0x8c: {  	s17 =	sshll.u32 s0, $0xA;
	s2 =	sadd.s32 s3, s2  }
0x8d: {  	s2 =	sadd.s32 s2, s17  }
0x8e: {  	[smem:$0x3FBF] =	sst s2  }
0x8f: {  	_ = 	snop  }
0x90: {  	s2 =	sld [smem:$0x3FC7];
	(tm) =	ssettm $0x1  }
0x91: {  	s18 =	sld [smem:$0x3FFB];
	_ =	sdelay $0x3  }
0x92: {  	_ =	strace s18  }
0x93: {  	s3 =	sld [smem:$0x3FFC];
	_ =	sdelay $0x3  }
0x94: {  	_ =	strace s3  }
0x95: {  	s3 =	sld [smem:$0x3FFD];
	_ =	sdelay $0x3  }
0x96: {  	_ =	strace s3  }
0x97: {  	_ =	strace $0x8FFFFFFF  }
0x98: {  	s19 =	sld [smem:$0x3FDB];
	_ =	sdelay $0x1  }
0x99: {  	s4 =	simm.s32 $_scs_section_size  }
0x9a: {  	s5 =	simm.s32 $_size__tile_overlayer_lowered;
	s6 =	simm.s32 $_tile_overlayer_lowered  }
0x9b: {  	s22 =	simm.s32 $0x1BFF;
	s21 =	sshll.u32 s6, $0x1;
	s3 =	sadd.s32 s4, s19  }
0x9c: {  	s7 =	simm.s32 $0x0;
	s20 =	sshll.u32 s5, $0x1;
	s5 =	sadd.s32 s21, s3  }
0x9d: {  	[timem:s7], [sflag:s22] =	dma.local [hbm:s5], s20  }
0x9e: {  	_ =	swait.ge [sflag:s22], s20  }
0x9f: {  	s4 =	ssub.s32 $0x0, s20;
	[sflag:s22] =	ssyncset.done $0x0  }
0xa0: {  	[sflag:s22] =	ssyncadd.s32 s4;
	_ =	sdelay $0x1  }
0xa1: {  	s23 =	simm.s32 $0x1B8B  }
0xa2: {  	_ =	swait.ge [sflag:s23], $0x1  }
0xa3: {  	[sflag:s23] =	ssyncset.done $0x0  }
0xa4: {  	s25 =	simm.s32 $0x1B8E;
	s24 =	sld [smem:$0x3FFE];
	[sflag:s23] =	ssyncadd.s32 $0xFFFFFFFF  }
0xa5: {  	s26 =	simm.s32 $execute0_lowered;
	[smem:$0x3FD2] =	sst s25  }
0xa6: {  	s5 =	sshll.u32 s26, $0x1;
	_ =	strace $0x80000046;
	[dreg:$0x1] =	wrdreg $0xFFFFFFFF  }
0xa7: {  	s28 =	simm.s32 $_size_execute0_lowered;
	s3 =	sadd.s32 s3, s5;
	[dreg:$0x0] =	wrdreg $0x0  }
0xa8: {  	s5 =	sshll.u32 s28, $0x1;
	[dreg:$0x2] =	wrdreg s3  }
0xa9: {  	[dreg:$0x3] =	wrdreg s5  }
0xaa: {  	[dreg:$0x4] =	wrdreg $0xC0  }
0xab: {  	_ =	task [dreg:s7], $0x5FFFF  }
0xac: {  	[dreg:$0x1] =	wrdreg $0xFFFFFFFF  }
0xad: {  	[dreg:$0x0] =	wrdreg $0x60  }
0xae: {  	[dreg:$0x2] =	wrdreg s24  }
0xaf: {  	[dreg:$0x3] =	wrdreg s2  }
0xb0: {  	[dreg:$0x4] =	wrdreg $0xA1800  }
0xb1: {  	[dreg:$0x5] =	wrdreg $0x9  }
0xb2: {  	_ =	task.clear_ibuf [dreg:s7], $0x6FFFF;
	_ =	strace $0x90000046  }
0xb3: {  	s29 =	simm.s32 $0x9;
	_ =	strace $0x80000048  }
0xb4: {  	_ =	swait.ge [sflag:s29], $0x1  }
0xb5: {  	[sflag:s29] =	ssyncadd.s32 $0xFFFFFFFF  }
0xb6: {  	_ =	strace $0x90000048  }
0xb7: {  	_ =	sfence  }
0xb8: {  	s30 =	sld [smem:$0x0];
	_ =	sdelay $0x2  }
0xb9: {  	s31 =	sshll.u32 s1, $0xD;
	s1 =	sshrl.u32 s1, $0x2  }
0xba: {  	s3 =	sand.u32 $0x4000, s31;
	s1 =	sadd.s32 s1, s30  }
0xbb: {  	s0 =	sor.u32 s3, s0;
	s1 =	sshll.u32 s1, $0x11  }
0xbc: {  	s0 =	sor.u32 s1, s0  }
0xbd: {  	s0 =	sadd.s32 $0x8F2B, s0  }
0xbe: {  	[sflag:s0] =	ssyncadd.remote.s32 $0x1  }
0xbf: {  	_ =	sfence.sel $0xFFFF  }
0xc0: {  	[dreg:$0x0] =	wrdreg $0xFFFFFFFF;
	(pc) =	sbr.abs _section_cstart, $3  }
0xc1: {  	[dreg:$0x1] =	wrdreg $0xFFFFFFFF  }
0xc2: {  	_ =	task.clear_ibuf [dreg:s7], $0x2FFFF;
	_ =	strace $0x9FFFFFFF  }
0xc3: {  	(tm) =	ssettm $0x7FFFFFFF  }
tec
execute0_lowered:
.L_overlay_start_1:
0x0: {  	(tag) =	ssettag $0x1  }
0x1: {  	s4 =	rddreg [dreg:$0x0]  }
0x2: {  	s5 =	rddreg [dreg:$0x1]  }
0x3: {  	s1 =	rddreg [dreg:$0x2]  }
0x4: {  	s2 =	srdreg.scid;
	s0 =	rddreg [dreg:$0x3]  }
0x5: {  	s3 =	simm.s32 $0x0;
	s12 =	simm.s32 $0x400;
	s16 =	simm.s32 $0x9F00  }
0x6: {  	s17 =	simm.s32 $0x0;
	s6 =	sand.u32 $0x1, s2;
	s2 =	stileid.u32  }
0x7: {  	[smem:$0x7FF] =	sst s3;
	s7 =	sshll.u32 s6, $0x4;
	s6 =	ssub.s32 $0x2, s6  }
0x8: {  	s9 =	sshrl.u32 s2, $0x3;
	_ =	strace $0x80000047;
	s13 =	smul.u32 $0x5000, s2  }
0x9: {  	s30 =	sshll.u32 s2, $0x7;
	s15 =	smul.u32 $0xA0, s2;
	s8 =	sor.u32 s2, s7  }
0xa: {  	s10 =	sshrl.u32 s6, $0x1;
	s9 =	smul.u32 $0x50000, s9;
	s7 =	sadd.s32 s7, s4  }
0xb: {  	s8 =	smul.u32 $0x4E2, s8;
	s10 =	ssub.s32 s6, s10;
	s6 =	sand.u32 $0x380, s30  }
0xc: {  	s14 =	sadd.s32 $0xC400, s7;
	s13 =	sshrl.u32 s13, $0x2;
	s9 =	sshrl.u32 s9, $0x2  }
0xd: {  	s7 =	smax.u32 s10, $0x1;
	s10 =	simm.s32 $0x4F00;
	s14 =	sadd.s32 s15, s14  }
0xe: {  	s15 =	simm.s32 $0x100;
	s11 =	sadd.s32 s8, s4;
	s5 =	sadd.s32 s5, s8  }
0xf: {  	s31 =	sadd.s32 s9, s1;
	s8 =	simm.s32 $0x1;
	s9 =	simm.s32 $0x2780  }
0x10: {  	v0 =	vimm.f32 $0.0e+00;
	s4 =	sadd.s32 $0x2600, s11;
	s6 =	sadd.s32 s6, s31;
	s11 =	simm.s32 $0x80  }
.LBB2_1:
0x11: {  	[tilespmem:s3], [sflag:$0x1] =	stream.linear.gather [hbm4b:s4+s3], $0x2710, $0x38;
	[tilespmem:$0xC980] =	vst v63  }
0x12: {  	_ =	swait.ge [sflag:s8], $0x2710  }
0x13: {  	[sflag:s8] =	ssyncset.done $0x0  }
0x14: {  	[sflag:s8] =	ssyncadd.s32 $0xFFFFD8F0  }
0x15: {  	[tilespmem:s9], [sflag:$0x1] =	stream.linear.gather [hbm4b:s5+s3], $0x2710, $0x38;
	[tilespmem:$0xC980] =	vst v63  }
0x16: {  	_ =	swait.ge [sflag:s8], $0x2710  }
0x17: {  	[sflag:s8] =	ssyncset.done $0x0  }
0x18: {  	s18 =	simm.s32 $0x0;
	[sflag:s8] =	ssyncadd.s32 $0xFFFFD8F0  }
.LBB2_2:
0x19: {  	p0 =	sne.s32 s18, $0x9FC0  }
.Ltmp0:
0x1a: {  	_ = 	snop;
	(pc) =	sbr.rel @p0 .LBB2_2-.Ltmp0, $3  }
0x1b: {  	_ =	sdelay $0x1  }
0x1c: {  	s19 =	sshra.s32 s18, $0x2  }
0x1d: {  	s18 =	sadd.s32 $0x40, s18;
	[tilespmem:s19+$0x4F00] =	vst v0  }
0x1e: {  	s19 =	simm.s32 $0x0;
	s18 =	simm.s32 $0x40  }
.LBB2_4:
0x1f: {  	p0 =	sne.s32 s18, $0x9C00;
	v1 =	vld [tilespmem:s19+$0x0];
	_ =	sdelay $0x2  }
0x20: {  	v2 =	vld [tilespmem:s19+$0x2780]  }
.Ltmp1:
0x21: {  	(pc) =	sbr.rel @p0 .LBB2_4-.Ltmp1, $2  }
0x22: {  	_ =	sdelay $0x2  }
0x23: {  	s19 =	sshra.s32 s18, $0x2;
	s18 =	sadd.s32 $0x40, s18;
	[tilespmem:v1+s10+$0x0] =	vst.idx.add.f32.msk $0xffff, v2  }
0x24: {  	v1 =	vld [tilespmem:s19+$0x0];
	_ =	sdelay $0x2  }
0x25: {  	v2 =	vld [tilespmem:s19+$0x2780];
	_ =	sdelay $0x2  }
0x26: {  	s18 =	simm.s32 $0x0  }
0x27: {  	s24 =	smul.u32 $0x50000, s18  }
0x28: {  	s20 =	smul.u32 $0x5000, s18;
	s18 =	simm.s32 $0x0;
	[tilespmem:v1+s10+$0x0] =	vst.idx.add.f32.msk $0xffff, v2  }
0x29: {  	[spmem:s6] =	stream.strided.scatter [tilespmem:s10], [sflag:$0x1], $0x2800, s12, s11, $0x38;
	[tilespmem:$0xC980] =	vst v63  }
0x2a: {  	s21 =	sand.u32 $0x380, s18;
	s19 =	sshra.s32 s24, $0x2;
	_ =	swait.ge [sflag:s8], $0x2800  }
0x2b: {  	s20 =	sshra.s32 s20, $0x2;
	s19 =	sadd.s32 s19, s1;
	[sflag:s8] =	ssyncset.done $0x0  }
0x2c: {  	s20 =	sor.u32 s21, s20;
	s19 =	sadd.s32 s21, s19;
	[sflag:s8] =	ssyncadd.s32 $0xFFFFD800  }
0x2d: {  	s25 =	sadd.s32 $0x7700, s20;
	s19 =	sadd.s32 s13, s19;
	[bflag:$0x0] =	sbarrier.arrive $0xFFFF  }
0x2e: {  	[tilespmem:s25], [sflag:$0x1] =	stream.linear.gather [spmem:s19], $0x80, $0x38;
	[tilespmem:$0xC980] =	vst v63  }
0x2f: {  	s22 =	sadd.s32 $0x7B00, s20;
	s26 =	sadd.s32 $0x400, s19  }
0x30: {  	[tilespmem:s22], [sflag:$0x1] =	stream.linear.gather [spmem:s26], $0x80, $0x38;
	[tilespmem:$0xC980] =	vst v63  }
0x31: {  	s29 =	sadd.s32 $0x7F00, s20;
	s28 =	sadd.s32 $0x800, s19  }
0x32: {  	[tilespmem:s29], [sflag:$0x1] =	stream.linear.gather [spmem:s28], $0x80, $0x38;
	[tilespmem:$0xC980] =	vst v63  }
0x33: {  	s31 =	sadd.s32 $0x8300, s20;
	s30 =	sadd.s32 $0xC00, s19  }
0x34: {  	[tilespmem:s31], [sflag:$0x1] =	stream.linear.gather [spmem:s30], $0x80, $0x38;
	[tilespmem:$0xC980] =	vst v63  }
0x35: {  	s23 =	simm.s32 $0x0;
	s20 =	sadd.s32 $0x8700, s20;
	s19 =	sadd.s32 $0x1000, s19  }
0x36: {  	[tilespmem:s20], [sflag:$0x1] =	stream.linear.gather [spmem:s19], $0x80, $0x38;
	[tilespmem:$0xC980] =	vst v63  }
0x37: {  	s21 =	simm.s32 $0x2;
	s22 =	smul.u32 $0x50000, s23;
	_ =	swait.ge [sflag:s8], $0x280  }
0x38: {  	s20 =	smul.u32 $0x5000, s23;
	s19 =	simm.s32 $0x80;
	[sflag:s8] =	ssyncset.done $0x0  }
.LBB2_6:
0x39: {  	s22 =	sshra.s32 s22, $0x2  }
0x3a: {  	[sflag:s8] =	ssyncadd.s32 $0xFFFFFD80;
	s23 =	smov.u32 s21;
	s24 =	sadd.s32 $0x1, s21  }
0x3b: {  	s25 =	sand.u32 $0x380, s19;
	s20 =	sshra.s32 s20, $0x2;
	s22 =	sadd.s32 s22, s1  }
0x3c: {  	p0 =	sne.s32 s21, $0xF;
	s20 =	sor.u32 s25, s20;
	s21 =	sadd.s32 s25, s22  }
0x3d: {  	s22 =	sadd.s32 $0x7700, s20;
	s21 =	sadd.s32 s13, s21  }
0x3e: {  	[tilespmem:s22], [sflag:$0x1] =	stream.linear.gather [spmem:s21], $0x80, $0x38;
	[tilespmem:$0xC980] =	vst v63  }
0x3f: {  	s25 =	sadd.s32 $0x7B00, s20;
	s22 =	sadd.s32 $0x400, s21  }
0x40: {  	[tilespmem:s25], [sflag:$0x1] =	stream.linear.gather [spmem:s22], $0x80, $0x38;
	[tilespmem:$0xC980] =	vst v63  }
0x41: {  	s22 =	sadd.s32 $0x800, s21;
	s25 =	sadd.s32 $0x7F00, s20  }
0x42: {  	[tilespmem:s25], [sflag:$0x1] =	stream.linear.gather [spmem:s22], $0x80, $0x38;
	[tilespmem:$0xC980] =	vst v63  }
0x43: {  	s22 =	sadd.s32 $0xC00, s21;
	s25 =	sadd.s32 $0x8300, s20  }
0x44: {  	[tilespmem:s25], [sflag:$0x1] =	stream.linear.gather [spmem:s22], $0x80, $0x38;
	[tilespmem:$0xC980] =	vst v63  }
.Ltmp2:
0x45: {  	_ = 	snop;
	(pc) =	sbr.rel @p0 .LBB2_6-.Ltmp2, $4  }
0x46: {  	s23 =	sshrl.u32 s23, $0x3;
	s21 =	sadd.s32 $0x1000, s21;
	s20 =	sadd.s32 $0x8700, s20  }
0x47: {  	[tilespmem:s20], [sflag:$0x1] =	stream.linear.gather [spmem:s21], $0x80, $0x38;
	[tilespmem:$0xC980] =	vst v63  }
0x48: {  	s19 =	sadd.s32 $0x80, s19;
	s22 =	smul.u32 $0x50000, s23;
	_ =	swait.ge [sflag:s8], $0x280  }
0x49: {  	s20 =	smul.u32 $0x5000, s23;
	s21 =	smov.u32 s24;
	[sflag:s8] =	ssyncset.done $0x0  }
0x4a: {  	s21 =	sshra.s32 s22, $0x2  }
0x4b: {  	s19 =	sand.u32 $0x380, s19;
	s20 =	sshra.s32 s20, $0x2;
	s21 =	sadd.s32 s21, s1  }
0x4c: {  	s20 =	sor.u32 s19, s20;
	s19 =	sadd.s32 s19, s21  }
0x4d: {  	[sflag:s8] =	ssyncadd.s32 $0xFFFFFD80;
	s31 =	sadd.s32 $0x7700, s20;
	s19 =	sadd.s32 s13, s19  }
0x4e: {  	[tilespmem:s31], [sflag:$0x1] =	stream.linear.gather [spmem:s19], $0x80, $0x38;
	[tilespmem:$0xC980] =	vst v63  }
0x4f: {  	s23 =	sadd.s32 $0x7B00, s20;
	s22 =	sadd.s32 $0x400, s19  }
0x50: {  	[tilespmem:s23], [sflag:$0x1] =	stream.linear.gather [spmem:s22], $0x80, $0x38;
	[tilespmem:$0xC980] =	vst v63  }
0x51: {  	s25 =	sadd.s32 $0x7F00, s20;
	s24 =	sadd.s32 $0x800, s19  }
0x52: {  	[tilespmem:s25], [sflag:$0x1] =	stream.linear.gather [spmem:s24], $0x80, $0x38;
	[tilespmem:$0xC980] =	vst v63  }
0x53: {  	s28 =	sadd.s32 $0x8300, s20;
	s26 =	sadd.s32 $0xC00, s19  }
0x54: {  	[tilespmem:s28], [sflag:$0x1] =	stream.linear.gather [spmem:s26], $0x80, $0x38;
	[tilespmem:$0xC980] =	vst v63  }
0x55: {  	s20 =	sadd.s32 $0x8700, s20;
	s19 =	sadd.s32 $0x1000, s19  }
0x56: {  	[tilespmem:s20], [sflag:$0x1] =	stream.linear.gather [spmem:s19], $0x80, $0x38;
	[tilespmem:$0xC980] =	vst v63  }
0x57: {  	_ =	swait.ge [sflag:s8], $0x280  }
0x58: {  	s29 =	sand.u32 $0x70, s18;
	s30 =	sand.u32 $0x1C00, s18;
	[sflag:s8] =	ssyncset.done $0x0  }
0x59: {  	s18 =	sor.u32 s29, s30;
	[sflag:s8] =	ssyncadd.s32 $0xFFFFFD80  }
0x5a: {  	v1 =	vld [tilespmem:s18+$0x7700];
	_ =	sdelay $0x1  }
0x5b: {  	v2 =	vld [tilespmem:s18+$0x7780];
	_ =	sdelay $0x1  }
0x5c: {  	v3 =	vld [tilespmem:s18+$0x7800]  }
0x5d: {  	v1 =	vadd.f32 $0.0e+00, v1  }
0x5e: {  	v4 =	vld [tilespmem:s18+$0x7880]  }
0x5f: {  	v1 =	vadd.f32 v2, v1  }
0x60: {  	v2 =	vld [tilespmem:s18+$0x7900]  }
0x61: {  	v1 =	vadd.f32 v3, v1  }
0x62: {  	v3 =	vld [tilespmem:s18+$0x7980]  }
0x63: {  	v1 =	vadd.f32 v4, v1  }
0x64: {  	v60 =	vld [tilespmem:s18+$0x7A00]  }
0x65: {  	v1 =	vadd.f32 v2, v1  }
0x66: {  	v2 =	vld [tilespmem:s18+$0x7A80]  }
0x67: {  	v1 =	vadd.f32 v3, v1  }
0x68: {  	v3 =	vld [tilespmem:s18+$0x8B00]  }
0x69: {  	v1 =	vadd.f32 v60, v1  }
0x6a: {  	v61 =	vld [tilespmem:s18+$0x8B80]  }
0x6b: {  	v1 =	vadd.f32 v2, v1  }
0x6c: {  	v2 =	vld [tilespmem:s18+$0x8C00]  }
0x6d: {  	v1 =	vadd.f32 v3, v1  }
0x6e: {  	v3 =	vld [tilespmem:s18+$0x8C80]  }
0x6f: {  	v1 =	vadd.f32 v61, v1  }
0x70: {  	v62 =	vld [tilespmem:s18+$0x8D00]  }
0x71: {  	v1 =	vadd.f32 v2, v1  }
0x72: {  	v2 =	vld [tilespmem:s18+$0x8D80]  }
0x73: {  	v1 =	vadd.f32 v3, v1  }
0x74: {  	v3 =	vld [tilespmem:s18+$0x8E00]  }
0x75: {  	v1 =	vadd.f32 v62, v1  }
0x76: {  	v63 =	vld [tilespmem:s18+$0x8E80]  }
0x77: {  	v1 =	vadd.f32 v2, v1;
	_ =	sdelay $0x1  }
0x78: {  	v1 =	vadd.f32 v3, v1  }
0x79: {  	s31 =	simm.s32 $0x10  }
0x7a: {  	s21 =	sand.u32 $0x70, s31;
	s19 =	simm.s32 $0x80;
	v1 =	vadd.f32 v63, v1  }
0x7b: {  	s20 =	simm.s32 $0x20;
	s22 =	sand.u32 $0x1C00, s19;
	s18 =	simm.s32 $0x9F00  }
.LBB2_8:
0x7c: {  	p0 =	sne.s32 s20, $0x270;
	s21 =	sor.u32 s21, s22;
	[tilespmem:s18+$0x0] =	vst v1  }
0x7d: {  	v1 =	vld [tilespmem:s21+$0x7700];
	_ =	sdelay $0x1  }
0x7e: {  	v2 =	vld [tilespmem:s21+$0x7780];
	_ =	sdelay $0x1  }
0x7f: {  	v3 =	vld [tilespmem:s21+$0x7800]  }
0x80: {  	v1 =	vadd.f32 $0.0e+00, v1  }
0x81: {  	v4 =	vld [tilespmem:s21+$0x7880]  }
0x82: {  	v1 =	vadd.f32 v2, v1  }
0x83: {  	v2 =	vld [tilespmem:s21+$0x7900]  }
0x84: {  	v1 =	vadd.f32 v3, v1  }
0x85: {  	v3 =	vld [tilespmem:s21+$0x7980]  }
0x86: {  	v1 =	vadd.f32 v4, v1  }
0x87: {  	v4 =	vld [tilespmem:s21+$0x7A00]  }
0x88: {  	v1 =	vadd.f32 v2, v1  }
0x89: {  	v2 =	vld [tilespmem:s21+$0x7A80]  }
0x8a: {  	v1 =	vadd.f32 v3, v1  }
0x8b: {  	v3 =	vld [tilespmem:s21+$0x8B00]  }
0x8c: {  	v1 =	vadd.f32 v4, v1  }
0x8d: {  	v4 =	vld [tilespmem:s21+$0x8B80]  }
0x8e: {  	v1 =	vadd.f32 v2, v1  }
0x8f: {  	v2 =	vld [tilespmem:s21+$0x8C00]  }
0x90: {  	v1 =	vadd.f32 v3, v1  }
0x91: {  	v3 =	vld [tilespmem:s21+$0x8C80]  }
0x92: {  	v1 =	vadd.f32 v4, v1  }
0x93: {  	v4 =	vld [tilespmem:s21+$0x8D00]  }
0x94: {  	v1 =	vadd.f32 v2, v1  }
0x95: {  	v2 =	vld [tilespmem:s21+$0x8D80]  }
0x96: {  	v1 =	vadd.f32 v3, v1  }
0x97: {  	v3 =	vld [tilespmem:s21+$0x8E00]  }
0x98: {  	v1 =	vadd.f32 v4, v1  }
0x99: {  	v4 =	vld [tilespmem:s21+$0x8E80]  }
0x9a: {  	v1 =	vadd.f32 v2, v1  }
.Ltmp3:
0x9b: {  	(pc) =	sbr.rel @p0 .LBB2_8-.Ltmp3, $3  }
0x9c: {  	v1 =	vadd.f32 v3, v1;
	_ =	sdelay $0x1  }
0x9d: {  	s19 =	sadd.s32 $0x80, s19;
	s18 =	sadd.s32 $0x10, s18;
	v1 =	vadd.f32 v4, v1  }
0x9e: {  	s22 =	sand.u32 $0x1C00, s19;
	s21 =	sand.u32 $0x70, s20;
	s20 =	sadd.s32 $0x10, s20  }
0x9f: {  	s19 =	sor.u32 s21, s22;
	[tilespmem:s18+$0x0] =	vst v1  }
0xa0: {  	v1 =	vld [tilespmem:s19+$0x7700];
	_ =	sdelay $0x1  }
0xa1: {  	v2 =	vld [tilespmem:s19+$0x7780];
	_ =	sdelay $0x1  }
0xa2: {  	v3 =	vld [tilespmem:s19+$0x7800]  }
0xa3: {  	v1 =	vadd.f32 $0.0e+00, v1  }
0xa4: {  	v4 =	vld [tilespmem:s19+$0x7880]  }
0xa5: {  	v1 =	vadd.f32 v2, v1  }
0xa6: {  	v2 =	vld [tilespmem:s19+$0x7900]  }
0xa7: {  	v1 =	vadd.f32 v3, v1  }
0xa8: {  	v3 =	vld [tilespmem:s19+$0x7980]  }
0xa9: {  	v1 =	vadd.f32 v4, v1  }
0xaa: {  	v60 =	vld [tilespmem:s19+$0x7A00]  }
0xab: {  	v1 =	vadd.f32 v2, v1  }
0xac: {  	v2 =	vld [tilespmem:s19+$0x7A80]  }
0xad: {  	v1 =	vadd.f32 v3, v1  }
0xae: {  	v3 =	vld [tilespmem:s19+$0x8B00]  }
0xaf: {  	v1 =	vadd.f32 v60, v1  }
0xb0: {  	v61 =	vld [tilespmem:s19+$0x8B80]  }
0xb1: {  	v1 =	vadd.f32 v2, v1  }
0xb2: {  	v2 =	vld [tilespmem:s19+$0x8C00]  }
0xb3: {  	v1 =	vadd.f32 v3, v1  }
0xb4: {  	v3 =	vld [tilespmem:s19+$0x8C80]  }
0xb5: {  	v1 =	vadd.f32 v61, v1  }
0xb6: {  	v62 =	vld [tilespmem:s19+$0x8D00]  }
0xb7: {  	v1 =	vadd.f32 v2, v1  }
0xb8: {  	v2 =	vld [tilespmem:s19+$0x8D80]  }
0xb9: {  	v1 =	vadd.f32 v3, v1  }
0xba: {  	v3 =	vld [tilespmem:s19+$0x8E00]  }
0xbb: {  	v1 =	vadd.f32 v62, v1  }
0xbc: {  	v63 =	vld [tilespmem:s19+$0x8E80]  }
0xbd: {  	v1 =	vadd.f32 v2, v1;
	_ =	sdelay $0x1  }
0xbe: {  	v1 =	vadd.f32 v3, v1;
	_ =	sdelay $0x1  }
0xbf: {  	s17 =	sadd.s32 $0x1, s17;
	v1 =	vadd.f32 v63, v1  }
0xc0: {  	s31 =	sadd.s32 $0x10, s18;
	p0 =	sne.s32 s17, s7  }
.Ltmp4:
0xc1: {  	[tilespmem:s31+$0x0] =	vst v1;
	(pc) =	sbr.rel @p0 .LBB2_1-.Ltmp4, $4  }
0xc2: {  	[hbm4b:s14+s11] =	stream.strided.scatter [tilespmem:s16], [sflag:$0x1], $0x280, s15, s11, $0x38;
	[tilespmem:$0xC980] =	vst v63  }
0xc3: {  	_ =	swait.ge [sflag:s8], $0x280  }
0xc4: {  	[sflag:s8] =	ssyncset.done $0x0  }
0xc5: {  	[sflag:s8] =	ssyncadd.s32 $0xFFFFFD80  }
0xc6: {  	_ =	sfence.sel $0x180000  }
0xc7: {  	[bflag:$0x0] =	sbarrier.arrive $0xFFFF  }
0xc8: {  	p0 =	sne.s32 s2, $0x0;
	_ =	strace $0x90000047  }
0xc9: {  	s0 =	sadd.s32 @!p0 $0x100000, s0;
	[bflag:$0x2] =	sbarrier.arrive $0xFFFF  }
0xca: {  	[sflag:s0] =	ssyncadd.tile.s32 @!p0 $0x1;
	_ =	shalt  }
.Lfunc_end2:
_tile_overlayer_lowered:
.L_overlay_start_2:
0xcb: {  	(tag) =	ssettag $0x2  }
0xcc: {  	s0 =	rddreg [dreg:$0x0];
	s2 =	stileid.u32  }
0xcd: {  	s1 =	rddreg [dreg:$0x1];
	p0 =	sne.s32 s2, $0x0  }
0xce: {  	s3 =	rddreg [dreg:$0x2];
	[bflag:$0x3] =	sbarrier.arrive $0xFFFF;
	s2 =	simm.s32 @!p0 $0x1C01  }
0xcf: {  	[timem:s3], [sflag:s2] =	dma.local @!p0 [hbm:s0], s1  }
0xd0: {  	s0 =	simm.s32 @!p0 $0x1  }
0xd1: {  	_ =	swait.ge @!p0 [sflag:s0], s1  }
0xd2: {  	s1 =	ssub.s32 @!p0 $0x0, s1;
	[sflag:s0] =	ssyncset.done @!p0 $0x0  }
0xd3: {  	[sflag:s0] =	ssyncadd.s32 @!p0 s1  }
0xd4: {  	[bflag:$0x3] =	sbarrier.arrive $0xFFFF  }
0xd5: {  	_ =	shalt  }

</sc_bundles>
